<compile_context>
chip_gen: v7x
topology: tpu7x:2x2x1
jax: 0.10.2.dev20260603
libtpu: 0.0.44.dev20260713+nightly
codegen_flags: <defaults>
</compile_context>

<pallas_src>
import functools

import jax
import jax.numpy as jnp
from jax import lax
from jax.experimental import pallas as pl
from jax.experimental.pallas import tpu as pltpu
from jax.experimental.pallas import tpu_sc as plsc

DIM = 2048
HID = 8192
NTOK = 8192
NMOD = 2

BT = 512
BH = 512
NPAD = NTOK + BT
NBLK = NPAD // BT
NH = HID // BH

NW = 32
RPW = NTOK // NW
CH = 16
NCH = RPW // CH

assert NTOK % NW == 0 and RPW % CH == 0

@functools.lru_cache(maxsize=None)
def _sc_kernels():
    mesh = plsc.VectorSubcoreMesh(core_axis_name="c", subcore_axis_name="s")

    def make(nrows_out):
        @functools.partial(
            pl.kernel,
            mesh=mesh,
            out_type=jax.ShapeDtypeStruct((nrows_out, DIM), jnp.float32),
            scratch_types=[
                pltpu.VMEM((NCH, CH), jnp.int32),
                pltpu.VMEM((NCH, CH), jnp.int32),
                pltpu.VMEM((CH, DIM), jnp.float32),
                pltpu.VMEM((CH, DIM), jnp.float32),
                pltpu.SemaphoreType.DMA,
                pltpu.SemaphoreType.DMA,
            ],
        )
        def sc_permute(src_hbm, rd_hbm, wr_hbm, dst_hbm,
                       rd_v, wr_v, rows_a, rows_b, gsem, wsem):
            wid = lax.axis_index("s") * 2 + lax.axis_index("c")
            bufs = (rows_a, rows_b)
            pltpu.sync_copy(rd_hbm.at[wid], rd_v)
            pltpu.sync_copy(wr_hbm.at[wid], wr_v)
            g = [None] * NCH
            w = [None] * NCH
            g[0] = pltpu.async_copy(src_hbm.at[rd_v.at[0]], bufs[0], gsem)
            for j in range(NCH):
                g[j].wait()
                w[j] = pltpu.async_copy(
                    bufs[j % 2], dst_hbm.at[wr_v.at[j]], wsem)
                if j + 1 < NCH:
                    if j >= 1:
                        w[j - 1].wait()
                    g[j + 1] = pltpu.async_copy(
                        src_hbm.at[rd_v.at[j + 1]], bufs[(j + 1) % 2], gsem)
            if NCH >= 2:
                w[NCH - 2].wait()
            w[NCH - 1].wait()

        return sc_permute

    return make(NPAD), make(NTOK)


DN = (((1,), (1,)), ((), ()))


def _ffn_body(e_ref, xs_ref, w1_ref, w3_ref, w2_ref, lnw_ref, lnb_ref,
              out_ref, xb_ref):
    h = pl.program_id(1)

    @pl.when(h == 0)
    def _():
        xb_ref[...] = xs_ref[...].astype(jnp.bfloat16)

    x = xb_ref[...]
    a = lax.dot_general(x, w1_ref[0].astype(jnp.bfloat16), DN,
                        preferred_element_type=jnp.float32)
    b = lax.dot_general(x, w3_ref[0].astype(jnp.bfloat16), DN,
                        preferred_element_type=jnp.float32)
    hid = (a * (b * jax.nn.sigmoid(b))).astype(jnp.bfloat16)
    y = lax.dot_general(hid, w2_ref[0].astype(jnp.bfloat16), DN,
                        preferred_element_type=jnp.float32)

    @pl.when(h == 0)
    def _():
        out_ref[...] = y

    @pl.when(h != 0)
    def _():
        out_ref[...] += y

    @pl.when(h == NH - 1)
    def _():
        acc = out_ref[...]
        mean = jnp.mean(acc, axis=-1, keepdims=True)
        cen = acc - mean
        var = jnp.mean(cen * cen, axis=-1, keepdims=True)
        out_ref[...] = cen * lax.rsqrt(var + 1e-5) * lnw_ref[0] + lnb_ref[0]



def _tc_ffn(blk_e, xs, W1, W3, W2, ln_w, ln_b):
    grid_spec = pltpu.PrefetchScalarGridSpec(
        num_scalar_prefetch=1,
        grid=(NBLK, NH),
        in_specs=[
            pl.BlockSpec((BT, DIM), lambda b, h, e: (b, 0)),
            pl.BlockSpec((1, BH, DIM), lambda b, h, e: (e[b], h, 0)),
            pl.BlockSpec((1, BH, DIM), lambda b, h, e: (e[b], h, 0)),
            pl.BlockSpec((1, DIM, BH), lambda b, h, e: (e[b], 0, h)),
            pl.BlockSpec((1, 1, DIM), lambda b, h, e: (e[b], 0, 0)),
            pl.BlockSpec((1, 1, DIM), lambda b, h, e: (e[b], 0, 0)),
        ],
        out_specs=pl.BlockSpec((BT, DIM), lambda b, h, e: (b, 0)),
        scratch_shapes=[
            pltpu.VMEM((BT, DIM), jnp.bfloat16),
        ],
    )
    return pl.pallas_call(
        _ffn_body,
        grid_spec=grid_spec,
        out_shape=jax.ShapeDtypeStruct((NPAD, DIM), jnp.float32),
        compiler_params=pltpu.CompilerParams(
            dimension_semantics=("parallel", "arbitrary"),
            vmem_limit_bytes=100 * 1024 * 1024,
        ),
    )(blk_e, xs, W1, W3, W2,
      ln_w.reshape(NMOD, 1, DIM), ln_b.reshape(NMOD, 1, DIM))


def _route_indices(modality_masks):
    m0 = modality_masks[0]
    r = jnp.cumsum(m0.astype(jnp.int32))
    c0 = r[NTOK - 1]
    n0b = (c0 + BT - 1) // BT
    off1 = n0b * BT
    t = jnp.arange(NTOK, dtype=jnp.int32)
    rank = jnp.where(m0, r - 1, c0 + (t - r))
    tokidx = jnp.zeros((NTOK,), jnp.int32).at[rank].set(t)
    slotidx = jnp.where(t < c0, t, off1 + (t - c0))
    blk_e = (jnp.arange(NBLK, dtype=jnp.int32) >= n0b).astype(jnp.int32)
    return (tokidx.reshape(NW, NCH, CH), slotidx.reshape(NW, NCH, CH),
            blk_e)


def kernel(x, modality_masks, W1, W3, W2, ln_w, ln_b):
    tokidx, slotidx, blk_e = _route_indices(modality_masks)
    sc_gather, sc_scatter = _sc_kernels()
    xs = sc_gather(x, tokidx, slotidx)
    ys = _tc_ffn(blk_e, xs, W1, W3, W2, ln_w, ln_b)
    return sc_scatter(ys, slotidx, tokidx)

# --- scband reference (transcript-rebuilt; emitter-appended) ---
"""Pipeline reference for scband-modality-untied-feed-forward-16561393893891 (READ-ONLY COPY).

The authoritative reference and input builder live on the scoring server;
editing this copy changes nothing except your own understanding.
"""

import jax, jax.numpy as jnp
import numpy as np

DIM = 2048
HID = 8192
NTOK = 8192
NMOD = 2


def _layer_norm(y, w, b, eps=1e-5):
    mean = jnp.mean(y, axis=-1, keepdims=True)
    var = jnp.mean((y - mean) ** 2, axis=-1, keepdims=True)
    return (y - mean) / jnp.sqrt(var + eps) * w + b


def setup_inputs(seed: int = 0) -> dict:
    key = jax.random.key(seed)
    ks = jax.random.split(key, 8)
    x = jax.random.normal(ks[0], (NTOK, DIM), dtype=jnp.float32)
    ids = jax.random.randint(ks[1], (NTOK,), 0, NMOD)
    modality_masks = jnp.stack([ids == i for i in range(NMOD)], axis=0)
    s1 = 1.0 / np.sqrt(DIM)
    s2 = 1.0 / np.sqrt(HID)
    W1 = jax.random.uniform(ks[2], (NMOD, HID, DIM), minval=-s1, maxval=s1, dtype=jnp.float32)
    W3 = jax.random.uniform(ks[3], (NMOD, HID, DIM), minval=-s1, maxval=s1, dtype=jnp.float32)
    W2 = jax.random.uniform(ks[4], (NMOD, DIM, HID), minval=-s2, maxval=s2, dtype=jnp.float32)
    ln_w = jnp.ones((NMOD, DIM), dtype=jnp.float32)
    ln_b = jnp.zeros((NMOD, DIM), dtype=jnp.float32)
    return {"x": x, "modality_masks": modality_masks, "W1": W1, "W3": W3, "W2": W2, "ln_w": ln_w, "ln_b": ln_b}


def reference(x, modality_masks, W1, W3, W2, ln_w, ln_b):
    # Faithful to torch module (eval mode, dropout=0):
    # per-modality SwiGLU FFN: out = LN( (x W1^T) * silu(x W3^T) @ W2^T )
    # torch does output[mask] = expert_output; equivalent to masked select since
    # all ops (linear, silu, layernorm) are per-token.
    out = jnp.zeros_like(x)
    for i in range(NMOD):
        w1_out = x @ W1[i].T
        w3_out = x @ W3[i].T
        hidden = w1_out * jax.nn.silu(w3_out)
        y = hidden @ W2[i].T
        y = _layer_norm(y, ln_w[i], ln_b[i])
        out = jnp.where(modality_masks[i][:, None], y, out)
    return out

if __name__ == "__main__":
    import jax
    _d = setup_inputs()
    print(jax.jit(kernel)(*tuple(_d.values())))

</pallas_src>

<mosaic_0001>
#map = affine_map<(d0, d1) -> (0, 0)>
#map1 = affine_map<(d0, d1) -> (0, 0, 0)>
module attributes {stable_mosaic.version = 14 : i64} {
  func.func @sc_permute(%arg0: i32, %arg1: i32, %arg2: memref<8192x2048xf32, #tpu.memory_space<hbm>>, %arg3: memref<32x16x16xi32, #tpu.memory_space<hbm>>, %arg4: memref<32x16x16xi32, #tpu.memory_space<hbm>>, %arg5: memref<8704x2048xf32, #tpu.memory_space<hbm>>, %arg6: memref<16x16xi32, #tpu.memory_space<vmem>>, %arg7: memref<16x16xi32, #tpu.memory_space<vmem>>, %arg8: memref<16x2048xf32, #tpu.memory_space<vmem>>, %arg9: memref<16x2048xf32, #tpu.memory_space<vmem>>, %arg10: memref<!tpu.dma_semaphore, #tpu.memory_space<semaphore_mem>>, %arg11: memref<!tpu.dma_semaphore, #tpu.memory_space<semaphore_mem>>) attributes {dimension_semantics = [#tpu.dimension_semantics<core_parallel>, #tpu.dimension_semantics<subcore_parallel>], iteration_bounds = array<i64: 2, 16>, scalar_prefetch = 0 : i64, scratch_operands = 6 : i64, tpu.core_type = #tpu.core_type<sc_vector_subcore>, window_params = [{transform_indices = #map}, {transform_indices = #map1}, {transform_indices = #map1}, {transform_indices = #map}]} {
    %mul3A = arith.constant 2 : i32
    %mul3A_0 = arith.muli %arg1, %mul3A : i32
    %add3A = arith.addi %mul3A_0, %arg0 : i32
    "tpu.region"() ({
      %run_scoped3A = tpu.sem_alloc : memref<!tpu.dma_semaphore, #tpu.memory_space<semaphore_mem>>
      %dma_start3A_447 = arith.constant 0 : i32
      %dma_start3A_448 = arith.constant 0 : i32
      %dma_start3A_449 = tpu.memref_slice %arg3[%add3A, %dma_start3A_447, %dma_start3A_448] : memref<32x16x16xi32, #tpu.memory_space<hbm>> -> memref<1x16x16xi32, #tpu.memory_space<hbm>>
      %dma_start3A_450 = tpu.memref_squeeze %dma_start3A_449 : memref<1x16x16xi32, #tpu.memory_space<hbm>> -> memref<16x16xi32, #tpu.memory_space<hbm>>
      %dma_start3A_451 = arith.constant 0 : i32
      %dma_start3A_452 = arith.constant 0 : i32
      %dma_start3A_453 = tpu.memref_slice %arg3[%add3A, %dma_start3A_451, %dma_start3A_452] : memref<32x16x16xi32, #tpu.memory_space<hbm>> -> memref<1x16x16xi32, #tpu.memory_space<hbm>>
      %dma_start3A_454 = tpu.memref_squeeze %dma_start3A_453 : memref<1x16x16xi32, #tpu.memory_space<hbm>> -> memref<16x16xi32, #tpu.memory_space<hbm>>
      tpu.enqueue_dma source(%dma_start3A_454 : memref<16x16xi32, #tpu.memory_space<hbm>>) target(%arg6 : memref<16x16xi32, #tpu.memory_space<vmem>>) target_semaphore(%run_scoped3A : memref<!tpu.dma_semaphore, #tpu.memory_space<semaphore_mem>>)
      %dma_wait3A_455 = arith.constant 0 : i32
      %dma_wait3A_456 = arith.constant 0 : i32
      %dma_wait3A_457 = tpu.memref_slice %arg3[%add3A, %dma_wait3A_455, %dma_wait3A_456] : memref<32x16x16xi32, #tpu.memory_space<hbm>> -> memref<1x16x16xi32, #tpu.memory_space<hbm>>
      %dma_wait3A_458 = tpu.memref_squeeze %dma_wait3A_457 : memref<1x16x16xi32, #tpu.memory_space<hbm>> -> memref<16x16xi32, #tpu.memory_space<hbm>>
      %dma_wait3A_459 = arith.constant 0 : i32
      %dma_wait3A_460 = arith.constant 0 : i32
      %dma_wait3A_461 = tpu.memref_slice %arg3[%add3A, %dma_wait3A_459, %dma_wait3A_460] : memref<32x16x16xi32, #tpu.memory_space<hbm>> -> memref<1x16x16xi32, #tpu.memory_space<hbm>>
      %dma_wait3A_462 = tpu.memref_squeeze %dma_wait3A_461 : memref<1x16x16xi32, #tpu.memory_space<hbm>> -> memref<16x16xi32, #tpu.memory_space<hbm>>
      tpu.wait_dma2 semaphore(%run_scoped3A : memref<!tpu.dma_semaphore, #tpu.memory_space<semaphore_mem>>) src(%dma_wait3A_462 : memref<16x16xi32, #tpu.memory_space<hbm>>) dst(%arg6 : memref<16x16xi32, #tpu.memory_space<vmem>>)
      tpu.yield
    }) : () -> ()
    "tpu.region"() ({
      %run_scoped3A = tpu.sem_alloc : memref<!tpu.dma_semaphore, #tpu.memory_space<semaphore_mem>>
      %dma_start3A_447 = arith.constant 0 : i32
      %dma_start3A_448 = arith.constant 0 : i32
      %dma_start3A_449 = tpu.memref_slice %arg4[%add3A, %dma_start3A_447, %dma_start3A_448] : memref<32x16x16xi32, #tpu.memory_space<hbm>> -> memref<1x16x16xi32, #tpu.memory_space<hbm>>
      %dma_start3A_450 = tpu.memref_squeeze %dma_start3A_449 : memref<1x16x16xi32, #tpu.memory_space<hbm>> -> memref<16x16xi32, #tpu.memory_space<hbm>>
      %dma_start3A_451 = arith.constant 0 : i32
      %dma_start3A_452 = arith.constant 0 : i32
      %dma_start3A_453 = tpu.memref_slice %arg4[%add3A, %dma_start3A_451, %dma_start3A_452] : memref<32x16x16xi32, #tpu.memory_space<hbm>> -> memref<1x16x16xi32, #tpu.memory_space<hbm>>
      %dma_start3A_454 = tpu.memref_squeeze %dma_start3A_453 : memref<1x16x16xi32, #tpu.memory_space<hbm>> -> memref<16x16xi32, #tpu.memory_space<hbm>>
      tpu.enqueue_dma source(%dma_start3A_454 : memref<16x16xi32, #tpu.memory_space<hbm>>) target(%arg7 : memref<16x16xi32, #tpu.memory_space<vmem>>) target_semaphore(%run_scoped3A : memref<!tpu.dma_semaphore, #tpu.memory_space<semaphore_mem>>)
      %dma_wait3A_455 = arith.constant 0 : i32
      %dma_wait3A_456 = arith.constant 0 : i32
      %dma_wait3A_457 = tpu.memref_slice %arg4[%add3A, %dma_wait3A_455, %dma_wait3A_456] : memref<32x16x16xi32, #tpu.memory_space<hbm>> -> memref<1x16x16xi32, #tpu.memory_space<hbm>>
      %dma_wait3A_458 = tpu.memref_squeeze %dma_wait3A_457 : memref<1x16x16xi32, #tpu.memory_space<hbm>> -> memref<16x16xi32, #tpu.memory_space<hbm>>
      %dma_wait3A_459 = arith.constant 0 : i32
      %dma_wait3A_460 = arith.constant 0 : i32
      %dma_wait3A_461 = tpu.memref_slice %arg4[%add3A, %dma_wait3A_459, %dma_wait3A_460] : memref<32x16x16xi32, #tpu.memory_space<hbm>> -> memref<1x16x16xi32, #tpu.memory_space<hbm>>
      %dma_wait3A_462 = tpu.memref_squeeze %dma_wait3A_461 : memref<1x16x16xi32, #tpu.memory_space<hbm>> -> memref<16x16xi32, #tpu.memory_space<hbm>>
      tpu.wait_dma2 semaphore(%run_scoped3A : memref<!tpu.dma_semaphore, #tpu.memory_space<semaphore_mem>>) src(%dma_wait3A_462 : memref<16x16xi32, #tpu.memory_space<hbm>>) dst(%arg7 : memref<16x16xi32, #tpu.memory_space<vmem>>)
      tpu.yield
    }) : () -> ()
    %dma_start3A = arith.constant 0 : i32
    %dma_start3A_1 = arith.constant 0 : i32
    %dma_start3A_2 = tpu.memref_slice %arg6[%dma_start3A, %dma_start3A_1] : memref<16x16xi32, #tpu.memory_space<vmem>> -> memref<1x16xi32, #tpu.memory_space<vmem>>
    %dma_start3A_3 = tpu.memref_squeeze %dma_start3A_2 : memref<1x16xi32, #tpu.memory_space<vmem>> -> memref<16xi32, #tpu.memory_space<vmem>>
    %dma_start3A_4 = arith.constant 0 : i32
    %dma_start3A_5 = arith.constant 0 : i32
    %dma_start3A_6 = tpu.memref_slice %arg2[%dma_start3A_4, %dma_start3A_5] : memref<8192x2048xf32, #tpu.memory_space<hbm>> -> memref<8192x2048xf32, #tpu.memory_space<hbm>>
    tpu.enqueue_indirect_dma source(%dma_start3A_6 : memref<8192x2048xf32, #tpu.memory_space<hbm>>) target(%arg8 : memref<16x2048xf32, #tpu.memory_space<vmem>>) offsets(%dma_start3A_3 : memref<16xi32, #tpu.memory_space<vmem>>) semaphore(%arg10 : memref<!tpu.dma_semaphore, #tpu.memory_space<semaphore_mem>>)
    %dma_wait3A = arith.constant 0 : i32
    %dma_wait3A_7 = arith.constant 0 : i32
    %dma_wait3A_8 = tpu.memref_slice %arg6[%dma_wait3A, %dma_wait3A_7] : memref<16x16xi32, #tpu.memory_space<vmem>> -> memref<1x16xi32, #tpu.memory_space<vmem>>
    %dma_wait3A_9 = tpu.memref_squeeze %dma_wait3A_8 : memref<1x16xi32, #tpu.memory_space<vmem>> -> memref<16xi32, #tpu.memory_space<vmem>>
    %dma_wait3A_10 = arith.constant 0 : i32
    %dma_wait3A_11 = arith.constant 0 : i32
    %dma_wait3A_12 = tpu.memref_slice %arg2[%dma_wait3A_10, %dma_wait3A_11] : memref<8192x2048xf32, #tpu.memory_space<hbm>> -> memref<8192x2048xf32, #tpu.memory_space<hbm>>
    tpu.wait_indirect_dma semaphore(%arg10 : memref<!tpu.dma_semaphore, #tpu.memory_space<semaphore_mem>>) src(%dma_wait3A_12 : memref<8192x2048xf32, #tpu.memory_space<hbm>>) dst(%arg8 : memref<16x2048xf32, #tpu.memory_space<vmem>>)
    %dma_start3A_13 = arith.constant 0 : i32
    %dma_start3A_14 = arith.constant 0 : i32
    %dma_start3A_15 = tpu.memref_slice %arg7[%dma_start3A_13, %dma_start3A_14] : memref<16x16xi32, #tpu.memory_space<vmem>> -> memref<1x16xi32, #tpu.memory_space<vmem>>
    %dma_start3A_16 = tpu.memref_squeeze %dma_start3A_15 : memref<1x16xi32, #tpu.memory_space<vmem>> -> memref<16xi32, #tpu.memory_space<vmem>>
    %dma_start3A_17 = arith.constant 0 : i32
    %dma_start3A_18 = arith.constant 0 : i32
    %dma_start3A_19 = tpu.memref_slice %arg5[%dma_start3A_17, %dma_start3A_18] : memref<8704x2048xf32, #tpu.memory_space<hbm>> -> memref<8704x2048xf32, #tpu.memory_space<hbm>>
    tpu.enqueue_indirect_dma source(%arg8 : memref<16x2048xf32, #tpu.memory_space<vmem>>) target(%dma_start3A_19 : memref<8704x2048xf32, #tpu.memory_space<hbm>>) offsets(%dma_start3A_16 : memref<16xi32, #tpu.memory_space<vmem>>) semaphore(%arg11 : memref<!tpu.dma_semaphore, #tpu.memory_space<semaphore_mem>>)
    %dma_start3A_20 = arith.constant 1 : i32
    %dma_start3A_21 = arith.constant 0 : i32
    %dma_start3A_22 = tpu.memref_slice %arg6[%dma_start3A_20, %dma_start3A_21] : memref<16x16xi32, #tpu.memory_space<vmem>> -> memref<1x16xi32, #tpu.memory_space<vmem>>
    %dma_start3A_23 = tpu.memref_squeeze %dma_start3A_22 : memref<1x16xi32, #tpu.memory_space<vmem>> -> memref<16xi32, #tpu.memory_space<vmem>>
    %dma_start3A_24 = arith.constant 0 : i32
    %dma_start3A_25 = arith.constant 0 : i32
    %dma_start3A_26 = tpu.memref_slice %arg2[%dma_start3A_24, %dma_start3A_25] : memref<8192x2048xf32, #tpu.memory_space<hbm>> -> memref<8192x2048xf32, #tpu.memory_space<hbm>>
    tpu.enqueue_indirect_dma source(%dma_start3A_26 : memref<8192x2048xf32, #tpu.memory_space<hbm>>) target(%arg9 : memref<16x2048xf32, #tpu.memory_space<vmem>>) offsets(%dma_start3A_23 : memref<16xi32, #tpu.memory_space<vmem>>) semaphore(%arg10 : memref<!tpu.dma_semaphore, #tpu.memory_space<semaphore_mem>>)
    %dma_wait3A_27 = arith.constant 1 : i32
    %dma_wait3A_28 = arith.constant 0 : i32
    %dma_wait3A_29 = tpu.memref_slice %arg6[%dma_wait3A_27, %dma_wait3A_28] : memref<16x16xi32, #tpu.memory_space<vmem>> -> memref<1x16xi32, #tpu.memory_space<vmem>>
    %dma_wait3A_30 = tpu.memref_squeeze %dma_wait3A_29 : memref<1x16xi32, #tpu.memory_space<vmem>> -> memref<16xi32, #tpu.memory_space<vmem>>
    %dma_wait3A_31 = arith.constant 0 : i32
    %dma_wait3A_32 = arith.constant 0 : i32
    %dma_wait3A_33 = tpu.memref_slice %arg2[%dma_wait3A_31, %dma_wait3A_32] : memref<8192x2048xf32, #tpu.memory_space<hbm>> -> memref<8192x2048xf32, #tpu.memory_space<hbm>>
    tpu.wait_indirect_dma semaphore(%arg10 : memref<!tpu.dma_semaphore, #tpu.memory_space<semaphore_mem>>) src(%dma_wait3A_33 : memref<8192x2048xf32, #tpu.memory_space<hbm>>) dst(%arg9 : memref<16x2048xf32, #tpu.memory_space<vmem>>)
    %dma_start3A_34 = arith.constant 1 : i32
    %dma_start3A_35 = arith.constant 0 : i32
    %dma_start3A_36 = tpu.memref_slice %arg7[%dma_start3A_34, %dma_start3A_35] : memref<16x16xi32, #tpu.memory_space<vmem>> -> memref<1x16xi32, #tpu.memory_space<vmem>>
    %dma_start3A_37 = tpu.memref_squeeze %dma_start3A_36 : memref<1x16xi32, #tpu.memory_space<vmem>> -> memref<16xi32, #tpu.memory_space<vmem>>
    %dma_start3A_38 = arith.constant 0 : i32
    %dma_start3A_39 = arith.constant 0 : i32
    %dma_start3A_40 = tpu.memref_slice %arg5[%dma_start3A_38, %dma_start3A_39] : memref<8704x2048xf32, #tpu.memory_space<hbm>> -> memref<8704x2048xf32, #tpu.memory_space<hbm>>
    tpu.enqueue_indirect_dma source(%arg9 : memref<16x2048xf32, #tpu.memory_space<vmem>>) target(%dma_start3A_40 : memref<8704x2048xf32, #tpu.memory_space<hbm>>) offsets(%dma_start3A_37 : memref<16xi32, #tpu.memory_space<vmem>>) semaphore(%arg11 : memref<!tpu.dma_semaphore, #tpu.memory_space<semaphore_mem>>)
    %dma_wait3A_41 = arith.constant 0 : i32
    %dma_wait3A_42 = arith.constant 0 : i32
    %dma_wait3A_43 = tpu.memref_slice %arg7[%dma_wait3A_41, %dma_wait3A_42] : memref<16x16xi32, #tpu.memory_space<vmem>> -> memref<1x16xi32, #tpu.memory_space<vmem>>
    %dma_wait3A_44 = tpu.memref_squeeze %dma_wait3A_43 : memref<1x16xi32, #tpu.memory_space<vmem>> -> memref<16xi32, #tpu.memory_space<vmem>>
    %dma_wait3A_45 = arith.constant 0 : i32
    %dma_wait3A_46 = arith.constant 0 : i32
    %dma_wait3A_47 = tpu.memref_slice %arg5[%dma_wait3A_45, %dma_wait3A_46] : memref<8704x2048xf32, #tpu.memory_space<hbm>> -> memref<8704x2048xf32, #tpu.memory_space<hbm>>
    tpu.wait_indirect_dma semaphore(%arg11 : memref<!tpu.dma_semaphore, #tpu.memory_space<semaphore_mem>>) src(%arg8 : memref<16x2048xf32, #tpu.memory_space<vmem>>) dst(%dma_wait3A_47 : memref<8704x2048xf32, #tpu.memory_space<hbm>>)
    %dma_start3A_48 = arith.constant 2 : i32
    %dma_start3A_49 = arith.constant 0 : i32
    %dma_start3A_50 = tpu.memref_slice %arg6[%dma_start3A_48, %dma_start3A_49] : memref<16x16xi32, #tpu.memory_space<vmem>> -> memref<1x16xi32, #tpu.memory_space<vmem>>
    %dma_start3A_51 = tpu.memref_squeeze %dma_start3A_50 : memref<1x16xi32, #tpu.memory_space<vmem>> -> memref<16xi32, #tpu.memory_space<vmem>>
    %dma_start3A_52 = arith.constant 0 : i32
    %dma_start3A_53 = arith.constant 0 : i32
    %dma_start3A_54 = tpu.memref_slice %arg2[%dma_start3A_52, %dma_start3A_53] : memref<8192x2048xf32, #tpu.memory_space<hbm>> -> memref<8192x2048xf32, #tpu.memory_space<hbm>>
    tpu.enqueue_indirect_dma source(%dma_start3A_54 : memref<8192x2048xf32, #tpu.memory_space<hbm>>) target(%arg8 : memref<16x2048xf32, #tpu.memory_space<vmem>>) offsets(%dma_start3A_51 : memref<16xi32, #tpu.memory_space<vmem>>) semaphore(%arg10 : memref<!tpu.dma_semaphore, #tpu.memory_space<semaphore_mem>>)
    %dma_wait3A_55 = arith.constant 2 : i32
    %dma_wait3A_56 = arith.constant 0 : i32
    %dma_wait3A_57 = tpu.memref_slice %arg6[%dma_wait3A_55, %dma_wait3A_56] : memref<16x16xi32, #tpu.memory_space<vmem>> -> memref<1x16xi32, #tpu.memory_space<vmem>>
    %dma_wait3A_58 = tpu.memref_squeeze %dma_wait3A_57 : memref<1x16xi32, #tpu.memory_space<vmem>> -> memref<16xi32, #tpu.memory_space<vmem>>
    %dma_wait3A_59 = arith.constant 0 : i32
    %dma_wait3A_60 = arith.constant 0 : i32
    %dma_wait3A_61 = tpu.memref_slice %arg2[%dma_wait3A_59, %dma_wait3A_60] : memref<8192x2048xf32, #tpu.memory_space<hbm>> -> memref<8192x2048xf32, #tpu.memory_space<hbm>>
    tpu.wait_indirect_dma semaphore(%arg10 : memref<!tpu.dma_semaphore, #tpu.memory_space<semaphore_mem>>) src(%dma_wait3A_61 : memref<8192x2048xf32, #tpu.memory_space<hbm>>) dst(%arg8 : memref<16x2048xf32, #tpu.memory_space<vmem>>)
    %dma_start3A_62 = arith.constant 2 : i32
    %dma_start3A_63 = arith.constant 0 : i32
    %dma_start3A_64 = tpu.memref_slice %arg7[%dma_start3A_62, %dma_start3A_63] : memref<16x16xi32, #tpu.memory_space<vmem>> -> memref<1x16xi32, #tpu.memory_space<vmem>>
    %dma_start3A_65 = tpu.memref_squeeze %dma_start3A_64 : memref<1x16xi32, #tpu.memory_space<vmem>> -> memref<16xi32, #tpu.memory_space<vmem>>
    %dma_start3A_66 = arith.constant 0 : i32
    %dma_start3A_67 = arith.constant 0 : i32
    %dma_start3A_68 = tpu.memref_slice %arg5[%dma_start3A_66, %dma_start3A_67] : memref<8704x2048xf32, #tpu.memory_space<hbm>> -> memref<8704x2048xf32, #tpu.memory_space<hbm>>
    tpu.enqueue_indirect_dma source(%arg8 : memref<16x2048xf32, #tpu.memory_space<vmem>>) target(%dma_start3A_68 : memref<8704x2048xf32, #tpu.memory_space<hbm>>) offsets(%dma_start3A_65 : memref<16xi32, #tpu.memory_space<vmem>>) semaphore(%arg11 : memref<!tpu.dma_semaphore, #tpu.memory_space<semaphore_mem>>)
    %dma_wait3A_69 = arith.constant 1 : i32
    %dma_wait3A_70 = arith.constant 0 : i32
    %dma_wait3A_71 = tpu.memref_slice %arg7[%dma_wait3A_69, %dma_wait3A_70] : memref<16x16xi32, #tpu.memory_space<vmem>> -> memref<1x16xi32, #tpu.memory_space<vmem>>
    %dma_wait3A_72 = tpu.memref_squeeze %dma_wait3A_71 : memref<1x16xi32, #tpu.memory_space<vmem>> -> memref<16xi32, #tpu.memory_space<vmem>>
    %dma_wait3A_73 = arith.constant 0 : i32
    %dma_wait3A_74 = arith.constant 0 : i32
    %dma_wait3A_75 = tpu.memref_slice %arg5[%dma_wait3A_73, %dma_wait3A_74] : memref<8704x2048xf32, #tpu.memory_space<hbm>> -> memref<8704x2048xf32, #tpu.memory_space<hbm>>
    tpu.wait_indirect_dma semaphore(%arg11 : memref<!tpu.dma_semaphore, #tpu.memory_space<semaphore_mem>>) src(%arg9 : memref<16x2048xf32, #tpu.memory_space<vmem>>) dst(%dma_wait3A_75 : memref<8704x2048xf32, #tpu.memory_space<hbm>>)
    %dma_start3A_76 = arith.constant 3 : i32
    %dma_start3A_77 = arith.constant 0 : i32
    %dma_start3A_78 = tpu.memref_slice %arg6[%dma_start3A_76, %dma_start3A_77] : memref<16x16xi32, #tpu.memory_space<vmem>> -> memref<1x16xi32, #tpu.memory_space<vmem>>
    %dma_start3A_79 = tpu.memref_squeeze %dma_start3A_78 : memref<1x16xi32, #tpu.memory_space<vmem>> -> memref<16xi32, #tpu.memory_space<vmem>>
    %dma_start3A_80 = arith.constant 0 : i32
    %dma_start3A_81 = arith.constant 0 : i32
    %dma_start3A_82 = tpu.memref_slice %arg2[%dma_start3A_80, %dma_start3A_81] : memref<8192x2048xf32, #tpu.memory_space<hbm>> -> memref<8192x2048xf32, #tpu.memory_space<hbm>>
    tpu.enqueue_indirect_dma source(%dma_start3A_82 : memref<8192x2048xf32, #tpu.memory_space<hbm>>) target(%arg9 : memref<16x2048xf32, #tpu.memory_space<vmem>>) offsets(%dma_start3A_79 : memref<16xi32, #tpu.memory_space<vmem>>) semaphore(%arg10 : memref<!tpu.dma_semaphore, #tpu.memory_space<semaphore_mem>>)
    %dma_wait3A_83 = arith.constant 3 : i32
    %dma_wait3A_84 = arith.constant 0 : i32
    %dma_wait3A_85 = tpu.memref_slice %arg6[%dma_wait3A_83, %dma_wait3A_84] : memref<16x16xi32, #tpu.memory_space<vmem>> -> memref<1x16xi32, #tpu.memory_space<vmem>>
    %dma_wait3A_86 = tpu.memref_squeeze %dma_wait3A_85 : memref<1x16xi32, #tpu.memory_space<vmem>> -> memref<16xi32, #tpu.memory_space<vmem>>
    %dma_wait3A_87 = arith.constant 0 : i32
    %dma_wait3A_88 = arith.constant 0 : i32
    %dma_wait3A_89 = tpu.memref_slice %arg2[%dma_wait3A_87, %dma_wait3A_88] : memref<8192x2048xf32, #tpu.memory_space<hbm>> -> memref<8192x2048xf32, #tpu.memory_space<hbm>>
    tpu.wait_indirect_dma semaphore(%arg10 : memref<!tpu.dma_semaphore, #tpu.memory_space<semaphore_mem>>) src(%dma_wait3A_89 : memref<8192x2048xf32, #tpu.memory_space<hbm>>) dst(%arg9 : memref<16x2048xf32, #tpu.memory_space<vmem>>)
    %dma_start3A_90 = arith.constant 3 : i32
    %dma_start3A_91 = arith.constant 0 : i32
    %dma_start3A_92 = tpu.memref_slice %arg7[%dma_start3A_90, %dma_start3A_91] : memref<16x16xi32, #tpu.memory_space<vmem>> -> memref<1x16xi32, #tpu.memory_space<vmem>>
    %dma_start3A_93 = tpu.memref_squeeze %dma_start3A_92 : memref<1x16xi32, #tpu.memory_space<vmem>> -> memref<16xi32, #tpu.memory_space<vmem>>
    %dma_start3A_94 = arith.constant 0 : i32
    %dma_start3A_95 = arith.constant 0 : i32
    %dma_start3A_96 = tpu.memref_slice %arg5[%dma_start3A_94, %dma_start3A_95] : memref<8704x2048xf32, #tpu.memory_space<hbm>> -> memref<8704x2048xf32, #tpu.memory_space<hbm>>
    tpu.enqueue_indirect_dma source(%arg9 : memref<16x2048xf32, #tpu.memory_space<vmem>>) target(%dma_start3A_96 : memref<8704x2048xf32, #tpu.memory_space<hbm>>) offsets(%dma_start3A_93 : memref<16xi32, #tpu.memory_space<vmem>>) semaphore(%arg11 : memref<!tpu.dma_semaphore, #tpu.memory_space<semaphore_mem>>)
    %dma_wait3A_97 = arith.constant 2 : i32
    %dma_wait3A_98 = arith.constant 0 : i32
    %dma_wait3A_99 = tpu.memref_slice %arg7[%dma_wait3A_97, %dma_wait3A_98] : memref<16x16xi32, #tpu.memory_space<vmem>> -> memref<1x16xi32, #tpu.memory_space<vmem>>
    %dma_wait3A_100 = tpu.memref_squeeze %dma_wait3A_99 : memref<1x16xi32, #tpu.memory_space<vmem>> -> memref<16xi32, #tpu.memory_space<vmem>>
    %dma_wait3A_101 = arith.constant 0 : i32
    %dma_wait3A_102 = arith.constant 0 : i32
    %dma_wait3A_103 = tpu.memref_slice %arg5[%dma_wait3A_101, %dma_wait3A_102] : memref<8704x2048xf32, #tpu.memory_space<hbm>> -> memref<8704x2048xf32, #tpu.memory_space<hbm>>
    tpu.wait_indirect_dma semaphore(%arg11 : memref<!tpu.dma_semaphore, #tpu.memory_space<semaphore_mem>>) src(%arg8 : memref<16x2048xf32, #tpu.memory_space<vmem>>) dst(%dma_wait3A_103 : memref<8704x2048xf32, #tpu.memory_space<hbm>>)
    %dma_start3A_104 = arith.constant 4 : i32
    %dma_start3A_105 = arith.constant 0 : i32
    %dma_start3A_106 = tpu.memref_slice %arg6[%dma_start3A_104, %dma_start3A_105] : memref<16x16xi32, #tpu.memory_space<vmem>> -> memref<1x16xi32, #tpu.memory_space<vmem>>
    %dma_start3A_107 = tpu.memref_squeeze %dma_start3A_106 : memref<1x16xi32, #tpu.memory_space<vmem>> -> memref<16xi32, #tpu.memory_space<vmem>>
    %dma_start3A_108 = arith.constant 0 : i32
    %dma_start3A_109 = arith.constant 0 : i32
    %dma_start3A_110 = tpu.memref_slice %arg2[%dma_start3A_108, %dma_start3A_109] : memref<8192x2048xf32, #tpu.memory_space<hbm>> -> memref<8192x2048xf32, #tpu.memory_space<hbm>>
    tpu.enqueue_indirect_dma source(%dma_start3A_110 : memref<8192x2048xf32, #tpu.memory_space<hbm>>) target(%arg8 : memref<16x2048xf32, #tpu.memory_space<vmem>>) offsets(%dma_start3A_107 : memref<16xi32, #tpu.memory_space<vmem>>) semaphore(%arg10 : memref<!tpu.dma_semaphore, #tpu.memory_space<semaphore_mem>>)
    %dma_wait3A_111 = arith.constant 4 : i32
    %dma_wait3A_112 = arith.constant 0 : i32
    %dma_wait3A_113 = tpu.memref_slice %arg6[%dma_wait3A_111, %dma_wait3A_112] : memref<16x16xi32, #tpu.memory_space<vmem>> -> memref<1x16xi32, #tpu.memory_space<vmem>>
    %dma_wait3A_114 = tpu.memref_squeeze %dma_wait3A_113 : memref<1x16xi32, #tpu.memory_space<vmem>> -> memref<16xi32, #tpu.memory_space<vmem>>
    %dma_wait3A_115 = arith.constant 0 : i32
    %dma_wait3A_116 = arith.constant 0 : i32
    %dma_wait3A_117 = tpu.memref_slice %arg2[%dma_wait3A_115, %dma_wait3A_116] : memref<8192x2048xf32, #tpu.memory_space<hbm>> -> memref<8192x2048xf32, #tpu.memory_space<hbm>>
    tpu.wait_indirect_dma semaphore(%arg10 : memref<!tpu.dma_semaphore, #tpu.memory_space<semaphore_mem>>) src(%dma_wait3A_117 : memref<8192x2048xf32, #tpu.memory_space<hbm>>) dst(%arg8 : memref<16x2048xf32, #tpu.memory_space<vmem>>)
    %dma_start3A_118 = arith.constant 4 : i32
    %dma_start3A_119 = arith.constant 0 : i32
    %dma_start3A_120 = tpu.memref_slice %arg7[%dma_start3A_118, %dma_start3A_119] : memref<16x16xi32, #tpu.memory_space<vmem>> -> memref<1x16xi32, #tpu.memory_space<vmem>>
    %dma_start3A_121 = tpu.memref_squeeze %dma_start3A_120 : memref<1x16xi32, #tpu.memory_space<vmem>> -> memref<16xi32, #tpu.memory_space<vmem>>
    %dma_start3A_122 = arith.constant 0 : i32
    %dma_start3A_123 = arith.constant 0 : i32
    %dma_start3A_124 = tpu.memref_slice %arg5[%dma_start3A_122, %dma_start3A_123] : memref<8704x2048xf32, #tpu.memory_space<hbm>> -> memref<8704x2048xf32, #tpu.memory_space<hbm>>
    tpu.enqueue_indirect_dma source(%arg8 : memref<16x2048xf32, #tpu.memory_space<vmem>>) target(%dma_start3A_124 : memref<8704x2048xf32, #tpu.memory_space<hbm>>) offsets(%dma_start3A_121 : memref<16xi32, #tpu.memory_space<vmem>>) semaphore(%arg11 : memref<!tpu.dma_semaphore, #tpu.memory_space<semaphore_mem>>)
    %dma_wait3A_125 = arith.constant 3 : i32
    %dma_wait3A_126 = arith.constant 0 : i32
    %dma_wait3A_127 = tpu.memref_slice %arg7[%dma_wait3A_125, %dma_wait3A_126] : memref<16x16xi32, #tpu.memory_space<vmem>> -> memref<1x16xi32, #tpu.memory_space<vmem>>
    %dma_wait3A_128 = tpu.memref_squeeze %dma_wait3A_127 : memref<1x16xi32, #tpu.memory_space<vmem>> -> memref<16xi32, #tpu.memory_space<vmem>>
    %dma_wait3A_129 = arith.constant 0 : i32
    %dma_wait3A_130 = arith.constant 0 : i32
    %dma_wait3A_131 = tpu.memref_slice %arg5[%dma_wait3A_129, %dma_wait3A_130] : memref<8704x2048xf32, #tpu.memory_space<hbm>> -> memref<8704x2048xf32, #tpu.memory_space<hbm>>
    tpu.wait_indirect_dma semaphore(%arg11 : memref<!tpu.dma_semaphore, #tpu.memory_space<semaphore_mem>>) src(%arg9 : memref<16x2048xf32, #tpu.memory_space<vmem>>) dst(%dma_wait3A_131 : memref<8704x2048xf32, #tpu.memory_space<hbm>>)
    %dma_start3A_132 = arith.constant 5 : i32
    %dma_start3A_133 = arith.constant 0 : i32
    %dma_start3A_134 = tpu.memref_slice %arg6[%dma_start3A_132, %dma_start3A_133] : memref<16x16xi32, #tpu.memory_space<vmem>> -> memref<1x16xi32, #tpu.memory_space<vmem>>
    %dma_start3A_135 = tpu.memref_squeeze %dma_start3A_134 : memref<1x16xi32, #tpu.memory_space<vmem>> -> memref<16xi32, #tpu.memory_space<vmem>>
    %dma_start3A_136 = arith.constant 0 : i32
    %dma_start3A_137 = arith.constant 0 : i32
    %dma_start3A_138 = tpu.memref_slice %arg2[%dma_start3A_136, %dma_start3A_137] : memref<8192x2048xf32, #tpu.memory_space<hbm>> -> memref<8192x2048xf32, #tpu.memory_space<hbm>>
    tpu.enqueue_indirect_dma source(%dma_start3A_138 : memref<8192x2048xf32, #tpu.memory_space<hbm>>) target(%arg9 : memref<16x2048xf32, #tpu.memory_space<vmem>>) offsets(%dma_start3A_135 : memref<16xi32, #tpu.memory_space<vmem>>) semaphore(%arg10 : memref<!tpu.dma_semaphore, #tpu.memory_space<semaphore_mem>>)
    %dma_wait3A_139 = arith.constant 5 : i32
    %dma_wait3A_140 = arith.constant 0 : i32
    %dma_wait3A_141 = tpu.memref_slice %arg6[%dma_wait3A_139, %dma_wait3A_140] : memref<16x16xi32, #tpu.memory_space<vmem>> -> memref<1x16xi32, #tpu.memory_space<vmem>>
    %dma_wait3A_142 = tpu.memref_squeeze %dma_wait3A_141 : memref<1x16xi32, #tpu.memory_space<vmem>> -> memref<16xi32, #tpu.memory_space<vmem>>
    %dma_wait3A_143 = arith.constant 0 : i32
    %dma_wait3A_144 = arith.constant 0 : i32
    %dma_wait3A_145 = tpu.memref_slice %arg2[%dma_wait3A_143, %dma_wait3A_144] : memref<8192x2048xf32, #tpu.memory_space<hbm>> -> memref<8192x2048xf32, #tpu.memory_space<hbm>>
    tpu.wait_indirect_dma semaphore(%arg10 : memref<!tpu.dma_semaphore, #tpu.memory_space<semaphore_mem>>) src(%dma_wait3A_145 : memref<8192x2048xf32, #tpu.memory_space<hbm>>) dst(%arg9 : memref<16x2048xf32, #tpu.memory_space<vmem>>)
    %dma_start3A_146 = arith.constant 5 : i32
    %dma_start3A_147 = arith.constant 0 : i32
    %dma_start3A_148 = tpu.memref_slice %arg7[%dma_start3A_146, %dma_start3A_147] : memref<16x16xi32, #tpu.memory_space<vmem>> -> memref<1x16xi32, #tpu.memory_space<vmem>>
    %dma_start3A_149 = tpu.memref_squeeze %dma_start3A_148 : memref<1x16xi32, #tpu.memory_space<vmem>> -> memref<16xi32, #tpu.memory_space<vmem>>
    %dma_start3A_150 = arith.constant 0 : i32
    %dma_start3A_151 = arith.constant 0 : i32
    %dma_start3A_152 = tpu.memref_slice %arg5[%dma_start3A_150, %dma_start3A_151] : memref<8704x2048xf32, #tpu.memory_space<hbm>> -> memref<8704x2048xf32, #tpu.memory_space<hbm>>
    tpu.enqueue_indirect_dma source(%arg9 : memref<16x2048xf32, #tpu.memory_space<vmem>>) target(%dma_start3A_152 : memref<8704x2048xf32, #tpu.memory_space<hbm>>) offsets(%dma_start3A_149 : memref<16xi32, #tpu.memory_space<vmem>>) semaphore(%arg11 : memref<!tpu.dma_semaphore, #tpu.memory_space<semaphore_mem>>)
    %dma_wait3A_153 = arith.constant 4 : i32
    %dma_wait3A_154 = arith.constant 0 : i32
    %dma_wait3A_155 = tpu.memref_slice %arg7[%dma_wait3A_153, %dma_wait3A_154] : memref<16x16xi32, #tpu.memory_space<vmem>> -> memref<1x16xi32, #tpu.memory_space<vmem>>
    %dma_wait3A_156 = tpu.memref_squeeze %dma_wait3A_155 : memref<1x16xi32, #tpu.memory_space<vmem>> -> memref<16xi32, #tpu.memory_space<vmem>>
    %dma_wait3A_157 = arith.constant 0 : i32
    %dma_wait3A_158 = arith.constant 0 : i32
    %dma_wait3A_159 = tpu.memref_slice %arg5[%dma_wait3A_157, %dma_wait3A_158] : memref<8704x2048xf32, #tpu.memory_space<hbm>> -> memref<8704x2048xf32, #tpu.memory_space<hbm>>
    tpu.wait_indirect_dma semaphore(%arg11 : memref<!tpu.dma_semaphore, #tpu.memory_space<semaphore_mem>>) src(%arg8 : memref<16x2048xf32, #tpu.memory_space<vmem>>) dst(%dma_wait3A_159 : memref<8704x2048xf32, #tpu.memory_space<hbm>>)
    %dma_start3A_160 = arith.constant 6 : i32
    %dma_start3A_161 = arith.constant 0 : i32
    %dma_start3A_162 = tpu.memref_slice %arg6[%dma_start3A_160, %dma_start3A_161] : memref<16x16xi32, #tpu.memory_space<vmem>> -> memref<1x16xi32, #tpu.memory_space<vmem>>
    %dma_start3A_163 = tpu.memref_squeeze %dma_start3A_162 : memref<1x16xi32, #tpu.memory_space<vmem>> -> memref<16xi32, #tpu.memory_space<vmem>>
    %dma_start3A_164 = arith.constant 0 : i32
    %dma_start3A_165 = arith.constant 0 : i32
    %dma_start3A_166 = tpu.memref_slice %arg2[%dma_start3A_164, %dma_start3A_165] : memref<8192x2048xf32, #tpu.memory_space<hbm>> -> memref<8192x2048xf32, #tpu.memory_space<hbm>>
    tpu.enqueue_indirect_dma source(%dma_start3A_166 : memref<8192x2048xf32, #tpu.memory_space<hbm>>) target(%arg8 : memref<16x2048xf32, #tpu.memory_space<vmem>>) offsets(%dma_start3A_163 : memref<16xi32, #tpu.memory_space<vmem>>) semaphore(%arg10 : memref<!tpu.dma_semaphore, #tpu.memory_space<semaphore_mem>>)
    %dma_wait3A_167 = arith.constant 6 : i32
    %dma_wait3A_168 = arith.constant 0 : i32
    %dma_wait3A_169 = tpu.memref_slice %arg6[%dma_wait3A_167, %dma_wait3A_168] : memref<16x16xi32, #tpu.memory_space<vmem>> -> memref<1x16xi32, #tpu.memory_space<vmem>>
    %dma_wait3A_170 = tpu.memref_squeeze %dma_wait3A_169 : memref<1x16xi32, #tpu.memory_space<vmem>> -> memref<16xi32, #tpu.memory_space<vmem>>
    %dma_wait3A_171 = arith.constant 0 : i32
    %dma_wait3A_172 = arith.constant 0 : i32
    %dma_wait3A_173 = tpu.memref_slice %arg2[%dma_wait3A_171, %dma_wait3A_172] : memref<8192x2048xf32, #tpu.memory_space<hbm>> -> memref<8192x2048xf32, #tpu.memory_space<hbm>>
    tpu.wait_indirect_dma semaphore(%arg10 : memref<!tpu.dma_semaphore, #tpu.memory_space<semaphore_mem>>) src(%dma_wait3A_173 : memref<8192x2048xf32, #tpu.memory_space<hbm>>) dst(%arg8 : memref<16x2048xf32, #tpu.memory_space<vmem>>)
    %dma_start3A_174 = arith.constant 6 : i32
    %dma_start3A_175 = arith.constant 0 : i32
    %dma_start3A_176 = tpu.memref_slice %arg7[%dma_start3A_174, %dma_start3A_175] : memref<16x16xi32, #tpu.memory_space<vmem>> -> memref<1x16xi32, #tpu.memory_space<vmem>>
    %dma_start3A_177 = tpu.memref_squeeze %dma_start3A_176 : memref<1x16xi32, #tpu.memory_space<vmem>> -> memref<16xi32, #tpu.memory_space<vmem>>
    %dma_start3A_178 = arith.constant 0 : i32
    %dma_start3A_179 = arith.constant 0 : i32
    %dma_start3A_180 = tpu.memref_slice %arg5[%dma_start3A_178, %dma_start3A_179] : memref<8704x2048xf32, #tpu.memory_space<hbm>> -> memref<8704x2048xf32, #tpu.memory_space<hbm>>
    tpu.enqueue_indirect_dma source(%arg8 : memref<16x2048xf32, #tpu.memory_space<vmem>>) target(%dma_start3A_180 : memref<8704x2048xf32, #tpu.memory_space<hbm>>) offsets(%dma_start3A_177 : memref<16xi32, #tpu.memory_space<vmem>>) semaphore(%arg11 : memref<!tpu.dma_semaphore, #tpu.memory_space<semaphore_mem>>)
    %dma_wait3A_181 = arith.constant 5 : i32
    %dma_wait3A_182 = arith.constant 0 : i32
    %dma_wait3A_183 = tpu.memref_slice %arg7[%dma_wait3A_181, %dma_wait3A_182] : memref<16x16xi32, #tpu.memory_space<vmem>> -> memref<1x16xi32, #tpu.memory_space<vmem>>
    %dma_wait3A_184 = tpu.memref_squeeze %dma_wait3A_183 : memref<1x16xi32, #tpu.memory_space<vmem>> -> memref<16xi32, #tpu.memory_space<vmem>>
    %dma_wait3A_185 = arith.constant 0 : i32
    %dma_wait3A_186 = arith.constant 0 : i32
    %dma_wait3A_187 = tpu.memref_slice %arg5[%dma_wait3A_185, %dma_wait3A_186] : memref<8704x2048xf32, #tpu.memory_space<hbm>> -> memref<8704x2048xf32, #tpu.memory_space<hbm>>
    tpu.wait_indirect_dma semaphore(%arg11 : memref<!tpu.dma_semaphore, #tpu.memory_space<semaphore_mem>>) src(%arg9 : memref<16x2048xf32, #tpu.memory_space<vmem>>) dst(%dma_wait3A_187 : memref<8704x2048xf32, #tpu.memory_space<hbm>>)
    %dma_start3A_188 = arith.constant 7 : i32
    %dma_start3A_189 = arith.constant 0 : i32
    %dma_start3A_190 = tpu.memref_slice %arg6[%dma_start3A_188, %dma_start3A_189] : memref<16x16xi32, #tpu.memory_space<vmem>> -> memref<1x16xi32, #tpu.memory_space<vmem>>
    %dma_start3A_191 = tpu.memref_squeeze %dma_start3A_190 : memref<1x16xi32, #tpu.memory_space<vmem>> -> memref<16xi32, #tpu.memory_space<vmem>>
    %dma_start3A_192 = arith.constant 0 : i32
    %dma_start3A_193 = arith.constant 0 : i32
    %dma_start3A_194 = tpu.memref_slice %arg2[%dma_start3A_192, %dma_start3A_193] : memref<8192x2048xf32, #tpu.memory_space<hbm>> -> memref<8192x2048xf32, #tpu.memory_space<hbm>>
    tpu.enqueue_indirect_dma source(%dma_start3A_194 : memref<8192x2048xf32, #tpu.memory_space<hbm>>) target(%arg9 : memref<16x2048xf32, #tpu.memory_space<vmem>>) offsets(%dma_start3A_191 : memref<16xi32, #tpu.memory_space<vmem>>) semaphore(%arg10 : memref<!tpu.dma_semaphore, #tpu.memory_space<semaphore_mem>>)
    %dma_wait3A_195 = arith.constant 7 : i32
    %dma_wait3A_196 = arith.constant 0 : i32
    %dma_wait3A_197 = tpu.memref_slice %arg6[%dma_wait3A_195, %dma_wait3A_196] : memref<16x16xi32, #tpu.memory_space<vmem>> -> memref<1x16xi32, #tpu.memory_space<vmem>>
    %dma_wait3A_198 = tpu.memref_squeeze %dma_wait3A_197 : memref<1x16xi32, #tpu.memory_space<vmem>> -> memref<16xi32, #tpu.memory_space<vmem>>
    %dma_wait3A_199 = arith.constant 0 : i32
    %dma_wait3A_200 = arith.constant 0 : i32
    %dma_wait3A_201 = tpu.memref_slice %arg2[%dma_wait3A_199, %dma_wait3A_200] : memref<8192x2048xf32, #tpu.memory_space<hbm>> -> memref<8192x2048xf32, #tpu.memory_space<hbm>>
    tpu.wait_indirect_dma semaphore(%arg10 : memref<!tpu.dma_semaphore, #tpu.memory_space<semaphore_mem>>) src(%dma_wait3A_201 : memref<8192x2048xf32, #tpu.memory_space<hbm>>) dst(%arg9 : memref<16x2048xf32, #tpu.memory_space<vmem>>)
    %dma_start3A_202 = arith.constant 7 : i32
    %dma_start3A_203 = arith.constant 0 : i32
    %dma_start3A_204 = tpu.memref_slice %arg7[%dma_start3A_202, %dma_start3A_203] : memref<16x16xi32, #tpu.memory_space<vmem>> -> memref<1x16xi32, #tpu.memory_space<vmem>>
    %dma_start3A_205 = tpu.memref_squeeze %dma_start3A_204 : memref<1x16xi32, #tpu.memory_space<vmem>> -> memref<16xi32, #tpu.memory_space<vmem>>
    %dma_start3A_206 = arith.constant 0 : i32
    %dma_start3A_207 = arith.constant 0 : i32
    %dma_start3A_208 = tpu.memref_slice %arg5[%dma_start3A_206, %dma_start3A_207] : memref<8704x2048xf32, #tpu.memory_space<hbm>> -> memref<8704x2048xf32, #tpu.memory_space<hbm>>
    tpu.enqueue_indirect_dma source(%arg9 : memref<16x2048xf32, #tpu.memory_space<vmem>>) target(%dma_start3A_208 : memref<8704x2048xf32, #tpu.memory_space<hbm>>) offsets(%dma_start3A_205 : memref<16xi32, #tpu.memory_space<vmem>>) semaphore(%arg11 : memref<!tpu.dma_semaphore, #tpu.memory_space<semaphore_mem>>)
    %dma_wait3A_209 = arith.constant 6 : i32
    %dma_wait3A_210 = arith.constant 0 : i32
    %dma_wait3A_211 = tpu.memref_slice %arg7[%dma_wait3A_209, %dma_wait3A_210] : memref<16x16xi32, #tpu.memory_space<vmem>> -> memref<1x16xi32, #tpu.memory_space<vmem>>
    %dma_wait3A_212 = tpu.memref_squeeze %dma_wait3A_211 : memref<1x16xi32, #tpu.memory_space<vmem>> -> memref<16xi32, #tpu.memory_space<vmem>>
    %dma_wait3A_213 = arith.constant 0 : i32
    %dma_wait3A_214 = arith.constant 0 : i32
    %dma_wait3A_215 = tpu.memref_slice %arg5[%dma_wait3A_213, %dma_wait3A_214] : memref<8704x2048xf32, #tpu.memory_space<hbm>> -> memref<8704x2048xf32, #tpu.memory_space<hbm>>
    tpu.wait_indirect_dma semaphore(%arg11 : memref<!tpu.dma_semaphore, #tpu.memory_space<semaphore_mem>>) src(%arg8 : memref<16x2048xf32, #tpu.memory_space<vmem>>) dst(%dma_wait3A_215 : memref<8704x2048xf32, #tpu.memory_space<hbm>>)
    %dma_start3A_216 = arith.constant 8 : i32
    %dma_start3A_217 = arith.constant 0 : i32
    %dma_start3A_218 = tpu.memref_slice %arg6[%dma_start3A_216, %dma_start3A_217] : memref<16x16xi32, #tpu.memory_space<vmem>> -> memref<1x16xi32, #tpu.memory_space<vmem>>
    %dma_start3A_219 = tpu.memref_squeeze %dma_start3A_218 : memref<1x16xi32, #tpu.memory_space<vmem>> -> memref<16xi32, #tpu.memory_space<vmem>>
    %dma_start3A_220 = arith.constant 0 : i32
    %dma_start3A_221 = arith.constant 0 : i32
    %dma_start3A_222 = tpu.memref_slice %arg2[%dma_start3A_220, %dma_start3A_221] : memref<8192x2048xf32, #tpu.memory_space<hbm>> -> memref<8192x2048xf32, #tpu.memory_space<hbm>>
    tpu.enqueue_indirect_dma source(%dma_start3A_222 : memref<8192x2048xf32, #tpu.memory_space<hbm>>) target(%arg8 : memref<16x2048xf32, #tpu.memory_space<vmem>>) offsets(%dma_start3A_219 : memref<16xi32, #tpu.memory_space<vmem>>) semaphore(%arg10 : memref<!tpu.dma_semaphore, #tpu.memory_space<semaphore_mem>>)
    %dma_wait3A_223 = arith.constant 8 : i32
    %dma_wait3A_224 = arith.constant 0 : i32
    %dma_wait3A_225 = tpu.memref_slice %arg6[%dma_wait3A_223, %dma_wait3A_224] : memref<16x16xi32, #tpu.memory_space<vmem>> -> memref<1x16xi32, #tpu.memory_space<vmem>>
    %dma_wait3A_226 = tpu.memref_squeeze %dma_wait3A_225 : memref<1x16xi32, #tpu.memory_space<vmem>> -> memref<16xi32, #tpu.memory_space<vmem>>
    %dma_wait3A_227 = arith.constant 0 : i32
    %dma_wait3A_228 = arith.constant 0 : i32
    %dma_wait3A_229 = tpu.memref_slice %arg2[%dma_wait3A_227, %dma_wait3A_228] : memref<8192x2048xf32, #tpu.memory_space<hbm>> -> memref<8192x2048xf32, #tpu.memory_space<hbm>>
    tpu.wait_indirect_dma semaphore(%arg10 : memref<!tpu.dma_semaphore, #tpu.memory_space<semaphore_mem>>) src(%dma_wait3A_229 : memref<8192x2048xf32, #tpu.memory_space<hbm>>) dst(%arg8 : memref<16x2048xf32, #tpu.memory_space<vmem>>)
    %dma_start3A_230 = arith.constant 8 : i32
    %dma_start3A_231 = arith.constant 0 : i32
    %dma_start3A_232 = tpu.memref_slice %arg7[%dma_start3A_230, %dma_start3A_231] : memref<16x16xi32, #tpu.memory_space<vmem>> -> memref<1x16xi32, #tpu.memory_space<vmem>>
    %dma_start3A_233 = tpu.memref_squeeze %dma_start3A_232 : memref<1x16xi32, #tpu.memory_space<vmem>> -> memref<16xi32, #tpu.memory_space<vmem>>
    %dma_start3A_234 = arith.constant 0 : i32
    %dma_start3A_235 = arith.constant 0 : i32
    %dma_start3A_236 = tpu.memref_slice %arg5[%dma_start3A_234, %dma_start3A_235] : memref<8704x2048xf32, #tpu.memory_space<hbm>> -> memref<8704x2048xf32, #tpu.memory_space<hbm>>
    tpu.enqueue_indirect_dma source(%arg8 : memref<16x2048xf32, #tpu.memory_space<vmem>>) target(%dma_start3A_236 : memref<8704x2048xf32, #tpu.memory_space<hbm>>) offsets(%dma_start3A_233 : memref<16xi32, #tpu.memory_space<vmem>>) semaphore(%arg11 : memref<!tpu.dma_semaphore, #tpu.memory_space<semaphore_mem>>)
    %dma_wait3A_237 = arith.constant 7 : i32
    %dma_wait3A_238 = arith.constant 0 : i32
    %dma_wait3A_239 = tpu.memref_slice %arg7[%dma_wait3A_237, %dma_wait3A_238] : memref<16x16xi32, #tpu.memory_space<vmem>> -> memref<1x16xi32, #tpu.memory_space<vmem>>
    %dma_wait3A_240 = tpu.memref_squeeze %dma_wait3A_239 : memref<1x16xi32, #tpu.memory_space<vmem>> -> memref<16xi32, #tpu.memory_space<vmem>>
    %dma_wait3A_241 = arith.constant 0 : i32
    %dma_wait3A_242 = arith.constant 0 : i32
    %dma_wait3A_243 = tpu.memref_slice %arg5[%dma_wait3A_241, %dma_wait3A_242] : memref<8704x2048xf32, #tpu.memory_space<hbm>> -> memref<8704x2048xf32, #tpu.memory_space<hbm>>
    tpu.wait_indirect_dma semaphore(%arg11 : memref<!tpu.dma_semaphore, #tpu.memory_space<semaphore_mem>>) src(%arg9 : memref<16x2048xf32, #tpu.memory_space<vmem>>) dst(%dma_wait3A_243 : memref<8704x2048xf32, #tpu.memory_space<hbm>>)
    %dma_start3A_244 = arith.constant 9 : i32
    %dma_start3A_245 = arith.constant 0 : i32
    %dma_start3A_246 = tpu.memref_slice %arg6[%dma_start3A_244, %dma_start3A_245] : memref<16x16xi32, #tpu.memory_space<vmem>> -> memref<1x16xi32, #tpu.memory_space<vmem>>
    %dma_start3A_247 = tpu.memref_squeeze %dma_start3A_246 : memref<1x16xi32, #tpu.memory_space<vmem>> -> memref<16xi32, #tpu.memory_space<vmem>>
    %dma_start3A_248 = arith.constant 0 : i32
    %dma_start3A_249 = arith.constant 0 : i32
    %dma_start3A_250 = tpu.memref_slice %arg2[%dma_start3A_248, %dma_start3A_249] : memref<8192x2048xf32, #tpu.memory_space<hbm>> -> memref<8192x2048xf32, #tpu.memory_space<hbm>>
    tpu.enqueue_indirect_dma source(%dma_start3A_250 : memref<8192x2048xf32, #tpu.memory_space<hbm>>) target(%arg9 : memref<16x2048xf32, #tpu.memory_space<vmem>>) offsets(%dma_start3A_247 : memref<16xi32, #tpu.memory_space<vmem>>) semaphore(%arg10 : memref<!tpu.dma_semaphore, #tpu.memory_space<semaphore_mem>>)
    %dma_wait3A_251 = arith.constant 9 : i32
    %dma_wait3A_252 = arith.constant 0 : i32
    %dma_wait3A_253 = tpu.memref_slice %arg6[%dma_wait3A_251, %dma_wait3A_252] : memref<16x16xi32, #tpu.memory_space<vmem>> -> memref<1x16xi32, #tpu.memory_space<vmem>>
    %dma_wait3A_254 = tpu.memref_squeeze %dma_wait3A_253 : memref<1x16xi32, #tpu.memory_space<vmem>> -> memref<16xi32, #tpu.memory_space<vmem>>
    %dma_wait3A_255 = arith.constant 0 : i32
    %dma_wait3A_256 = arith.constant 0 : i32
    %dma_wait3A_257 = tpu.memref_slice %arg2[%dma_wait3A_255, %dma_wait3A_256] : memref<8192x2048xf32, #tpu.memory_space<hbm>> -> memref<8192x2048xf32, #tpu.memory_space<hbm>>
    tpu.wait_indirect_dma semaphore(%arg10 : memref<!tpu.dma_semaphore, #tpu.memory_space<semaphore_mem>>) src(%dma_wait3A_257 : memref<8192x2048xf32, #tpu.memory_space<hbm>>) dst(%arg9 : memref<16x2048xf32, #tpu.memory_space<vmem>>)
    %dma_start3A_258 = arith.constant 9 : i32
    %dma_start3A_259 = arith.constant 0 : i32
    %dma_start3A_260 = tpu.memref_slice %arg7[%dma_start3A_258, %dma_start3A_259] : memref<16x16xi32, #tpu.memory_space<vmem>> -> memref<1x16xi32, #tpu.memory_space<vmem>>
    %dma_start3A_261 = tpu.memref_squeeze %dma_start3A_260 : memref<1x16xi32, #tpu.memory_space<vmem>> -> memref<16xi32, #tpu.memory_space<vmem>>
    %dma_start3A_262 = arith.constant 0 : i32
    %dma_start3A_263 = arith.constant 0 : i32
    %dma_start3A_264 = tpu.memref_slice %arg5[%dma_start3A_262, %dma_start3A_263] : memref<8704x2048xf32, #tpu.memory_space<hbm>> -> memref<8704x2048xf32, #tpu.memory_space<hbm>>
    tpu.enqueue_indirect_dma source(%arg9 : memref<16x2048xf32, #tpu.memory_space<vmem>>) target(%dma_start3A_264 : memref<8704x2048xf32, #tpu.memory_space<hbm>>) offsets(%dma_start3A_261 : memref<16xi32, #tpu.memory_space<vmem>>) semaphore(%arg11 : memref<!tpu.dma_semaphore, #tpu.memory_space<semaphore_mem>>)
    %dma_wait3A_265 = arith.constant 8 : i32
    %dma_wait3A_266 = arith.constant 0 : i32
    %dma_wait3A_267 = tpu.memref_slice %arg7[%dma_wait3A_265, %dma_wait3A_266] : memref<16x16xi32, #tpu.memory_space<vmem>> -> memref<1x16xi32, #tpu.memory_space<vmem>>
    %dma_wait3A_268 = tpu.memref_squeeze %dma_wait3A_267 : memref<1x16xi32, #tpu.memory_space<vmem>> -> memref<16xi32, #tpu.memory_space<vmem>>
    %dma_wait3A_269 = arith.constant 0 : i32
    %dma_wait3A_270 = arith.constant 0 : i32
    %dma_wait3A_271 = tpu.memref_slice %arg5[%dma_wait3A_269, %dma_wait3A_270] : memref<8704x2048xf32, #tpu.memory_space<hbm>> -> memref<8704x2048xf32, #tpu.memory_space<hbm>>
    tpu.wait_indirect_dma semaphore(%arg11 : memref<!tpu.dma_semaphore, #tpu.memory_space<semaphore_mem>>) src(%arg8 : memref<16x2048xf32, #tpu.memory_space<vmem>>) dst(%dma_wait3A_271 : memref<8704x2048xf32, #tpu.memory_space<hbm>>)
    %dma_start3A_272 = arith.constant 10 : i32
    %dma_start3A_273 = arith.constant 0 : i32
    %dma_start3A_274 = tpu.memref_slice %arg6[%dma_start3A_272, %dma_start3A_273] : memref<16x16xi32, #tpu.memory_space<vmem>> -> memref<1x16xi32, #tpu.memory_space<vmem>>
    %dma_start3A_275 = tpu.memref_squeeze %dma_start3A_274 : memref<1x16xi32, #tpu.memory_space<vmem>> -> memref<16xi32, #tpu.memory_space<vmem>>
    %dma_start3A_276 = arith.constant 0 : i32
    %dma_start3A_277 = arith.constant 0 : i32
    %dma_start3A_278 = tpu.memref_slice %arg2[%dma_start3A_276, %dma_start3A_277] : memref<8192x2048xf32, #tpu.memory_space<hbm>> -> memref<8192x2048xf32, #tpu.memory_space<hbm>>
    tpu.enqueue_indirect_dma source(%dma_start3A_278 : memref<8192x2048xf32, #tpu.memory_space<hbm>>) target(%arg8 : memref<16x2048xf32, #tpu.memory_space<vmem>>) offsets(%dma_start3A_275 : memref<16xi32, #tpu.memory_space<vmem>>) semaphore(%arg10 : memref<!tpu.dma_semaphore, #tpu.memory_space<semaphore_mem>>)
    %dma_wait3A_279 = arith.constant 10 : i32
    %dma_wait3A_280 = arith.constant 0 : i32
    %dma_wait3A_281 = tpu.memref_slice %arg6[%dma_wait3A_279, %dma_wait3A_280] : memref<16x16xi32, #tpu.memory_space<vmem>> -> memref<1x16xi32, #tpu.memory_space<vmem>>
    %dma_wait3A_282 = tpu.memref_squeeze %dma_wait3A_281 : memref<1x16xi32, #tpu.memory_space<vmem>> -> memref<16xi32, #tpu.memory_space<vmem>>
    %dma_wait3A_283 = arith.constant 0 : i32
    %dma_wait3A_284 = arith.constant 0 : i32
    %dma_wait3A_285 = tpu.memref_slice %arg2[%dma_wait3A_283, %dma_wait3A_284] : memref<8192x2048xf32, #tpu.memory_space<hbm>> -> memref<8192x2048xf32, #tpu.memory_space<hbm>>
    tpu.wait_indirect_dma semaphore(%arg10 : memref<!tpu.dma_semaphore, #tpu.memory_space<semaphore_mem>>) src(%dma_wait3A_285 : memref<8192x2048xf32, #tpu.memory_space<hbm>>) dst(%arg8 : memref<16x2048xf32, #tpu.memory_space<vmem>>)
    %dma_start3A_286 = arith.constant 10 : i32
    %dma_start3A_287 = arith.constant 0 : i32
    %dma_start3A_288 = tpu.memref_slice %arg7[%dma_start3A_286, %dma_start3A_287] : memref<16x16xi32, #tpu.memory_space<vmem>> -> memref<1x16xi32, #tpu.memory_space<vmem>>
    %dma_start3A_289 = tpu.memref_squeeze %dma_start3A_288 : memref<1x16xi32, #tpu.memory_space<vmem>> -> memref<16xi32, #tpu.memory_space<vmem>>
    %dma_start3A_290 = arith.constant 0 : i32
    %dma_start3A_291 = arith.constant 0 : i32
    %dma_start3A_292 = tpu.memref_slice %arg5[%dma_start3A_290, %dma_start3A_291] : memref<8704x2048xf32, #tpu.memory_space<hbm>> -> memref<8704x2048xf32, #tpu.memory_space<hbm>>
    tpu.enqueue_indirect_dma source(%arg8 : memref<16x2048xf32, #tpu.memory_space<vmem>>) target(%dma_start3A_292 : memref<8704x2048xf32, #tpu.memory_space<hbm>>) offsets(%dma_start3A_289 : memref<16xi32, #tpu.memory_space<vmem>>) semaphore(%arg11 : memref<!tpu.dma_semaphore, #tpu.memory_space<semaphore_mem>>)
    %dma_wait3A_293 = arith.constant 9 : i32
    %dma_wait3A_294 = arith.constant 0 : i32
    %dma_wait3A_295 = tpu.memref_slice %arg7[%dma_wait3A_293, %dma_wait3A_294] : memref<16x16xi32, #tpu.memory_space<vmem>> -> memref<1x16xi32, #tpu.memory_space<vmem>>
    %dma_wait3A_296 = tpu.memref_squeeze %dma_wait3A_295 : memref<1x16xi32, #tpu.memory_space<vmem>> -> memref<16xi32, #tpu.memory_space<vmem>>
    %dma_wait3A_297 = arith.constant 0 : i32
    %dma_wait3A_298 = arith.constant 0 : i32
    %dma_wait3A_299 = tpu.memref_slice %arg5[%dma_wait3A_297, %dma_wait3A_298] : memref<8704x2048xf32, #tpu.memory_space<hbm>> -> memref<8704x2048xf32, #tpu.memory_space<hbm>>
    tpu.wait_indirect_dma semaphore(%arg11 : memref<!tpu.dma_semaphore, #tpu.memory_space<semaphore_mem>>) src(%arg9 : memref<16x2048xf32, #tpu.memory_space<vmem>>) dst(%dma_wait3A_299 : memref<8704x2048xf32, #tpu.memory_space<hbm>>)
    %dma_start3A_300 = arith.constant 11 : i32
    %dma_start3A_301 = arith.constant 0 : i32
    %dma_start3A_302 = tpu.memref_slice %arg6[%dma_start3A_300, %dma_start3A_301] : memref<16x16xi32, #tpu.memory_space<vmem>> -> memref<1x16xi32, #tpu.memory_space<vmem>>
    %dma_start3A_303 = tpu.memref_squeeze %dma_start3A_302 : memref<1x16xi32, #tpu.memory_space<vmem>> -> memref<16xi32, #tpu.memory_space<vmem>>
    %dma_start3A_304 = arith.constant 0 : i32
    %dma_start3A_305 = arith.constant 0 : i32
    %dma_start3A_306 = tpu.memref_slice %arg2[%dma_start3A_304, %dma_start3A_305] : memref<8192x2048xf32, #tpu.memory_space<hbm>> -> memref<8192x2048xf32, #tpu.memory_space<hbm>>
    tpu.enqueue_indirect_dma source(%dma_start3A_306 : memref<8192x2048xf32, #tpu.memory_space<hbm>>) target(%arg9 : memref<16x2048xf32, #tpu.memory_space<vmem>>) offsets(%dma_start3A_303 : memref<16xi32, #tpu.memory_space<vmem>>) semaphore(%arg10 : memref<!tpu.dma_semaphore, #tpu.memory_space<semaphore_mem>>)
    %dma_wait3A_307 = arith.constant 11 : i32
    %dma_wait3A_308 = arith.constant 0 : i32
    %dma_wait3A_309 = tpu.memref_slice %arg6[%dma_wait3A_307, %dma_wait3A_308] : memref<16x16xi32, #tpu.memory_space<vmem>> -> memref<1x16xi32, #tpu.memory_space<vmem>>
    %dma_wait3A_310 = tpu.memref_squeeze %dma_wait3A_309 : memref<1x16xi32, #tpu.memory_space<vmem>> -> memref<16xi32, #tpu.memory_space<vmem>>
    %dma_wait3A_311 = arith.constant 0 : i32
    %dma_wait3A_312 = arith.constant 0 : i32
    %dma_wait3A_313 = tpu.memref_slice %arg2[%dma_wait3A_311, %dma_wait3A_312] : memref<8192x2048xf32, #tpu.memory_space<hbm>> -> memref<8192x2048xf32, #tpu.memory_space<hbm>>
    tpu.wait_indirect_dma semaphore(%arg10 : memref<!tpu.dma_semaphore, #tpu.memory_space<semaphore_mem>>) src(%dma_wait3A_313 : memref<8192x2048xf32, #tpu.memory_space<hbm>>) dst(%arg9 : memref<16x2048xf32, #tpu.memory_space<vmem>>)
    %dma_start3A_314 = arith.constant 11 : i32
    %dma_start3A_315 = arith.constant 0 : i32
    %dma_start3A_316 = tpu.memref_slice %arg7[%dma_start3A_314, %dma_start3A_315] : memref<16x16xi32, #tpu.memory_space<vmem>> -> memref<1x16xi32, #tpu.memory_space<vmem>>
    %dma_start3A_317 = tpu.memref_squeeze %dma_start3A_316 : memref<1x16xi32, #tpu.memory_space<vmem>> -> memref<16xi32, #tpu.memory_space<vmem>>
    %dma_start3A_318 = arith.constant 0 : i32
    %dma_start3A_319 = arith.constant 0 : i32
    %dma_start3A_320 = tpu.memref_slice %arg5[%dma_start3A_318, %dma_start3A_319] : memref<8704x2048xf32, #tpu.memory_space<hbm>> -> memref<8704x2048xf32, #tpu.memory_space<hbm>>
    tpu.enqueue_indirect_dma source(%arg9 : memref<16x2048xf32, #tpu.memory_space<vmem>>) target(%dma_start3A_320 : memref<8704x2048xf32, #tpu.memory_space<hbm>>) offsets(%dma_start3A_317 : memref<16xi32, #tpu.memory_space<vmem>>) semaphore(%arg11 : memref<!tpu.dma_semaphore, #tpu.memory_space<semaphore_mem>>)
    %dma_wait3A_321 = arith.constant 10 : i32
    %dma_wait3A_322 = arith.constant 0 : i32
    %dma_wait3A_323 = tpu.memref_slice %arg7[%dma_wait3A_321, %dma_wait3A_322] : memref<16x16xi32, #tpu.memory_space<vmem>> -> memref<1x16xi32, #tpu.memory_space<vmem>>
    %dma_wait3A_324 = tpu.memref_squeeze %dma_wait3A_323 : memref<1x16xi32, #tpu.memory_space<vmem>> -> memref<16xi32, #tpu.memory_space<vmem>>
    %dma_wait3A_325 = arith.constant 0 : i32
    %dma_wait3A_326 = arith.constant 0 : i32
    %dma_wait3A_327 = tpu.memref_slice %arg5[%dma_wait3A_325, %dma_wait3A_326] : memref<8704x2048xf32, #tpu.memory_space<hbm>> -> memref<8704x2048xf32, #tpu.memory_space<hbm>>
    tpu.wait_indirect_dma semaphore(%arg11 : memref<!tpu.dma_semaphore, #tpu.memory_space<semaphore_mem>>) src(%arg8 : memref<16x2048xf32, #tpu.memory_space<vmem>>) dst(%dma_wait3A_327 : memref<8704x2048xf32, #tpu.memory_space<hbm>>)
    %dma_start3A_328 = arith.constant 12 : i32
    %dma_start3A_329 = arith.constant 0 : i32
    %dma_start3A_330 = tpu.memref_slice %arg6[%dma_start3A_328, %dma_start3A_329] : memref<16x16xi32, #tpu.memory_space<vmem>> -> memref<1x16xi32, #tpu.memory_space<vmem>>
    %dma_start3A_331 = tpu.memref_squeeze %dma_start3A_330 : memref<1x16xi32, #tpu.memory_space<vmem>> -> memref<16xi32, #tpu.memory_space<vmem>>
    %dma_start3A_332 = arith.constant 0 : i32
    %dma_start3A_333 = arith.constant 0 : i32
    %dma_start3A_334 = tpu.memref_slice %arg2[%dma_start3A_332, %dma_start3A_333] : memref<8192x2048xf32, #tpu.memory_space<hbm>> -> memref<8192x2048xf32, #tpu.memory_space<hbm>>
    tpu.enqueue_indirect_dma source(%dma_start3A_334 : memref<8192x2048xf32, #tpu.memory_space<hbm>>) target(%arg8 : memref<16x2048xf32, #tpu.memory_space<vmem>>) offsets(%dma_start3A_331 : memref<16xi32, #tpu.memory_space<vmem>>) semaphore(%arg10 : memref<!tpu.dma_semaphore, #tpu.memory_space<semaphore_mem>>)
    %dma_wait3A_335 = arith.constant 12 : i32
    %dma_wait3A_336 = arith.constant 0 : i32
    %dma_wait3A_337 = tpu.memref_slice %arg6[%dma_wait3A_335, %dma_wait3A_336] : memref<16x16xi32, #tpu.memory_space<vmem>> -> memref<1x16xi32, #tpu.memory_space<vmem>>
    %dma_wait3A_338 = tpu.memref_squeeze %dma_wait3A_337 : memref<1x16xi32, #tpu.memory_space<vmem>> -> memref<16xi32, #tpu.memory_space<vmem>>
    %dma_wait3A_339 = arith.constant 0 : i32
    %dma_wait3A_340 = arith.constant 0 : i32
    %dma_wait3A_341 = tpu.memref_slice %arg2[%dma_wait3A_339, %dma_wait3A_340] : memref<8192x2048xf32, #tpu.memory_space<hbm>> -> memref<8192x2048xf32, #tpu.memory_space<hbm>>
    tpu.wait_indirect_dma semaphore(%arg10 : memref<!tpu.dma_semaphore, #tpu.memory_space<semaphore_mem>>) src(%dma_wait3A_341 : memref<8192x2048xf32, #tpu.memory_space<hbm>>) dst(%arg8 : memref<16x2048xf32, #tpu.memory_space<vmem>>)
    %dma_start3A_342 = arith.constant 12 : i32
    %dma_start3A_343 = arith.constant 0 : i32
    %dma_start3A_344 = tpu.memref_slice %arg7[%dma_start3A_342, %dma_start3A_343] : memref<16x16xi32, #tpu.memory_space<vmem>> -> memref<1x16xi32, #tpu.memory_space<vmem>>
    %dma_start3A_345 = tpu.memref_squeeze %dma_start3A_344 : memref<1x16xi32, #tpu.memory_space<vmem>> -> memref<16xi32, #tpu.memory_space<vmem>>
    %dma_start3A_346 = arith.constant 0 : i32
    %dma_start3A_347 = arith.constant 0 : i32
    %dma_start3A_348 = tpu.memref_slice %arg5[%dma_start3A_346, %dma_start3A_347] : memref<8704x2048xf32, #tpu.memory_space<hbm>> -> memref<8704x2048xf32, #tpu.memory_space<hbm>>
    tpu.enqueue_indirect_dma source(%arg8 : memref<16x2048xf32, #tpu.memory_space<vmem>>) target(%dma_start3A_348 : memref<8704x2048xf32, #tpu.memory_space<hbm>>) offsets(%dma_start3A_345 : memref<16xi32, #tpu.memory_space<vmem>>) semaphore(%arg11 : memref<!tpu.dma_semaphore, #tpu.memory_space<semaphore_mem>>)
    %dma_wait3A_349 = arith.constant 11 : i32
    %dma_wait3A_350 = arith.constant 0 : i32
    %dma_wait3A_351 = tpu.memref_slice %arg7[%dma_wait3A_349, %dma_wait3A_350] : memref<16x16xi32, #tpu.memory_space<vmem>> -> memref<1x16xi32, #tpu.memory_space<vmem>>
    %dma_wait3A_352 = tpu.memref_squeeze %dma_wait3A_351 : memref<1x16xi32, #tpu.memory_space<vmem>> -> memref<16xi32, #tpu.memory_space<vmem>>
    %dma_wait3A_353 = arith.constant 0 : i32
    %dma_wait3A_354 = arith.constant 0 : i32
    %dma_wait3A_355 = tpu.memref_slice %arg5[%dma_wait3A_353, %dma_wait3A_354] : memref<8704x2048xf32, #tpu.memory_space<hbm>> -> memref<8704x2048xf32, #tpu.memory_space<hbm>>
    tpu.wait_indirect_dma semaphore(%arg11 : memref<!tpu.dma_semaphore, #tpu.memory_space<semaphore_mem>>) src(%arg9 : memref<16x2048xf32, #tpu.memory_space<vmem>>) dst(%dma_wait3A_355 : memref<8704x2048xf32, #tpu.memory_space<hbm>>)
    %dma_start3A_356 = arith.constant 13 : i32
    %dma_start3A_357 = arith.constant 0 : i32
    %dma_start3A_358 = tpu.memref_slice %arg6[%dma_start3A_356, %dma_start3A_357] : memref<16x16xi32, #tpu.memory_space<vmem>> -> memref<1x16xi32, #tpu.memory_space<vmem>>
    %dma_start3A_359 = tpu.memref_squeeze %dma_start3A_358 : memref<1x16xi32, #tpu.memory_space<vmem>> -> memref<16xi32, #tpu.memory_space<vmem>>
    %dma_start3A_360 = arith.constant 0 : i32
    %dma_start3A_361 = arith.constant 0 : i32
    %dma_start3A_362 = tpu.memref_slice %arg2[%dma_start3A_360, %dma_start3A_361] : memref<8192x2048xf32, #tpu.memory_space<hbm>> -> memref<8192x2048xf32, #tpu.memory_space<hbm>>
    tpu.enqueue_indirect_dma source(%dma_start3A_362 : memref<8192x2048xf32, #tpu.memory_space<hbm>>) target(%arg9 : memref<16x2048xf32, #tpu.memory_space<vmem>>) offsets(%dma_start3A_359 : memref<16xi32, #tpu.memory_space<vmem>>) semaphore(%arg10 : memref<!tpu.dma_semaphore, #tpu.memory_space<semaphore_mem>>)
    %dma_wait3A_363 = arith.constant 13 : i32
    %dma_wait3A_364 = arith.constant 0 : i32
    %dma_wait3A_365 = tpu.memref_slice %arg6[%dma_wait3A_363, %dma_wait3A_364] : memref<16x16xi32, #tpu.memory_space<vmem>> -> memref<1x16xi32, #tpu.memory_space<vmem>>
    %dma_wait3A_366 = tpu.memref_squeeze %dma_wait3A_365 : memref<1x16xi32, #tpu.memory_space<vmem>> -> memref<16xi32, #tpu.memory_space<vmem>>
    %dma_wait3A_367 = arith.constant 0 : i32
    %dma_wait3A_368 = arith.constant 0 : i32
    %dma_wait3A_369 = tpu.memref_slice %arg2[%dma_wait3A_367, %dma_wait3A_368] : memref<8192x2048xf32, #tpu.memory_space<hbm>> -> memref<8192x2048xf32, #tpu.memory_space<hbm>>
    tpu.wait_indirect_dma semaphore(%arg10 : memref<!tpu.dma_semaphore, #tpu.memory_space<semaphore_mem>>) src(%dma_wait3A_369 : memref<8192x2048xf32, #tpu.memory_space<hbm>>) dst(%arg9 : memref<16x2048xf32, #tpu.memory_space<vmem>>)
    %dma_start3A_370 = arith.constant 13 : i32
    %dma_start3A_371 = arith.constant 0 : i32
    %dma_start3A_372 = tpu.memref_slice %arg7[%dma_start3A_370, %dma_start3A_371] : memref<16x16xi32, #tpu.memory_space<vmem>> -> memref<1x16xi32, #tpu.memory_space<vmem>>
    %dma_start3A_373 = tpu.memref_squeeze %dma_start3A_372 : memref<1x16xi32, #tpu.memory_space<vmem>> -> memref<16xi32, #tpu.memory_space<vmem>>
    %dma_start3A_374 = arith.constant 0 : i32
    %dma_start3A_375 = arith.constant 0 : i32
    %dma_start3A_376 = tpu.memref_slice %arg5[%dma_start3A_374, %dma_start3A_375] : memref<8704x2048xf32, #tpu.memory_space<hbm>> -> memref<8704x2048xf32, #tpu.memory_space<hbm>>
    tpu.enqueue_indirect_dma source(%arg9 : memref<16x2048xf32, #tpu.memory_space<vmem>>) target(%dma_start3A_376 : memref<8704x2048xf32, #tpu.memory_space<hbm>>) offsets(%dma_start3A_373 : memref<16xi32, #tpu.memory_space<vmem>>) semaphore(%arg11 : memref<!tpu.dma_semaphore, #tpu.memory_space<semaphore_mem>>)
    %dma_wait3A_377 = arith.constant 12 : i32
    %dma_wait3A_378 = arith.constant 0 : i32
    %dma_wait3A_379 = tpu.memref_slice %arg7[%dma_wait3A_377, %dma_wait3A_378] : memref<16x16xi32, #tpu.memory_space<vmem>> -> memref<1x16xi32, #tpu.memory_space<vmem>>
    %dma_wait3A_380 = tpu.memref_squeeze %dma_wait3A_379 : memref<1x16xi32, #tpu.memory_space<vmem>> -> memref<16xi32, #tpu.memory_space<vmem>>
    %dma_wait3A_381 = arith.constant 0 : i32
    %dma_wait3A_382 = arith.constant 0 : i32
    %dma_wait3A_383 = tpu.memref_slice %arg5[%dma_wait3A_381, %dma_wait3A_382] : memref<8704x2048xf32, #tpu.memory_space<hbm>> -> memref<8704x2048xf32, #tpu.memory_space<hbm>>
    tpu.wait_indirect_dma semaphore(%arg11 : memref<!tpu.dma_semaphore, #tpu.memory_space<semaphore_mem>>) src(%arg8 : memref<16x2048xf32, #tpu.memory_space<vmem>>) dst(%dma_wait3A_383 : memref<8704x2048xf32, #tpu.memory_space<hbm>>)
    %dma_start3A_384 = arith.constant 14 : i32
    %dma_start3A_385 = arith.constant 0 : i32
    %dma_start3A_386 = tpu.memref_slice %arg6[%dma_start3A_384, %dma_start3A_385] : memref<16x16xi32, #tpu.memory_space<vmem>> -> memref<1x16xi32, #tpu.memory_space<vmem>>
    %dma_start3A_387 = tpu.memref_squeeze %dma_start3A_386 : memref<1x16xi32, #tpu.memory_space<vmem>> -> memref<16xi32, #tpu.memory_space<vmem>>
    %dma_start3A_388 = arith.constant 0 : i32
    %dma_start3A_389 = arith.constant 0 : i32
    %dma_start3A_390 = tpu.memref_slice %arg2[%dma_start3A_388, %dma_start3A_389] : memref<8192x2048xf32, #tpu.memory_space<hbm>> -> memref<8192x2048xf32, #tpu.memory_space<hbm>>
    tpu.enqueue_indirect_dma source(%dma_start3A_390 : memref<8192x2048xf32, #tpu.memory_space<hbm>>) target(%arg8 : memref<16x2048xf32, #tpu.memory_space<vmem>>) offsets(%dma_start3A_387 : memref<16xi32, #tpu.memory_space<vmem>>) semaphore(%arg10 : memref<!tpu.dma_semaphore, #tpu.memory_space<semaphore_mem>>)
    %dma_wait3A_391 = arith.constant 14 : i32
    %dma_wait3A_392 = arith.constant 0 : i32
    %dma_wait3A_393 = tpu.memref_slice %arg6[%dma_wait3A_391, %dma_wait3A_392] : memref<16x16xi32, #tpu.memory_space<vmem>> -> memref<1x16xi32, #tpu.memory_space<vmem>>
    %dma_wait3A_394 = tpu.memref_squeeze %dma_wait3A_393 : memref<1x16xi32, #tpu.memory_space<vmem>> -> memref<16xi32, #tpu.memory_space<vmem>>
    %dma_wait3A_395 = arith.constant 0 : i32
    %dma_wait3A_396 = arith.constant 0 : i32
    %dma_wait3A_397 = tpu.memref_slice %arg2[%dma_wait3A_395, %dma_wait3A_396] : memref<8192x2048xf32, #tpu.memory_space<hbm>> -> memref<8192x2048xf32, #tpu.memory_space<hbm>>
    tpu.wait_indirect_dma semaphore(%arg10 : memref<!tpu.dma_semaphore, #tpu.memory_space<semaphore_mem>>) src(%dma_wait3A_397 : memref<8192x2048xf32, #tpu.memory_space<hbm>>) dst(%arg8 : memref<16x2048xf32, #tpu.memory_space<vmem>>)
    %dma_start3A_398 = arith.constant 14 : i32
    %dma_start3A_399 = arith.constant 0 : i32
    %dma_start3A_400 = tpu.memref_slice %arg7[%dma_start3A_398, %dma_start3A_399] : memref<16x16xi32, #tpu.memory_space<vmem>> -> memref<1x16xi32, #tpu.memory_space<vmem>>
    %dma_start3A_401 = tpu.memref_squeeze %dma_start3A_400 : memref<1x16xi32, #tpu.memory_space<vmem>> -> memref<16xi32, #tpu.memory_space<vmem>>
    %dma_start3A_402 = arith.constant 0 : i32
    %dma_start3A_403 = arith.constant 0 : i32
    %dma_start3A_404 = tpu.memref_slice %arg5[%dma_start3A_402, %dma_start3A_403] : memref<8704x2048xf32, #tpu.memory_space<hbm>> -> memref<8704x2048xf32, #tpu.memory_space<hbm>>
    tpu.enqueue_indirect_dma source(%arg8 : memref<16x2048xf32, #tpu.memory_space<vmem>>) target(%dma_start3A_404 : memref<8704x2048xf32, #tpu.memory_space<hbm>>) offsets(%dma_start3A_401 : memref<16xi32, #tpu.memory_space<vmem>>) semaphore(%arg11 : memref<!tpu.dma_semaphore, #tpu.memory_space<semaphore_mem>>)
    %dma_wait3A_405 = arith.constant 13 : i32
    %dma_wait3A_406 = arith.constant 0 : i32
    %dma_wait3A_407 = tpu.memref_slice %arg7[%dma_wait3A_405, %dma_wait3A_406] : memref<16x16xi32, #tpu.memory_space<vmem>> -> memref<1x16xi32, #tpu.memory_space<vmem>>
    %dma_wait3A_408 = tpu.memref_squeeze %dma_wait3A_407 : memref<1x16xi32, #tpu.memory_space<vmem>> -> memref<16xi32, #tpu.memory_space<vmem>>
    %dma_wait3A_409 = arith.constant 0 : i32
    %dma_wait3A_410 = arith.constant 0 : i32
    %dma_wait3A_411 = tpu.memref_slice %arg5[%dma_wait3A_409, %dma_wait3A_410] : memref<8704x2048xf32, #tpu.memory_space<hbm>> -> memref<8704x2048xf32, #tpu.memory_space<hbm>>
    tpu.wait_indirect_dma semaphore(%arg11 : memref<!tpu.dma_semaphore, #tpu.memory_space<semaphore_mem>>) src(%arg9 : memref<16x2048xf32, #tpu.memory_space<vmem>>) dst(%dma_wait3A_411 : memref<8704x2048xf32, #tpu.memory_space<hbm>>)
    %dma_start3A_412 = arith.constant 15 : i32
    %dma_start3A_413 = arith.constant 0 : i32
    %dma_start3A_414 = tpu.memref_slice %arg6[%dma_start3A_412, %dma_start3A_413] : memref<16x16xi32, #tpu.memory_space<vmem>> -> memref<1x16xi32, #tpu.memory_space<vmem>>
    %dma_start3A_415 = tpu.memref_squeeze %dma_start3A_414 : memref<1x16xi32, #tpu.memory_space<vmem>> -> memref<16xi32, #tpu.memory_space<vmem>>
    %dma_start3A_416 = arith.constant 0 : i32
    %dma_start3A_417 = arith.constant 0 : i32
    %dma_start3A_418 = tpu.memref_slice %arg2[%dma_start3A_416, %dma_start3A_417] : memref<8192x2048xf32, #tpu.memory_space<hbm>> -> memref<8192x2048xf32, #tpu.memory_space<hbm>>
    tpu.enqueue_indirect_dma source(%dma_start3A_418 : memref<8192x2048xf32, #tpu.memory_space<hbm>>) target(%arg9 : memref<16x2048xf32, #tpu.memory_space<vmem>>) offsets(%dma_start3A_415 : memref<16xi32, #tpu.memory_space<vmem>>) semaphore(%arg10 : memref<!tpu.dma_semaphore, #tpu.memory_space<semaphore_mem>>)
    %dma_wait3A_419 = arith.constant 15 : i32
    %dma_wait3A_420 = arith.constant 0 : i32
    %dma_wait3A_421 = tpu.memref_slice %arg6[%dma_wait3A_419, %dma_wait3A_420] : memref<16x16xi32, #tpu.memory_space<vmem>> -> memref<1x16xi32, #tpu.memory_space<vmem>>
    %dma_wait3A_422 = tpu.memref_squeeze %dma_wait3A_421 : memref<1x16xi32, #tpu.memory_space<vmem>> -> memref<16xi32, #tpu.memory_space<vmem>>
    %dma_wait3A_423 = arith.constant 0 : i32
    %dma_wait3A_424 = arith.constant 0 : i32
    %dma_wait3A_425 = tpu.memref_slice %arg2[%dma_wait3A_423, %dma_wait3A_424] : memref<8192x2048xf32, #tpu.memory_space<hbm>> -> memref<8192x2048xf32, #tpu.memory_space<hbm>>
    tpu.wait_indirect_dma semaphore(%arg10 : memref<!tpu.dma_semaphore, #tpu.memory_space<semaphore_mem>>) src(%dma_wait3A_425 : memref<8192x2048xf32, #tpu.memory_space<hbm>>) dst(%arg9 : memref<16x2048xf32, #tpu.memory_space<vmem>>)
    %dma_start3A_426 = arith.constant 15 : i32
    %dma_start3A_427 = arith.constant 0 : i32
    %dma_start3A_428 = tpu.memref_slice %arg7[%dma_start3A_426, %dma_start3A_427] : memref<16x16xi32, #tpu.memory_space<vmem>> -> memref<1x16xi32, #tpu.memory_space<vmem>>
    %dma_start3A_429 = tpu.memref_squeeze %dma_start3A_428 : memref<1x16xi32, #tpu.memory_space<vmem>> -> memref<16xi32, #tpu.memory_space<vmem>>
    %dma_start3A_430 = arith.constant 0 : i32
    %dma_start3A_431 = arith.constant 0 : i32
    %dma_start3A_432 = tpu.memref_slice %arg5[%dma_start3A_430, %dma_start3A_431] : memref<8704x2048xf32, #tpu.memory_space<hbm>> -> memref<8704x2048xf32, #tpu.memory_space<hbm>>
    tpu.enqueue_indirect_dma source(%arg9 : memref<16x2048xf32, #tpu.memory_space<vmem>>) target(%dma_start3A_432 : memref<8704x2048xf32, #tpu.memory_space<hbm>>) offsets(%dma_start3A_429 : memref<16xi32, #tpu.memory_space<vmem>>) semaphore(%arg11 : memref<!tpu.dma_semaphore, #tpu.memory_space<semaphore_mem>>)
    %dma_wait3A_433 = arith.constant 14 : i32
    %dma_wait3A_434 = arith.constant 0 : i32
    %dma_wait3A_435 = tpu.memref_slice %arg7[%dma_wait3A_433, %dma_wait3A_434] : memref<16x16xi32, #tpu.memory_space<vmem>> -> memref<1x16xi32, #tpu.memory_space<vmem>>
    %dma_wait3A_436 = tpu.memref_squeeze %dma_wait3A_435 : memref<1x16xi32, #tpu.memory_space<vmem>> -> memref<16xi32, #tpu.memory_space<vmem>>
    %dma_wait3A_437 = arith.constant 0 : i32
    %dma_wait3A_438 = arith.constant 0 : i32
    %dma_wait3A_439 = tpu.memref_slice %arg5[%dma_wait3A_437, %dma_wait3A_438] : memref<8704x2048xf32, #tpu.memory_space<hbm>> -> memref<8704x2048xf32, #tpu.memory_space<hbm>>
    tpu.wait_indirect_dma semaphore(%arg11 : memref<!tpu.dma_semaphore, #tpu.memory_space<semaphore_mem>>) src(%arg8 : memref<16x2048xf32, #tpu.memory_space<vmem>>) dst(%dma_wait3A_439 : memref<8704x2048xf32, #tpu.memory_space<hbm>>)
    %dma_wait3A_440 = arith.constant 15 : i32
    %dma_wait3A_441 = arith.constant 0 : i32
    %dma_wait3A_442 = tpu.memref_slice %arg7[%dma_wait3A_440, %dma_wait3A_441] : memref<16x16xi32, #tpu.memory_space<vmem>> -> memref<1x16xi32, #tpu.memory_space<vmem>>
    %dma_wait3A_443 = tpu.memref_squeeze %dma_wait3A_442 : memref<1x16xi32, #tpu.memory_space<vmem>> -> memref<16xi32, #tpu.memory_space<vmem>>
    %dma_wait3A_444 = arith.constant 0 : i32
    %dma_wait3A_445 = arith.constant 0 : i32
    %dma_wait3A_446 = tpu.memref_slice %arg5[%dma_wait3A_444, %dma_wait3A_445] : memref<8704x2048xf32, #tpu.memory_space<hbm>> -> memref<8704x2048xf32, #tpu.memory_space<hbm>>
    tpu.wait_indirect_dma semaphore(%arg11 : memref<!tpu.dma_semaphore, #tpu.memory_space<semaphore_mem>>) src(%arg9 : memref<16x2048xf32, #tpu.memory_space<vmem>>) dst(%dma_wait3A_446 : memref<8704x2048xf32, #tpu.memory_space<hbm>>)
    return
  }
}

#map = affine_map<(d0, d1) -> (0, 0)>
#map1 = affine_map<(d0, d1) -> (0, 0, 0)>
module attributes {stable_mosaic.version = 14 : i64} {
  func.func @sc_permute(%arg0: i32, %arg1: i32, %arg2: memref<8704x2048xf32, #tpu.memory_space<hbm>>, %arg3: memref<32x16x16xi32, #tpu.memory_space<hbm>>, %arg4: memref<32x16x16xi32, #tpu.memory_space<hbm>>, %arg5: memref<8192x2048xf32, #tpu.memory_space<hbm>>, %arg6: memref<16x16xi32, #tpu.memory_space<vmem>>, %arg7: memref<16x16xi32, #tpu.memory_space<vmem>>, %arg8: memref<16x2048xf32, #tpu.memory_space<vmem>>, %arg9: memref<16x2048xf32, #tpu.memory_space<vmem>>, %arg10: memref<!tpu.dma_semaphore, #tpu.memory_space<semaphore_mem>>, %arg11: memref<!tpu.dma_semaphore, #tpu.memory_space<semaphore_mem>>) attributes {dimension_semantics = [#tpu.dimension_semantics<core_parallel>, #tpu.dimension_semantics<subcore_parallel>], iteration_bounds = array<i64: 2, 16>, scalar_prefetch = 0 : i64, scratch_operands = 6 : i64, tpu.core_type = #tpu.core_type<sc_vector_subcore>, window_params = [{transform_indices = #map}, {transform_indices = #map1}, {transform_indices = #map1}, {transform_indices = #map}]} {
    %mul3A = arith.constant 2 : i32
    %mul3A_0 = arith.muli %arg1, %mul3A : i32
    %add3A = arith.addi %mul3A_0, %arg0 : i32
    "tpu.region"() ({
      %run_scoped3A = tpu.sem_alloc : memref<!tpu.dma_semaphore, #tpu.memory_space<semaphore_mem>>
      %dma_start3A_447 = arith.constant 0 : i32
      %dma_start3A_448 = arith.constant 0 : i32
      %dma_start3A_449 = tpu.memref_slice %arg3[%add3A, %dma_start3A_447, %dma_start3A_448] : memref<32x16x16xi32, #tpu.memory_space<hbm>> -> memref<1x16x16xi32, #tpu.memory_space<hbm>>
      %dma_start3A_450 = tpu.memref_squeeze %dma_start3A_449 : memref<1x16x16xi32, #tpu.memory_space<hbm>> -> memref<16x16xi32, #tpu.memory_space<hbm>>
      %dma_start3A_451 = arith.constant 0 : i32
      %dma_start3A_452 = arith.constant 0 : i32
      %dma_start3A_453 = tpu.memref_slice %arg3[%add3A, %dma_start3A_451, %dma_start3A_452] : memref<32x16x16xi32, #tpu.memory_space<hbm>> -> memref<1x16x16xi32, #tpu.memory_space<hbm>>
      %dma_start3A_454 = tpu.memref_squeeze %dma_start3A_453 : memref<1x16x16xi32, #tpu.memory_space<hbm>> -> memref<16x16xi32, #tpu.memory_space<hbm>>
      tpu.enqueue_dma source(%dma_start3A_454 : memref<16x16xi32, #tpu.memory_space<hbm>>) target(%arg6 : memref<16x16xi32, #tpu.memory_space<vmem>>) target_semaphore(%run_scoped3A : memref<!tpu.dma_semaphore, #tpu.memory_space<semaphore_mem>>)
      %dma_wait3A_455 = arith.constant 0 : i32
      %dma_wait3A_456 = arith.constant 0 : i32
      %dma_wait3A_457 = tpu.memref_slice %arg3[%add3A, %dma_wait3A_455, %dma_wait3A_456] : memref<32x16x16xi32, #tpu.memory_space<hbm>> -> memref<1x16x16xi32, #tpu.memory_space<hbm>>
      %dma_wait3A_458 = tpu.memref_squeeze %dma_wait3A_457 : memref<1x16x16xi32, #tpu.memory_space<hbm>> -> memref<16x16xi32, #tpu.memory_space<hbm>>
      %dma_wait3A_459 = arith.constant 0 : i32
      %dma_wait3A_460 = arith.constant 0 : i32
      %dma_wait3A_461 = tpu.memref_slice %arg3[%add3A, %dma_wait3A_459, %dma_wait3A_460] : memref<32x16x16xi32, #tpu.memory_space<hbm>> -> memref<1x16x16xi32, #tpu.memory_space<hbm>>
      %dma_wait3A_462 = tpu.memref_squeeze %dma_wait3A_461 : memref<1x16x16xi32, #tpu.memory_space<hbm>> -> memref<16x16xi32, #tpu.memory_space<hbm>>
      tpu.wait_dma2 semaphore(%run_scoped3A : memref<!tpu.dma_semaphore, #tpu.memory_space<semaphore_mem>>) src(%dma_wait3A_462 : memref<16x16xi32, #tpu.memory_space<hbm>>) dst(%arg6 : memref<16x16xi32, #tpu.memory_space<vmem>>)
      tpu.yield
    }) : () -> ()
    "tpu.region"() ({
      %run_scoped3A = tpu.sem_alloc : memref<!tpu.dma_semaphore, #tpu.memory_space<semaphore_mem>>
      %dma_start3A_447 = arith.constant 0 : i32
      %dma_start3A_448 = arith.constant 0 : i32
      %dma_start3A_449 = tpu.memref_slice %arg4[%add3A, %dma_start3A_447, %dma_start3A_448] : memref<32x16x16xi32, #tpu.memory_space<hbm>> -> memref<1x16x16xi32, #tpu.memory_space<hbm>>
      %dma_start3A_450 = tpu.memref_squeeze %dma_start3A_449 : memref<1x16x16xi32, #tpu.memory_space<hbm>> -> memref<16x16xi32, #tpu.memory_space<hbm>>
      %dma_start3A_451 = arith.constant 0 : i32
      %dma_start3A_452 = arith.constant 0 : i32
      %dma_start3A_453 = tpu.memref_slice %arg4[%add3A, %dma_start3A_451, %dma_start3A_452] : memref<32x16x16xi32, #tpu.memory_space<hbm>> -> memref<1x16x16xi32, #tpu.memory_space<hbm>>
      %dma_start3A_454 = tpu.memref_squeeze %dma_start3A_453 : memref<1x16x16xi32, #tpu.memory_space<hbm>> -> memref<16x16xi32, #tpu.memory_space<hbm>>
      tpu.enqueue_dma source(%dma_start3A_454 : memref<16x16xi32, #tpu.memory_space<hbm>>) target(%arg7 : memref<16x16xi32, #tpu.memory_space<vmem>>) target_semaphore(%run_scoped3A : memref<!tpu.dma_semaphore, #tpu.memory_space<semaphore_mem>>)
      %dma_wait3A_455 = arith.constant 0 : i32
      %dma_wait3A_456 = arith.constant 0 : i32
      %dma_wait3A_457 = tpu.memref_slice %arg4[%add3A, %dma_wait3A_455, %dma_wait3A_456] : memref<32x16x16xi32, #tpu.memory_space<hbm>> -> memref<1x16x16xi32, #tpu.memory_space<hbm>>
      %dma_wait3A_458 = tpu.memref_squeeze %dma_wait3A_457 : memref<1x16x16xi32, #tpu.memory_space<hbm>> -> memref<16x16xi32, #tpu.memory_space<hbm>>
      %dma_wait3A_459 = arith.constant 0 : i32
      %dma_wait3A_460 = arith.constant 0 : i32
      %dma_wait3A_461 = tpu.memref_slice %arg4[%add3A, %dma_wait3A_459, %dma_wait3A_460] : memref<32x16x16xi32, #tpu.memory_space<hbm>> -> memref<1x16x16xi32, #tpu.memory_space<hbm>>
      %dma_wait3A_462 = tpu.memref_squeeze %dma_wait3A_461 : memref<1x16x16xi32, #tpu.memory_space<hbm>> -> memref<16x16xi32, #tpu.memory_space<hbm>>
      tpu.wait_dma2 semaphore(%run_scoped3A : memref<!tpu.dma_semaphore, #tpu.memory_space<semaphore_mem>>) src(%dma_wait3A_462 : memref<16x16xi32, #tpu.memory_space<hbm>>) dst(%arg7 : memref<16x16xi32, #tpu.memory_space<vmem>>)
      tpu.yield
    }) : () -> ()
    %dma_start3A = arith.constant 0 : i32
    %dma_start3A_1 = arith.constant 0 : i32
    %dma_start3A_2 = tpu.memref_slice %arg6[%dma_start3A, %dma_start3A_1] : memref<16x16xi32, #tpu.memory_space<vmem>> -> memref<1x16xi32, #tpu.memory_space<vmem>>
    %dma_start3A_3 = tpu.memref_squeeze %dma_start3A_2 : memref<1x16xi32, #tpu.memory_space<vmem>> -> memref<16xi32, #tpu.memory_space<vmem>>
    %dma_start3A_4 = arith.constant 0 : i32
    %dma_start3A_5 = arith.constant 0 : i32
    %dma_start3A_6 = tpu.memref_slice %arg2[%dma_start3A_4, %dma_start3A_5] : memref<8704x2048xf32, #tpu.memory_space<hbm>> -> memref<8704x2048xf32, #tpu.memory_space<hbm>>
    tpu.enqueue_indirect_dma source(%dma_start3A_6 : memref<8704x2048xf32, #tpu.memory_space<hbm>>) target(%arg8 : memref<16x2048xf32, #tpu.memory_space<vmem>>) offsets(%dma_start3A_3 : memref<16xi32, #tpu.memory_space<vmem>>) semaphore(%arg10 : memref<!tpu.dma_semaphore, #tpu.memory_space<semaphore_mem>>)
    %dma_wait3A = arith.constant 0 : i32
    %dma_wait3A_7 = arith.constant 0 : i32
    %dma_wait3A_8 = tpu.memref_slice %arg6[%dma_wait3A, %dma_wait3A_7] : memref<16x16xi32, #tpu.memory_space<vmem>> -> memref<1x16xi32, #tpu.memory_space<vmem>>
    %dma_wait3A_9 = tpu.memref_squeeze %dma_wait3A_8 : memref<1x16xi32, #tpu.memory_space<vmem>> -> memref<16xi32, #tpu.memory_space<vmem>>
    %dma_wait3A_10 = arith.constant 0 : i32
    %dma_wait3A_11 = arith.constant 0 : i32
    %dma_wait3A_12 = tpu.memref_slice %arg2[%dma_wait3A_10, %dma_wait3A_11] : memref<8704x2048xf32, #tpu.memory_space<hbm>> -> memref<8704x2048xf32, #tpu.memory_space<hbm>>
    tpu.wait_indirect_dma semaphore(%arg10 : memref<!tpu.dma_semaphore, #tpu.memory_space<semaphore_mem>>) src(%dma_wait3A_12 : memref<8704x2048xf32, #tpu.memory_space<hbm>>) dst(%arg8 : memref<16x2048xf32, #tpu.memory_space<vmem>>)
    %dma_start3A_13 = arith.constant 0 : i32
    %dma_start3A_14 = arith.constant 0 : i32
    %dma_start3A_15 = tpu.memref_slice %arg7[%dma_start3A_13, %dma_start3A_14] : memref<16x16xi32, #tpu.memory_space<vmem>> -> memref<1x16xi32, #tpu.memory_space<vmem>>
    %dma_start3A_16 = tpu.memref_squeeze %dma_start3A_15 : memref<1x16xi32, #tpu.memory_space<vmem>> -> memref<16xi32, #tpu.memory_space<vmem>>
    %dma_start3A_17 = arith.constant 0 : i32
    %dma_start3A_18 = arith.constant 0 : i32
    %dma_start3A_19 = tpu.memref_slice %arg5[%dma_start3A_17, %dma_start3A_18] : memref<8192x2048xf32, #tpu.memory_space<hbm>> -> memref<8192x2048xf32, #tpu.memory_space<hbm>>
    tpu.enqueue_indirect_dma source(%arg8 : memref<16x2048xf32, #tpu.memory_space<vmem>>) target(%dma_start3A_19 : memref<8192x2048xf32, #tpu.memory_space<hbm>>) offsets(%dma_start3A_16 : memref<16xi32, #tpu.memory_space<vmem>>) semaphore(%arg11 : memref<!tpu.dma_semaphore, #tpu.memory_space<semaphore_mem>>)
    %dma_start3A_20 = arith.constant 1 : i32
    %dma_start3A_21 = arith.constant 0 : i32
    %dma_start3A_22 = tpu.memref_slice %arg6[%dma_start3A_20, %dma_start3A_21] : memref<16x16xi32, #tpu.memory_space<vmem>> -> memref<1x16xi32, #tpu.memory_space<vmem>>
    %dma_start3A_23 = tpu.memref_squeeze %dma_start3A_22 : memref<1x16xi32, #tpu.memory_space<vmem>> -> memref<16xi32, #tpu.memory_space<vmem>>
    %dma_start3A_24 = arith.constant 0 : i32
    %dma_start3A_25 = arith.constant 0 : i32
    %dma_start3A_26 = tpu.memref_slice %arg2[%dma_start3A_24, %dma_start3A_25] : memref<8704x2048xf32, #tpu.memory_space<hbm>> -> memref<8704x2048xf32, #tpu.memory_space<hbm>>
    tpu.enqueue_indirect_dma source(%dma_start3A_26 : memref<8704x2048xf32, #tpu.memory_space<hbm>>) target(%arg9 : memref<16x2048xf32, #tpu.memory_space<vmem>>) offsets(%dma_start3A_23 : memref<16xi32, #tpu.memory_space<vmem>>) semaphore(%arg10 : memref<!tpu.dma_semaphore, #tpu.memory_space<semaphore_mem>>)
    %dma_wait3A_27 = arith.constant 1 : i32
    %dma_wait3A_28 = arith.constant 0 : i32
    %dma_wait3A_29 = tpu.memref_slice %arg6[%dma_wait3A_27, %dma_wait3A_28] : memref<16x16xi32, #tpu.memory_space<vmem>> -> memref<1x16xi32, #tpu.memory_space<vmem>>
    %dma_wait3A_30 = tpu.memref_squeeze %dma_wait3A_29 : memref<1x16xi32, #tpu.memory_space<vmem>> -> memref<16xi32, #tpu.memory_space<vmem>>
    %dma_wait3A_31 = arith.constant 0 : i32
    %dma_wait3A_32 = arith.constant 0 : i32
    %dma_wait3A_33 = tpu.memref_slice %arg2[%dma_wait3A_31, %dma_wait3A_32] : memref<8704x2048xf32, #tpu.memory_space<hbm>> -> memref<8704x2048xf32, #tpu.memory_space<hbm>>
    tpu.wait_indirect_dma semaphore(%arg10 : memref<!tpu.dma_semaphore, #tpu.memory_space<semaphore_mem>>) src(%dma_wait3A_33 : memref<8704x2048xf32, #tpu.memory_space<hbm>>) dst(%arg9 : memref<16x2048xf32, #tpu.memory_space<vmem>>)
    %dma_start3A_34 = arith.constant 1 : i32
    %dma_start3A_35 = arith.constant 0 : i32
    %dma_start3A_36 = tpu.memref_slice %arg7[%dma_start3A_34, %dma_start3A_35] : memref<16x16xi32, #tpu.memory_space<vmem>> -> memref<1x16xi32, #tpu.memory_space<vmem>>
    %dma_start3A_37 = tpu.memref_squeeze %dma_start3A_36 : memref<1x16xi32, #tpu.memory_space<vmem>> -> memref<16xi32, #tpu.memory_space<vmem>>
    %dma_start3A_38 = arith.constant 0 : i32
    %dma_start3A_39 = arith.constant 0 : i32
    %dma_start3A_40 = tpu.memref_slice %arg5[%dma_start3A_38, %dma_start3A_39] : memref<8192x2048xf32, #tpu.memory_space<hbm>> -> memref<8192x2048xf32, #tpu.memory_space<hbm>>
    tpu.enqueue_indirect_dma source(%arg9 : memref<16x2048xf32, #tpu.memory_space<vmem>>) target(%dma_start3A_40 : memref<8192x2048xf32, #tpu.memory_space<hbm>>) offsets(%dma_start3A_37 : memref<16xi32, #tpu.memory_space<vmem>>) semaphore(%arg11 : memref<!tpu.dma_semaphore, #tpu.memory_space<semaphore_mem>>)
    %dma_wait3A_41 = arith.constant 0 : i32
    %dma_wait3A_42 = arith.constant 0 : i32
    %dma_wait3A_43 = tpu.memref_slice %arg7[%dma_wait3A_41, %dma_wait3A_42] : memref<16x16xi32, #tpu.memory_space<vmem>> -> memref<1x16xi32, #tpu.memory_space<vmem>>
    %dma_wait3A_44 = tpu.memref_squeeze %dma_wait3A_43 : memref<1x16xi32, #tpu.memory_space<vmem>> -> memref<16xi32, #tpu.memory_space<vmem>>
    %dma_wait3A_45 = arith.constant 0 : i32
    %dma_wait3A_46 = arith.constant 0 : i32
    %dma_wait3A_47 = tpu.memref_slice %arg5[%dma_wait3A_45, %dma_wait3A_46] : memref<8192x2048xf32, #tpu.memory_space<hbm>> -> memref<8192x2048xf32, #tpu.memory_space<hbm>>
    tpu.wait_indirect_dma semaphore(%arg11 : memref<!tpu.dma_semaphore, #tpu.memory_space<semaphore_mem>>) src(%arg8 : memref<16x2048xf32, #tpu.memory_space<vmem>>) dst(%dma_wait3A_47 : memref<8192x2048xf32, #tpu.memory_space<hbm>>)
    %dma_start3A_48 = arith.constant 2 : i32
    %dma_start3A_49 = arith.constant 0 : i32
    %dma_start3A_50 = tpu.memref_slice %arg6[%dma_start3A_48, %dma_start3A_49] : memref<16x16xi32, #tpu.memory_space<vmem>> -> memref<1x16xi32, #tpu.memory_space<vmem>>
    %dma_start3A_51 = tpu.memref_squeeze %dma_start3A_50 : memref<1x16xi32, #tpu.memory_space<vmem>> -> memref<16xi32, #tpu.memory_space<vmem>>
    %dma_start3A_52 = arith.constant 0 : i32
    %dma_start3A_53 = arith.constant 0 : i32
    %dma_start3A_54 = tpu.memref_slice %arg2[%dma_start3A_52, %dma_start3A_53] : memref<8704x2048xf32, #tpu.memory_space<hbm>> -> memref<8704x2048xf32, #tpu.memory_space<hbm>>
    tpu.enqueue_indirect_dma source(%dma_start3A_54 : memref<8704x2048xf32, #tpu.memory_space<hbm>>) target(%arg8 : memref<16x2048xf32, #tpu.memory_space<vmem>>) offsets(%dma_start3A_51 : memref<16xi32, #tpu.memory_space<vmem>>) semaphore(%arg10 : memref<!tpu.dma_semaphore, #tpu.memory_space<semaphore_mem>>)
    %dma_wait3A_55 = arith.constant 2 : i32
    %dma_wait3A_56 = arith.constant 0 : i32
    %dma_wait3A_57 = tpu.memref_slice %arg6[%dma_wait3A_55, %dma_wait3A_56] : memref<16x16xi32, #tpu.memory_space<vmem>> -> memref<1x16xi32, #tpu.memory_space<vmem>>
    %dma_wait3A_58 = tpu.memref_squeeze %dma_wait3A_57 : memref<1x16xi32, #tpu.memory_space<vmem>> -> memref<16xi32, #tpu.memory_space<vmem>>
    %dma_wait3A_59 = arith.constant 0 : i32
    %dma_wait3A_60 = arith.constant 0 : i32
    %dma_wait3A_61 = tpu.memref_slice %arg2[%dma_wait3A_59, %dma_wait3A_60] : memref<8704x2048xf32, #tpu.memory_space<hbm>> -> memref<8704x2048xf32, #tpu.memory_space<hbm>>
    tpu.wait_indirect_dma semaphore(%arg10 : memref<!tpu.dma_semaphore, #tpu.memory_space<semaphore_mem>>) src(%dma_wait3A_61 : memref<8704x2048xf32, #tpu.memory_space<hbm>>) dst(%arg8 : memref<16x2048xf32, #tpu.memory_space<vmem>>)
    %dma_start3A_62 = arith.constant 2 : i32
    %dma_start3A_63 = arith.constant 0 : i32
    %dma_start3A_64 = tpu.memref_slice %arg7[%dma_start3A_62, %dma_start3A_63] : memref<16x16xi32, #tpu.memory_space<vmem>> -> memref<1x16xi32, #tpu.memory_space<vmem>>
    %dma_start3A_65 = tpu.memref_squeeze %dma_start3A_64 : memref<1x16xi32, #tpu.memory_space<vmem>> -> memref<16xi32, #tpu.memory_space<vmem>>
    %dma_start3A_66 = arith.constant 0 : i32
    %dma_start3A_67 = arith.constant 0 : i32
    %dma_start3A_68 = tpu.memref_slice %arg5[%dma_start3A_66, %dma_start3A_67] : memref<8192x2048xf32, #tpu.memory_space<hbm>> -> memref<8192x2048xf32, #tpu.memory_space<hbm>>
    tpu.enqueue_indirect_dma source(%arg8 : memref<16x2048xf32, #tpu.memory_space<vmem>>) target(%dma_start3A_68 : memref<8192x2048xf32, #tpu.memory_space<hbm>>) offsets(%dma_start3A_65 : memref<16xi32, #tpu.memory_space<vmem>>) semaphore(%arg11 : memref<!tpu.dma_semaphore, #tpu.memory_space<semaphore_mem>>)
    %dma_wait3A_69 = arith.constant 1 : i32
    %dma_wait3A_70 = arith.constant 0 : i32
    %dma_wait3A_71 = tpu.memref_slice %arg7[%dma_wait3A_69, %dma_wait3A_70] : memref<16x16xi32, #tpu.memory_space<vmem>> -> memref<1x16xi32, #tpu.memory_space<vmem>>
    %dma_wait3A_72 = tpu.memref_squeeze %dma_wait3A_71 : memref<1x16xi32, #tpu.memory_space<vmem>> -> memref<16xi32, #tpu.memory_space<vmem>>
    %dma_wait3A_73 = arith.constant 0 : i32
    %dma_wait3A_74 = arith.constant 0 : i32
    %dma_wait3A_75 = tpu.memref_slice %arg5[%dma_wait3A_73, %dma_wait3A_74] : memref<8192x2048xf32, #tpu.memory_space<hbm>> -> memref<8192x2048xf32, #tpu.memory_space<hbm>>
    tpu.wait_indirect_dma semaphore(%arg11 : memref<!tpu.dma_semaphore, #tpu.memory_space<semaphore_mem>>) src(%arg9 : memref<16x2048xf32, #tpu.memory_space<vmem>>) dst(%dma_wait3A_75 : memref<8192x2048xf32, #tpu.memory_space<hbm>>)
    %dma_start3A_76 = arith.constant 3 : i32
    %dma_start3A_77 = arith.constant 0 : i32
    %dma_start3A_78 = tpu.memref_slice %arg6[%dma_start3A_76, %dma_start3A_77] : memref<16x16xi32, #tpu.memory_space<vmem>> -> memref<1x16xi32, #tpu.memory_space<vmem>>
    %dma_start3A_79 = tpu.memref_squeeze %dma_start3A_78 : memref<1x16xi32, #tpu.memory_space<vmem>> -> memref<16xi32, #tpu.memory_space<vmem>>
    %dma_start3A_80 = arith.constant 0 : i32
    %dma_start3A_81 = arith.constant 0 : i32
    %dma_start3A_82 = tpu.memref_slice %arg2[%dma_start3A_80, %dma_start3A_81] : memref<8704x2048xf32, #tpu.memory_space<hbm>> -> memref<8704x2048xf32, #tpu.memory_space<hbm>>
    tpu.enqueue_indirect_dma source(%dma_start3A_82 : memref<8704x2048xf32, #tpu.memory_space<hbm>>) target(%arg9 : memref<16x2048xf32, #tpu.memory_space<vmem>>) offsets(%dma_start3A_79 : memref<16xi32, #tpu.memory_space<vmem>>) semaphore(%arg10 : memref<!tpu.dma_semaphore, #tpu.memory_space<semaphore_mem>>)
    %dma_wait3A_83 = arith.constant 3 : i32
    %dma_wait3A_84 = arith.constant 0 : i32
    %dma_wait3A_85 = tpu.memref_slice %arg6[%dma_wait3A_83, %dma_wait3A_84] : memref<16x16xi32, #tpu.memory_space<vmem>> -> memref<1x16xi32, #tpu.memory_space<vmem>>
    %dma_wait3A_86 = tpu.memref_squeeze %dma_wait3A_85 : memref<1x16xi32, #tpu.memory_space<vmem>> -> memref<16xi32, #tpu.memory_space<vmem>>
    %dma_wait3A_87 = arith.constant 0 : i32
    %dma_wait3A_88 = arith.constant 0 : i32
    %dma_wait3A_89 = tpu.memref_slice %arg2[%dma_wait3A_87, %dma_wait3A_88] : memref<8704x2048xf32, #tpu.memory_space<hbm>> -> memref<8704x2048xf32, #tpu.memory_space<hbm>>
    tpu.wait_indirect_dma semaphore(%arg10 : memref<!tpu.dma_semaphore, #tpu.memory_space<semaphore_mem>>) src(%dma_wait3A_89 : memref<8704x2048xf32, #tpu.memory_space<hbm>>) dst(%arg9 : memref<16x2048xf32, #tpu.memory_space<vmem>>)
    %dma_start3A_90 = arith.constant 3 : i32
    %dma_start3A_91 = arith.constant 0 : i32
    %dma_start3A_92 = tpu.memref_slice %arg7[%dma_start3A_90, %dma_start3A_91] : memref<16x16xi32, #tpu.memory_space<vmem>> -> memref<1x16xi32, #tpu.memory_space<vmem>>
    %dma_start3A_93 = tpu.memref_squeeze %dma_start3A_92 : memref<1x16xi32, #tpu.memory_space<vmem>> -> memref<16xi32, #tpu.memory_space<vmem>>
    %dma_start3A_94 = arith.constant 0 : i32
    %dma_start3A_95 = arith.constant 0 : i32
    %dma_start3A_96 = tpu.memref_slice %arg5[%dma_start3A_94, %dma_start3A_95] : memref<8192x2048xf32, #tpu.memory_space<hbm>> -> memref<8192x2048xf32, #tpu.memory_space<hbm>>
    tpu.enqueue_indirect_dma source(%arg9 : memref<16x2048xf32, #tpu.memory_space<vmem>>) target(%dma_start3A_96 : memref<8192x2048xf32, #tpu.memory_space<hbm>>) offsets(%dma_start3A_93 : memref<16xi32, #tpu.memory_space<vmem>>) semaphore(%arg11 : memref<!tpu.dma_semaphore, #tpu.memory_space<semaphore_mem>>)
    %dma_wait3A_97 = arith.constant 2 : i32
    %dma_wait3A_98 = arith.constant 0 : i32
    %dma_wait3A_99 = tpu.memref_slice %arg7[%dma_wait3A_97, %dma_wait3A_98] : memref<16x16xi32, #tpu.memory_space<vmem>> -> memref<1x16xi32, #tpu.memory_space<vmem>>
    %dma_wait3A_100 = tpu.memref_squeeze %dma_wait3A_99 : memref<1x16xi32, #tpu.memory_space<vmem>> -> memref<16xi32, #tpu.memory_space<vmem>>
    %dma_wait3A_101 = arith.constant 0 : i32
    %dma_wait3A_102 = arith.constant 0 : i32
    %dma_wait3A_103 = tpu.memref_slice %arg5[%dma_wait3A_101, %dma_wait3A_102] : memref<8192x2048xf32, #tpu.memory_space<hbm>> -> memref<8192x2048xf32, #tpu.memory_space<hbm>>
    tpu.wait_indirect_dma semaphore(%arg11 : memref<!tpu.dma_semaphore, #tpu.memory_space<semaphore_mem>>) src(%arg8 : memref<16x2048xf32, #tpu.memory_space<vmem>>) dst(%dma_wait3A_103 : memref<8192x2048xf32, #tpu.memory_space<hbm>>)
    %dma_start3A_104 = arith.constant 4 : i32
    %dma_start3A_105 = arith.constant 0 : i32
    %dma_start3A_106 = tpu.memref_slice %arg6[%dma_start3A_104, %dma_start3A_105] : memref<16x16xi32, #tpu.memory_space<vmem>> -> memref<1x16xi32, #tpu.memory_space<vmem>>
    %dma_start3A_107 = tpu.memref_squeeze %dma_start3A_106 : memref<1x16xi32, #tpu.memory_space<vmem>> -> memref<16xi32, #tpu.memory_space<vmem>>
    %dma_start3A_108 = arith.constant 0 : i32
    %dma_start3A_109 = arith.constant 0 : i32
    %dma_start3A_110 = tpu.memref_slice %arg2[%dma_start3A_108, %dma_start3A_109] : memref<8704x2048xf32, #tpu.memory_space<hbm>> -> memref<8704x2048xf32, #tpu.memory_space<hbm>>
    tpu.enqueue_indirect_dma source(%dma_start3A_110 : memref<8704x2048xf32, #tpu.memory_space<hbm>>) target(%arg8 : memref<16x2048xf32, #tpu.memory_space<vmem>>) offsets(%dma_start3A_107 : memref<16xi32, #tpu.memory_space<vmem>>) semaphore(%arg10 : memref<!tpu.dma_semaphore, #tpu.memory_space<semaphore_mem>>)
    %dma_wait3A_111 = arith.constant 4 : i32
    %dma_wait3A_112 = arith.constant 0 : i32
    %dma_wait3A_113 = tpu.memref_slice %arg6[%dma_wait3A_111, %dma_wait3A_112] : memref<16x16xi32, #tpu.memory_space<vmem>> -> memref<1x16xi32, #tpu.memory_space<vmem>>
    %dma_wait3A_114 = tpu.memref_squeeze %dma_wait3A_113 : memref<1x16xi32, #tpu.memory_space<vmem>> -> memref<16xi32, #tpu.memory_space<vmem>>
    %dma_wait3A_115 = arith.constant 0 : i32
    %dma_wait3A_116 = arith.constant 0 : i32
    %dma_wait3A_117 = tpu.memref_slice %arg2[%dma_wait3A_115, %dma_wait3A_116] : memref<8704x2048xf32, #tpu.memory_space<hbm>> -> memref<8704x2048xf32, #tpu.memory_space<hbm>>
    tpu.wait_indirect_dma semaphore(%arg10 : memref<!tpu.dma_semaphore, #tpu.memory_space<semaphore_mem>>) src(%dma_wait3A_117 : memref<8704x2048xf32, #tpu.memory_space<hbm>>) dst(%arg8 : memref<16x2048xf32, #tpu.memory_space<vmem>>)
    %dma_start3A_118 = arith.constant 4 : i32
    %dma_start3A_119 = arith.constant 0 : i32
    %dma_start3A_120 = tpu.memref_slice %arg7[%dma_start3A_118, %dma_start3A_119] : memref<16x16xi32, #tpu.memory_space<vmem>> -> memref<1x16xi32, #tpu.memory_space<vmem>>
    %dma_start3A_121 = tpu.memref_squeeze %dma_start3A_120 : memref<1x16xi32, #tpu.memory_space<vmem>> -> memref<16xi32, #tpu.memory_space<vmem>>
    %dma_start3A_122 = arith.constant 0 : i32
    %dma_start3A_123 = arith.constant 0 : i32
    %dma_start3A_124 = tpu.memref_slice %arg5[%dma_start3A_122, %dma_start3A_123] : memref<8192x2048xf32, #tpu.memory_space<hbm>> -> memref<8192x2048xf32, #tpu.memory_space<hbm>>
    tpu.enqueue_indirect_dma source(%arg8 : memref<16x2048xf32, #tpu.memory_space<vmem>>) target(%dma_start3A_124 : memref<8192x2048xf32, #tpu.memory_space<hbm>>) offsets(%dma_start3A_121 : memref<16xi32, #tpu.memory_space<vmem>>) semaphore(%arg11 : memref<!tpu.dma_semaphore, #tpu.memory_space<semaphore_mem>>)
    %dma_wait3A_125 = arith.constant 3 : i32
    %dma_wait3A_126 = arith.constant 0 : i32
    %dma_wait3A_127 = tpu.memref_slice %arg7[%dma_wait3A_125, %dma_wait3A_126] : memref<16x16xi32, #tpu.memory_space<vmem>> -> memref<1x16xi32, #tpu.memory_space<vmem>>
    %dma_wait3A_128 = tpu.memref_squeeze %dma_wait3A_127 : memref<1x16xi32, #tpu.memory_space<vmem>> -> memref<16xi32, #tpu.memory_space<vmem>>
    %dma_wait3A_129 = arith.constant 0 : i32
    %dma_wait3A_130 = arith.constant 0 : i32
    %dma_wait3A_131 = tpu.memref_slice %arg5[%dma_wait3A_129, %dma_wait3A_130] : memref<8192x2048xf32, #tpu.memory_space<hbm>> -> memref<8192x2048xf32, #tpu.memory_space<hbm>>
    tpu.wait_indirect_dma semaphore(%arg11 : memref<!tpu.dma_semaphore, #tpu.memory_space<semaphore_mem>>) src(%arg9 : memref<16x2048xf32, #tpu.memory_space<vmem>>) dst(%dma_wait3A_131 : memref<8192x2048xf32, #tpu.memory_space<hbm>>)
    %dma_start3A_132 = arith.constant 5 : i32
    %dma_start3A_133 = arith.constant 0 : i32
    %dma_start3A_134 = tpu.memref_slice %arg6[%dma_start3A_132, %dma_start3A_133] : memref<16x16xi32, #tpu.memory_space<vmem>> -> memref<1x16xi32, #tpu.memory_space<vmem>>
    %dma_start3A_135 = tpu.memref_squeeze %dma_start3A_134 : memref<1x16xi32, #tpu.memory_space<vmem>> -> memref<16xi32, #tpu.memory_space<vmem>>
    %dma_start3A_136 = arith.constant 0 : i32
    %dma_start3A_137 = arith.constant 0 : i32
    %dma_start3A_138 = tpu.memref_slice %arg2[%dma_start3A_136, %dma_start3A_137] : memref<8704x2048xf32, #tpu.memory_space<hbm>> -> memref<8704x2048xf32, #tpu.memory_space<hbm>>
    tpu.enqueue_indirect_dma source(%dma_start3A_138 : memref<8704x2048xf32, #tpu.memory_space<hbm>>) target(%arg9 : memref<16x2048xf32, #tpu.memory_space<vmem>>) offsets(%dma_start3A_135 : memref<16xi32, #tpu.memory_space<vmem>>) semaphore(%arg10 : memref<!tpu.dma_semaphore, #tpu.memory_space<semaphore_mem>>)
    %dma_wait3A_139 = arith.constant 5 : i32
    %dma_wait3A_140 = arith.constant 0 : i32
    %dma_wait3A_141 = tpu.memref_slice %arg6[%dma_wait3A_139, %dma_wait3A_140] : memref<16x16xi32, #tpu.memory_space<vmem>> -> memref<1x16xi32, #tpu.memory_space<vmem>>
    %dma_wait3A_142 = tpu.memref_squeeze %dma_wait3A_141 : memref<1x16xi32, #tpu.memory_space<vmem>> -> memref<16xi32, #tpu.memory_space<vmem>>
    %dma_wait3A_143 = arith.constant 0 : i32
    %dma_wait3A_144 = arith.constant 0 : i32
    %dma_wait3A_145 = tpu.memref_slice %arg2[%dma_wait3A_143, %dma_wait3A_144] : memref<8704x2048xf32, #tpu.memory_space<hbm>> -> memref<8704x2048xf32, #tpu.memory_space<hbm>>
    tpu.wait_indirect_dma semaphore(%arg10 : memref<!tpu.dma_semaphore, #tpu.memory_space<semaphore_mem>>) src(%dma_wait3A_145 : memref<8704x2048xf32, #tpu.memory_space<hbm>>) dst(%arg9 : memref<16x2048xf32, #tpu.memory_space<vmem>>)
    %dma_start3A_146 = arith.constant 5 : i32
    %dma_start3A_147 = arith.constant 0 : i32
    %dma_start3A_148 = tpu.memref_slice %arg7[%dma_start3A_146, %dma_start3A_147] : memref<16x16xi32, #tpu.memory_space<vmem>> -> memref<1x16xi32, #tpu.memory_space<vmem>>
    %dma_start3A_149 = tpu.memref_squeeze %dma_start3A_148 : memref<1x16xi32, #tpu.memory_space<vmem>> -> memref<16xi32, #tpu.memory_space<vmem>>
    %dma_start3A_150 = arith.constant 0 : i32
    %dma_start3A_151 = arith.constant 0 : i32
    %dma_start3A_152 = tpu.memref_slice %arg5[%dma_start3A_150, %dma_start3A_151] : memref<8192x2048xf32, #tpu.memory_space<hbm>> -> memref<8192x2048xf32, #tpu.memory_space<hbm>>
    tpu.enqueue_indirect_dma source(%arg9 : memref<16x2048xf32, #tpu.memory_space<vmem>>) target(%dma_start3A_152 : memref<8192x2048xf32, #tpu.memory_space<hbm>>) offsets(%dma_start3A_149 : memref<16xi32, #tpu.memory_space<vmem>>) semaphore(%arg11 : memref<!tpu.dma_semaphore, #tpu.memory_space<semaphore_mem>>)
    %dma_wait3A_153 = arith.constant 4 : i32
    %dma_wait3A_154 = arith.constant 0 : i32
    %dma_wait3A_155 = tpu.memref_slice %arg7[%dma_wait3A_153, %dma_wait3A_154] : memref<16x16xi32, #tpu.memory_space<vmem>> -> memref<1x16xi32, #tpu.memory_space<vmem>>
    %dma_wait3A_156 = tpu.memref_squeeze %dma_wait3A_155 : memref<1x16xi32, #tpu.memory_space<vmem>> -> memref<16xi32, #tpu.memory_space<vmem>>
    %dma_wait3A_157 = arith.constant 0 : i32
    %dma_wait3A_158 = arith.constant 0 : i32
    %dma_wait3A_159 = tpu.memref_slice %arg5[%dma_wait3A_157, %dma_wait3A_158] : memref<8192x2048xf32, #tpu.memory_space<hbm>> -> memref<8192x2048xf32, #tpu.memory_space<hbm>>
    tpu.wait_indirect_dma semaphore(%arg11 : memref<!tpu.dma_semaphore, #tpu.memory_space<semaphore_mem>>) src(%arg8 : memref<16x2048xf32, #tpu.memory_space<vmem>>) dst(%dma_wait3A_159 : memref<8192x2048xf32, #tpu.memory_space<hbm>>)
    %dma_start3A_160 = arith.constant 6 : i32
    %dma_start3A_161 = arith.constant 0 : i32
    %dma_start3A_162 = tpu.memref_slice %arg6[%dma_start3A_160, %dma_start3A_161] : memref<16x16xi32, #tpu.memory_space<vmem>> -> memref<1x16xi32, #tpu.memory_space<vmem>>
    %dma_start3A_163 = tpu.memref_squeeze %dma_start3A_162 : memref<1x16xi32, #tpu.memory_space<vmem>> -> memref<16xi32, #tpu.memory_space<vmem>>
    %dma_start3A_164 = arith.constant 0 : i32
    %dma_start3A_165 = arith.constant 0 : i32
    %dma_start3A_166 = tpu.memref_slice %arg2[%dma_start3A_164, %dma_start3A_165] : memref<8704x2048xf32, #tpu.memory_space<hbm>> -> memref<8704x2048xf32, #tpu.memory_space<hbm>>
    tpu.enqueue_indirect_dma source(%dma_start3A_166 : memref<8704x2048xf32, #tpu.memory_space<hbm>>) target(%arg8 : memref<16x2048xf32, #tpu.memory_space<vmem>>) offsets(%dma_start3A_163 : memref<16xi32, #tpu.memory_space<vmem>>) semaphore(%arg10 : memref<!tpu.dma_semaphore, #tpu.memory_space<semaphore_mem>>)
    %dma_wait3A_167 = arith.constant 6 : i32
    %dma_wait3A_168 = arith.constant 0 : i32
    %dma_wait3A_169 = tpu.memref_slice %arg6[%dma_wait3A_167, %dma_wait3A_168] : memref<16x16xi32, #tpu.memory_space<vmem>> -> memref<1x16xi32, #tpu.memory_space<vmem>>
    %dma_wait3A_170 = tpu.memref_squeeze %dma_wait3A_169 : memref<1x16xi32, #tpu.memory_space<vmem>> -> memref<16xi32, #tpu.memory_space<vmem>>
    %dma_wait3A_171 = arith.constant 0 : i32
    %dma_wait3A_172 = arith.constant 0 : i32
    %dma_wait3A_173 = tpu.memref_slice %arg2[%dma_wait3A_171, %dma_wait3A_172] : memref<8704x2048xf32, #tpu.memory_space<hbm>> -> memref<8704x2048xf32, #tpu.memory_space<hbm>>
    tpu.wait_indirect_dma semaphore(%arg10 : memref<!tpu.dma_semaphore, #tpu.memory_space<semaphore_mem>>) src(%dma_wait3A_173 : memref<8704x2048xf32, #tpu.memory_space<hbm>>) dst(%arg8 : memref<16x2048xf32, #tpu.memory_space<vmem>>)
    %dma_start3A_174 = arith.constant 6 : i32
    %dma_start3A_175 = arith.constant 0 : i32
    %dma_start3A_176 = tpu.memref_slice %arg7[%dma_start3A_174, %dma_start3A_175] : memref<16x16xi32, #tpu.memory_space<vmem>> -> memref<1x16xi32, #tpu.memory_space<vmem>>
    %dma_start3A_177 = tpu.memref_squeeze %dma_start3A_176 : memref<1x16xi32, #tpu.memory_space<vmem>> -> memref<16xi32, #tpu.memory_space<vmem>>
    %dma_start3A_178 = arith.constant 0 : i32
    %dma_start3A_179 = arith.constant 0 : i32
    %dma_start3A_180 = tpu.memref_slice %arg5[%dma_start3A_178, %dma_start3A_179] : memref<8192x2048xf32, #tpu.memory_space<hbm>> -> memref<8192x2048xf32, #tpu.memory_space<hbm>>
    tpu.enqueue_indirect_dma source(%arg8 : memref<16x2048xf32, #tpu.memory_space<vmem>>) target(%dma_start3A_180 : memref<8192x2048xf32, #tpu.memory_space<hbm>>) offsets(%dma_start3A_177 : memref<16xi32, #tpu.memory_space<vmem>>) semaphore(%arg11 : memref<!tpu.dma_semaphore, #tpu.memory_space<semaphore_mem>>)
    %dma_wait3A_181 = arith.constant 5 : i32
    %dma_wait3A_182 = arith.constant 0 : i32
    %dma_wait3A_183 = tpu.memref_slice %arg7[%dma_wait3A_181, %dma_wait3A_182] : memref<16x16xi32, #tpu.memory_space<vmem>> -> memref<1x16xi32, #tpu.memory_space<vmem>>
    %dma_wait3A_184 = tpu.memref_squeeze %dma_wait3A_183 : memref<1x16xi32, #tpu.memory_space<vmem>> -> memref<16xi32, #tpu.memory_space<vmem>>
    %dma_wait3A_185 = arith.constant 0 : i32
    %dma_wait3A_186 = arith.constant 0 : i32
    %dma_wait3A_187 = tpu.memref_slice %arg5[%dma_wait3A_185, %dma_wait3A_186] : memref<8192x2048xf32, #tpu.memory_space<hbm>> -> memref<8192x2048xf32, #tpu.memory_space<hbm>>
    tpu.wait_indirect_dma semaphore(%arg11 : memref<!tpu.dma_semaphore, #tpu.memory_space<semaphore_mem>>) src(%arg9 : memref<16x2048xf32, #tpu.memory_space<vmem>>) dst(%dma_wait3A_187 : memref<8192x2048xf32, #tpu.memory_space<hbm>>)
    %dma_start3A_188 = arith.constant 7 : i32
    %dma_start3A_189 = arith.constant 0 : i32
    %dma_start3A_190 = tpu.memref_slice %arg6[%dma_start3A_188, %dma_start3A_189] : memref<16x16xi32, #tpu.memory_space<vmem>> -> memref<1x16xi32, #tpu.memory_space<vmem>>
    %dma_start3A_191 = tpu.memref_squeeze %dma_start3A_190 : memref<1x16xi32, #tpu.memory_space<vmem>> -> memref<16xi32, #tpu.memory_space<vmem>>
    %dma_start3A_192 = arith.constant 0 : i32
    %dma_start3A_193 = arith.constant 0 : i32
    %dma_start3A_194 = tpu.memref_slice %arg2[%dma_start3A_192, %dma_start3A_193] : memref<8704x2048xf32, #tpu.memory_space<hbm>> -> memref<8704x2048xf32, #tpu.memory_space<hbm>>
    tpu.enqueue_indirect_dma source(%dma_start3A_194 : memref<8704x2048xf32, #tpu.memory_space<hbm>>) target(%arg9 : memref<16x2048xf32, #tpu.memory_space<vmem>>) offsets(%dma_start3A_191 : memref<16xi32, #tpu.memory_space<vmem>>) semaphore(%arg10 : memref<!tpu.dma_semaphore, #tpu.memory_space<semaphore_mem>>)
    %dma_wait3A_195 = arith.constant 7 : i32
    %dma_wait3A_196 = arith.constant 0 : i32
    %dma_wait3A_197 = tpu.memref_slice %arg6[%dma_wait3A_195, %dma_wait3A_196] : memref<16x16xi32, #tpu.memory_space<vmem>> -> memref<1x16xi32, #tpu.memory_space<vmem>>
    %dma_wait3A_198 = tpu.memref_squeeze %dma_wait3A_197 : memref<1x16xi32, #tpu.memory_space<vmem>> -> memref<16xi32, #tpu.memory_space<vmem>>
    %dma_wait3A_199 = arith.constant 0 : i32
    %dma_wait3A_200 = arith.constant 0 : i32
    %dma_wait3A_201 = tpu.memref_slice %arg2[%dma_wait3A_199, %dma_wait3A_200] : memref<8704x2048xf32, #tpu.memory_space<hbm>> -> memref<8704x2048xf32, #tpu.memory_space<hbm>>
    tpu.wait_indirect_dma semaphore(%arg10 : memref<!tpu.dma_semaphore, #tpu.memory_space<semaphore_mem>>) src(%dma_wait3A_201 : memref<8704x2048xf32, #tpu.memory_space<hbm>>) dst(%arg9 : memref<16x2048xf32, #tpu.memory_space<vmem>>)
    %dma_start3A_202 = arith.constant 7 : i32
    %dma_start3A_203 = arith.constant 0 : i32
    %dma_start3A_204 = tpu.memref_slice %arg7[%dma_start3A_202, %dma_start3A_203] : memref<16x16xi32, #tpu.memory_space<vmem>> -> memref<1x16xi32, #tpu.memory_space<vmem>>
    %dma_start3A_205 = tpu.memref_squeeze %dma_start3A_204 : memref<1x16xi32, #tpu.memory_space<vmem>> -> memref<16xi32, #tpu.memory_space<vmem>>
    %dma_start3A_206 = arith.constant 0 : i32
    %dma_start3A_207 = arith.constant 0 : i32
    %dma_start3A_208 = tpu.memref_slice %arg5[%dma_start3A_206, %dma_start3A_207] : memref<8192x2048xf32, #tpu.memory_space<hbm>> -> memref<8192x2048xf32, #tpu.memory_space<hbm>>
    tpu.enqueue_indirect_dma source(%arg9 : memref<16x2048xf32, #tpu.memory_space<vmem>>) target(%dma_start3A_208 : memref<8192x2048xf32, #tpu.memory_space<hbm>>) offsets(%dma_start3A_205 : memref<16xi32, #tpu.memory_space<vmem>>) semaphore(%arg11 : memref<!tpu.dma_semaphore, #tpu.memory_space<semaphore_mem>>)
    %dma_wait3A_209 = arith.constant 6 : i32
    %dma_wait3A_210 = arith.constant 0 : i32
    %dma_wait3A_211 = tpu.memref_slice %arg7[%dma_wait3A_209, %dma_wait3A_210] : memref<16x16xi32, #tpu.memory_space<vmem>> -> memref<1x16xi32, #tpu.memory_space<vmem>>
    %dma_wait3A_212 = tpu.memref_squeeze %dma_wait3A_211 : memref<1x16xi32, #tpu.memory_space<vmem>> -> memref<16xi32, #tpu.memory_space<vmem>>
    %dma_wait3A_213 = arith.constant 0 : i32
    %dma_wait3A_214 = arith.constant 0 : i32
    %dma_wait3A_215 = tpu.memref_slice %arg5[%dma_wait3A_213, %dma_wait3A_214] : memref<8192x2048xf32, #tpu.memory_space<hbm>> -> memref<8192x2048xf32, #tpu.memory_space<hbm>>
    tpu.wait_indirect_dma semaphore(%arg11 : memref<!tpu.dma_semaphore, #tpu.memory_space<semaphore_mem>>) src(%arg8 : memref<16x2048xf32, #tpu.memory_space<vmem>>) dst(%dma_wait3A_215 : memref<8192x2048xf32, #tpu.memory_space<hbm>>)
    %dma_start3A_216 = arith.constant 8 : i32
    %dma_start3A_217 = arith.constant 0 : i32
    %dma_start3A_218 = tpu.memref_slice %arg6[%dma_start3A_216, %dma_start3A_217] : memref<16x16xi32, #tpu.memory_space<vmem>> -> memref<1x16xi32, #tpu.memory_space<vmem>>
    %dma_start3A_219 = tpu.memref_squeeze %dma_start3A_218 : memref<1x16xi32, #tpu.memory_space<vmem>> -> memref<16xi32, #tpu.memory_space<vmem>>
    %dma_start3A_220 = arith.constant 0 : i32
    %dma_start3A_221 = arith.constant 0 : i32
    %dma_start3A_222 = tpu.memref_slice %arg2[%dma_start3A_220, %dma_start3A_221] : memref<8704x2048xf32, #tpu.memory_space<hbm>> -> memref<8704x2048xf32, #tpu.memory_space<hbm>>
    tpu.enqueue_indirect_dma source(%dma_start3A_222 : memref<8704x2048xf32, #tpu.memory_space<hbm>>) target(%arg8 : memref<16x2048xf32, #tpu.memory_space<vmem>>) offsets(%dma_start3A_219 : memref<16xi32, #tpu.memory_space<vmem>>) semaphore(%arg10 : memref<!tpu.dma_semaphore, #tpu.memory_space<semaphore_mem>>)
    %dma_wait3A_223 = arith.constant 8 : i32
    %dma_wait3A_224 = arith.constant 0 : i32
    %dma_wait3A_225 = tpu.memref_slice %arg6[%dma_wait3A_223, %dma_wait3A_224] : memref<16x16xi32, #tpu.memory_space<vmem>> -> memref<1x16xi32, #tpu.memory_space<vmem>>
    %dma_wait3A_226 = tpu.memref_squeeze %dma_wait3A_225 : memref<1x16xi32, #tpu.memory_space<vmem>> -> memref<16xi32, #tpu.memory_space<vmem>>
    %dma_wait3A_227 = arith.constant 0 : i32
    %dma_wait3A_228 = arith.constant 0 : i32
    %dma_wait3A_229 = tpu.memref_slice %arg2[%dma_wait3A_227, %dma_wait3A_228] : memref<8704x2048xf32, #tpu.memory_space<hbm>> -> memref<8704x2048xf32, #tpu.memory_space<hbm>>
    tpu.wait_indirect_dma semaphore(%arg10 : memref<!tpu.dma_semaphore, #tpu.memory_space<semaphore_mem>>) src(%dma_wait3A_229 : memref<8704x2048xf32, #tpu.memory_space<hbm>>) dst(%arg8 : memref<16x2048xf32, #tpu.memory_space<vmem>>)
    %dma_start3A_230 = arith.constant 8 : i32
    %dma_start3A_231 = arith.constant 0 : i32
    %dma_start3A_232 = tpu.memref_slice %arg7[%dma_start3A_230, %dma_start3A_231] : memref<16x16xi32, #tpu.memory_space<vmem>> -> memref<1x16xi32, #tpu.memory_space<vmem>>
    %dma_start3A_233 = tpu.memref_squeeze %dma_start3A_232 : memref<1x16xi32, #tpu.memory_space<vmem>> -> memref<16xi32, #tpu.memory_space<vmem>>
    %dma_start3A_234 = arith.constant 0 : i32
    %dma_start3A_235 = arith.constant 0 : i32
    %dma_start3A_236 = tpu.memref_slice %arg5[%dma_start3A_234, %dma_start3A_235] : memref<8192x2048xf32, #tpu.memory_space<hbm>> -> memref<8192x2048xf32, #tpu.memory_space<hbm>>
    tpu.enqueue_indirect_dma source(%arg8 : memref<16x2048xf32, #tpu.memory_space<vmem>>) target(%dma_start3A_236 : memref<8192x2048xf32, #tpu.memory_space<hbm>>) offsets(%dma_start3A_233 : memref<16xi32, #tpu.memory_space<vmem>>) semaphore(%arg11 : memref<!tpu.dma_semaphore, #tpu.memory_space<semaphore_mem>>)
    %dma_wait3A_237 = arith.constant 7 : i32
    %dma_wait3A_238 = arith.constant 0 : i32
    %dma_wait3A_239 = tpu.memref_slice %arg7[%dma_wait3A_237, %dma_wait3A_238] : memref<16x16xi32, #tpu.memory_space<vmem>> -> memref<1x16xi32, #tpu.memory_space<vmem>>
    %dma_wait3A_240 = tpu.memref_squeeze %dma_wait3A_239 : memref<1x16xi32, #tpu.memory_space<vmem>> -> memref<16xi32, #tpu.memory_space<vmem>>
    %dma_wait3A_241 = arith.constant 0 : i32
    %dma_wait3A_242 = arith.constant 0 : i32
    %dma_wait3A_243 = tpu.memref_slice %arg5[%dma_wait3A_241, %dma_wait3A_242] : memref<8192x2048xf32, #tpu.memory_space<hbm>> -> memref<8192x2048xf32, #tpu.memory_space<hbm>>
    tpu.wait_indirect_dma semaphore(%arg11 : memref<!tpu.dma_semaphore, #tpu.memory_space<semaphore_mem>>) src(%arg9 : memref<16x2048xf32, #tpu.memory_space<vmem>>) dst(%dma_wait3A_243 : memref<8192x2048xf32, #tpu.memory_space<hbm>>)
    %dma_start3A_244 = arith.constant 9 : i32
    %dma_start3A_245 = arith.constant 0 : i32
    %dma_start3A_246 = tpu.memref_slice %arg6[%dma_start3A_244, %dma_start3A_245] : memref<16x16xi32, #tpu.memory_space<vmem>> -> memref<1x16xi32, #tpu.memory_space<vmem>>
    %dma_start3A_247 = tpu.memref_squeeze %dma_start3A_246 : memref<1x16xi32, #tpu.memory_space<vmem>> -> memref<16xi32, #tpu.memory_space<vmem>>
    %dma_start3A_248 = arith.constant 0 : i32
    %dma_start3A_249 = arith.constant 0 : i32
    %dma_start3A_250 = tpu.memref_slice %arg2[%dma_start3A_248, %dma_start3A_249] : memref<8704x2048xf32, #tpu.memory_space<hbm>> -> memref<8704x2048xf32, #tpu.memory_space<hbm>>
    tpu.enqueue_indirect_dma source(%dma_start3A_250 : memref<8704x2048xf32, #tpu.memory_space<hbm>>) target(%arg9 : memref<16x2048xf32, #tpu.memory_space<vmem>>) offsets(%dma_start3A_247 : memref<16xi32, #tpu.memory_space<vmem>>) semaphore(%arg10 : memref<!tpu.dma_semaphore, #tpu.memory_space<semaphore_mem>>)
    %dma_wait3A_251 = arith.constant 9 : i32
    %dma_wait3A_252 = arith.constant 0 : i32
    %dma_wait3A_253 = tpu.memref_slice %arg6[%dma_wait3A_251, %dma_wait3A_252] : memref<16x16xi32, #tpu.memory_space<vmem>> -> memref<1x16xi32, #tpu.memory_space<vmem>>
    %dma_wait3A_254 = tpu.memref_squeeze %dma_wait3A_253 : memref<1x16xi32, #tpu.memory_space<vmem>> -> memref<16xi32, #tpu.memory_space<vmem>>
    %dma_wait3A_255 = arith.constant 0 : i32
    %dma_wait3A_256 = arith.constant 0 : i32
    %dma_wait3A_257 = tpu.memref_slice %arg2[%dma_wait3A_255, %dma_wait3A_256] : memref<8704x2048xf32, #tpu.memory_space<hbm>> -> memref<8704x2048xf32, #tpu.memory_space<hbm>>
    tpu.wait_indirect_dma semaphore(%arg10 : memref<!tpu.dma_semaphore, #tpu.memory_space<semaphore_mem>>) src(%dma_wait3A_257 : memref<8704x2048xf32, #tpu.memory_space<hbm>>) dst(%arg9 : memref<16x2048xf32, #tpu.memory_space<vmem>>)
    %dma_start3A_258 = arith.constant 9 : i32
    %dma_start3A_259 = arith.constant 0 : i32
    %dma_start3A_260 = tpu.memref_slice %arg7[%dma_start3A_258, %dma_start3A_259] : memref<16x16xi32, #tpu.memory_space<vmem>> -> memref<1x16xi32, #tpu.memory_space<vmem>>
    %dma_start3A_261 = tpu.memref_squeeze %dma_start3A_260 : memref<1x16xi32, #tpu.memory_space<vmem>> -> memref<16xi32, #tpu.memory_space<vmem>>
    %dma_start3A_262 = arith.constant 0 : i32
    %dma_start3A_263 = arith.constant 0 : i32
    %dma_start3A_264 = tpu.memref_slice %arg5[%dma_start3A_262, %dma_start3A_263] : memref<8192x2048xf32, #tpu.memory_space<hbm>> -> memref<8192x2048xf32, #tpu.memory_space<hbm>>
    tpu.enqueue_indirect_dma source(%arg9 : memref<16x2048xf32, #tpu.memory_space<vmem>>) target(%dma_start3A_264 : memref<8192x2048xf32, #tpu.memory_space<hbm>>) offsets(%dma_start3A_261 : memref<16xi32, #tpu.memory_space<vmem>>) semaphore(%arg11 : memref<!tpu.dma_semaphore, #tpu.memory_space<semaphore_mem>>)
    %dma_wait3A_265 = arith.constant 8 : i32
    %dma_wait3A_266 = arith.constant 0 : i32
    %dma_wait3A_267 = tpu.memref_slice %arg7[%dma_wait3A_265, %dma_wait3A_266] : memref<16x16xi32, #tpu.memory_space<vmem>> -> memref<1x16xi32, #tpu.memory_space<vmem>>
    %dma_wait3A_268 = tpu.memref_squeeze %dma_wait3A_267 : memref<1x16xi32, #tpu.memory_space<vmem>> -> memref<16xi32, #tpu.memory_space<vmem>>
    %dma_wait3A_269 = arith.constant 0 : i32
    %dma_wait3A_270 = arith.constant 0 : i32
    %dma_wait3A_271 = tpu.memref_slice %arg5[%dma_wait3A_269, %dma_wait3A_270] : memref<8192x2048xf32, #tpu.memory_space<hbm>> -> memref<8192x2048xf32, #tpu.memory_space<hbm>>
    tpu.wait_indirect_dma semaphore(%arg11 : memref<!tpu.dma_semaphore, #tpu.memory_space<semaphore_mem>>) src(%arg8 : memref<16x2048xf32, #tpu.memory_space<vmem>>) dst(%dma_wait3A_271 : memref<8192x2048xf32, #tpu.memory_space<hbm>>)
    %dma_start3A_272 = arith.constant 10 : i32
    %dma_start3A_273 = arith.constant 0 : i32
    %dma_start3A_274 = tpu.memref_slice %arg6[%dma_start3A_272, %dma_start3A_273] : memref<16x16xi32, #tpu.memory_space<vmem>> -> memref<1x16xi32, #tpu.memory_space<vmem>>
    %dma_start3A_275 = tpu.memref_squeeze %dma_start3A_274 : memref<1x16xi32, #tpu.memory_space<vmem>> -> memref<16xi32, #tpu.memory_space<vmem>>
    %dma_start3A_276 = arith.constant 0 : i32
    %dma_start3A_277 = arith.constant 0 : i32
    %dma_start3A_278 = tpu.memref_slice %arg2[%dma_start3A_276, %dma_start3A_277] : memref<8704x2048xf32, #tpu.memory_space<hbm>> -> memref<8704x2048xf32, #tpu.memory_space<hbm>>
    tpu.enqueue_indirect_dma source(%dma_start3A_278 : memref<8704x2048xf32, #tpu.memory_space<hbm>>) target(%arg8 : memref<16x2048xf32, #tpu.memory_space<vmem>>) offsets(%dma_start3A_275 : memref<16xi32, #tpu.memory_space<vmem>>) semaphore(%arg10 : memref<!tpu.dma_semaphore, #tpu.memory_space<semaphore_mem>>)
    %dma_wait3A_279 = arith.constant 10 : i32
    %dma_wait3A_280 = arith.constant 0 : i32
    %dma_wait3A_281 = tpu.memref_slice %arg6[%dma_wait3A_279, %dma_wait3A_280] : memref<16x16xi32, #tpu.memory_space<vmem>> -> memref<1x16xi32, #tpu.memory_space<vmem>>
    %dma_wait3A_282 = tpu.memref_squeeze %dma_wait3A_281 : memref<1x16xi32, #tpu.memory_space<vmem>> -> memref<16xi32, #tpu.memory_space<vmem>>
    %dma_wait3A_283 = arith.constant 0 : i32
    %dma_wait3A_284 = arith.constant 0 : i32
    %dma_wait3A_285 = tpu.memref_slice %arg2[%dma_wait3A_283, %dma_wait3A_284] : memref<8704x2048xf32, #tpu.memory_space<hbm>> -> memref<8704x2048xf32, #tpu.memory_space<hbm>>
    tpu.wait_indirect_dma semaphore(%arg10 : memref<!tpu.dma_semaphore, #tpu.memory_space<semaphore_mem>>) src(%dma_wait3A_285 : memref<8704x2048xf32, #tpu.memory_space<hbm>>) dst(%arg8 : memref<16x2048xf32, #tpu.memory_space<vmem>>)
    %dma_start3A_286 = arith.constant 10 : i32
    %dma_start3A_287 = arith.constant 0 : i32
    %dma_start3A_288 = tpu.memref_slice %arg7[%dma_start3A_286, %dma_start3A_287] : memref<16x16xi32, #tpu.memory_space<vmem>> -> memref<1x16xi32, #tpu.memory_space<vmem>>
    %dma_start3A_289 = tpu.memref_squeeze %dma_start3A_288 : memref<1x16xi32, #tpu.memory_space<vmem>> -> memref<16xi32, #tpu.memory_space<vmem>>
    %dma_start3A_290 = arith.constant 0 : i32
    %dma_start3A_291 = arith.constant 0 : i32
    %dma_start3A_292 = tpu.memref_slice %arg5[%dma_start3A_290, %dma_start3A_291] : memref<8192x2048xf32, #tpu.memory_space<hbm>> -> memref<8192x2048xf32, #tpu.memory_space<hbm>>
    tpu.enqueue_indirect_dma source(%arg8 : memref<16x2048xf32, #tpu.memory_space<vmem>>) target(%dma_start3A_292 : memref<8192x2048xf32, #tpu.memory_space<hbm>>) offsets(%dma_start3A_289 : memref<16xi32, #tpu.memory_space<vmem>>) semaphore(%arg11 : memref<!tpu.dma_semaphore, #tpu.memory_space<semaphore_mem>>)
    %dma_wait3A_293 = arith.constant 9 : i32
    %dma_wait3A_294 = arith.constant 0 : i32
    %dma_wait3A_295 = tpu.memref_slice %arg7[%dma_wait3A_293, %dma_wait3A_294] : memref<16x16xi32, #tpu.memory_space<vmem>> -> memref<1x16xi32, #tpu.memory_space<vmem>>
    %dma_wait3A_296 = tpu.memref_squeeze %dma_wait3A_295 : memref<1x16xi32, #tpu.memory_space<vmem>> -> memref<16xi32, #tpu.memory_space<vmem>>
    %dma_wait3A_297 = arith.constant 0 : i32
    %dma_wait3A_298 = arith.constant 0 : i32
    %dma_wait3A_299 = tpu.memref_slice %arg5[%dma_wait3A_297, %dma_wait3A_298] : memref<8192x2048xf32, #tpu.memory_space<hbm>> -> memref<8192x2048xf32, #tpu.memory_space<hbm>>
    tpu.wait_indirect_dma semaphore(%arg11 : memref<!tpu.dma_semaphore, #tpu.memory_space<semaphore_mem>>) src(%arg9 : memref<16x2048xf32, #tpu.memory_space<vmem>>) dst(%dma_wait3A_299 : memref<8192x2048xf32, #tpu.memory_space<hbm>>)
    %dma_start3A_300 = arith.constant 11 : i32
    %dma_start3A_301 = arith.constant 0 : i32
    %dma_start3A_302 = tpu.memref_slice %arg6[%dma_start3A_300, %dma_start3A_301] : memref<16x16xi32, #tpu.memory_space<vmem>> -> memref<1x16xi32, #tpu.memory_space<vmem>>
    %dma_start3A_303 = tpu.memref_squeeze %dma_start3A_302 : memref<1x16xi32, #tpu.memory_space<vmem>> -> memref<16xi32, #tpu.memory_space<vmem>>
    %dma_start3A_304 = arith.constant 0 : i32
    %dma_start3A_305 = arith.constant 0 : i32
    %dma_start3A_306 = tpu.memref_slice %arg2[%dma_start3A_304, %dma_start3A_305] : memref<8704x2048xf32, #tpu.memory_space<hbm>> -> memref<8704x2048xf32, #tpu.memory_space<hbm>>
    tpu.enqueue_indirect_dma source(%dma_start3A_306 : memref<8704x2048xf32, #tpu.memory_space<hbm>>) target(%arg9 : memref<16x2048xf32, #tpu.memory_space<vmem>>) offsets(%dma_start3A_303 : memref<16xi32, #tpu.memory_space<vmem>>) semaphore(%arg10 : memref<!tpu.dma_semaphore, #tpu.memory_space<semaphore_mem>>)
    %dma_wait3A_307 = arith.constant 11 : i32
    %dma_wait3A_308 = arith.constant 0 : i32
    %dma_wait3A_309 = tpu.memref_slice %arg6[%dma_wait3A_307, %dma_wait3A_308] : memref<16x16xi32, #tpu.memory_space<vmem>> -> memref<1x16xi32, #tpu.memory_space<vmem>>
    %dma_wait3A_310 = tpu.memref_squeeze %dma_wait3A_309 : memref<1x16xi32, #tpu.memory_space<vmem>> -> memref<16xi32, #tpu.memory_space<vmem>>
    %dma_wait3A_311 = arith.constant 0 : i32
    %dma_wait3A_312 = arith.constant 0 : i32
    %dma_wait3A_313 = tpu.memref_slice %arg2[%dma_wait3A_311, %dma_wait3A_312] : memref<8704x2048xf32, #tpu.memory_space<hbm>> -> memref<8704x2048xf32, #tpu.memory_space<hbm>>
    tpu.wait_indirect_dma semaphore(%arg10 : memref<!tpu.dma_semaphore, #tpu.memory_space<semaphore_mem>>) src(%dma_wait3A_313 : memref<8704x2048xf32, #tpu.memory_space<hbm>>) dst(%arg9 : memref<16x2048xf32, #tpu.memory_space<vmem>>)
    %dma_start3A_314 = arith.constant 11 : i32
    %dma_start3A_315 = arith.constant 0 : i32
    %dma_start3A_316 = tpu.memref_slice %arg7[%dma_start3A_314, %dma_start3A_315] : memref<16x16xi32, #tpu.memory_space<vmem>> -> memref<1x16xi32, #tpu.memory_space<vmem>>
    %dma_start3A_317 = tpu.memref_squeeze %dma_start3A_316 : memref<1x16xi32, #tpu.memory_space<vmem>> -> memref<16xi32, #tpu.memory_space<vmem>>
    %dma_start3A_318 = arith.constant 0 : i32
    %dma_start3A_319 = arith.constant 0 : i32
    %dma_start3A_320 = tpu.memref_slice %arg5[%dma_start3A_318, %dma_start3A_319] : memref<8192x2048xf32, #tpu.memory_space<hbm>> -> memref<8192x2048xf32, #tpu.memory_space<hbm>>
    tpu.enqueue_indirect_dma source(%arg9 : memref<16x2048xf32, #tpu.memory_space<vmem>>) target(%dma_start3A_320 : memref<8192x2048xf32, #tpu.memory_space<hbm>>) offsets(%dma_start3A_317 : memref<16xi32, #tpu.memory_space<vmem>>) semaphore(%arg11 : memref<!tpu.dma_semaphore, #tpu.memory_space<semaphore_mem>>)
    %dma_wait3A_321 = arith.constant 10 : i32
    %dma_wait3A_322 = arith.constant 0 : i32
    %dma_wait3A_323 = tpu.memref_slice %arg7[%dma_wait3A_321, %dma_wait3A_322] : memref<16x16xi32, #tpu.memory_space<vmem>> -> memref<1x16xi32, #tpu.memory_space<vmem>>
    %dma_wait3A_324 = tpu.memref_squeeze %dma_wait3A_323 : memref<1x16xi32, #tpu.memory_space<vmem>> -> memref<16xi32, #tpu.memory_space<vmem>>
    %dma_wait3A_325 = arith.constant 0 : i32
    %dma_wait3A_326 = arith.constant 0 : i32
    %dma_wait3A_327 = tpu.memref_slice %arg5[%dma_wait3A_325, %dma_wait3A_326] : memref<8192x2048xf32, #tpu.memory_space<hbm>> -> memref<8192x2048xf32, #tpu.memory_space<hbm>>
    tpu.wait_indirect_dma semaphore(%arg11 : memref<!tpu.dma_semaphore, #tpu.memory_space<semaphore_mem>>) src(%arg8 : memref<16x2048xf32, #tpu.memory_space<vmem>>) dst(%dma_wait3A_327 : memref<8192x2048xf32, #tpu.memory_space<hbm>>)
    %dma_start3A_328 = arith.constant 12 : i32
    %dma_start3A_329 = arith.constant 0 : i32
    %dma_start3A_330 = tpu.memref_slice %arg6[%dma_start3A_328, %dma_start3A_329] : memref<16x16xi32, #tpu.memory_space<vmem>> -> memref<1x16xi32, #tpu.memory_space<vmem>>
    %dma_start3A_331 = tpu.memref_squeeze %dma_start3A_330 : memref<1x16xi32, #tpu.memory_space<vmem>> -> memref<16xi32, #tpu.memory_space<vmem>>
    %dma_start3A_332 = arith.constant 0 : i32
    %dma_start3A_333 = arith.constant 0 : i32
    %dma_start3A_334 = tpu.memref_slice %arg2[%dma_start3A_332, %dma_start3A_333] : memref<8704x2048xf32, #tpu.memory_space<hbm>> -> memref<8704x2048xf32, #tpu.memory_space<hbm>>
    tpu.enqueue_indirect_dma source(%dma_start3A_334 : memref<8704x2048xf32, #tpu.memory_space<hbm>>) target(%arg8 : memref<16x2048xf32, #tpu.memory_space<vmem>>) offsets(%dma_start3A_331 : memref<16xi32, #tpu.memory_space<vmem>>) semaphore(%arg10 : memref<!tpu.dma_semaphore, #tpu.memory_space<semaphore_mem>>)
    %dma_wait3A_335 = arith.constant 12 : i32
    %dma_wait3A_336 = arith.constant 0 : i32
    %dma_wait3A_337 = tpu.memref_slice %arg6[%dma_wait3A_335, %dma_wait3A_336] : memref<16x16xi32, #tpu.memory_space<vmem>> -> memref<1x16xi32, #tpu.memory_space<vmem>>
    %dma_wait3A_338 = tpu.memref_squeeze %dma_wait3A_337 : memref<1x16xi32, #tpu.memory_space<vmem>> -> memref<16xi32, #tpu.memory_space<vmem>>
    %dma_wait3A_339 = arith.constant 0 : i32
    %dma_wait3A_340 = arith.constant 0 : i32
    %dma_wait3A_341 = tpu.memref_slice %arg2[%dma_wait3A_339, %dma_wait3A_340] : memref<8704x2048xf32, #tpu.memory_space<hbm>> -> memref<8704x2048xf32, #tpu.memory_space<hbm>>
    tpu.wait_indirect_dma semaphore(%arg10 : memref<!tpu.dma_semaphore, #tpu.memory_space<semaphore_mem>>) src(%dma_wait3A_341 : memref<8704x2048xf32, #tpu.memory_space<hbm>>) dst(%arg8 : memref<16x2048xf32, #tpu.memory_space<vmem>>)
    %dma_start3A_342 = arith.constant 12 : i32
    %dma_start3A_343 = arith.constant 0 : i32
    %dma_start3A_344 = tpu.memref_slice %arg7[%dma_start3A_342, %dma_start3A_343] : memref<16x16xi32, #tpu.memory_space<vmem>> -> memref<1x16xi32, #tpu.memory_space<vmem>>
    %dma_start3A_345 = tpu.memref_squeeze %dma_start3A_344 : memref<1x16xi32, #tpu.memory_space<vmem>> -> memref<16xi32, #tpu.memory_space<vmem>>
    %dma_start3A_346 = arith.constant 0 : i32
    %dma_start3A_347 = arith.constant 0 : i32
    %dma_start3A_348 = tpu.memref_slice %arg5[%dma_start3A_346, %dma_start3A_347] : memref<8192x2048xf32, #tpu.memory_space<hbm>> -> memref<8192x2048xf32, #tpu.memory_space<hbm>>
    tpu.enqueue_indirect_dma source(%arg8 : memref<16x2048xf32, #tpu.memory_space<vmem>>) target(%dma_start3A_348 : memref<8192x2048xf32, #tpu.memory_space<hbm>>) offsets(%dma_start3A_345 : memref<16xi32, #tpu.memory_space<vmem>>) semaphore(%arg11 : memref<!tpu.dma_semaphore, #tpu.memory_space<semaphore_mem>>)
    %dma_wait3A_349 = arith.constant 11 : i32
    %dma_wait3A_350 = arith.constant 0 : i32
    %dma_wait3A_351 = tpu.memref_slice %arg7[%dma_wait3A_349, %dma_wait3A_350] : memref<16x16xi32, #tpu.memory_space<vmem>> -> memref<1x16xi32, #tpu.memory_space<vmem>>
    %dma_wait3A_352 = tpu.memref_squeeze %dma_wait3A_351 : memref<1x16xi32, #tpu.memory_space<vmem>> -> memref<16xi32, #tpu.memory_space<vmem>>
    %dma_wait3A_353 = arith.constant 0 : i32
    %dma_wait3A_354 = arith.constant 0 : i32
    %dma_wait3A_355 = tpu.memref_slice %arg5[%dma_wait3A_353, %dma_wait3A_354] : memref<8192x2048xf32, #tpu.memory_space<hbm>> -> memref<8192x2048xf32, #tpu.memory_space<hbm>>
    tpu.wait_indirect_dma semaphore(%arg11 : memref<!tpu.dma_semaphore, #tpu.memory_space<semaphore_mem>>) src(%arg9 : memref<16x2048xf32, #tpu.memory_space<vmem>>) dst(%dma_wait3A_355 : memref<8192x2048xf32, #tpu.memory_space<hbm>>)
    %dma_start3A_356 = arith.constant 13 : i32
    %dma_start3A_357 = arith.constant 0 : i32
    %dma_start3A_358 = tpu.memref_slice %arg6[%dma_start3A_356, %dma_start3A_357] : memref<16x16xi32, #tpu.memory_space<vmem>> -> memref<1x16xi32, #tpu.memory_space<vmem>>
    %dma_start3A_359 = tpu.memref_squeeze %dma_start3A_358 : memref<1x16xi32, #tpu.memory_space<vmem>> -> memref<16xi32, #tpu.memory_space<vmem>>
    %dma_start3A_360 = arith.constant 0 : i32
    %dma_start3A_361 = arith.constant 0 : i32
    %dma_start3A_362 = tpu.memref_slice %arg2[%dma_start3A_360, %dma_start3A_361] : memref<8704x2048xf32, #tpu.memory_space<hbm>> -> memref<8704x2048xf32, #tpu.memory_space<hbm>>
    tpu.enqueue_indirect_dma source(%dma_start3A_362 : memref<8704x2048xf32, #tpu.memory_space<hbm>>) target(%arg9 : memref<16x2048xf32, #tpu.memory_space<vmem>>) offsets(%dma_start3A_359 : memref<16xi32, #tpu.memory_space<vmem>>) semaphore(%arg10 : memref<!tpu.dma_semaphore, #tpu.memory_space<semaphore_mem>>)
    %dma_wait3A_363 = arith.constant 13 : i32
    %dma_wait3A_364 = arith.constant 0 : i32
    %dma_wait3A_365 = tpu.memref_slice %arg6[%dma_wait3A_363, %dma_wait3A_364] : memref<16x16xi32, #tpu.memory_space<vmem>> -> memref<1x16xi32, #tpu.memory_space<vmem>>
    %dma_wait3A_366 = tpu.memref_squeeze %dma_wait3A_365 : memref<1x16xi32, #tpu.memory_space<vmem>> -> memref<16xi32, #tpu.memory_space<vmem>>
    %dma_wait3A_367 = arith.constant 0 : i32
    %dma_wait3A_368 = arith.constant 0 : i32
    %dma_wait3A_369 = tpu.memref_slice %arg2[%dma_wait3A_367, %dma_wait3A_368] : memref<8704x2048xf32, #tpu.memory_space<hbm>> -> memref<8704x2048xf32, #tpu.memory_space<hbm>>
    tpu.wait_indirect_dma semaphore(%arg10 : memref<!tpu.dma_semaphore, #tpu.memory_space<semaphore_mem>>) src(%dma_wait3A_369 : memref<8704x2048xf32, #tpu.memory_space<hbm>>) dst(%arg9 : memref<16x2048xf32, #tpu.memory_space<vmem>>)
    %dma_start3A_370 = arith.constant 13 : i32
    %dma_start3A_371 = arith.constant 0 : i32
    %dma_start3A_372 = tpu.memref_slice %arg7[%dma_start3A_370, %dma_start3A_371] : memref<16x16xi32, #tpu.memory_space<vmem>> -> memref<1x16xi32, #tpu.memory_space<vmem>>
    %dma_start3A_373 = tpu.memref_squeeze %dma_start3A_372 : memref<1x16xi32, #tpu.memory_space<vmem>> -> memref<16xi32, #tpu.memory_space<vmem>>
    %dma_start3A_374 = arith.constant 0 : i32
    %dma_start3A_375 = arith.constant 0 : i32
    %dma_start3A_376 = tpu.memref_slice %arg5[%dma_start3A_374, %dma_start3A_375] : memref<8192x2048xf32, #tpu.memory_space<hbm>> -> memref<8192x2048xf32, #tpu.memory_space<hbm>>
    tpu.enqueue_indirect_dma source(%arg9 : memref<16x2048xf32, #tpu.memory_space<vmem>>) target(%dma_start3A_376 : memref<8192x2048xf32, #tpu.memory_space<hbm>>) offsets(%dma_start3A_373 : memref<16xi32, #tpu.memory_space<vmem>>) semaphore(%arg11 : memref<!tpu.dma_semaphore, #tpu.memory_space<semaphore_mem>>)
    %dma_wait3A_377 = arith.constant 12 : i32
    %dma_wait3A_378 = arith.constant 0 : i32
    %dma_wait3A_379 = tpu.memref_slice %arg7[%dma_wait3A_377, %dma_wait3A_378] : memref<16x16xi32, #tpu.memory_space<vmem>> -> memref<1x16xi32, #tpu.memory_space<vmem>>
    %dma_wait3A_380 = tpu.memref_squeeze %dma_wait3A_379 : memref<1x16xi32, #tpu.memory_space<vmem>> -> memref<16xi32, #tpu.memory_space<vmem>>
    %dma_wait3A_381 = arith.constant 0 : i32
    %dma_wait3A_382 = arith.constant 0 : i32
    %dma_wait3A_383 = tpu.memref_slice %arg5[%dma_wait3A_381, %dma_wait3A_382] : memref<8192x2048xf32, #tpu.memory_space<hbm>> -> memref<8192x2048xf32, #tpu.memory_space<hbm>>
    tpu.wait_indirect_dma semaphore(%arg11 : memref<!tpu.dma_semaphore, #tpu.memory_space<semaphore_mem>>) src(%arg8 : memref<16x2048xf32, #tpu.memory_space<vmem>>) dst(%dma_wait3A_383 : memref<8192x2048xf32, #tpu.memory_space<hbm>>)
    %dma_start3A_384 = arith.constant 14 : i32
    %dma_start3A_385 = arith.constant 0 : i32
    %dma_start3A_386 = tpu.memref_slice %arg6[%dma_start3A_384, %dma_start3A_385] : memref<16x16xi32, #tpu.memory_space<vmem>> -> memref<1x16xi32, #tpu.memory_space<vmem>>
    %dma_start3A_387 = tpu.memref_squeeze %dma_start3A_386 : memref<1x16xi32, #tpu.memory_space<vmem>> -> memref<16xi32, #tpu.memory_space<vmem>>
    %dma_start3A_388 = arith.constant 0 : i32
    %dma_start3A_389 = arith.constant 0 : i32
    %dma_start3A_390 = tpu.memref_slice %arg2[%dma_start3A_388, %dma_start3A_389] : memref<8704x2048xf32, #tpu.memory_space<hbm>> -> memref<8704x2048xf32, #tpu.memory_space<hbm>>
    tpu.enqueue_indirect_dma source(%dma_start3A_390 : memref<8704x2048xf32, #tpu.memory_space<hbm>>) target(%arg8 : memref<16x2048xf32, #tpu.memory_space<vmem>>) offsets(%dma_start3A_387 : memref<16xi32, #tpu.memory_space<vmem>>) semaphore(%arg10 : memref<!tpu.dma_semaphore, #tpu.memory_space<semaphore_mem>>)
    %dma_wait3A_391 = arith.constant 14 : i32
    %dma_wait3A_392 = arith.constant 0 : i32
    %dma_wait3A_393 = tpu.memref_slice %arg6[%dma_wait3A_391, %dma_wait3A_392] : memref<16x16xi32, #tpu.memory_space<vmem>> -> memref<1x16xi32, #tpu.memory_space<vmem>>
    %dma_wait3A_394 = tpu.memref_squeeze %dma_wait3A_393 : memref<1x16xi32, #tpu.memory_space<vmem>> -> memref<16xi32, #tpu.memory_space<vmem>>
    %dma_wait3A_395 = arith.constant 0 : i32
    %dma_wait3A_396 = arith.constant 0 : i32
    %dma_wait3A_397 = tpu.memref_slice %arg2[%dma_wait3A_395, %dma_wait3A_396] : memref<8704x2048xf32, #tpu.memory_space<hbm>> -> memref<8704x2048xf32, #tpu.memory_space<hbm>>
    tpu.wait_indirect_dma semaphore(%arg10 : memref<!tpu.dma_semaphore, #tpu.memory_space<semaphore_mem>>) src(%dma_wait3A_397 : memref<8704x2048xf32, #tpu.memory_space<hbm>>) dst(%arg8 : memref<16x2048xf32, #tpu.memory_space<vmem>>)
    %dma_start3A_398 = arith.constant 14 : i32
    %dma_start3A_399 = arith.constant 0 : i32
    %dma_start3A_400 = tpu.memref_slice %arg7[%dma_start3A_398, %dma_start3A_399] : memref<16x16xi32, #tpu.memory_space<vmem>> -> memref<1x16xi32, #tpu.memory_space<vmem>>
    %dma_start3A_401 = tpu.memref_squeeze %dma_start3A_400 : memref<1x16xi32, #tpu.memory_space<vmem>> -> memref<16xi32, #tpu.memory_space<vmem>>
    %dma_start3A_402 = arith.constant 0 : i32
    %dma_start3A_403 = arith.constant 0 : i32
    %dma_start3A_404 = tpu.memref_slice %arg5[%dma_start3A_402, %dma_start3A_403] : memref<8192x2048xf32, #tpu.memory_space<hbm>> -> memref<8192x2048xf32, #tpu.memory_space<hbm>>
    tpu.enqueue_indirect_dma source(%arg8 : memref<16x2048xf32, #tpu.memory_space<vmem>>) target(%dma_start3A_404 : memref<8192x2048xf32, #tpu.memory_space<hbm>>) offsets(%dma_start3A_401 : memref<16xi32, #tpu.memory_space<vmem>>) semaphore(%arg11 : memref<!tpu.dma_semaphore, #tpu.memory_space<semaphore_mem>>)
    %dma_wait3A_405 = arith.constant 13 : i32
    %dma_wait3A_406 = arith.constant 0 : i32
    %dma_wait3A_407 = tpu.memref_slice %arg7[%dma_wait3A_405, %dma_wait3A_406] : memref<16x16xi32, #tpu.memory_space<vmem>> -> memref<1x16xi32, #tpu.memory_space<vmem>>
    %dma_wait3A_408 = tpu.memref_squeeze %dma_wait3A_407 : memref<1x16xi32, #tpu.memory_space<vmem>> -> memref<16xi32, #tpu.memory_space<vmem>>
    %dma_wait3A_409 = arith.constant 0 : i32
    %dma_wait3A_410 = arith.constant 0 : i32
    %dma_wait3A_411 = tpu.memref_slice %arg5[%dma_wait3A_409, %dma_wait3A_410] : memref<8192x2048xf32, #tpu.memory_space<hbm>> -> memref<8192x2048xf32, #tpu.memory_space<hbm>>
    tpu.wait_indirect_dma semaphore(%arg11 : memref<!tpu.dma_semaphore, #tpu.memory_space<semaphore_mem>>) src(%arg9 : memref<16x2048xf32, #tpu.memory_space<vmem>>) dst(%dma_wait3A_411 : memref<8192x2048xf32, #tpu.memory_space<hbm>>)
    %dma_start3A_412 = arith.constant 15 : i32
    %dma_start3A_413 = arith.constant 0 : i32
    %dma_start3A_414 = tpu.memref_slice %arg6[%dma_start3A_412, %dma_start3A_413] : memref<16x16xi32, #tpu.memory_space<vmem>> -> memref<1x16xi32, #tpu.memory_space<vmem>>
    %dma_start3A_415 = tpu.memref_squeeze %dma_start3A_414 : memref<1x16xi32, #tpu.memory_space<vmem>> -> memref<16xi32, #tpu.memory_space<vmem>>
    %dma_start3A_416 = arith.constant 0 : i32
    %dma_start3A_417 = arith.constant 0 : i32
    %dma_start3A_418 = tpu.memref_slice %arg2[%dma_start3A_416, %dma_start3A_417] : memref<8704x2048xf32, #tpu.memory_space<hbm>> -> memref<8704x2048xf32, #tpu.memory_space<hbm>>
    tpu.enqueue_indirect_dma source(%dma_start3A_418 : memref<8704x2048xf32, #tpu.memory_space<hbm>>) target(%arg9 : memref<16x2048xf32, #tpu.memory_space<vmem>>) offsets(%dma_start3A_415 : memref<16xi32, #tpu.memory_space<vmem>>) semaphore(%arg10 : memref<!tpu.dma_semaphore, #tpu.memory_space<semaphore_mem>>)
    %dma_wait3A_419 = arith.constant 15 : i32
    %dma_wait3A_420 = arith.constant 0 : i32
    %dma_wait3A_421 = tpu.memref_slice %arg6[%dma_wait3A_419, %dma_wait3A_420] : memref<16x16xi32, #tpu.memory_space<vmem>> -> memref<1x16xi32, #tpu.memory_space<vmem>>
    %dma_wait3A_422 = tpu.memref_squeeze %dma_wait3A_421 : memref<1x16xi32, #tpu.memory_space<vmem>> -> memref<16xi32, #tpu.memory_space<vmem>>
    %dma_wait3A_423 = arith.constant 0 : i32
    %dma_wait3A_424 = arith.constant 0 : i32
    %dma_wait3A_425 = tpu.memref_slice %arg2[%dma_wait3A_423, %dma_wait3A_424] : memref<8704x2048xf32, #tpu.memory_space<hbm>> -> memref<8704x2048xf32, #tpu.memory_space<hbm>>
    tpu.wait_indirect_dma semaphore(%arg10 : memref<!tpu.dma_semaphore, #tpu.memory_space<semaphore_mem>>) src(%dma_wait3A_425 : memref<8704x2048xf32, #tpu.memory_space<hbm>>) dst(%arg9 : memref<16x2048xf32, #tpu.memory_space<vmem>>)
    %dma_start3A_426 = arith.constant 15 : i32
    %dma_start3A_427 = arith.constant 0 : i32
    %dma_start3A_428 = tpu.memref_slice %arg7[%dma_start3A_426, %dma_start3A_427] : memref<16x16xi32, #tpu.memory_space<vmem>> -> memref<1x16xi32, #tpu.memory_space<vmem>>
    %dma_start3A_429 = tpu.memref_squeeze %dma_start3A_428 : memref<1x16xi32, #tpu.memory_space<vmem>> -> memref<16xi32, #tpu.memory_space<vmem>>
    %dma_start3A_430 = arith.constant 0 : i32
    %dma_start3A_431 = arith.constant 0 : i32
    %dma_start3A_432 = tpu.memref_slice %arg5[%dma_start3A_430, %dma_start3A_431] : memref<8192x2048xf32, #tpu.memory_space<hbm>> -> memref<8192x2048xf32, #tpu.memory_space<hbm>>
    tpu.enqueue_indirect_dma source(%arg9 : memref<16x2048xf32, #tpu.memory_space<vmem>>) target(%dma_start3A_432 : memref<8192x2048xf32, #tpu.memory_space<hbm>>) offsets(%dma_start3A_429 : memref<16xi32, #tpu.memory_space<vmem>>) semaphore(%arg11 : memref<!tpu.dma_semaphore, #tpu.memory_space<semaphore_mem>>)
    %dma_wait3A_433 = arith.constant 14 : i32
    %dma_wait3A_434 = arith.constant 0 : i32
    %dma_wait3A_435 = tpu.memref_slice %arg7[%dma_wait3A_433, %dma_wait3A_434] : memref<16x16xi32, #tpu.memory_space<vmem>> -> memref<1x16xi32, #tpu.memory_space<vmem>>
    %dma_wait3A_436 = tpu.memref_squeeze %dma_wait3A_435 : memref<1x16xi32, #tpu.memory_space<vmem>> -> memref<16xi32, #tpu.memory_space<vmem>>
    %dma_wait3A_437 = arith.constant 0 : i32
    %dma_wait3A_438 = arith.constant 0 : i32
    %dma_wait3A_439 = tpu.memref_slice %arg5[%dma_wait3A_437, %dma_wait3A_438] : memref<8192x2048xf32, #tpu.memory_space<hbm>> -> memref<8192x2048xf32, #tpu.memory_space<hbm>>
    tpu.wait_indirect_dma semaphore(%arg11 : memref<!tpu.dma_semaphore, #tpu.memory_space<semaphore_mem>>) src(%arg8 : memref<16x2048xf32, #tpu.memory_space<vmem>>) dst(%dma_wait3A_439 : memref<8192x2048xf32, #tpu.memory_space<hbm>>)
    %dma_wait3A_440 = arith.constant 15 : i32
    %dma_wait3A_441 = arith.constant 0 : i32
    %dma_wait3A_442 = tpu.memref_slice %arg7[%dma_wait3A_440, %dma_wait3A_441] : memref<16x16xi32, #tpu.memory_space<vmem>> -> memref<1x16xi32, #tpu.memory_space<vmem>>
    %dma_wait3A_443 = tpu.memref_squeeze %dma_wait3A_442 : memref<1x16xi32, #tpu.memory_space<vmem>> -> memref<16xi32, #tpu.memory_space<vmem>>
    %dma_wait3A_444 = arith.constant 0 : i32
    %dma_wait3A_445 = arith.constant 0 : i32
    %dma_wait3A_446 = tpu.memref_slice %arg5[%dma_wait3A_444, %dma_wait3A_445] : memref<8192x2048xf32, #tpu.memory_space<hbm>> -> memref<8192x2048xf32, #tpu.memory_space<hbm>>
    tpu.wait_indirect_dma semaphore(%arg11 : memref<!tpu.dma_semaphore, #tpu.memory_space<semaphore_mem>>) src(%arg9 : memref<16x2048xf32, #tpu.memory_space<vmem>>) dst(%dma_wait3A_446 : memref<8192x2048xf32, #tpu.memory_space<hbm>>)
    return
  }
}

module attributes {stable_mosaic.version = 14 : i64} {
  func.func @_ffn_body(%arg0: i32, %arg1: i32, %arg2: memref<17xi32, #tpu.memory_space<smem>>, %arg3: memref<512x2048xf32, #tpu.memory_space<vmem>>, %arg4: memref<1x512x2048xf32, #tpu.memory_space<vmem>>, %arg5: memref<1x512x2048xf32, #tpu.memory_space<vmem>>, %arg6: memref<1x2048x512xf32, #tpu.memory_space<vmem>>, %arg7: memref<1x1x2048xf32, #tpu.memory_space<vmem>>, %arg8: memref<1x1x2048xf32, #tpu.memory_space<vmem>>, %arg9: memref<512x2048xf32, #tpu.memory_space<vmem>>, %arg10: memref<512x2048xbf16, #tpu.memory_space<vmem>>) attributes {dimension_semantics = [#tpu.dimension_semantics<parallel>, #tpu.dimension_semantics<arbitrary>], iteration_bounds = array<i64: 17, 16>, scalar_prefetch = 1 : i64, scratch_operands = 1 : i64, tpu.core_type = #tpu.core_type<tc>, window_params = [{transform_indices = @transform_0, window_bounds = array<i64: 512, 2048>}, {transform_indices = @transform_1, window_bounds = array<i64: 1, 512, 2048>}, {transform_indices = @transform_2, window_bounds = array<i64: 1, 512, 2048>}, {transform_indices = @transform_3, window_bounds = array<i64: 1, 2048, 512>}, {transform_indices = @transform_4, window_bounds = array<i64: 1, 1, 2048>}, {transform_indices = @transform_5, window_bounds = array<i64: 1, 1, 2048>}, {transform_indices = @transform_6, window_bounds = array<i64: 512, 2048>}]} {
    %eq3A = arith.constant 0 : i32
    %eq3A_0 = arith.cmpi eq, %arg1, %eq3A : i32
    %convert_element_type3A = arith.extui %eq3A_0 : i1 to i32
    %cond3A = arith.constant 0 : i32
    %cond3A_1 = arith.cmpi ne, %convert_element_type3A, %cond3A : i32
    scf.if %cond3A_1 {
      %get3A_48 = arith.constant 0 : index
      %get3A_49 = arith.constant 0 : index
      %get3A_50 = vector.load %arg3[%get3A_48, %get3A_49] : memref<512x2048xf32, #tpu.memory_space<vmem>>, vector<512x2048xf32>
      %convert_element_type3A_51 = arith.truncf %get3A_50 : vector<512x2048xf32> to vector<512x2048xbf16>
      %swap3A = arith.constant 0 : index
      %swap3A_52 = arith.constant 0 : index
      %swap3A_53 = vector.load %arg10[%swap3A, %swap3A_52] : memref<512x2048xbf16, #tpu.memory_space<vmem>>, vector<512x2048xbf16>
      tpu.vector_store %arg10[%swap3A, %swap3A_52], %convert_element_type3A_51 {strides = array<i32>} : memref<512x2048xbf16, #tpu.memory_space<vmem>>, vector<512x2048xbf16>,
    } else {
    }
    %get3A = arith.constant 0 : index
    %get3A_2 = arith.constant 0 : index
    %get3A_3 = vector.load %arg10[%get3A, %get3A_2] : memref<512x2048xbf16, #tpu.memory_space<vmem>>, vector<512x2048xbf16>
    %get3A_4 = arith.constant 0 : index
    %get3A_5 = arith.constant 0 : index
    %get3A_6 = arith.constant 0 : index
    %get3A_7 = vector.load %arg4[%get3A_4, %get3A_5, %get3A_6] : memref<1x512x2048xf32, #tpu.memory_space<vmem>>, vector<1x512x2048xf32>
    %get3A_8 = vector.shape_cast %get3A_7 : vector<1x512x2048xf32> to vector<512x2048xf32>
    %convert_element_type3A_9 = arith.truncf %get3A_8 : vector<512x2048xf32> to vector<512x2048xbf16>
    %dot_general3A = arith.constant dense<0.000000e+00> : vector<512x512xf32>
    %dot_general3A_10 = tpu.matmul %get3A_3, %convert_element_type3A_9, %dot_general3A {dimension_numbers = #tpu.dot_dimension_numbers<[1], [1], [0], [0], [0, 0, 1, 0], [], []>, transpose_lhs_hint = false} : vector<512x2048xbf16>, vector<512x2048xbf16>, vector<512x512xf32> -> vector<512x512xf32>
    %get3A_11 = arith.constant 0 : index
    %get3A_12 = arith.constant 0 : index
    %get3A_13 = arith.constant 0 : index
    %get3A_14 = vector.load %arg5[%get3A_11, %get3A_12, %get3A_13] : memref<1x512x2048xf32, #tpu.memory_space<vmem>>, vector<1x512x2048xf32>
    %get3A_15 = vector.shape_cast %get3A_14 : vector<1x512x2048xf32> to vector<512x2048xf32>
    %convert_element_type3A_16 = arith.truncf %get3A_15 : vector<512x2048xf32> to vector<512x2048xbf16>
    %dot_general3A_17 = arith.constant dense<0.000000e+00> : vector<512x512xf32>
    %dot_general3A_18 = tpu.matmul %get3A_3, %convert_element_type3A_16, %dot_general3A_17 {dimension_numbers = #tpu.dot_dimension_numbers<[1], [1], [0], [0], [0, 0, 1, 0], [], []>, transpose_lhs_hint = false} : vector<512x2048xbf16>, vector<512x2048xbf16>, vector<512x512xf32> -> vector<512x512xf32>
    %logistic3A = arith.negf %dot_general3A_18 : vector<512x512xf32>
    %logistic3A_19 = math.exp %logistic3A : vector<512x512xf32>
    %logistic3A_20 = arith.constant 1.000000e+00 : f32
    %logistic3A_21 = vector.broadcast %logistic3A_20 : f32 to vector<512x512xf32>
    %logistic3A_22 = arith.addf %logistic3A_21, %logistic3A_19 : vector<512x512xf32>
    %logistic3A_23 = arith.divf %logistic3A_21, %logistic3A_22 : vector<512x512xf32>
    %mul3A = arith.mulf %dot_general3A_18, %logistic3A_23 : vector<512x512xf32>
    %mul3A_24 = arith.mulf %dot_general3A_10, %mul3A : vector<512x512xf32>
    %convert_element_type3A_25 = arith.truncf %mul3A_24 : vector<512x512xf32> to vector<512x512xbf16>
    %get3A_26 = arith.constant 0 : index
    %get3A_27 = arith.constant 0 : index
    %get3A_28 = arith.constant 0 : index
    %get3A_29 = vector.load %arg6[%get3A_26, %get3A_27, %get3A_28] : memref<1x2048x512xf32, #tpu.memory_space<vmem>>, vector<1x2048x512xf32>
    %get3A_30 = vector.shape_cast %get3A_29 : vector<1x2048x512xf32> to vector<2048x512xf32>
    %convert_element_type3A_31 = arith.truncf %get3A_30 : vector<2048x512xf32> to vector<2048x512xbf16>
    %dot_general3A_32 = arith.constant dense<0.000000e+00> : vector<512x2048xf32>
    %dot_general3A_33 = tpu.matmul %convert_element_type3A_25, %convert_element_type3A_31, %dot_general3A_32 {dimension_numbers = #tpu.dot_dimension_numbers<[1], [1], [0], [0], [0, 0, 1, 0], [], []>, transpose_lhs_hint = false} : vector<512x512xbf16>, vector<2048x512xbf16>, vector<512x2048xf32> -> vector<512x2048xf32>
    %eq3A_34 = arith.constant 0 : i32
    %eq3A_35 = arith.cmpi eq, %arg1, %eq3A_34 : i32
    %convert_element_type3A_36 = arith.extui %eq3A_35 : i1 to i32
    %cond3A_37 = arith.constant 0 : i32
    %cond3A_38 = arith.cmpi ne, %convert_element_type3A_36, %cond3A_37 : i32
    scf.if %cond3A_38 {
      %swap3A = arith.constant 0 : index
      %swap3A_48 = arith.constant 0 : index
      %swap3A_49 = vector.load %arg9[%swap3A, %swap3A_48] : memref<512x2048xf32, #tpu.memory_space<vmem>>, vector<512x2048xf32>
      tpu.vector_store %arg9[%swap3A, %swap3A_48], %dot_general3A_33 {strides = array<i32>} : memref<512x2048xf32, #tpu.memory_space<vmem>>, vector<512x2048xf32>,
    } else {
    }
    %ne3A = arith.constant 0 : i32
    %ne3A_39 = arith.cmpi ne, %arg1, %ne3A : i32
    %convert_element_type3A_40 = arith.extui %ne3A_39 : i1 to i32
    %cond3A_41 = arith.constant 0 : i32
    %cond3A_42 = arith.cmpi ne, %convert_element_type3A_40, %cond3A_41 : i32
    scf.if %cond3A_42 {
      %get3A_48 = arith.constant 0 : index
      %get3A_49 = arith.constant 0 : index
      %get3A_50 = vector.load %arg9[%get3A_48, %get3A_49] : memref<512x2048xf32, #tpu.memory_space<vmem>>, vector<512x2048xf32>
      %add3A = arith.addf %get3A_50, %dot_general3A_33 : vector<512x2048xf32>
      %swap3A = arith.constant 0 : index
      %swap3A_51 = arith.constant 0 : index
      %swap3A_52 = vector.load %arg9[%swap3A, %swap3A_51] : memref<512x2048xf32, #tpu.memory_space<vmem>>, vector<512x2048xf32>
      tpu.vector_store %arg9[%swap3A, %swap3A_51], %add3A {strides = array<i32>} : memref<512x2048xf32, #tpu.memory_space<vmem>>, vector<512x2048xf32>,
    } else {
    }
    %eq3A_43 = arith.constant 15 : i32
    %eq3A_44 = arith.cmpi eq, %arg1, %eq3A_43 : i32
    %convert_element_type3A_45 = arith.extui %eq3A_44 : i1 to i32
    %cond3A_46 = arith.constant 0 : i32
    %cond3A_47 = arith.cmpi ne, %convert_element_type3A_45, %cond3A_46 : i32
    scf.if %cond3A_47 {
      %get3A_48 = arith.constant 0 : index
      %get3A_49 = arith.constant 0 : index
      %get3A_50 = vector.load %arg9[%get3A_48, %get3A_49] : memref<512x2048xf32, #tpu.memory_space<vmem>>, vector<512x2048xf32>
      %reduce_sum3A = arith.constant dense<0.000000e+00> : vector<512xf32>
      %reduce_sum3A_51 = vector.multi_reduction <add>, %get3A_50, %reduce_sum3A [1] : vector<512x2048xf32> to vector<512xf32>
      %broadcast_in_dim3A = vector.shape_cast %reduce_sum3A_51 : vector<512xf32> to vector<512x1xf32>
      %div3A = arith.constant 2.048000e+03 : f32
      %div3A_52 = vector.broadcast %div3A : f32 to vector<512x1xf32>
      %div3A_53 = arith.divf %broadcast_in_dim3A, %div3A_52 : vector<512x1xf32>
      %sub3A = vector.broadcast %div3A_53 : vector<512x1xf32> to vector<512x2048xf32>
      %sub3A_54 = arith.subf %get3A_50, %sub3A : vector<512x2048xf32>
      %mul3A_55 = arith.mulf %sub3A_54, %sub3A_54 : vector<512x2048xf32>
      %reduce_sum3A_56 = arith.constant dense<0.000000e+00> : vector<512xf32>
      %reduce_sum3A_57 = vector.multi_reduction <add>, %mul3A_55, %reduce_sum3A_56 [1] : vector<512x2048xf32> to vector<512xf32>
      %broadcast_in_dim3A_58 = vector.shape_cast %reduce_sum3A_57 : vector<512xf32> to vector<512x1xf32>
      %div3A_59 = arith.constant 2.048000e+03 : f32
      %div3A_60 = vector.broadcast %div3A_59 : f32 to vector<512x1xf32>
      %div3A_61 = arith.divf %broadcast_in_dim3A_58, %div3A_60 : vector<512x1xf32>
      %add3A = arith.constant 9.99999974E-6 : f32
      %add3A_62 = vector.broadcast %add3A : f32 to vector<512x1xf32>
      %add3A_63 = arith.addf %div3A_61, %add3A_62 : vector<512x1xf32>
      %rsqrt3A = math.rsqrt %add3A_63 : vector<512x1xf32>
      %mul3A_64 = vector.broadcast %rsqrt3A : vector<512x1xf32> to vector<512x2048xf32>
      %mul3A_65 = arith.mulf %sub3A_54, %mul3A_64 : vector<512x2048xf32>
      %get3A_66 = arith.constant 0 : index
      %get3A_67 = arith.constant 0 : index
      %get3A_68 = arith.constant 0 : index
      %get3A_69 = vector.load %arg7[%get3A_66, %get3A_67, %get3A_68] : memref<1x1x2048xf32, #tpu.memory_space<vmem>>, vector<1x1x2048xf32>
      %get3A_70 = vector.shape_cast %get3A_69 : vector<1x1x2048xf32> to vector<1x2048xf32>
      %mul3A_71 = vector.broadcast %get3A_70 : vector<1x2048xf32> to vector<512x2048xf32>
      %mul3A_72 = arith.mulf %mul3A_65, %mul3A_71 : vector<512x2048xf32>
      %get3A_73 = arith.constant 0 : index
      %get3A_74 = arith.constant 0 : index
      %get3A_75 = arith.constant 0 : index
      %get3A_76 = vector.load %arg8[%get3A_73, %get3A_74, %get3A_75] : memref<1x1x2048xf32, #tpu.memory_space<vmem>>, vector<1x1x2048xf32>
      %get3A_77 = vector.shape_cast %get3A_76 : vector<1x1x2048xf32> to vector<1x2048xf32>
      %add3A_78 = vector.broadcast %get3A_77 : vector<1x2048xf32> to vector<512x2048xf32>
      %add3A_79 = arith.addf %mul3A_72, %add3A_78 : vector<512x2048xf32>
      %swap3A = arith.constant 0 : index
      %swap3A_80 = arith.constant 0 : index
      %swap3A_81 = vector.load %arg9[%swap3A, %swap3A_80] : memref<512x2048xf32, #tpu.memory_space<vmem>>, vector<512x2048xf32>
      tpu.vector_store %arg9[%swap3A, %swap3A_80], %add3A_79 {strides = array<i32>} : memref<512x2048xf32, #tpu.memory_space<vmem>>, vector<512x2048xf32>,
    } else {
    }
    return
  }
  func.func @transform_0(%arg0: i32, %arg1: i32, %arg2: memref<17xi32, #tpu.memory_space<smem>>) -> (i32, i32) {
    %c0_i32 = arith.constant 0 : i32
    %c0_i32_0 = arith.constant 0 : i32
    return %arg0, %c0_i32 : i32, i32
  }
  func.func @transform_1(%arg0: i32, %arg1: i32, %arg2: memref<17xi32, #tpu.memory_space<smem>>) -> (i32, i32, i32) {
    %get3A = arith.index_cast %arg0 : i32 to index
    %get3A_0 = memref.load %arg2[%get3A] : memref<17xi32, #tpu.memory_space<smem>>
    %c0_i32 = arith.constant 0 : i32
    %c0_i32_1 = arith.constant 0 : i32
    return %get3A_0, %arg1, %c0_i32 : i32, i32, i32
  }
  func.func @transform_2(%arg0: i32, %arg1: i32, %arg2: memref<17xi32, #tpu.memory_space<smem>>) -> (i32, i32, i32) {
    %get3A = arith.index_cast %arg0 : i32 to index
    %get3A_0 = memref.load %arg2[%get3A] : memref<17xi32, #tpu.memory_space<smem>>
    %c0_i32 = arith.constant 0 : i32
    %c0_i32_1 = arith.constant 0 : i32
    return %get3A_0, %arg1, %c0_i32 : i32, i32, i32
  }
  func.func @transform_3(%arg0: i32, %arg1: i32, %arg2: memref<17xi32, #tpu.memory_space<smem>>) -> (i32, i32, i32) {
    %get3A = arith.index_cast %arg0 : i32 to index
    %get3A_0 = memref.load %arg2[%get3A] : memref<17xi32, #tpu.memory_space<smem>>
    %c0_i32 = arith.constant 0 : i32
    %c0_i32_1 = arith.constant 0 : i32
    return %get3A_0, %c0_i32, %arg1 : i32, i32, i32
  }
  func.func @transform_4(%arg0: i32, %arg1: i32, %arg2: memref<17xi32, #tpu.memory_space<smem>>) -> (i32, i32, i32) {
    %get3A = arith.index_cast %arg0 : i32 to index
    %get3A_0 = memref.load %arg2[%get3A] : memref<17xi32, #tpu.memory_space<smem>>
    %c0_i32 = arith.constant 0 : i32
    %c0_i32_1 = arith.constant 0 : i32
    %c0_i32_2 = arith.constant 0 : i32
    return %get3A_0, %c0_i32, %c0_i32_1 : i32, i32, i32
  }
  func.func @transform_5(%arg0: i32, %arg1: i32, %arg2: memref<17xi32, #tpu.memory_space<smem>>) -> (i32, i32, i32) {
    %get3A = arith.index_cast %arg0 : i32 to index
    %get3A_0 = memref.load %arg2[%get3A] : memref<17xi32, #tpu.memory_space<smem>>
    %c0_i32 = arith.constant 0 : i32
    %c0_i32_1 = arith.constant 0 : i32
    %c0_i32_2 = arith.constant 0 : i32
    return %get3A_0, %c0_i32, %c0_i32_1 : i32, i32, i32
  }
  func.func @transform_6(%arg0: i32, %arg1: i32, %arg2: memref<17xi32, #tpu.memory_space<smem>>) -> (i32, i32) {
    %c0_i32 = arith.constant 0 : i32
    %c0_i32_0 = arith.constant 0 : i32
    return %arg0, %c0_i32 : i32, i32
  }
}

</mosaic_0001>

<sc_bundles>
// kernel: kernel.5.cloned.1.call-start
scs
__scs_entry_jumppad:
0x0: {  	(pc) =	sbr.rel $0x88, $3  }
0x1: {  	(tag) =	ssettag $0x0;
	lr =	simm.s32 $0x1  }
0x2: {  	[smem:$0x3F9A] =	sst lr;
	_ =	strace $0xD0000000  }
0x3: {  	_ = 	snop  }
0x4: {  	_ = 	snop  }
0x5: {  	_ = 	snop  }
0x6: {  	_ = 	snop  }
0x7: {  	_ = 	snop  }
__scs_overlays_trampoline_lowered:
0x8: {  	[smem:$0x3FA9] =	sst s0  }
0x9: {  	[smem:$0x3FAA] =	sst s1  }
0xa: {  	[smem:$0x3FAB] =	sst s2  }
0xb: {  	[smem:$0x3FAC] =	sst s3  }
0xc: {  	[smem:$0x3FAD] =	sst s4  }
0xd: {  	[smem:$0x3FAE] =	sst s5  }
0xe: {  	[smem:$0x3FAF] =	sst s6  }
0xf: {  	[smem:$0x3FB0] =	sst s7  }
0x10: {  	[smem:$0x3FB1] =	sst s8  }
0x11: {  	[smem:$0x3FB2] =	sst s9;
	s0 =	simm.s32 @!p0 $0x0  }
0x12: {  	s1 =	sld [smem:$0x3F98];
	s0 =	simm.s32 @p0 $0x1  }
0x13: {  	[smem:$0x3FB3] =	sst s0;
	s0 =	simm.s32 @!p1 $0x0  }
0x14: {  	s2 =	sld [smem:$0x3F97];
	s0 =	simm.s32 @p1 $0x1  }
0x15: {  	[smem:$0x3FB4] =	sst s0;
	s0 =	simm.s32 @!p2 $0x0  }
0x16: {  	s3 =	sld [smem:$0x3FDB];
	s0 =	simm.s32 @p2 $0x1  }
0x17: {  	s4 =	simm.s32 $0x1BF5;
	[smem:$0x3FB6] =	sst s0  }
0x18: {  	s0 =	sld [smem:$0x3F99];
	_ =	swait.ge [sflag:s4], $0x0  }
0x19: {  	s7 =	sld [smem:$0x3F9A]  }
0x1a: {  	s8 =	sadd.s32 $0xFFFFE003, lr  }
0x1b: {  	s9 =	sadd.s32 $0xFFFFFEF7, lr;
	s5 =	simm.s32 $0xFFFFFFFF;
	p2 =	slt.u32 s8, $0xFFFFF086  }
0x1c: {  	p1 =	slt.u32 s9, $0xF7A;
	s5 =	simm.s32 @!p2 $0x0  }
0x1d: {  	s5 =	simm.s32 @p1 $0x1;
	p0 =	seq.s32 s7, s2  }
0x1e: {  	s7 =	smul.u32 @!p0 $0xF7A, s2;
	p2 =	seq.s32 @!p0 s5, $0x0  }
0x1f: {  	s9 =	smul.u32 $0xF7A, s1;
	s8 =	simm.s32 @!p0 $0x1BF5;
	p2 =	por !p2, p0  }
0x20: {  	[sflag:s8] =	ssyncset.s32 @!p0 $0xFFFFF086;
	s6 =	sadd.s32 @!p0 s3, s7;
	s7 =	simm.s32 @!p0 $0x108  }
0x21: {  	s3 =	sadd.s32 s3, s9;
	s6 =	sadd.s32 @!p0 $0x88, s6;
	s7 =	simm.s32 @p2 $0x1082  }
0x22: {  	[simem:s7], [sflag:s8] =	dma.local @!p0 [hbm:s6], $0xF7A  }
0x23: {  	s9 =	sor.u32 $0xD0000000, s2;
	s6 =	simm.s32 $0x108;
	_ =	swait.ge @!p0 [sflag:s8], $0x0  }
0x24: {  	s3 =	sadd.s32 $0x88, s3;
	s6 =	simm.s32 @!p1 $0x1082;
	[sflag:s4] =	ssyncset.s32 $0xFFFFF086  }
0x25: {  	[simem:s6], [sflag:s4] =	dma.local [hbm:s3], $0xF7A  }
0x26: {  	[smem:$0x3F9A] =	sst s1;
	(tag) =	ssettag s2;
	_ =	strace s9  }
0x27: {  	s1 =	sld [smem:$0x3FAA]  }
0x28: {  	s2 =	sld [smem:$0x3FAB]  }
0x29: {  	s4 =	sld [smem:$0x3FAD]  }
0x2a: {  	p0 =	seq.s32 s5, $0x0;
	s5 =	sld [smem:$0x3FAE]  }
0x2b: {  	s6 =	sld [smem:$0x3FAF]  }
0x2c: {  	s7 =	sld [smem:$0x3FB0]  }
0x2d: {  	s3 =	simm.s32 $0x108;
	s8 =	sld [smem:$0x3FB1]  }
0x2e: {  	s3 =	simm.s32 @!p0 $0x1082;
	s9 =	sld [smem:$0x3FB2]  }
0x2f: {  	lr =	sadd.s32 s0, s3;
	s0 =	sld [smem:$0x3FA9]  }
0x30: {  	s3 =	sld [smem:$0x3FAC]  }
0x31: {  	[smem:$0x3FB5] =	sst s10  }
0x32: {  	s10 =	sld [smem:$0x3FB3];
	_ =	sdelay $0x3  }
0x33: {  	p0 =	seq.s32 s10, $0x1;
	s10 =	sld [smem:$0x3FB5];
	_ =	sdelay $0x3  }
0x34: {  	[smem:$0x3FB5] =	sst s10  }
0x35: {  	s10 =	sld [smem:$0x3FB4];
	_ =	sdelay $0x3  }
0x36: {  	p1 =	seq.s32 s10, $0x1;
	s10 =	sld [smem:$0x3FB5];
	_ =	sdelay $0x3  }
0x37: {  	[smem:$0x3FB5] =	sst s10  }
0x38: {  	s10 =	sld [smem:$0x3FB6]  }
0x39: {  	_ = 	snop;
	(pc) =	sbr.ind lr, $3  }
0x3a: {  	_ = 	snop  }
0x3b: {  	_ = 	snop  }
0x3c: {  	p2 =	seq.s32 s10, $0x1;
	s10 =	sld [smem:$0x3FB5]  }
0x3d: {  	_ =	shalt  }
0x3e: {  	_ =	shalt  }
0x3f: {  	_ =	shalt  }
0x40: {  	_ =	shalt  }
0x41: {  	_ =	shalt  }
0x42: {  	_ =	shalt  }
0x43: {  	_ =	shalt  }
0x44: {  	_ =	shalt  }
0x45: {  	_ =	shalt  }
0x46: {  	_ =	shalt  }
0x47: {  	_ =	shalt  }
0x48: {  	_ =	shalt  }
0x49: {  	_ =	shalt  }
0x4a: {  	_ =	shalt  }
0x4b: {  	_ =	shalt  }
0x4c: {  	_ =	shalt  }
0x4d: {  	_ =	shalt  }
0x4e: {  	_ =	shalt  }
0x4f: {  	_ =	shalt  }
0x50: {  	_ =	shalt  }
0x51: {  	_ =	shalt  }
0x52: {  	_ =	shalt  }
0x53: {  	_ =	shalt  }
0x54: {  	_ =	shalt  }
0x55: {  	_ =	shalt  }
0x56: {  	_ =	shalt  }
0x57: {  	_ =	shalt  }
0x58: {  	_ =	shalt  }
0x59: {  	_ =	shalt  }
0x5a: {  	_ =	shalt  }
0x5b: {  	_ =	shalt  }
0x5c: {  	_ =	shalt  }
0x5d: {  	_ =	shalt  }
0x5e: {  	_ =	shalt  }
0x5f: {  	_ =	shalt  }
0x60: {  	_ =	shalt  }
0x61: {  	_ =	shalt  }
0x62: {  	_ =	shalt  }
0x63: {  	_ =	shalt  }
0x64: {  	_ =	shalt  }
0x65: {  	_ =	shalt  }
0x66: {  	_ =	shalt  }
0x67: {  	_ =	shalt  }
0x68: {  	_ =	shalt  }
0x69: {  	_ =	shalt  }
0x6a: {  	_ =	shalt  }
0x6b: {  	_ =	shalt  }
0x6c: {  	_ =	shalt  }
0x6d: {  	_ =	shalt  }
0x6e: {  	_ =	shalt  }
0x6f: {  	_ =	shalt  }
0x70: {  	_ =	shalt  }
0x71: {  	_ =	shalt  }
0x72: {  	_ =	shalt  }
0x73: {  	_ =	shalt  }
0x74: {  	_ =	shalt  }
0x75: {  	_ =	shalt  }
0x76: {  	_ =	shalt  }
0x77: {  	_ =	shalt  }
0x78: {  	_ =	shalt  }
0x79: {  	_ =	shalt  }
0x7a: {  	_ =	shalt  }
0x7b: {  	_ =	shalt  }
0x7c: {  	_ =	shalt  }
0x7d: {  	_ =	shalt  }
0x7e: {  	_ =	shalt  }
0x7f: {  	_ =	shalt  }
0x80: {  	_ =	shalt  }
0x81: {  	_ =	shalt  }
0x82: {  	_ =	shalt  }
0x83: {  	_ =	shalt  }
0x84: {  	_ =	shalt  }
0x85: {  	_ =	shalt  }
0x86: {  	_ =	shalt  }
0x87: {  	_ =	shalt  }
.Lfunc_end0:
.L_simem_size_0:
called_computation_lowered:
.L_overlay_start_0:
0x88: {  	s2 =	sld [smem:$0x3FD9]  }
0x89: {  	s3 =	sld [smem:$0x3FFE];
	_ =	sdelay $0x1  }
0x8a: {  	s1 =	srdreg.scid  }
0x8b: {  	s0 =	sand.u32 $0x1, s1  }
0x8c: {  	s17 =	sshll.u32 s0, $0xA;
	s2 =	sadd.s32 s3, s2  }
0x8d: {  	s2 =	sadd.s32 s2, s17  }
0x8e: {  	[smem:$0x3FC1] =	sst s2  }
0x8f: {  	_ = 	snop  }
0x90: {  	s2 =	sld [smem:$0x3FC9];
	(tm) =	ssettm $0x1  }
0x91: {  	s18 =	sld [smem:$0x3FFB];
	_ =	sdelay $0x3  }
0x92: {  	_ =	strace s18  }
0x93: {  	s3 =	sld [smem:$0x3FFC];
	_ =	sdelay $0x3  }
0x94: {  	_ =	strace s3  }
0x95: {  	s3 =	sld [smem:$0x3FFD];
	_ =	sdelay $0x3  }
0x96: {  	_ =	strace s3  }
0x97: {  	_ =	strace $0x8FFFFFFF  }
0x98: {  	s19 =	sld [smem:$0x3FDB];
	_ =	sdelay $0x1  }
0x99: {  	s4 =	simm.s32 $_scs_section_size  }
0x9a: {  	s5 =	simm.s32 $_size__tile_overlayer_lowered;
	s6 =	simm.s32 $_tile_overlayer_lowered  }
0x9b: {  	s22 =	simm.s32 $0x1BFF;
	s21 =	sshll.u32 s6, $0x1;
	s3 =	sadd.s32 s4, s19  }
0x9c: {  	s7 =	simm.s32 $0x0;
	s20 =	sshll.u32 s5, $0x1;
	s5 =	sadd.s32 s21, s3  }
0x9d: {  	[timem:s7], [sflag:s22] =	dma.local [hbm:s5], s20  }
0x9e: {  	_ =	swait.ge [sflag:s22], s20  }
0x9f: {  	s4 =	ssub.s32 $0x0, s20;
	[sflag:s22] =	ssyncset.done $0x0  }
0xa0: {  	[sflag:s22] =	ssyncadd.s32 s4;
	_ =	sdelay $0x1  }
0xa1: {  	s23 =	simm.s32 $0x1B8B  }
0xa2: {  	_ =	swait.ge [sflag:s23], $0x1  }
0xa3: {  	[sflag:s23] =	ssyncset.done $0x0  }
0xa4: {  	s25 =	simm.s32 $0x1B8E;
	s24 =	sld [smem:$0x3FFE];
	[sflag:s23] =	ssyncadd.s32 $0xFFFFFFFF  }
0xa5: {  	s26 =	simm.s32 $execute0_lowered;
	[smem:$0x3FD2] =	sst s25  }
0xa6: {  	s5 =	sshll.u32 s26, $0x1;
	_ =	strace $0x80000046;
	[dreg:$0x1] =	wrdreg $0xFFFFFFFF  }
0xa7: {  	s28 =	simm.s32 $_size_execute0_lowered;
	s3 =	sadd.s32 s3, s5;
	[dreg:$0x0] =	wrdreg $0x0  }
0xa8: {  	s5 =	sshll.u32 s28, $0x1;
	[dreg:$0x2] =	wrdreg s3  }
0xa9: {  	[dreg:$0x3] =	wrdreg s5  }
0xaa: {  	[dreg:$0x4] =	wrdreg $0xC0  }
0xab: {  	_ =	task [dreg:s7], $0x5FFFF  }
0xac: {  	[dreg:$0x1] =	wrdreg $0xFFFFFFFF  }
0xad: {  	[dreg:$0x0] =	wrdreg $0x60  }
0xae: {  	[dreg:$0x2] =	wrdreg s2  }
0xaf: {  	[dreg:$0x3] =	wrdreg s24  }
0xb0: {  	[dreg:$0x4] =	wrdreg $0x9  }
0xb1: {  	_ =	task.clear_ibuf [dreg:s7], $0x5FFFF;
	_ =	strace $0x90000046  }
0xb2: {  	s29 =	simm.s32 $0x9;
	_ =	strace $0x80000048  }
0xb3: {  	_ =	swait.ge [sflag:s29], $0x1  }
0xb4: {  	[sflag:s29] =	ssyncadd.s32 $0xFFFFFFFF  }
0xb5: {  	_ =	strace $0x90000048  }
0xb6: {  	_ =	sfence  }
0xb7: {  	s30 =	sld [smem:$0x0];
	_ =	sdelay $0x2  }
0xb8: {  	s31 =	sshll.u32 s1, $0xD;
	s1 =	sshrl.u32 s1, $0x2  }
0xb9: {  	s3 =	sand.u32 $0x4000, s31;
	s1 =	sadd.s32 s1, s30  }
0xba: {  	s0 =	sor.u32 s3, s0;
	s1 =	sshll.u32 s1, $0x11  }
0xbb: {  	s0 =	sor.u32 s1, s0  }
0xbc: {  	s0 =	sadd.s32 $0x8F2B, s0  }
0xbd: {  	[sflag:s0] =	ssyncadd.remote.s32 $0x1  }
0xbe: {  	_ =	sfence.sel $0xFFFF  }
0xbf: {  	[dreg:$0x0] =	wrdreg $0xFFFFFFFF;
	(pc) =	sbr.abs _section_cstart, $3  }
0xc0: {  	[dreg:$0x1] =	wrdreg $0xFFFFFFFF  }
0xc1: {  	_ =	task.clear_ibuf [dreg:s7], $0x2FFFF;
	_ =	strace $0x9FFFFFFF  }
0xc2: {  	(tm) =	ssettm $0x7FFFFFFF  }
0xc3: {  	_ =	shalt  }
tec
execute0_lowered:
.L_overlay_start_1:
0x0: {  	(tag) =	ssettag $0x1  }
0x1: {  	s2 =	rddreg [dreg:$0x0]  }
0x2: {  	s0 =	rddreg [dreg:$0x1]  }
0x3: {  	s1 =	srdreg.scid;
	s4 =	stileid.u32  }
0x4: {  	s3 =	simm.s32 $0x0;
	s31 =	simm.s32 $0x800;
	s29 =	simm.s32 $0x1  }
0x5: {  	s1 =	sand.u32 $0x1, s1;
	s4 =	sshll.u32 s4, $0x9;
	[smem:$0x7FF] =	sst s3  }
0x6: {  	s7 =	sadd.s32 $0x200, s2;
	s8 =	sadd.s32 $0x300, s2;
	s9 =	sadd.s32 $0x400, s2  }
0x7: {  	s10 =	sadd.s32 $0x500, s2;
	s11 =	sadd.s32 $0x600, s2;
	s12 =	sadd.s32 $0x700, s2  }
0x8: {  	s13 =	sadd.s32 $0x4100, s0;
	s14 =	sadd.s32 $0x4200, s0;
	s15 =	sadd.s32 $0x4300, s0  }
0x9: {  	s16 =	sadd.s32 $0x4400, s0;
	s17 =	sadd.s32 $0x4500, s0;
	s18 =	sadd.s32 $0x4600, s0  }
0xa: {  	s19 =	sadd.s32 $0x4700, s0;
	s5 =	sshll.u32 s1, $0x8;
	_ =	strace $0x80000047  }
0xb: {  	s1 =	ssub.s32 $0x2, s1;
	[dreg:$0x4] =	wrdreg s31;
	s4 =	sor.u32 s5, s4  }
0xc: {  	v2 =	vlaneseq.u32;
	s5 =	sadd.s32 $0x4000, s0;
	s30 =	sshrl.u32 s1, $0x1;
	s6 =	sadd.s32 s0, s4  }
0xd: {  	vm0 =	vmmov $0xffff;
	v1 =	vshrl.u32 v2, $0x3;
	s1 =	ssub.s32 s1, s30;
	[dreg:$0x5] =	wrdreg s6;
	s6 =	sadd.s32 $0x2000, s6  }
0xe: {  	v0 =	vand.u32 $0x7, v2;
	v2 =	vor.u32 $0x8, v2;
	v1 =	vmul.u32 $0x8, v1;
	s1 =	smax.u32 s1, $0x1;
	[dreg:$0x3] =	wrdreg s6;
	s6 =	sadd.s32 $0x100, s2  }
.LBB2_1:
0xf: {  	[dreg:$0x6] =	wrdreg s1  }
0x10: {  	s30 =	rddreg [dreg:$0x5];
	s28 =	simm.s32 $0x3  }
0x11: {  	[tilespmem:s3], [sflag:$0x3] =	stream.linear.gather [hbm4b:s30+s3], $0x800, $0x38;
	[tilespmem:$0x11000] =	vst v63  }
0x12: {  	_ =	swait.ge [sflag:s28], $0x800  }
0x13: {  	s0 =	rddreg [dreg:$0x3];
	[sflag:s28] =	ssyncset.done $0x0  }
0x14: {  	s31 =	rddreg [dreg:$0x4];
	[sflag:s28] =	ssyncadd.s32 $0xFFFFF800  }
0x15: {  	[tilespmem:s31], [sflag:$0x3] =	stream.linear.gather [hbm4b:s0+s3], $0x800, $0x38;
	[tilespmem:$0x11000] =	vst v63  }
0x16: {  	_ =	swait.ge [sflag:s28], $0x800  }
0x17: {  	[sflag:s28] =	ssyncset.done $0x0  }
0x18: {  	[sflag:s28] =	ssyncadd.s32 $0xFFFFF800  }
0x19: {  	v3 =	vld [tilespmem:$0x0];
	_ =	sdelay $0x4  }
0x1a: {  	v4 =	vshll.u32 v3, $0x4  }
0x1b: {  	v3 =	vand.u32 $0x7, v3;
	v4 =	vand.u32 $0xFFFFFF80, v4  }
0x1c: {  	v3 =	vor.u32 v3, v4  }
0x1d: {  	v4 =	vperm.xlane v3, v0;
	_ =	sdelay $0x1  }
0x1e: {  	v4 =	vadd.s32 v1, v4;
	_ =	sdelay $0x3  }
0x1f: {  	s0 =	simm.s32 $0x1000;
	s21 =	rddreg [dreg:$0x0]  }
0x20: {  	[tilespmem:s0], [sflag:$0x1] =	stream.indirect_vreg.gather [hbm4b:s21+s3], $0x80, v4, vm0, $0xb8;
	[tilespmem:$0x11000] =	vst v63  }
0x21: {  	s2 =	simm.s32 $0x1800  }
0x22: {  	[tilespmem:s2], [sflag:$0x1] =	stream.indirect_vreg.gather [hbm4b:s6+s3], $0x80, v4, vm0, $0xb8;
	[tilespmem:$0x11000] =	vst v63  }
0x23: {  	s4 =	simm.s32 $0x2000  }
0x24: {  	[tilespmem:s4], [sflag:$0x1] =	stream.indirect_vreg.gather [hbm4b:s7+s3], $0x80, v4, vm0, $0xb8;
	[tilespmem:$0x11000] =	vst v63  }
0x25: {  	s20 =	simm.s32 $0x2800  }
0x26: {  	[tilespmem:s20], [sflag:$0x1] =	stream.indirect_vreg.gather [hbm4b:s8+s3], $0x80, v4, vm0, $0xb8;
	[tilespmem:$0x11000] =	vst v63  }
0x27: {  	s22 =	simm.s32 $0x3000  }
0x28: {  	[tilespmem:s22], [sflag:$0x1] =	stream.indirect_vreg.gather [hbm4b:s9+s3], $0x80, v4, vm0, $0xb8;
	[tilespmem:$0x11000] =	vst v63  }
0x29: {  	s23 =	simm.s32 $0x3800;
	v3 =	vperm.xlane v3, v2  }
0x2a: {  	[tilespmem:s23], [sflag:$0x1] =	stream.indirect_vreg.gather [hbm4b:s10+s3], $0x80, v4, vm0, $0xb8;
	[tilespmem:$0x11000] =	vst v63  }
0x2b: {  	s24 =	simm.s32 $0x4000;
	v3 =	vadd.s32 v1, v3  }
0x2c: {  	[tilespmem:s24], [sflag:$0x1] =	stream.indirect_vreg.gather [hbm4b:s11+s3], $0x80, v4, vm0, $0xb8;
	[tilespmem:$0x11000] =	vst v63  }
0x2d: {  	s25 =	simm.s32 $0x4800  }
0x2e: {  	[tilespmem:s25], [sflag:$0x1] =	stream.indirect_vreg.gather [hbm4b:s12+s3], $0x80, v4, vm0, $0xb8;
	[tilespmem:$0x11000] =	vst v63  }
0x2f: {  	s26 =	simm.s32 $0x5000  }
0x30: {  	[tilespmem:s26], [sflag:$0x1] =	stream.indirect_vreg.gather [hbm4b:s21+s3], $0x80, v3, vm0, $0xb8;
	[tilespmem:$0x11000] =	vst v63  }
0x31: {  	s28 =	simm.s32 $0x5800  }
0x32: {  	[tilespmem:s28], [sflag:$0x1] =	stream.indirect_vreg.gather [hbm4b:s6+s3], $0x80, v3, vm0, $0xb8;
	[tilespmem:$0x11000] =	vst v63  }
0x33: {  	s22 =	simm.s32 $0x6000  }
0x34: {  	[tilespmem:s22], [sflag:$0x1] =	stream.indirect_vreg.gather [hbm4b:s7+s3], $0x80, v3, vm0, $0xb8;
	[tilespmem:$0x11000] =	vst v63  }
0x35: {  	s23 =	simm.s32 $0x6800  }
0x36: {  	[tilespmem:s23], [sflag:$0x1] =	stream.indirect_vreg.gather [hbm4b:s8+s3], $0x80, v3, vm0, $0xb8;
	[tilespmem:$0x11000] =	vst v63  }
0x37: {  	s25 =	simm.s32 $0x7000  }
0x38: {  	[tilespmem:s25], [sflag:$0x1] =	stream.indirect_vreg.gather [hbm4b:s9+s3], $0x80, v3, vm0, $0xb8;
	[tilespmem:$0x11000] =	vst v63  }
0x39: {  	s26 =	simm.s32 $0x7800  }
0x3a: {  	[tilespmem:s26], [sflag:$0x1] =	stream.indirect_vreg.gather [hbm4b:s10+s3], $0x80, v3, vm0, $0xb8;
	[tilespmem:$0x11000] =	vst v63  }
0x3b: {  	s28 =	simm.s32 $0x8000  }
0x3c: {  	[tilespmem:s28], [sflag:$0x1] =	stream.indirect_vreg.gather [hbm4b:s11+s3], $0x80, v3, vm0, $0xb8;
	[tilespmem:$0x11000] =	vst v63  }
0x3d: {  	s0 =	simm.s32 $0x8800  }
0x3e: {  	[tilespmem:s0], [sflag:$0x1] =	stream.indirect_vreg.gather [hbm4b:s12+s3], $0x80, v3, vm0, $0xb8;
	[tilespmem:$0x11000] =	vst v63  }
0x3f: {  	_ =	swait.ge [sflag:s29], $0x8000  }
0x40: {  	[sflag:s29] =	ssyncset.done $0x0  }
0x41: {  	[sflag:s29] =	ssyncadd.s32 $0xFFFF8000  }
0x42: {  	v3 =	vld [tilespmem:$0x800];
	_ =	sdelay $0x4  }
0x43: {  	v33 =	vshll.u32 v3, $0x4  }
0x44: {  	v3 =	vand.u32 $0x7, v3;
	v4 =	vand.u32 $0xFFFFFF80, v33  }
0x45: {  	v3 =	vor.u32 v3, v4  }
0x46: {  	v4 =	vperm.xlane v3, v0;
	_ =	sdelay $0x1  }
0x47: {  	v4 =	vadd.s32 v1, v4;
	_ =	sdelay $0x3  }
0x48: {  	s31 =	simm.s32 $0x1000  }
0x49: {  	[hbm4b:s5+s3] =	stream.indirect_vreg.scatter [tilespmem:s31], [sflag:$0x2], $0x80, v4, vm0, $0xb8;
	[tilespmem:$0x11000] =	vst v63  }
0x4a: {  	s1 =	simm.s32 $0x1800  }
0x4b: {  	[hbm4b:s13+s3] =	stream.indirect_vreg.scatter [tilespmem:s1], [sflag:$0x2], $0x80, v4, vm0, $0xb8;
	[tilespmem:$0x11000] =	vst v63  }
0x4c: {  	s2 =	simm.s32 $0x2000  }
0x4d: {  	[hbm4b:s14+s3] =	stream.indirect_vreg.scatter [tilespmem:s2], [sflag:$0x2], $0x80, v4, vm0, $0xb8;
	[tilespmem:$0x11000] =	vst v63  }
0x4e: {  	s4 =	simm.s32 $0x2800  }
0x4f: {  	[hbm4b:s15+s3] =	stream.indirect_vreg.scatter [tilespmem:s4], [sflag:$0x2], $0x80, v4, vm0, $0xb8;
	[tilespmem:$0x11000] =	vst v63  }
0x50: {  	s20 =	simm.s32 $0x3000  }
0x51: {  	[hbm4b:s16+s3] =	stream.indirect_vreg.scatter [tilespmem:s20], [sflag:$0x2], $0x80, v4, vm0, $0xb8;
	[tilespmem:$0x11000] =	vst v63  }
0x52: {  	s30 =	simm.s32 $0x3800;
	v3 =	vperm.xlane v3, v2  }
0x53: {  	[hbm4b:s17+s3] =	stream.indirect_vreg.scatter [tilespmem:s30], [sflag:$0x2], $0x80, v4, vm0, $0xb8;
	[tilespmem:$0x11000] =	vst v63  }
0x54: {  	s24 =	simm.s32 $0x4000;
	v3 =	vadd.s32 v1, v3  }
0x55: {  	[hbm4b:s18+s3] =	stream.indirect_vreg.scatter [tilespmem:s24], [sflag:$0x2], $0x80, v4, vm0, $0xb8;
	[tilespmem:$0x11000] =	vst v63  }
0x56: {  	s20 =	simm.s32 $0x4800  }
0x57: {  	[hbm4b:s19+s3] =	stream.indirect_vreg.scatter [tilespmem:s20], [sflag:$0x2], $0x80, v4, vm0, $0xb8;
	[tilespmem:$0x11000] =	vst v63  }
0x58: {  	s24 =	simm.s32 $0x5000  }
0x59: {  	[hbm4b:s5+s3] =	stream.indirect_vreg.scatter [tilespmem:s24], [sflag:$0x2], $0x80, v3, vm0, $0xb8;
	[tilespmem:$0x11000] =	vst v63  }
0x5a: {  	s30 =	simm.s32 $0x5800  }
0x5b: {  	[hbm4b:s13+s3] =	stream.indirect_vreg.scatter [tilespmem:s30], [sflag:$0x2], $0x80, v3, vm0, $0xb8;
	[tilespmem:$0x11000] =	vst v63  }
0x5c: {  	s22 =	simm.s32 $0x6000  }
0x5d: {  	[hbm4b:s14+s3] =	stream.indirect_vreg.scatter [tilespmem:s22], [sflag:$0x2], $0x80, v3, vm0, $0xb8;
	[tilespmem:$0x11000] =	vst v63  }
0x5e: {  	s23 =	simm.s32 $0x6800  }
0x5f: {  	[hbm4b:s15+s3] =	stream.indirect_vreg.scatter [tilespmem:s23], [sflag:$0x2], $0x80, v3, vm0, $0xb8;
	[tilespmem:$0x11000] =	vst v63  }
0x60: {  	s25 =	simm.s32 $0x7000  }
0x61: {  	[hbm4b:s16+s3] =	stream.indirect_vreg.scatter [tilespmem:s25], [sflag:$0x2], $0x80, v3, vm0, $0xb8;
	[tilespmem:$0x11000] =	vst v63  }
0x62: {  	s26 =	simm.s32 $0x7800  }
0x63: {  	[hbm4b:s17+s3] =	stream.indirect_vreg.scatter [tilespmem:s26], [sflag:$0x2], $0x80, v3, vm0, $0xb8;
	[tilespmem:$0x11000] =	vst v63  }
0x64: {  	s28 =	simm.s32 $0x8000  }
0x65: {  	[hbm4b:s18+s3] =	stream.indirect_vreg.scatter [tilespmem:s28], [sflag:$0x2], $0x80, v3, vm0, $0xb8;
	[tilespmem:$0x11000] =	vst v63  }
0x66: {  	s0 =	simm.s32 $0x8800  }
0x67: {  	[hbm4b:s19+s3] =	stream.indirect_vreg.scatter [tilespmem:s0], [sflag:$0x2], $0x80, v3, vm0, $0xb8;
	[tilespmem:$0x11000] =	vst v63  }
0x68: {  	v3 =	vld [tilespmem:$0x80];
	_ =	sdelay $0x4  }
0x69: {  	v34 =	vshll.u32 v3, $0x4  }
0x6a: {  	v3 =	vand.u32 $0x7, v3;
	v4 =	vand.u32 $0xFFFFFF80, v34  }
0x6b: {  	v3 =	vor.u32 v3, v4  }
0x6c: {  	v4 =	vperm.xlane v3, v0;
	_ =	sdelay $0x1  }
0x6d: {  	v4 =	vadd.s32 v1, v4;
	_ =	sdelay $0x3  }
0x6e: {  	s31 =	simm.s32 $0x9000  }
0x6f: {  	[tilespmem:s31], [sflag:$0x1] =	stream.indirect_vreg.gather [hbm4b:s21+s3], $0x80, v4, vm0, $0xb8;
	[tilespmem:$0x11000] =	vst v63  }
0x70: {  	s1 =	simm.s32 $0x9800  }
0x71: {  	[tilespmem:s1], [sflag:$0x1] =	stream.indirect_vreg.gather [hbm4b:s6+s3], $0x80, v4, vm0, $0xb8;
	[tilespmem:$0x11000] =	vst v63  }
0x72: {  	s2 =	simm.s32 $0xA000  }
0x73: {  	[tilespmem:s2], [sflag:$0x1] =	stream.indirect_vreg.gather [hbm4b:s7+s3], $0x80, v4, vm0, $0xb8;
	[tilespmem:$0x11000] =	vst v63  }
0x74: {  	s4 =	simm.s32 $0xA800  }
0x75: {  	[tilespmem:s4], [sflag:$0x1] =	stream.indirect_vreg.gather [hbm4b:s8+s3], $0x80, v4, vm0, $0xb8;
	[tilespmem:$0x11000] =	vst v63  }
0x76: {  	s20 =	simm.s32 $0xB000  }
0x77: {  	[tilespmem:s20], [sflag:$0x1] =	stream.indirect_vreg.gather [hbm4b:s9+s3], $0x80, v4, vm0, $0xb8;
	[tilespmem:$0x11000] =	vst v63  }
0x78: {  	s22 =	simm.s32 $0xB800;
	v3 =	vperm.xlane v3, v2  }
0x79: {  	[tilespmem:s22], [sflag:$0x1] =	stream.indirect_vreg.gather [hbm4b:s10+s3], $0x80, v4, vm0, $0xb8;
	[tilespmem:$0x11000] =	vst v63  }
0x7a: {  	s23 =	simm.s32 $0xC000;
	v3 =	vadd.s32 v1, v3  }
0x7b: {  	[tilespmem:s23], [sflag:$0x1] =	stream.indirect_vreg.gather [hbm4b:s11+s3], $0x80, v4, vm0, $0xb8;
	[tilespmem:$0x11000] =	vst v63  }
0x7c: {  	s25 =	simm.s32 $0xC800  }
0x7d: {  	[tilespmem:s25], [sflag:$0x1] =	stream.indirect_vreg.gather [hbm4b:s12+s3], $0x80, v4, vm0, $0xb8;
	[tilespmem:$0x11000] =	vst v63  }
0x7e: {  	s26 =	simm.s32 $0xD000  }
0x7f: {  	[tilespmem:s26], [sflag:$0x1] =	stream.indirect_vreg.gather [hbm4b:s21+s3], $0x80, v3, vm0, $0xb8;
	[tilespmem:$0x11000] =	vst v63  }
0x80: {  	s28 =	simm.s32 $0xD800  }
0x81: {  	[tilespmem:s28], [sflag:$0x1] =	stream.indirect_vreg.gather [hbm4b:s6+s3], $0x80, v3, vm0, $0xb8;
	[tilespmem:$0x11000] =	vst v63  }
0x82: {  	s31 =	simm.s32 $0xE000  }
0x83: {  	[tilespmem:s31], [sflag:$0x1] =	stream.indirect_vreg.gather [hbm4b:s7+s3], $0x80, v3, vm0, $0xb8;
	[tilespmem:$0x11000] =	vst v63  }
0x84: {  	s2 =	simm.s32 $0xE800  }
0x85: {  	[tilespmem:s2], [sflag:$0x1] =	stream.indirect_vreg.gather [hbm4b:s8+s3], $0x80, v3, vm0, $0xb8;
	[tilespmem:$0x11000] =	vst v63  }
0x86: {  	s28 =	simm.s32 $0xF000  }
0x87: {  	[tilespmem:s28], [sflag:$0x1] =	stream.indirect_vreg.gather [hbm4b:s9+s3], $0x80, v3, vm0, $0xb8;
	[tilespmem:$0x11000] =	vst v63  }
0x88: {  	s2 =	simm.s32 $0xF800  }
0x89: {  	[tilespmem:s2], [sflag:$0x1] =	stream.indirect_vreg.gather [hbm4b:s10+s3], $0x80, v3, vm0, $0xb8;
	[tilespmem:$0x11000] =	vst v63  }
0x8a: {  	s2 =	simm.s32 $0x10000  }
0x8b: {  	[tilespmem:s2], [sflag:$0x1] =	stream.indirect_vreg.gather [hbm4b:s11+s3], $0x80, v3, vm0, $0xb8;
	[tilespmem:$0x11000] =	vst v63  }
0x8c: {  	s0 =	simm.s32 $0x10800  }
0x8d: {  	[tilespmem:s0], [sflag:$0x1] =	stream.indirect_vreg.gather [hbm4b:s12+s3], $0x80, v3, vm0, $0xb8;
	[tilespmem:$0x11000] =	vst v63  }
0x8e: {  	_ =	swait.ge [sflag:s29], $0x8000  }
0x8f: {  	[sflag:s29] =	ssyncset.done $0x0  }
0x90: {  	[sflag:s29] =	ssyncadd.s32 $0xFFFF8000  }
0x91: {  	v3 =	vld [tilespmem:$0x880];
	_ =	sdelay $0x4  }
0x92: {  	v35 =	vshll.u32 v3, $0x4  }
0x93: {  	v3 =	vand.u32 $0x7, v3;
	v4 =	vand.u32 $0xFFFFFF80, v35  }
0x94: {  	v3 =	vor.u32 v3, v4  }
0x95: {  	v4 =	vperm.xlane v3, v0;
	_ =	sdelay $0x1  }
0x96: {  	v4 =	vadd.s32 v1, v4;
	_ =	sdelay $0x3  }
0x97: {  	s24 =	simm.s32 $0x9000  }
0x98: {  	[hbm4b:s5+s3] =	stream.indirect_vreg.scatter [tilespmem:s24], [sflag:$0x2], $0x80, v4, vm0, $0xb8;
	[tilespmem:$0x11000] =	vst v63  }
0x99: {  	s24 =	simm.s32 $0x9800  }
0x9a: {  	[hbm4b:s13+s3] =	stream.indirect_vreg.scatter [tilespmem:s24], [sflag:$0x2], $0x80, v4, vm0, $0xb8;
	[tilespmem:$0x11000] =	vst v63  }
0x9b: {  	s30 =	simm.s32 $0xA000  }
0x9c: {  	[hbm4b:s14+s3] =	stream.indirect_vreg.scatter [tilespmem:s30], [sflag:$0x2], $0x80, v4, vm0, $0xb8;
	[tilespmem:$0x11000] =	vst v63  }
0x9d: {  	s24 =	simm.s32 $0xA800  }
0x9e: {  	[hbm4b:s15+s3] =	stream.indirect_vreg.scatter [tilespmem:s24], [sflag:$0x2], $0x80, v4, vm0, $0xb8;
	[tilespmem:$0x11000] =	vst v63  }
0x9f: {  	s1 =	simm.s32 $0xB000  }
0xa0: {  	[hbm4b:s16+s3] =	stream.indirect_vreg.scatter [tilespmem:s1], [sflag:$0x2], $0x80, v4, vm0, $0xb8;
	[tilespmem:$0x11000] =	vst v63  }
0xa1: {  	s20 =	simm.s32 $0xB800;
	v3 =	vperm.xlane v3, v2  }
0xa2: {  	[hbm4b:s17+s3] =	stream.indirect_vreg.scatter [tilespmem:s20], [sflag:$0x2], $0x80, v4, vm0, $0xb8;
	[tilespmem:$0x11000] =	vst v63  }
0xa3: {  	s4 =	simm.s32 $0xC000;
	v3 =	vadd.s32 v1, v3  }
0xa4: {  	[hbm4b:s18+s3] =	stream.indirect_vreg.scatter [tilespmem:s4], [sflag:$0x2], $0x80, v4, vm0, $0xb8;
	[tilespmem:$0x11000] =	vst v63  }
0xa5: {  	s23 =	simm.s32 $0xC800  }
0xa6: {  	[hbm4b:s19+s3] =	stream.indirect_vreg.scatter [tilespmem:s23], [sflag:$0x2], $0x80, v4, vm0, $0xb8;
	[tilespmem:$0x11000] =	vst v63  }
0xa7: {  	s22 =	simm.s32 $0xD000  }
0xa8: {  	[hbm4b:s5+s3] =	stream.indirect_vreg.scatter [tilespmem:s22], [sflag:$0x2], $0x80, v3, vm0, $0xb8;
	[tilespmem:$0x11000] =	vst v63  }
0xa9: {  	s26 =	simm.s32 $0xD800  }
0xaa: {  	[hbm4b:s13+s3] =	stream.indirect_vreg.scatter [tilespmem:s26], [sflag:$0x2], $0x80, v3, vm0, $0xb8;
	[tilespmem:$0x11000] =	vst v63  }
0xab: {  	s25 =	simm.s32 $0xE000  }
0xac: {  	[hbm4b:s14+s3] =	stream.indirect_vreg.scatter [tilespmem:s25], [sflag:$0x2], $0x80, v3, vm0, $0xb8;
	[tilespmem:$0x11000] =	vst v63  }
0xad: {  	s31 =	simm.s32 $0xE800  }
0xae: {  	[hbm4b:s15+s3] =	stream.indirect_vreg.scatter [tilespmem:s31], [sflag:$0x2], $0x80, v3, vm0, $0xb8;
	[tilespmem:$0x11000] =	vst v63  }
0xaf: {  	s28 =	simm.s32 $0xF000  }
0xb0: {  	[hbm4b:s16+s3] =	stream.indirect_vreg.scatter [tilespmem:s28], [sflag:$0x2], $0x80, v3, vm0, $0xb8;
	[tilespmem:$0x11000] =	vst v63  }
0xb1: {  	s25 =	simm.s32 $0xF800  }
0xb2: {  	[hbm4b:s17+s3] =	stream.indirect_vreg.scatter [tilespmem:s25], [sflag:$0x2], $0x80, v3, vm0, $0xb8;
	[tilespmem:$0x11000] =	vst v63  }
0xb3: {  	s26 =	simm.s32 $0x10000  }
0xb4: {  	[hbm4b:s18+s3] =	stream.indirect_vreg.scatter [tilespmem:s26], [sflag:$0x2], $0x80, v3, vm0, $0xb8;
	[tilespmem:$0x11000] =	vst v63  }
0xb5: {  	s0 =	simm.s32 $0x10800  }
0xb6: {  	[hbm4b:s19+s3] =	stream.indirect_vreg.scatter [tilespmem:s0], [sflag:$0x2], $0x80, v3, vm0, $0xb8;
	[tilespmem:$0x11000] =	vst v63  }
0xb7: {  	s0 =	simm.s32 $0x2  }
0xb8: {  	_ =	swait.ge [sflag:s0], $0x8000  }
0xb9: {  	[sflag:s0] =	ssyncset.done $0x0  }
0xba: {  	[sflag:s0] =	ssyncadd.s32 $0xFFFF8000  }
0xbb: {  	v3 =	vld [tilespmem:$0x100];
	_ =	sdelay $0x4  }
0xbc: {  	v36 =	vshll.u32 v3, $0x4  }
0xbd: {  	v3 =	vand.u32 $0x7, v3;
	v4 =	vand.u32 $0xFFFFFF80, v36  }
0xbe: {  	v3 =	vor.u32 v3, v4  }
0xbf: {  	v4 =	vperm.xlane v3, v0;
	_ =	sdelay $0x1  }
0xc0: {  	v4 =	vadd.s32 v1, v4;
	_ =	sdelay $0x3  }
0xc1: {  	s1 =	simm.s32 $0x1000  }
0xc2: {  	[tilespmem:s1], [sflag:$0x1] =	stream.indirect_vreg.gather [hbm4b:s21+s3], $0x80, v4, vm0, $0xb8;
	[tilespmem:$0x11000] =	vst v63  }
0xc3: {  	s28 =	simm.s32 $0x1800  }
0xc4: {  	[tilespmem:s28], [sflag:$0x1] =	stream.indirect_vreg.gather [hbm4b:s6+s3], $0x80, v4, vm0, $0xb8;
	[tilespmem:$0x11000] =	vst v63  }
0xc5: {  	s20 =	simm.s32 $0x2000  }
0xc6: {  	[tilespmem:s20], [sflag:$0x1] =	stream.indirect_vreg.gather [hbm4b:s7+s3], $0x80, v4, vm0, $0xb8;
	[tilespmem:$0x11000] =	vst v63  }
0xc7: {  	s4 =	simm.s32 $0x2800  }
0xc8: {  	[tilespmem:s4], [sflag:$0x1] =	stream.indirect_vreg.gather [hbm4b:s8+s3], $0x80, v4, vm0, $0xb8;
	[tilespmem:$0x11000] =	vst v63  }
0xc9: {  	s22 =	simm.s32 $0x3000  }
0xca: {  	[tilespmem:s22], [sflag:$0x1] =	stream.indirect_vreg.gather [hbm4b:s9+s3], $0x80, v4, vm0, $0xb8;
	[tilespmem:$0x11000] =	vst v63  }
0xcb: {  	s30 =	simm.s32 $0x3800;
	v3 =	vperm.xlane v3, v2  }
0xcc: {  	[tilespmem:s30], [sflag:$0x1] =	stream.indirect_vreg.gather [hbm4b:s10+s3], $0x80, v4, vm0, $0xb8;
	[tilespmem:$0x11000] =	vst v63  }
0xcd: {  	s23 =	simm.s32 $0x4000;
	v3 =	vadd.s32 v1, v3  }
0xce: {  	[tilespmem:s23], [sflag:$0x1] =	stream.indirect_vreg.gather [hbm4b:s11+s3], $0x80, v4, vm0, $0xb8;
	[tilespmem:$0x11000] =	vst v63  }
0xcf: {  	s31 =	simm.s32 $0x4800  }
0xd0: {  	[tilespmem:s31], [sflag:$0x1] =	stream.indirect_vreg.gather [hbm4b:s12+s3], $0x80, v4, vm0, $0xb8;
	[tilespmem:$0x11000] =	vst v63  }
0xd1: {  	s24 =	simm.s32 $0x5000  }
0xd2: {  	[tilespmem:s24], [sflag:$0x1] =	stream.indirect_vreg.gather [hbm4b:s21+s3], $0x80, v3, vm0, $0xb8;
	[tilespmem:$0x11000] =	vst v63  }
0xd3: {  	s21 =	simm.s32 $0x5800  }
0xd4: {  	[tilespmem:s21], [sflag:$0x1] =	stream.indirect_vreg.gather [hbm4b:s6+s3], $0x80, v3, vm0, $0xb8;
	[tilespmem:$0x11000] =	vst v63  }
0xd5: {  	s25 =	simm.s32 $0x6000  }
0xd6: {  	[tilespmem:s25], [sflag:$0x1] =	stream.indirect_vreg.gather [hbm4b:s7+s3], $0x80, v3, vm0, $0xb8;
	[tilespmem:$0x11000] =	vst v63  }
0xd7: {  	s26 =	simm.s32 $0x6800  }
0xd8: {  	[tilespmem:s26], [sflag:$0x1] =	stream.indirect_vreg.gather [hbm4b:s8+s3], $0x80, v3, vm0, $0xb8;
	[tilespmem:$0x11000] =	vst v63  }
0xd9: {  	s28 =	simm.s32 $0x7000  }
0xda: {  	[tilespmem:s28], [sflag:$0x1] =	stream.indirect_vreg.gather [hbm4b:s9+s3], $0x80, v3, vm0, $0xb8;
	[tilespmem:$0x11000] =	vst v63  }
0xdb: {  	s30 =	simm.s32 $0x7800  }
0xdc: {  	[tilespmem:s30], [sflag:$0x1] =	stream.indirect_vreg.gather [hbm4b:s10+s3], $0x80, v3, vm0, $0xb8;
	[tilespmem:$0x11000] =	vst v63  }
0xdd: {  	s31 =	simm.s32 $0x8000  }
0xde: {  	[tilespmem:s31], [sflag:$0x1] =	stream.indirect_vreg.gather [hbm4b:s11+s3], $0x80, v3, vm0, $0xb8;
	[tilespmem:$0x11000] =	vst v63  }
0xdf: {  	s2 =	simm.s32 $0x8800  }
0xe0: {  	[tilespmem:s2], [sflag:$0x1] =	stream.indirect_vreg.gather [hbm4b:s12+s3], $0x80, v3, vm0, $0xb8;
	[tilespmem:$0x11000] =	vst v63  }
0xe1: {  	_ =	swait.ge [sflag:s29], $0x8000  }
0xe2: {  	[sflag:s29] =	ssyncset.done $0x0  }
0xe3: {  	[sflag:s29] =	ssyncadd.s32 $0xFFFF8000  }
0xe4: {  	v3 =	vld [tilespmem:$0x900];
	_ =	sdelay $0x4  }
0xe5: {  	v37 =	vshll.u32 v3, $0x4  }
0xe6: {  	v3 =	vand.u32 $0x7, v3;
	v4 =	vand.u32 $0xFFFFFF80, v37  }
0xe7: {  	v3 =	vor.u32 v3, v4  }
0xe8: {  	v4 =	vperm.xlane v3, v0;
	_ =	sdelay $0x1  }
0xe9: {  	v4 =	vadd.s32 v1, v4;
	_ =	sdelay $0x4  }
0xea: {  	[hbm4b:s5+s3] =	stream.indirect_vreg.scatter [tilespmem:s1], [sflag:$0x2], $0x80, v4, vm0, $0xb8;
	[tilespmem:$0x11000] =	vst v63  }
0xeb: {  	s1 =	simm.s32 $0x1800  }
0xec: {  	[hbm4b:s13+s3] =	stream.indirect_vreg.scatter [tilespmem:s1], [sflag:$0x2], $0x80, v4, vm0, $0xb8;
	[tilespmem:$0x11000] =	vst v63  }
0xed: {  	_ = 	snop  }
0xee: {  	[hbm4b:s14+s3] =	stream.indirect_vreg.scatter [tilespmem:s20], [sflag:$0x2], $0x80, v4, vm0, $0xb8;
	[tilespmem:$0x11000] =	vst v63  }
0xef: {  	_ = 	snop  }
0xf0: {  	[hbm4b:s15+s3] =	stream.indirect_vreg.scatter [tilespmem:s4], [sflag:$0x2], $0x80, v4, vm0, $0xb8;
	[tilespmem:$0x11000] =	vst v63  }
0xf1: {  	_ = 	snop  }
0xf2: {  	[hbm4b:s16+s3] =	stream.indirect_vreg.scatter [tilespmem:s22], [sflag:$0x2], $0x80, v4, vm0, $0xb8;
	[tilespmem:$0x11000] =	vst v63  }
0xf3: {  	v3 =	vperm.xlane v3, v2;
	s22 =	simm.s32 $0x3800  }
0xf4: {  	[hbm4b:s17+s3] =	stream.indirect_vreg.scatter [tilespmem:s22], [sflag:$0x2], $0x80, v4, vm0, $0xb8;
	[tilespmem:$0x11000] =	vst v63  }
0xf5: {  	v3 =	vadd.s32 v1, v3  }
0xf6: {  	[hbm4b:s18+s3] =	stream.indirect_vreg.scatter [tilespmem:s23], [sflag:$0x2], $0x80, v4, vm0, $0xb8;
	[tilespmem:$0x11000] =	vst v63  }
0xf7: {  	s23 =	simm.s32 $0x4800  }
0xf8: {  	[hbm4b:s19+s3] =	stream.indirect_vreg.scatter [tilespmem:s23], [sflag:$0x2], $0x80, v4, vm0, $0xb8;
	[tilespmem:$0x11000] =	vst v63  }
0xf9: {  	_ = 	snop  }
0xfa: {  	[hbm4b:s5+s3] =	stream.indirect_vreg.scatter [tilespmem:s24], [sflag:$0x2], $0x80, v3, vm0, $0xb8;
	[tilespmem:$0x11000] =	vst v63  }
0xfb: {  	_ = 	snop  }
0xfc: {  	[hbm4b:s13+s3] =	stream.indirect_vreg.scatter [tilespmem:s21], [sflag:$0x2], $0x80, v3, vm0, $0xb8;
	[tilespmem:$0x11000] =	vst v63  }
0xfd: {  	_ = 	snop  }
0xfe: {  	[hbm4b:s14+s3] =	stream.indirect_vreg.scatter [tilespmem:s25], [sflag:$0x2], $0x80, v3, vm0, $0xb8;
	[tilespmem:$0x11000] =	vst v63  }
0xff: {  	_ = 	snop  }
0x100: {  	[hbm4b:s15+s3] =	stream.indirect_vreg.scatter [tilespmem:s26], [sflag:$0x2], $0x80, v3, vm0, $0xb8;
	[tilespmem:$0x11000] =	vst v63  }
0x101: {  	_ = 	snop  }
0x102: {  	[hbm4b:s16+s3] =	stream.indirect_vreg.scatter [tilespmem:s28], [sflag:$0x2], $0x80, v3, vm0, $0xb8;
	[tilespmem:$0x11000] =	vst v63  }
0x103: {  	_ = 	snop  }
0x104: {  	[hbm4b:s17+s3] =	stream.indirect_vreg.scatter [tilespmem:s30], [sflag:$0x2], $0x80, v3, vm0, $0xb8;
	[tilespmem:$0x11000] =	vst v63  }
0x105: {  	_ = 	snop  }
0x106: {  	[hbm4b:s18+s3] =	stream.indirect_vreg.scatter [tilespmem:s31], [sflag:$0x2], $0x80, v3, vm0, $0xb8;
	[tilespmem:$0x11000] =	vst v63  }
0x107: {  	s2 =	simm.s32 $0x8800  }
0x108: {  	[hbm4b:s19+s3] =	stream.indirect_vreg.scatter [tilespmem:s2], [sflag:$0x2], $0x80, v3, vm0, $0xb8;
	[tilespmem:$0x11000] =	vst v63  }
0x109: {  	_ =	swait.ge [sflag:s0], $0x8000  }
0x10a: {  	[sflag:s0] =	ssyncset.done $0x0  }
0x10b: {  	[sflag:s0] =	ssyncadd.s32 $0xFFFF8000  }
0x10c: {  	v3 =	vld [tilespmem:$0x180];
	_ =	sdelay $0x4  }
0x10d: {  	v38 =	vshll.u32 v3, $0x4  }
0x10e: {  	v3 =	vand.u32 $0x7, v3;
	v4 =	vand.u32 $0xFFFFFF80, v38  }
0x10f: {  	v3 =	vor.u32 v3, v4  }
0x110: {  	v4 =	vperm.xlane v3, v0;
	_ =	sdelay $0x1  }
0x111: {  	v4 =	vadd.s32 v1, v4;
	_ =	sdelay $0x3  }
0x112: {  	s23 =	simm.s32 $0x9000;
	s2 =	rddreg [dreg:$0x0]  }
0x113: {  	[tilespmem:s23], [sflag:$0x1] =	stream.indirect_vreg.gather [hbm4b:s2+s3], $0x80, v4, vm0, $0xb8;
	[tilespmem:$0x11000] =	vst v63  }
0x114: {  	s26 =	simm.s32 $0x9800  }
0x115: {  	[tilespmem:s26], [sflag:$0x1] =	stream.indirect_vreg.gather [hbm4b:s6+s3], $0x80, v4, vm0, $0xb8;
	[tilespmem:$0x11000] =	vst v63  }
0x116: {  	s25 =	simm.s32 $0xA000  }
0x117: {  	[tilespmem:s25], [sflag:$0x1] =	stream.indirect_vreg.gather [hbm4b:s7+s3], $0x80, v4, vm0, $0xb8;
	[tilespmem:$0x11000] =	vst v63  }
0x118: {  	s28 =	simm.s32 $0xA800  }
0x119: {  	[tilespmem:s28], [sflag:$0x1] =	stream.indirect_vreg.gather [hbm4b:s8+s3], $0x80, v4, vm0, $0xb8;
	[tilespmem:$0x11000] =	vst v63  }
0x11a: {  	s24 =	simm.s32 $0xB000  }
0x11b: {  	[tilespmem:s24], [sflag:$0x1] =	stream.indirect_vreg.gather [hbm4b:s9+s3], $0x80, v4, vm0, $0xb8;
	[tilespmem:$0x11000] =	vst v63  }
0x11c: {  	s4 =	simm.s32 $0xB800;
	v3 =	vperm.xlane v3, v2  }
0x11d: {  	[tilespmem:s4], [sflag:$0x1] =	stream.indirect_vreg.gather [hbm4b:s10+s3], $0x80, v4, vm0, $0xb8;
	[tilespmem:$0x11000] =	vst v63  }
0x11e: {  	s30 =	simm.s32 $0xC000;
	v3 =	vadd.s32 v1, v3  }
0x11f: {  	[tilespmem:s30], [sflag:$0x1] =	stream.indirect_vreg.gather [hbm4b:s11+s3], $0x80, v4, vm0, $0xb8;
	[tilespmem:$0x11000] =	vst v63  }
0x120: {  	s20 =	simm.s32 $0xC800  }
0x121: {  	[tilespmem:s20], [sflag:$0x1] =	stream.indirect_vreg.gather [hbm4b:s12+s3], $0x80, v4, vm0, $0xb8;
	[tilespmem:$0x11000] =	vst v63  }
0x122: {  	s31 =	simm.s32 $0xD000;
	s21 =	rddreg [dreg:$0x0]  }
0x123: {  	[tilespmem:s31], [sflag:$0x1] =	stream.indirect_vreg.gather [hbm4b:s21+s3], $0x80, v3, vm0, $0xb8;
	[tilespmem:$0x11000] =	vst v63  }
0x124: {  	s2 =	simm.s32 $0xD800  }
0x125: {  	[tilespmem:s2], [sflag:$0x1] =	stream.indirect_vreg.gather [hbm4b:s6+s3], $0x80, v3, vm0, $0xb8;
	[tilespmem:$0x11000] =	vst v63  }
0x126: {  	s22 =	simm.s32 $0xE000  }
0x127: {  	[tilespmem:s22], [sflag:$0x1] =	stream.indirect_vreg.gather [hbm4b:s7+s3], $0x80, v3, vm0, $0xb8;
	[tilespmem:$0x11000] =	vst v63  }
0x128: {  	s20 =	simm.s32 $0xE800  }
0x129: {  	[tilespmem:s20], [sflag:$0x1] =	stream.indirect_vreg.gather [hbm4b:s8+s3], $0x80, v3, vm0, $0xb8;
	[tilespmem:$0x11000] =	vst v63  }
0x12a: {  	s4 =	simm.s32 $0xF000  }
0x12b: {  	[tilespmem:s4], [sflag:$0x1] =	stream.indirect_vreg.gather [hbm4b:s9+s3], $0x80, v3, vm0, $0xb8;
	[tilespmem:$0x11000] =	vst v63  }
0x12c: {  	s22 =	simm.s32 $0xF800  }
0x12d: {  	[tilespmem:s22], [sflag:$0x1] =	stream.indirect_vreg.gather [hbm4b:s10+s3], $0x80, v3, vm0, $0xb8;
	[tilespmem:$0x11000] =	vst v63  }
0x12e: {  	s21 =	simm.s32 $0x10000  }
0x12f: {  	[tilespmem:s21], [sflag:$0x1] =	stream.indirect_vreg.gather [hbm4b:s11+s3], $0x80, v3, vm0, $0xb8;
	[tilespmem:$0x11000] =	vst v63  }
0x130: {  	s1 =	simm.s32 $0x10800  }
0x131: {  	[tilespmem:s1], [sflag:$0x1] =	stream.indirect_vreg.gather [hbm4b:s12+s3], $0x80, v3, vm0, $0xb8;
	[tilespmem:$0x11000] =	vst v63  }
0x132: {  	_ =	swait.ge [sflag:s29], $0x8000  }
0x133: {  	[sflag:s29] =	ssyncset.done $0x0  }
0x134: {  	[sflag:s29] =	ssyncadd.s32 $0xFFFF8000  }
0x135: {  	v3 =	vld [tilespmem:$0x980];
	_ =	sdelay $0x4  }
0x136: {  	v39 =	vshll.u32 v3, $0x4  }
0x137: {  	v3 =	vand.u32 $0x7, v3;
	v4 =	vand.u32 $0xFFFFFF80, v39  }
0x138: {  	v3 =	vor.u32 v3, v4  }
0x139: {  	v4 =	vperm.xlane v3, v0;
	_ =	sdelay $0x1  }
0x13a: {  	v4 =	vadd.s32 v1, v4;
	_ =	sdelay $0x4  }
0x13b: {  	[hbm4b:s5+s3] =	stream.indirect_vreg.scatter [tilespmem:s23], [sflag:$0x2], $0x80, v4, vm0, $0xb8;
	[tilespmem:$0x11000] =	vst v63  }
0x13c: {  	_ = 	snop  }
0x13d: {  	[hbm4b:s13+s3] =	stream.indirect_vreg.scatter [tilespmem:s26], [sflag:$0x2], $0x80, v4, vm0, $0xb8;
	[tilespmem:$0x11000] =	vst v63  }
0x13e: {  	_ = 	snop  }
0x13f: {  	[hbm4b:s14+s3] =	stream.indirect_vreg.scatter [tilespmem:s25], [sflag:$0x2], $0x80, v4, vm0, $0xb8;
	[tilespmem:$0x11000] =	vst v63  }
0x140: {  	_ = 	snop  }
0x141: {  	[hbm4b:s15+s3] =	stream.indirect_vreg.scatter [tilespmem:s28], [sflag:$0x2], $0x80, v4, vm0, $0xb8;
	[tilespmem:$0x11000] =	vst v63  }
0x142: {  	_ = 	snop  }
0x143: {  	[hbm4b:s16+s3] =	stream.indirect_vreg.scatter [tilespmem:s24], [sflag:$0x2], $0x80, v4, vm0, $0xb8;
	[tilespmem:$0x11000] =	vst v63  }
0x144: {  	v3 =	vperm.xlane v3, v2;
	s28 =	simm.s32 $0xB800  }
0x145: {  	[hbm4b:s17+s3] =	stream.indirect_vreg.scatter [tilespmem:s28], [sflag:$0x2], $0x80, v4, vm0, $0xb8;
	[tilespmem:$0x11000] =	vst v63  }
0x146: {  	v3 =	vadd.s32 v1, v3  }
0x147: {  	[hbm4b:s18+s3] =	stream.indirect_vreg.scatter [tilespmem:s30], [sflag:$0x2], $0x80, v4, vm0, $0xb8;
	[tilespmem:$0x11000] =	vst v63  }
0x148: {  	s24 =	simm.s32 $0xC800  }
0x149: {  	[hbm4b:s19+s3] =	stream.indirect_vreg.scatter [tilespmem:s24], [sflag:$0x2], $0x80, v4, vm0, $0xb8;
	[tilespmem:$0x11000] =	vst v63  }
0x14a: {  	_ = 	snop  }
0x14b: {  	[hbm4b:s5+s3] =	stream.indirect_vreg.scatter [tilespmem:s31], [sflag:$0x2], $0x80, v3, vm0, $0xb8;
	[tilespmem:$0x11000] =	vst v63  }
0x14c: {  	_ = 	snop  }
0x14d: {  	[hbm4b:s13+s3] =	stream.indirect_vreg.scatter [tilespmem:s2], [sflag:$0x2], $0x80, v3, vm0, $0xb8;
	[tilespmem:$0x11000] =	vst v63  }
0x14e: {  	s25 =	simm.s32 $0xE000  }
0x14f: {  	[hbm4b:s14+s3] =	stream.indirect_vreg.scatter [tilespmem:s25], [sflag:$0x2], $0x80, v3, vm0, $0xb8;
	[tilespmem:$0x11000] =	vst v63  }
0x150: {  	_ = 	snop  }
0x151: {  	[hbm4b:s15+s3] =	stream.indirect_vreg.scatter [tilespmem:s20], [sflag:$0x2], $0x80, v3, vm0, $0xb8;
	[tilespmem:$0x11000] =	vst v63  }
0x152: {  	_ = 	snop  }
0x153: {  	[hbm4b:s16+s3] =	stream.indirect_vreg.scatter [tilespmem:s4], [sflag:$0x2], $0x80, v3, vm0, $0xb8;
	[tilespmem:$0x11000] =	vst v63  }
0x154: {  	_ = 	snop  }
0x155: {  	[hbm4b:s17+s3] =	stream.indirect_vreg.scatter [tilespmem:s22], [sflag:$0x2], $0x80, v3, vm0, $0xb8;
	[tilespmem:$0x11000] =	vst v63  }
0x156: {  	_ = 	snop  }
0x157: {  	[hbm4b:s18+s3] =	stream.indirect_vreg.scatter [tilespmem:s21], [sflag:$0x2], $0x80, v3, vm0, $0xb8;
	[tilespmem:$0x11000] =	vst v63  }
0x158: {  	s1 =	simm.s32 $0x10800  }
0x159: {  	[hbm4b:s19+s3] =	stream.indirect_vreg.scatter [tilespmem:s1], [sflag:$0x2], $0x80, v3, vm0, $0xb8;
	[tilespmem:$0x11000] =	vst v63  }
0x15a: {  	_ =	swait.ge [sflag:s0], $0x8000  }
0x15b: {  	[sflag:s0] =	ssyncset.done $0x0  }
0x15c: {  	[sflag:s0] =	ssyncadd.s32 $0xFFFF8000  }
0x15d: {  	v3 =	vld [tilespmem:$0x200];
	_ =	sdelay $0x4  }
0x15e: {  	v40 =	vshll.u32 v3, $0x4  }
0x15f: {  	v3 =	vand.u32 $0x7, v3;
	v4 =	vand.u32 $0xFFFFFF80, v40  }
0x160: {  	v3 =	vor.u32 v3, v4  }
0x161: {  	v4 =	vperm.xlane v3, v0;
	_ =	sdelay $0x1  }
0x162: {  	v4 =	vadd.s32 v1, v4;
	_ =	sdelay $0x3  }
0x163: {  	s26 =	simm.s32 $0x1000;
	s28 =	rddreg [dreg:$0x0]  }
0x164: {  	[tilespmem:s26], [sflag:$0x1] =	stream.indirect_vreg.gather [hbm4b:s28+s3], $0x80, v4, vm0, $0xb8;
	[tilespmem:$0x11000] =	vst v63  }
0x165: {  	s4 =	simm.s32 $0x1800  }
0x166: {  	[tilespmem:s4], [sflag:$0x1] =	stream.indirect_vreg.gather [hbm4b:s6+s3], $0x80, v4, vm0, $0xb8;
	[tilespmem:$0x11000] =	vst v63  }
0x167: {  	s20 =	simm.s32 $0x2000  }
0x168: {  	[tilespmem:s20], [sflag:$0x1] =	stream.indirect_vreg.gather [hbm4b:s7+s3], $0x80, v4, vm0, $0xb8;
	[tilespmem:$0x11000] =	vst v63  }
0x169: {  	s21 =	simm.s32 $0x2800  }
0x16a: {  	[tilespmem:s21], [sflag:$0x1] =	stream.indirect_vreg.gather [hbm4b:s8+s3], $0x80, v4, vm0, $0xb8;
	[tilespmem:$0x11000] =	vst v63  }
0x16b: {  	s23 =	simm.s32 $0x3000  }
0x16c: {  	[tilespmem:s23], [sflag:$0x1] =	stream.indirect_vreg.gather [hbm4b:s9+s3], $0x80, v4, vm0, $0xb8;
	[tilespmem:$0x11000] =	vst v63  }
0x16d: {  	s30 =	simm.s32 $0x3800;
	v3 =	vperm.xlane v3, v2  }
0x16e: {  	[tilespmem:s30], [sflag:$0x1] =	stream.indirect_vreg.gather [hbm4b:s10+s3], $0x80, v4, vm0, $0xb8;
	[tilespmem:$0x11000] =	vst v63  }
0x16f: {  	s31 =	simm.s32 $0x4000;
	v3 =	vadd.s32 v1, v3  }
0x170: {  	[tilespmem:s31], [sflag:$0x1] =	stream.indirect_vreg.gather [hbm4b:s11+s3], $0x80, v4, vm0, $0xb8;
	[tilespmem:$0x11000] =	vst v63  }
0x171: {  	s2 =	simm.s32 $0x4800  }
0x172: {  	[tilespmem:s2], [sflag:$0x1] =	stream.indirect_vreg.gather [hbm4b:s12+s3], $0x80, v4, vm0, $0xb8;
	[tilespmem:$0x11000] =	vst v63  }
0x173: {  	s22 =	simm.s32 $0x5000;
	s1 =	rddreg [dreg:$0x0]  }
0x174: {  	[tilespmem:s22], [sflag:$0x1] =	stream.indirect_vreg.gather [hbm4b:s1+s3], $0x80, v3, vm0, $0xb8;
	[tilespmem:$0x11000] =	vst v63  }
0x175: {  	s24 =	simm.s32 $0x5800  }
0x176: {  	[tilespmem:s24], [sflag:$0x1] =	stream.indirect_vreg.gather [hbm4b:s6+s3], $0x80, v3, vm0, $0xb8;
	[tilespmem:$0x11000] =	vst v63  }
0x177: {  	s25 =	simm.s32 $0x6000  }
0x178: {  	[tilespmem:s25], [sflag:$0x1] =	stream.indirect_vreg.gather [hbm4b:s7+s3], $0x80, v3, vm0, $0xb8;
	[tilespmem:$0x11000] =	vst v63  }
0x179: {  	s26 =	simm.s32 $0x6800  }
0x17a: {  	[tilespmem:s26], [sflag:$0x1] =	stream.indirect_vreg.gather [hbm4b:s8+s3], $0x80, v3, vm0, $0xb8;
	[tilespmem:$0x11000] =	vst v63  }
0x17b: {  	s28 =	simm.s32 $0x7000  }
0x17c: {  	[tilespmem:s28], [sflag:$0x1] =	stream.indirect_vreg.gather [hbm4b:s9+s3], $0x80, v3, vm0, $0xb8;
	[tilespmem:$0x11000] =	vst v63  }
0x17d: {  	s30 =	simm.s32 $0x7800  }
0x17e: {  	[tilespmem:s30], [sflag:$0x1] =	stream.indirect_vreg.gather [hbm4b:s10+s3], $0x80, v3, vm0, $0xb8;
	[tilespmem:$0x11000] =	vst v63  }
0x17f: {  	s31 =	simm.s32 $0x8000  }
0x180: {  	[tilespmem:s31], [sflag:$0x1] =	stream.indirect_vreg.gather [hbm4b:s11+s3], $0x80, v3, vm0, $0xb8;
	[tilespmem:$0x11000] =	vst v63  }
0x181: {  	s1 =	simm.s32 $0x8800  }
0x182: {  	[tilespmem:s1], [sflag:$0x1] =	stream.indirect_vreg.gather [hbm4b:s12+s3], $0x80, v3, vm0, $0xb8;
	[tilespmem:$0x11000] =	vst v63  }
0x183: {  	_ =	swait.ge [sflag:s29], $0x8000  }
0x184: {  	[sflag:s29] =	ssyncset.done $0x0  }
0x185: {  	[sflag:s29] =	ssyncadd.s32 $0xFFFF8000  }
0x186: {  	v3 =	vld [tilespmem:$0xA00];
	_ =	sdelay $0x4  }
0x187: {  	v41 =	vshll.u32 v3, $0x4  }
0x188: {  	v3 =	vand.u32 $0x7, v3;
	v4 =	vand.u32 $0xFFFFFF80, v41  }
0x189: {  	v3 =	vor.u32 v3, v4  }
0x18a: {  	v4 =	vperm.xlane v3, v0;
	_ =	sdelay $0x1  }
0x18b: {  	v4 =	vadd.s32 v1, v4;
	_ =	sdelay $0x3  }
0x18c: {  	s1 =	simm.s32 $0x1000  }
0x18d: {  	[hbm4b:s5+s3] =	stream.indirect_vreg.scatter [tilespmem:s1], [sflag:$0x2], $0x80, v4, vm0, $0xb8;
	[tilespmem:$0x11000] =	vst v63  }
0x18e: {  	_ = 	snop  }
0x18f: {  	[hbm4b:s13+s3] =	stream.indirect_vreg.scatter [tilespmem:s4], [sflag:$0x2], $0x80, v4, vm0, $0xb8;
	[tilespmem:$0x11000] =	vst v63  }
0x190: {  	_ = 	snop  }
0x191: {  	[hbm4b:s14+s3] =	stream.indirect_vreg.scatter [tilespmem:s20], [sflag:$0x2], $0x80, v4, vm0, $0xb8;
	[tilespmem:$0x11000] =	vst v63  }
0x192: {  	_ = 	snop  }
0x193: {  	[hbm4b:s15+s3] =	stream.indirect_vreg.scatter [tilespmem:s21], [sflag:$0x2], $0x80, v4, vm0, $0xb8;
	[tilespmem:$0x11000] =	vst v63  }
0x194: {  	_ = 	snop  }
0x195: {  	[hbm4b:s16+s3] =	stream.indirect_vreg.scatter [tilespmem:s23], [sflag:$0x2], $0x80, v4, vm0, $0xb8;
	[tilespmem:$0x11000] =	vst v63  }
0x196: {  	v3 =	vperm.xlane v3, v2;
	s23 =	simm.s32 $0x3800  }
0x197: {  	[hbm4b:s17+s3] =	stream.indirect_vreg.scatter [tilespmem:s23], [sflag:$0x2], $0x80, v4, vm0, $0xb8;
	[tilespmem:$0x11000] =	vst v63  }
0x198: {  	v3 =	vadd.s32 v1, v3;
	s1 =	simm.s32 $0x4000  }
0x199: {  	[hbm4b:s18+s3] =	stream.indirect_vreg.scatter [tilespmem:s1], [sflag:$0x2], $0x80, v4, vm0, $0xb8;
	[tilespmem:$0x11000] =	vst v63  }
0x19a: {  	_ = 	snop  }
0x19b: {  	[hbm4b:s19+s3] =	stream.indirect_vreg.scatter [tilespmem:s2], [sflag:$0x2], $0x80, v4, vm0, $0xb8;
	[tilespmem:$0x11000] =	vst v63  }
0x19c: {  	_ = 	snop  }
0x19d: {  	[hbm4b:s5+s3] =	stream.indirect_vreg.scatter [tilespmem:s22], [sflag:$0x2], $0x80, v3, vm0, $0xb8;
	[tilespmem:$0x11000] =	vst v63  }
0x19e: {  	_ = 	snop  }
0x19f: {  	[hbm4b:s13+s3] =	stream.indirect_vreg.scatter [tilespmem:s24], [sflag:$0x2], $0x80, v3, vm0, $0xb8;
	[tilespmem:$0x11000] =	vst v63  }
0x1a0: {  	_ = 	snop  }
0x1a1: {  	[hbm4b:s14+s3] =	stream.indirect_vreg.scatter [tilespmem:s25], [sflag:$0x2], $0x80, v3, vm0, $0xb8;
	[tilespmem:$0x11000] =	vst v63  }
0x1a2: {  	_ = 	snop  }
0x1a3: {  	[hbm4b:s15+s3] =	stream.indirect_vreg.scatter [tilespmem:s26], [sflag:$0x2], $0x80, v3, vm0, $0xb8;
	[tilespmem:$0x11000] =	vst v63  }
0x1a4: {  	_ = 	snop  }
0x1a5: {  	[hbm4b:s16+s3] =	stream.indirect_vreg.scatter [tilespmem:s28], [sflag:$0x2], $0x80, v3, vm0, $0xb8;
	[tilespmem:$0x11000] =	vst v63  }
0x1a6: {  	_ = 	snop  }
0x1a7: {  	[hbm4b:s17+s3] =	stream.indirect_vreg.scatter [tilespmem:s30], [sflag:$0x2], $0x80, v3, vm0, $0xb8;
	[tilespmem:$0x11000] =	vst v63  }
0x1a8: {  	_ = 	snop  }
0x1a9: {  	[hbm4b:s18+s3] =	stream.indirect_vreg.scatter [tilespmem:s31], [sflag:$0x2], $0x80, v3, vm0, $0xb8;
	[tilespmem:$0x11000] =	vst v63  }
0x1aa: {  	s2 =	simm.s32 $0x8800  }
0x1ab: {  	[hbm4b:s19+s3] =	stream.indirect_vreg.scatter [tilespmem:s2], [sflag:$0x2], $0x80, v3, vm0, $0xb8;
	[tilespmem:$0x11000] =	vst v63  }
0x1ac: {  	_ =	swait.ge [sflag:s0], $0x8000  }
0x1ad: {  	[sflag:s0] =	ssyncset.done $0x0  }
0x1ae: {  	[sflag:s0] =	ssyncadd.s32 $0xFFFF8000  }
0x1af: {  	v3 =	vld [tilespmem:$0x280];
	_ =	sdelay $0x4  }
0x1b0: {  	v42 =	vshll.u32 v3, $0x4  }
0x1b1: {  	v3 =	vand.u32 $0x7, v3;
	v4 =	vand.u32 $0xFFFFFF80, v42  }
0x1b2: {  	v3 =	vor.u32 v3, v4  }
0x1b3: {  	v4 =	vperm.xlane v3, v0;
	_ =	sdelay $0x1  }
0x1b4: {  	v4 =	vadd.s32 v1, v4;
	_ =	sdelay $0x3  }
0x1b5: {  	s24 =	simm.s32 $0x9000;
	s4 =	rddreg [dreg:$0x0]  }
0x1b6: {  	[tilespmem:s24], [sflag:$0x1] =	stream.indirect_vreg.gather [hbm4b:s4+s3], $0x80, v4, vm0, $0xb8;
	[tilespmem:$0x11000] =	vst v63  }
0x1b7: {  	s28 =	simm.s32 $0x9800  }
0x1b8: {  	[tilespmem:s28], [sflag:$0x1] =	stream.indirect_vreg.gather [hbm4b:s6+s3], $0x80, v4, vm0, $0xb8;
	[tilespmem:$0x11000] =	vst v63  }
0x1b9: {  	s26 =	simm.s32 $0xA000  }
0x1ba: {  	[tilespmem:s26], [sflag:$0x1] =	stream.indirect_vreg.gather [hbm4b:s7+s3], $0x80, v4, vm0, $0xb8;
	[tilespmem:$0x11000] =	vst v63  }
0x1bb: {  	s30 =	simm.s32 $0xA800  }
0x1bc: {  	[tilespmem:s30], [sflag:$0x1] =	stream.indirect_vreg.gather [hbm4b:s8+s3], $0x80, v4, vm0, $0xb8;
	[tilespmem:$0x11000] =	vst v63  }
0x1bd: {  	s20 =	simm.s32 $0xB000  }
0x1be: {  	[tilespmem:s20], [sflag:$0x1] =	stream.indirect_vreg.gather [hbm4b:s9+s3], $0x80, v4, vm0, $0xb8;
	[tilespmem:$0x11000] =	vst v63  }
0x1bf: {  	s21 =	simm.s32 $0xB800;
	v3 =	vperm.xlane v3, v2  }
0x1c0: {  	[tilespmem:s21], [sflag:$0x1] =	stream.indirect_vreg.gather [hbm4b:s10+s3], $0x80, v4, vm0, $0xb8;
	[tilespmem:$0x11000] =	vst v63  }
0x1c1: {  	s31 =	simm.s32 $0xC000;
	v3 =	vadd.s32 v1, v3  }
0x1c2: {  	[tilespmem:s31], [sflag:$0x1] =	stream.indirect_vreg.gather [hbm4b:s11+s3], $0x80, v4, vm0, $0xb8;
	[tilespmem:$0x11000] =	vst v63  }
0x1c3: {  	s25 =	simm.s32 $0xC800  }
0x1c4: {  	[tilespmem:s25], [sflag:$0x1] =	stream.indirect_vreg.gather [hbm4b:s12+s3], $0x80, v4, vm0, $0xb8;
	[tilespmem:$0x11000] =	vst v63  }
0x1c5: {  	s22 =	simm.s32 $0xD000;
	s23 =	rddreg [dreg:$0x0]  }
0x1c6: {  	[tilespmem:s22], [sflag:$0x1] =	stream.indirect_vreg.gather [hbm4b:s23+s3], $0x80, v3, vm0, $0xb8;
	[tilespmem:$0x11000] =	vst v63  }
0x1c7: {  	s4 =	simm.s32 $0xD800  }
0x1c8: {  	[tilespmem:s4], [sflag:$0x1] =	stream.indirect_vreg.gather [hbm4b:s6+s3], $0x80, v3, vm0, $0xb8;
	[tilespmem:$0x11000] =	vst v63  }
0x1c9: {  	s2 =	simm.s32 $0xE000  }
0x1ca: {  	[tilespmem:s2], [sflag:$0x1] =	stream.indirect_vreg.gather [hbm4b:s7+s3], $0x80, v3, vm0, $0xb8;
	[tilespmem:$0x11000] =	vst v63  }
0x1cb: {  	s21 =	simm.s32 $0xE800  }
0x1cc: {  	[tilespmem:s21], [sflag:$0x1] =	stream.indirect_vreg.gather [hbm4b:s8+s3], $0x80, v3, vm0, $0xb8;
	[tilespmem:$0x11000] =	vst v63  }
0x1cd: {  	s20 =	simm.s32 $0xF000  }
0x1ce: {  	[tilespmem:s20], [sflag:$0x1] =	stream.indirect_vreg.gather [hbm4b:s9+s3], $0x80, v3, vm0, $0xb8;
	[tilespmem:$0x11000] =	vst v63  }
0x1cf: {  	s23 =	simm.s32 $0xF800  }
0x1d0: {  	[tilespmem:s23], [sflag:$0x1] =	stream.indirect_vreg.gather [hbm4b:s10+s3], $0x80, v3, vm0, $0xb8;
	[tilespmem:$0x11000] =	vst v63  }
0x1d1: {  	s22 =	simm.s32 $0x10000  }
0x1d2: {  	[tilespmem:s22], [sflag:$0x1] =	stream.indirect_vreg.gather [hbm4b:s11+s3], $0x80, v3, vm0, $0xb8;
	[tilespmem:$0x11000] =	vst v63  }
0x1d3: {  	s1 =	simm.s32 $0x10800  }
0x1d4: {  	[tilespmem:s1], [sflag:$0x1] =	stream.indirect_vreg.gather [hbm4b:s12+s3], $0x80, v3, vm0, $0xb8;
	[tilespmem:$0x11000] =	vst v63  }
0x1d5: {  	_ =	swait.ge [sflag:s29], $0x8000  }
0x1d6: {  	[sflag:s29] =	ssyncset.done $0x0  }
0x1d7: {  	[sflag:s29] =	ssyncadd.s32 $0xFFFF8000  }
0x1d8: {  	v3 =	vld [tilespmem:$0xA80];
	_ =	sdelay $0x4  }
0x1d9: {  	v43 =	vshll.u32 v3, $0x4  }
0x1da: {  	v3 =	vand.u32 $0x7, v3;
	v4 =	vand.u32 $0xFFFFFF80, v43  }
0x1db: {  	v3 =	vor.u32 v3, v4  }
0x1dc: {  	v4 =	vperm.xlane v3, v0;
	_ =	sdelay $0x1  }
0x1dd: {  	v4 =	vadd.s32 v1, v4;
	_ =	sdelay $0x4  }
0x1de: {  	[hbm4b:s5+s3] =	stream.indirect_vreg.scatter [tilespmem:s24], [sflag:$0x2], $0x80, v4, vm0, $0xb8;
	[tilespmem:$0x11000] =	vst v63  }
0x1df: {  	_ = 	snop  }
0x1e0: {  	[hbm4b:s13+s3] =	stream.indirect_vreg.scatter [tilespmem:s28], [sflag:$0x2], $0x80, v4, vm0, $0xb8;
	[tilespmem:$0x11000] =	vst v63  }
0x1e1: {  	_ = 	snop  }
0x1e2: {  	[hbm4b:s14+s3] =	stream.indirect_vreg.scatter [tilespmem:s26], [sflag:$0x2], $0x80, v4, vm0, $0xb8;
	[tilespmem:$0x11000] =	vst v63  }
0x1e3: {  	_ = 	snop  }
0x1e4: {  	[hbm4b:s15+s3] =	stream.indirect_vreg.scatter [tilespmem:s30], [sflag:$0x2], $0x80, v4, vm0, $0xb8;
	[tilespmem:$0x11000] =	vst v63  }
0x1e5: {  	s28 =	simm.s32 $0xB000  }
0x1e6: {  	[hbm4b:s16+s3] =	stream.indirect_vreg.scatter [tilespmem:s28], [sflag:$0x2], $0x80, v4, vm0, $0xb8;
	[tilespmem:$0x11000] =	vst v63  }
0x1e7: {  	v3 =	vperm.xlane v3, v2;
	s30 =	simm.s32 $0xB800  }
0x1e8: {  	[hbm4b:s17+s3] =	stream.indirect_vreg.scatter [tilespmem:s30], [sflag:$0x2], $0x80, v4, vm0, $0xb8;
	[tilespmem:$0x11000] =	vst v63  }
0x1e9: {  	v3 =	vadd.s32 v1, v3  }
0x1ea: {  	[hbm4b:s18+s3] =	stream.indirect_vreg.scatter [tilespmem:s31], [sflag:$0x2], $0x80, v4, vm0, $0xb8;
	[tilespmem:$0x11000] =	vst v63  }
0x1eb: {  	_ = 	snop  }
0x1ec: {  	[hbm4b:s19+s3] =	stream.indirect_vreg.scatter [tilespmem:s25], [sflag:$0x2], $0x80, v4, vm0, $0xb8;
	[tilespmem:$0x11000] =	vst v63  }
0x1ed: {  	s25 =	simm.s32 $0xD000  }
0x1ee: {  	[hbm4b:s5+s3] =	stream.indirect_vreg.scatter [tilespmem:s25], [sflag:$0x2], $0x80, v3, vm0, $0xb8;
	[tilespmem:$0x11000] =	vst v63  }
0x1ef: {  	_ = 	snop  }
0x1f0: {  	[hbm4b:s13+s3] =	stream.indirect_vreg.scatter [tilespmem:s4], [sflag:$0x2], $0x80, v3, vm0, $0xb8;
	[tilespmem:$0x11000] =	vst v63  }
0x1f1: {  	_ = 	snop  }
0x1f2: {  	[hbm4b:s14+s3] =	stream.indirect_vreg.scatter [tilespmem:s2], [sflag:$0x2], $0x80, v3, vm0, $0xb8;
	[tilespmem:$0x11000] =	vst v63  }
0x1f3: {  	_ = 	snop  }
0x1f4: {  	[hbm4b:s15+s3] =	stream.indirect_vreg.scatter [tilespmem:s21], [sflag:$0x2], $0x80, v3, vm0, $0xb8;
	[tilespmem:$0x11000] =	vst v63  }
0x1f5: {  	_ = 	snop  }
0x1f6: {  	[hbm4b:s16+s3] =	stream.indirect_vreg.scatter [tilespmem:s20], [sflag:$0x2], $0x80, v3, vm0, $0xb8;
	[tilespmem:$0x11000] =	vst v63  }
0x1f7: {  	_ = 	snop  }
0x1f8: {  	[hbm4b:s17+s3] =	stream.indirect_vreg.scatter [tilespmem:s23], [sflag:$0x2], $0x80, v3, vm0, $0xb8;
	[tilespmem:$0x11000] =	vst v63  }
0x1f9: {  	_ = 	snop  }
0x1fa: {  	[hbm4b:s18+s3] =	stream.indirect_vreg.scatter [tilespmem:s22], [sflag:$0x2], $0x80, v3, vm0, $0xb8;
	[tilespmem:$0x11000] =	vst v63  }
0x1fb: {  	s1 =	simm.s32 $0x10800  }
0x1fc: {  	[hbm4b:s19+s3] =	stream.indirect_vreg.scatter [tilespmem:s1], [sflag:$0x2], $0x80, v3, vm0, $0xb8;
	[tilespmem:$0x11000] =	vst v63  }
0x1fd: {  	_ =	swait.ge [sflag:s0], $0x8000  }
0x1fe: {  	[sflag:s0] =	ssyncset.done $0x0  }
0x1ff: {  	[sflag:s0] =	ssyncadd.s32 $0xFFFF8000  }
0x200: {  	v3 =	vld [tilespmem:$0x300];
	_ =	sdelay $0x4  }
0x201: {  	v44 =	vshll.u32 v3, $0x4  }
0x202: {  	v3 =	vand.u32 $0x7, v3;
	v4 =	vand.u32 $0xFFFFFF80, v44  }
0x203: {  	v3 =	vor.u32 v3, v4  }
0x204: {  	v4 =	vperm.xlane v3, v0;
	_ =	sdelay $0x1  }
0x205: {  	v4 =	vadd.s32 v1, v4;
	_ =	sdelay $0x3  }
0x206: {  	s26 =	simm.s32 $0x1000;
	s28 =	rddreg [dreg:$0x0]  }
0x207: {  	[tilespmem:s26], [sflag:$0x1] =	stream.indirect_vreg.gather [hbm4b:s28+s3], $0x80, v4, vm0, $0xb8;
	[tilespmem:$0x11000] =	vst v63  }
0x208: {  	s4 =	simm.s32 $0x1800  }
0x209: {  	[tilespmem:s4], [sflag:$0x1] =	stream.indirect_vreg.gather [hbm4b:s6+s3], $0x80, v4, vm0, $0xb8;
	[tilespmem:$0x11000] =	vst v63  }
0x20a: {  	s20 =	simm.s32 $0x2000  }
0x20b: {  	[tilespmem:s20], [sflag:$0x1] =	stream.indirect_vreg.gather [hbm4b:s7+s3], $0x80, v4, vm0, $0xb8;
	[tilespmem:$0x11000] =	vst v63  }
0x20c: {  	s21 =	simm.s32 $0x2800  }
0x20d: {  	[tilespmem:s21], [sflag:$0x1] =	stream.indirect_vreg.gather [hbm4b:s8+s3], $0x80, v4, vm0, $0xb8;
	[tilespmem:$0x11000] =	vst v63  }
0x20e: {  	s22 =	simm.s32 $0x3000  }
0x20f: {  	[tilespmem:s22], [sflag:$0x1] =	stream.indirect_vreg.gather [hbm4b:s9+s3], $0x80, v4, vm0, $0xb8;
	[tilespmem:$0x11000] =	vst v63  }
0x210: {  	s30 =	simm.s32 $0x3800;
	v3 =	vperm.xlane v3, v2  }
0x211: {  	[tilespmem:s30], [sflag:$0x1] =	stream.indirect_vreg.gather [hbm4b:s10+s3], $0x80, v4, vm0, $0xb8;
	[tilespmem:$0x11000] =	vst v63  }
0x212: {  	s31 =	simm.s32 $0x4000;
	v3 =	vadd.s32 v1, v3  }
0x213: {  	[tilespmem:s31], [sflag:$0x1] =	stream.indirect_vreg.gather [hbm4b:s11+s3], $0x80, v4, vm0, $0xb8;
	[tilespmem:$0x11000] =	vst v63  }
0x214: {  	s2 =	simm.s32 $0x4800  }
0x215: {  	[tilespmem:s2], [sflag:$0x1] =	stream.indirect_vreg.gather [hbm4b:s12+s3], $0x80, v4, vm0, $0xb8;
	[tilespmem:$0x11000] =	vst v63  }
0x216: {  	s23 =	simm.s32 $0x5000;
	s1 =	rddreg [dreg:$0x0]  }
0x217: {  	[tilespmem:s23], [sflag:$0x1] =	stream.indirect_vreg.gather [hbm4b:s1+s3], $0x80, v3, vm0, $0xb8;
	[tilespmem:$0x11000] =	vst v63  }
0x218: {  	s24 =	simm.s32 $0x5800  }
0x219: {  	[tilespmem:s24], [sflag:$0x1] =	stream.indirect_vreg.gather [hbm4b:s6+s3], $0x80, v3, vm0, $0xb8;
	[tilespmem:$0x11000] =	vst v63  }
0x21a: {  	s25 =	simm.s32 $0x6000  }
0x21b: {  	[tilespmem:s25], [sflag:$0x1] =	stream.indirect_vreg.gather [hbm4b:s7+s3], $0x80, v3, vm0, $0xb8;
	[tilespmem:$0x11000] =	vst v63  }
0x21c: {  	s26 =	simm.s32 $0x6800  }
0x21d: {  	[tilespmem:s26], [sflag:$0x1] =	stream.indirect_vreg.gather [hbm4b:s8+s3], $0x80, v3, vm0, $0xb8;
	[tilespmem:$0x11000] =	vst v63  }
0x21e: {  	s28 =	simm.s32 $0x7000  }
0x21f: {  	[tilespmem:s28], [sflag:$0x1] =	stream.indirect_vreg.gather [hbm4b:s9+s3], $0x80, v3, vm0, $0xb8;
	[tilespmem:$0x11000] =	vst v63  }
0x220: {  	s30 =	simm.s32 $0x7800  }
0x221: {  	[tilespmem:s30], [sflag:$0x1] =	stream.indirect_vreg.gather [hbm4b:s10+s3], $0x80, v3, vm0, $0xb8;
	[tilespmem:$0x11000] =	vst v63  }
0x222: {  	s31 =	simm.s32 $0x8000  }
0x223: {  	[tilespmem:s31], [sflag:$0x1] =	stream.indirect_vreg.gather [hbm4b:s11+s3], $0x80, v3, vm0, $0xb8;
	[tilespmem:$0x11000] =	vst v63  }
0x224: {  	s1 =	simm.s32 $0x8800  }
0x225: {  	[tilespmem:s1], [sflag:$0x1] =	stream.indirect_vreg.gather [hbm4b:s12+s3], $0x80, v3, vm0, $0xb8;
	[tilespmem:$0x11000] =	vst v63  }
0x226: {  	_ =	swait.ge [sflag:s29], $0x8000  }
0x227: {  	[sflag:s29] =	ssyncset.done $0x0  }
0x228: {  	[sflag:s29] =	ssyncadd.s32 $0xFFFF8000  }
0x229: {  	v3 =	vld [tilespmem:$0xB00];
	_ =	sdelay $0x4  }
0x22a: {  	v45 =	vshll.u32 v3, $0x4  }
0x22b: {  	v3 =	vand.u32 $0x7, v3;
	v4 =	vand.u32 $0xFFFFFF80, v45  }
0x22c: {  	v3 =	vor.u32 v3, v4  }
0x22d: {  	v4 =	vperm.xlane v3, v0;
	_ =	sdelay $0x1  }
0x22e: {  	v4 =	vadd.s32 v1, v4;
	_ =	sdelay $0x3  }
0x22f: {  	s1 =	simm.s32 $0x1000  }
0x230: {  	[hbm4b:s5+s3] =	stream.indirect_vreg.scatter [tilespmem:s1], [sflag:$0x2], $0x80, v4, vm0, $0xb8;
	[tilespmem:$0x11000] =	vst v63  }
0x231: {  	_ = 	snop  }
0x232: {  	[hbm4b:s13+s3] =	stream.indirect_vreg.scatter [tilespmem:s4], [sflag:$0x2], $0x80, v4, vm0, $0xb8;
	[tilespmem:$0x11000] =	vst v63  }
0x233: {  	_ = 	snop  }
0x234: {  	[hbm4b:s14+s3] =	stream.indirect_vreg.scatter [tilespmem:s20], [sflag:$0x2], $0x80, v4, vm0, $0xb8;
	[tilespmem:$0x11000] =	vst v63  }
0x235: {  	_ = 	snop  }
0x236: {  	[hbm4b:s15+s3] =	stream.indirect_vreg.scatter [tilespmem:s21], [sflag:$0x2], $0x80, v4, vm0, $0xb8;
	[tilespmem:$0x11000] =	vst v63  }
0x237: {  	_ = 	snop  }
0x238: {  	[hbm4b:s16+s3] =	stream.indirect_vreg.scatter [tilespmem:s22], [sflag:$0x2], $0x80, v4, vm0, $0xb8;
	[tilespmem:$0x11000] =	vst v63  }
0x239: {  	v3 =	vperm.xlane v3, v2;
	s22 =	simm.s32 $0x3800  }
0x23a: {  	[hbm4b:s17+s3] =	stream.indirect_vreg.scatter [tilespmem:s22], [sflag:$0x2], $0x80, v4, vm0, $0xb8;
	[tilespmem:$0x11000] =	vst v63  }
0x23b: {  	v3 =	vadd.s32 v1, v3;
	s1 =	simm.s32 $0x4000  }
0x23c: {  	[hbm4b:s18+s3] =	stream.indirect_vreg.scatter [tilespmem:s1], [sflag:$0x2], $0x80, v4, vm0, $0xb8;
	[tilespmem:$0x11000] =	vst v63  }
0x23d: {  	_ = 	snop  }
0x23e: {  	[hbm4b:s19+s3] =	stream.indirect_vreg.scatter [tilespmem:s2], [sflag:$0x2], $0x80, v4, vm0, $0xb8;
	[tilespmem:$0x11000] =	vst v63  }
0x23f: {  	_ = 	snop  }
0x240: {  	[hbm4b:s5+s3] =	stream.indirect_vreg.scatter [tilespmem:s23], [sflag:$0x2], $0x80, v3, vm0, $0xb8;
	[tilespmem:$0x11000] =	vst v63  }
0x241: {  	_ = 	snop  }
0x242: {  	[hbm4b:s13+s3] =	stream.indirect_vreg.scatter [tilespmem:s24], [sflag:$0x2], $0x80, v3, vm0, $0xb8;
	[tilespmem:$0x11000] =	vst v63  }
0x243: {  	_ = 	snop  }
0x244: {  	[hbm4b:s14+s3] =	stream.indirect_vreg.scatter [tilespmem:s25], [sflag:$0x2], $0x80, v3, vm0, $0xb8;
	[tilespmem:$0x11000] =	vst v63  }
0x245: {  	_ = 	snop  }
0x246: {  	[hbm4b:s15+s3] =	stream.indirect_vreg.scatter [tilespmem:s26], [sflag:$0x2], $0x80, v3, vm0, $0xb8;
	[tilespmem:$0x11000] =	vst v63  }
0x247: {  	_ = 	snop  }
0x248: {  	[hbm4b:s16+s3] =	stream.indirect_vreg.scatter [tilespmem:s28], [sflag:$0x2], $0x80, v3, vm0, $0xb8;
	[tilespmem:$0x11000] =	vst v63  }
0x249: {  	_ = 	snop  }
0x24a: {  	[hbm4b:s17+s3] =	stream.indirect_vreg.scatter [tilespmem:s30], [sflag:$0x2], $0x80, v3, vm0, $0xb8;
	[tilespmem:$0x11000] =	vst v63  }
0x24b: {  	_ = 	snop  }
0x24c: {  	[hbm4b:s18+s3] =	stream.indirect_vreg.scatter [tilespmem:s31], [sflag:$0x2], $0x80, v3, vm0, $0xb8;
	[tilespmem:$0x11000] =	vst v63  }
0x24d: {  	s2 =	simm.s32 $0x8800  }
0x24e: {  	[hbm4b:s19+s3] =	stream.indirect_vreg.scatter [tilespmem:s2], [sflag:$0x2], $0x80, v3, vm0, $0xb8;
	[tilespmem:$0x11000] =	vst v63  }
0x24f: {  	_ =	swait.ge [sflag:s0], $0x8000  }
0x250: {  	[sflag:s0] =	ssyncset.done $0x0  }
0x251: {  	[sflag:s0] =	ssyncadd.s32 $0xFFFF8000  }
0x252: {  	v3 =	vld [tilespmem:$0x380];
	_ =	sdelay $0x4  }
0x253: {  	v46 =	vshll.u32 v3, $0x4  }
0x254: {  	v3 =	vand.u32 $0x7, v3;
	v4 =	vand.u32 $0xFFFFFF80, v46  }
0x255: {  	v3 =	vor.u32 v3, v4  }
0x256: {  	v4 =	vperm.xlane v3, v0;
	_ =	sdelay $0x1  }
0x257: {  	v4 =	vadd.s32 v1, v4;
	_ =	sdelay $0x3  }
0x258: {  	s25 =	simm.s32 $0x9000;
	s4 =	rddreg [dreg:$0x0]  }
0x259: {  	[tilespmem:s25], [sflag:$0x1] =	stream.indirect_vreg.gather [hbm4b:s4+s3], $0x80, v4, vm0, $0xb8;
	[tilespmem:$0x11000] =	vst v63  }
0x25a: {  	s30 =	simm.s32 $0x9800  }
0x25b: {  	[tilespmem:s30], [sflag:$0x1] =	stream.indirect_vreg.gather [hbm4b:s6+s3], $0x80, v4, vm0, $0xb8;
	[tilespmem:$0x11000] =	vst v63  }
0x25c: {  	s28 =	simm.s32 $0xA000  }
0x25d: {  	[tilespmem:s28], [sflag:$0x1] =	stream.indirect_vreg.gather [hbm4b:s7+s3], $0x80, v4, vm0, $0xb8;
	[tilespmem:$0x11000] =	vst v63  }
0x25e: {  	s31 =	simm.s32 $0xA800  }
0x25f: {  	[tilespmem:s31], [sflag:$0x1] =	stream.indirect_vreg.gather [hbm4b:s8+s3], $0x80, v4, vm0, $0xb8;
	[tilespmem:$0x11000] =	vst v63  }
0x260: {  	s20 =	simm.s32 $0xB000  }
0x261: {  	[tilespmem:s20], [sflag:$0x1] =	stream.indirect_vreg.gather [hbm4b:s9+s3], $0x80, v4, vm0, $0xb8;
	[tilespmem:$0x11000] =	vst v63  }
0x262: {  	s21 =	simm.s32 $0xB800;
	v3 =	vperm.xlane v3, v2  }
0x263: {  	[tilespmem:s21], [sflag:$0x1] =	stream.indirect_vreg.gather [hbm4b:s10+s3], $0x80, v4, vm0, $0xb8;
	[tilespmem:$0x11000] =	vst v63  }
0x264: {  	s22 =	simm.s32 $0xC000;
	v3 =	vadd.s32 v1, v3  }
0x265: {  	[tilespmem:s22], [sflag:$0x1] =	stream.indirect_vreg.gather [hbm4b:s11+s3], $0x80, v4, vm0, $0xb8;
	[tilespmem:$0x11000] =	vst v63  }
0x266: {  	s26 =	simm.s32 $0xC800  }
0x267: {  	[tilespmem:s26], [sflag:$0x1] =	stream.indirect_vreg.gather [hbm4b:s12+s3], $0x80, v4, vm0, $0xb8;
	[tilespmem:$0x11000] =	vst v63  }
0x268: {  	s24 =	simm.s32 $0xD000;
	s23 =	rddreg [dreg:$0x0]  }
0x269: {  	[tilespmem:s24], [sflag:$0x1] =	stream.indirect_vreg.gather [hbm4b:s23+s3], $0x80, v3, vm0, $0xb8;
	[tilespmem:$0x11000] =	vst v63  }
0x26a: {  	s4 =	simm.s32 $0xD800  }
0x26b: {  	[tilespmem:s4], [sflag:$0x1] =	stream.indirect_vreg.gather [hbm4b:s6+s3], $0x80, v3, vm0, $0xb8;
	[tilespmem:$0x11000] =	vst v63  }
0x26c: {  	s2 =	simm.s32 $0xE000  }
0x26d: {  	[tilespmem:s2], [sflag:$0x1] =	stream.indirect_vreg.gather [hbm4b:s7+s3], $0x80, v3, vm0, $0xb8;
	[tilespmem:$0x11000] =	vst v63  }
0x26e: {  	s21 =	simm.s32 $0xE800  }
0x26f: {  	[tilespmem:s21], [sflag:$0x1] =	stream.indirect_vreg.gather [hbm4b:s8+s3], $0x80, v3, vm0, $0xb8;
	[tilespmem:$0x11000] =	vst v63  }
0x270: {  	s20 =	simm.s32 $0xF000  }
0x271: {  	[tilespmem:s20], [sflag:$0x1] =	stream.indirect_vreg.gather [hbm4b:s9+s3], $0x80, v3, vm0, $0xb8;
	[tilespmem:$0x11000] =	vst v63  }
0x272: {  	s23 =	simm.s32 $0xF800  }
0x273: {  	[tilespmem:s23], [sflag:$0x1] =	stream.indirect_vreg.gather [hbm4b:s10+s3], $0x80, v3, vm0, $0xb8;
	[tilespmem:$0x11000] =	vst v63  }
0x274: {  	s22 =	simm.s32 $0x10000  }
0x275: {  	[tilespmem:s22], [sflag:$0x1] =	stream.indirect_vreg.gather [hbm4b:s11+s3], $0x80, v3, vm0, $0xb8;
	[tilespmem:$0x11000] =	vst v63  }
0x276: {  	s1 =	simm.s32 $0x10800  }
0x277: {  	[tilespmem:s1], [sflag:$0x1] =	stream.indirect_vreg.gather [hbm4b:s12+s3], $0x80, v3, vm0, $0xb8;
	[tilespmem:$0x11000] =	vst v63  }
0x278: {  	_ =	swait.ge [sflag:s29], $0x8000  }
0x279: {  	[sflag:s29] =	ssyncset.done $0x0  }
0x27a: {  	[sflag:s29] =	ssyncadd.s32 $0xFFFF8000  }
0x27b: {  	v3 =	vld [tilespmem:$0xB80];
	_ =	sdelay $0x4  }
0x27c: {  	v47 =	vshll.u32 v3, $0x4  }
0x27d: {  	v3 =	vand.u32 $0x7, v3;
	v4 =	vand.u32 $0xFFFFFF80, v47  }
0x27e: {  	v3 =	vor.u32 v3, v4  }
0x27f: {  	v4 =	vperm.xlane v3, v0;
	_ =	sdelay $0x1  }
0x280: {  	v4 =	vadd.s32 v1, v4;
	_ =	sdelay $0x4  }
0x281: {  	[hbm4b:s5+s3] =	stream.indirect_vreg.scatter [tilespmem:s25], [sflag:$0x2], $0x80, v4, vm0, $0xb8;
	[tilespmem:$0x11000] =	vst v63  }
0x282: {  	_ = 	snop  }
0x283: {  	[hbm4b:s13+s3] =	stream.indirect_vreg.scatter [tilespmem:s30], [sflag:$0x2], $0x80, v4, vm0, $0xb8;
	[tilespmem:$0x11000] =	vst v63  }
0x284: {  	_ = 	snop  }
0x285: {  	[hbm4b:s14+s3] =	stream.indirect_vreg.scatter [tilespmem:s28], [sflag:$0x2], $0x80, v4, vm0, $0xb8;
	[tilespmem:$0x11000] =	vst v63  }
0x286: {  	_ = 	snop  }
0x287: {  	[hbm4b:s15+s3] =	stream.indirect_vreg.scatter [tilespmem:s31], [sflag:$0x2], $0x80, v4, vm0, $0xb8;
	[tilespmem:$0x11000] =	vst v63  }
0x288: {  	s28 =	simm.s32 $0xB000  }
0x289: {  	[hbm4b:s16+s3] =	stream.indirect_vreg.scatter [tilespmem:s28], [sflag:$0x2], $0x80, v4, vm0, $0xb8;
	[tilespmem:$0x11000] =	vst v63  }
0x28a: {  	v3 =	vperm.xlane v3, v2;
	s30 =	simm.s32 $0xB800  }
0x28b: {  	[hbm4b:s17+s3] =	stream.indirect_vreg.scatter [tilespmem:s30], [sflag:$0x2], $0x80, v4, vm0, $0xb8;
	[tilespmem:$0x11000] =	vst v63  }
0x28c: {  	v3 =	vadd.s32 v1, v3;
	s31 =	simm.s32 $0xC000  }
0x28d: {  	[hbm4b:s18+s3] =	stream.indirect_vreg.scatter [tilespmem:s31], [sflag:$0x2], $0x80, v4, vm0, $0xb8;
	[tilespmem:$0x11000] =	vst v63  }
0x28e: {  	_ = 	snop  }
0x28f: {  	[hbm4b:s19+s3] =	stream.indirect_vreg.scatter [tilespmem:s26], [sflag:$0x2], $0x80, v4, vm0, $0xb8;
	[tilespmem:$0x11000] =	vst v63  }
0x290: {  	_ = 	snop  }
0x291: {  	[hbm4b:s5+s3] =	stream.indirect_vreg.scatter [tilespmem:s24], [sflag:$0x2], $0x80, v3, vm0, $0xb8;
	[tilespmem:$0x11000] =	vst v63  }
0x292: {  	_ = 	snop  }
0x293: {  	[hbm4b:s13+s3] =	stream.indirect_vreg.scatter [tilespmem:s4], [sflag:$0x2], $0x80, v3, vm0, $0xb8;
	[tilespmem:$0x11000] =	vst v63  }
0x294: {  	_ = 	snop  }
0x295: {  	[hbm4b:s14+s3] =	stream.indirect_vreg.scatter [tilespmem:s2], [sflag:$0x2], $0x80, v3, vm0, $0xb8;
	[tilespmem:$0x11000] =	vst v63  }
0x296: {  	_ = 	snop  }
0x297: {  	[hbm4b:s15+s3] =	stream.indirect_vreg.scatter [tilespmem:s21], [sflag:$0x2], $0x80, v3, vm0, $0xb8;
	[tilespmem:$0x11000] =	vst v63  }
0x298: {  	_ = 	snop  }
0x299: {  	[hbm4b:s16+s3] =	stream.indirect_vreg.scatter [tilespmem:s20], [sflag:$0x2], $0x80, v3, vm0, $0xb8;
	[tilespmem:$0x11000] =	vst v63  }
0x29a: {  	_ = 	snop  }
0x29b: {  	[hbm4b:s17+s3] =	stream.indirect_vreg.scatter [tilespmem:s23], [sflag:$0x2], $0x80, v3, vm0, $0xb8;
	[tilespmem:$0x11000] =	vst v63  }
0x29c: {  	_ = 	snop  }
0x29d: {  	[hbm4b:s18+s3] =	stream.indirect_vreg.scatter [tilespmem:s22], [sflag:$0x2], $0x80, v3, vm0, $0xb8;
	[tilespmem:$0x11000] =	vst v63  }
0x29e: {  	s1 =	simm.s32 $0x10800  }
0x29f: {  	[hbm4b:s19+s3] =	stream.indirect_vreg.scatter [tilespmem:s1], [sflag:$0x2], $0x80, v3, vm0, $0xb8;
	[tilespmem:$0x11000] =	vst v63  }
0x2a0: {  	_ =	swait.ge [sflag:s0], $0x8000  }
0x2a1: {  	[sflag:s0] =	ssyncset.done $0x0  }
0x2a2: {  	[sflag:s0] =	ssyncadd.s32 $0xFFFF8000  }
0x2a3: {  	v3 =	vld [tilespmem:$0x400];
	_ =	sdelay $0x4  }
0x2a4: {  	v48 =	vshll.u32 v3, $0x4  }
0x2a5: {  	v3 =	vand.u32 $0x7, v3;
	v4 =	vand.u32 $0xFFFFFF80, v48  }
0x2a6: {  	v3 =	vor.u32 v3, v4  }
0x2a7: {  	v4 =	vperm.xlane v3, v0;
	_ =	sdelay $0x1  }
0x2a8: {  	v4 =	vadd.s32 v1, v4;
	_ =	sdelay $0x3  }
0x2a9: {  	s26 =	simm.s32 $0x1000;
	s28 =	rddreg [dreg:$0x0]  }
0x2aa: {  	[tilespmem:s26], [sflag:$0x1] =	stream.indirect_vreg.gather [hbm4b:s28+s3], $0x80, v4, vm0, $0xb8;
	[tilespmem:$0x11000] =	vst v63  }
0x2ab: {  	s4 =	simm.s32 $0x1800  }
0x2ac: {  	[tilespmem:s4], [sflag:$0x1] =	stream.indirect_vreg.gather [hbm4b:s6+s3], $0x80, v4, vm0, $0xb8;
	[tilespmem:$0x11000] =	vst v63  }
0x2ad: {  	s20 =	simm.s32 $0x2000  }
0x2ae: {  	[tilespmem:s20], [sflag:$0x1] =	stream.indirect_vreg.gather [hbm4b:s7+s3], $0x80, v4, vm0, $0xb8;
	[tilespmem:$0x11000] =	vst v63  }
0x2af: {  	s21 =	simm.s32 $0x2800  }
0x2b0: {  	[tilespmem:s21], [sflag:$0x1] =	stream.indirect_vreg.gather [hbm4b:s8+s3], $0x80, v4, vm0, $0xb8;
	[tilespmem:$0x11000] =	vst v63  }
0x2b1: {  	s22 =	simm.s32 $0x3000  }
0x2b2: {  	[tilespmem:s22], [sflag:$0x1] =	stream.indirect_vreg.gather [hbm4b:s9+s3], $0x80, v4, vm0, $0xb8;
	[tilespmem:$0x11000] =	vst v63  }
0x2b3: {  	s30 =	simm.s32 $0x3800;
	v3 =	vperm.xlane v3, v2  }
0x2b4: {  	[tilespmem:s30], [sflag:$0x1] =	stream.indirect_vreg.gather [hbm4b:s10+s3], $0x80, v4, vm0, $0xb8;
	[tilespmem:$0x11000] =	vst v63  }
0x2b5: {  	s31 =	simm.s32 $0x4000;
	v3 =	vadd.s32 v1, v3  }
0x2b6: {  	[tilespmem:s31], [sflag:$0x1] =	stream.indirect_vreg.gather [hbm4b:s11+s3], $0x80, v4, vm0, $0xb8;
	[tilespmem:$0x11000] =	vst v63  }
0x2b7: {  	s2 =	simm.s32 $0x4800  }
0x2b8: {  	[tilespmem:s2], [sflag:$0x1] =	stream.indirect_vreg.gather [hbm4b:s12+s3], $0x80, v4, vm0, $0xb8;
	[tilespmem:$0x11000] =	vst v63  }
0x2b9: {  	s23 =	simm.s32 $0x5000;
	s1 =	rddreg [dreg:$0x0]  }
0x2ba: {  	[tilespmem:s23], [sflag:$0x1] =	stream.indirect_vreg.gather [hbm4b:s1+s3], $0x80, v3, vm0, $0xb8;
	[tilespmem:$0x11000] =	vst v63  }
0x2bb: {  	s24 =	simm.s32 $0x5800  }
0x2bc: {  	[tilespmem:s24], [sflag:$0x1] =	stream.indirect_vreg.gather [hbm4b:s6+s3], $0x80, v3, vm0, $0xb8;
	[tilespmem:$0x11000] =	vst v63  }
0x2bd: {  	s25 =	simm.s32 $0x6000  }
0x2be: {  	[tilespmem:s25], [sflag:$0x1] =	stream.indirect_vreg.gather [hbm4b:s7+s3], $0x80, v3, vm0, $0xb8;
	[tilespmem:$0x11000] =	vst v63  }
0x2bf: {  	s26 =	simm.s32 $0x6800  }
0x2c0: {  	[tilespmem:s26], [sflag:$0x1] =	stream.indirect_vreg.gather [hbm4b:s8+s3], $0x80, v3, vm0, $0xb8;
	[tilespmem:$0x11000] =	vst v63  }
0x2c1: {  	s28 =	simm.s32 $0x7000  }
0x2c2: {  	[tilespmem:s28], [sflag:$0x1] =	stream.indirect_vreg.gather [hbm4b:s9+s3], $0x80, v3, vm0, $0xb8;
	[tilespmem:$0x11000] =	vst v63  }
0x2c3: {  	s30 =	simm.s32 $0x7800  }
0x2c4: {  	[tilespmem:s30], [sflag:$0x1] =	stream.indirect_vreg.gather [hbm4b:s10+s3], $0x80, v3, vm0, $0xb8;
	[tilespmem:$0x11000] =	vst v63  }
0x2c5: {  	s31 =	simm.s32 $0x8000  }
0x2c6: {  	[tilespmem:s31], [sflag:$0x1] =	stream.indirect_vreg.gather [hbm4b:s11+s3], $0x80, v3, vm0, $0xb8;
	[tilespmem:$0x11000] =	vst v63  }
0x2c7: {  	s1 =	simm.s32 $0x8800  }
0x2c8: {  	[tilespmem:s1], [sflag:$0x1] =	stream.indirect_vreg.gather [hbm4b:s12+s3], $0x80, v3, vm0, $0xb8;
	[tilespmem:$0x11000] =	vst v63  }
0x2c9: {  	_ =	swait.ge [sflag:s29], $0x8000  }
0x2ca: {  	[sflag:s29] =	ssyncset.done $0x0  }
0x2cb: {  	[sflag:s29] =	ssyncadd.s32 $0xFFFF8000  }
0x2cc: {  	v3 =	vld [tilespmem:$0xC00];
	_ =	sdelay $0x4  }
0x2cd: {  	v49 =	vshll.u32 v3, $0x4  }
0x2ce: {  	v3 =	vand.u32 $0x7, v3;
	v4 =	vand.u32 $0xFFFFFF80, v49  }
0x2cf: {  	v3 =	vor.u32 v3, v4  }
0x2d0: {  	v4 =	vperm.xlane v3, v0;
	_ =	sdelay $0x1  }
0x2d1: {  	v4 =	vadd.s32 v1, v4;
	_ =	sdelay $0x3  }
0x2d2: {  	s1 =	simm.s32 $0x1000  }
0x2d3: {  	[hbm4b:s5+s3] =	stream.indirect_vreg.scatter [tilespmem:s1], [sflag:$0x2], $0x80, v4, vm0, $0xb8;
	[tilespmem:$0x11000] =	vst v63  }
0x2d4: {  	_ = 	snop  }
0x2d5: {  	[hbm4b:s13+s3] =	stream.indirect_vreg.scatter [tilespmem:s4], [sflag:$0x2], $0x80, v4, vm0, $0xb8;
	[tilespmem:$0x11000] =	vst v63  }
0x2d6: {  	_ = 	snop  }
0x2d7: {  	[hbm4b:s14+s3] =	stream.indirect_vreg.scatter [tilespmem:s20], [sflag:$0x2], $0x80, v4, vm0, $0xb8;
	[tilespmem:$0x11000] =	vst v63  }
0x2d8: {  	_ = 	snop  }
0x2d9: {  	[hbm4b:s15+s3] =	stream.indirect_vreg.scatter [tilespmem:s21], [sflag:$0x2], $0x80, v4, vm0, $0xb8;
	[tilespmem:$0x11000] =	vst v63  }
0x2da: {  	_ = 	snop  }
0x2db: {  	[hbm4b:s16+s3] =	stream.indirect_vreg.scatter [tilespmem:s22], [sflag:$0x2], $0x80, v4, vm0, $0xb8;
	[tilespmem:$0x11000] =	vst v63  }
0x2dc: {  	v3 =	vperm.xlane v3, v2;
	s22 =	simm.s32 $0x3800  }
0x2dd: {  	[hbm4b:s17+s3] =	stream.indirect_vreg.scatter [tilespmem:s22], [sflag:$0x2], $0x80, v4, vm0, $0xb8;
	[tilespmem:$0x11000] =	vst v63  }
0x2de: {  	v3 =	vadd.s32 v1, v3;
	s1 =	simm.s32 $0x4000  }
0x2df: {  	[hbm4b:s18+s3] =	stream.indirect_vreg.scatter [tilespmem:s1], [sflag:$0x2], $0x80, v4, vm0, $0xb8;
	[tilespmem:$0x11000] =	vst v63  }
0x2e0: {  	_ = 	snop  }
0x2e1: {  	[hbm4b:s19+s3] =	stream.indirect_vreg.scatter [tilespmem:s2], [sflag:$0x2], $0x80, v4, vm0, $0xb8;
	[tilespmem:$0x11000] =	vst v63  }
0x2e2: {  	_ = 	snop  }
0x2e3: {  	[hbm4b:s5+s3] =	stream.indirect_vreg.scatter [tilespmem:s23], [sflag:$0x2], $0x80, v3, vm0, $0xb8;
	[tilespmem:$0x11000] =	vst v63  }
0x2e4: {  	_ = 	snop  }
0x2e5: {  	[hbm4b:s13+s3] =	stream.indirect_vreg.scatter [tilespmem:s24], [sflag:$0x2], $0x80, v3, vm0, $0xb8;
	[tilespmem:$0x11000] =	vst v63  }
0x2e6: {  	_ = 	snop  }
0x2e7: {  	[hbm4b:s14+s3] =	stream.indirect_vreg.scatter [tilespmem:s25], [sflag:$0x2], $0x80, v3, vm0, $0xb8;
	[tilespmem:$0x11000] =	vst v63  }
0x2e8: {  	_ = 	snop  }
0x2e9: {  	[hbm4b:s15+s3] =	stream.indirect_vreg.scatter [tilespmem:s26], [sflag:$0x2], $0x80, v3, vm0, $0xb8;
	[tilespmem:$0x11000] =	vst v63  }
0x2ea: {  	_ = 	snop  }
0x2eb: {  	[hbm4b:s16+s3] =	stream.indirect_vreg.scatter [tilespmem:s28], [sflag:$0x2], $0x80, v3, vm0, $0xb8;
	[tilespmem:$0x11000] =	vst v63  }
0x2ec: {  	_ = 	snop  }
0x2ed: {  	[hbm4b:s17+s3] =	stream.indirect_vreg.scatter [tilespmem:s30], [sflag:$0x2], $0x80, v3, vm0, $0xb8;
	[tilespmem:$0x11000] =	vst v63  }
0x2ee: {  	_ = 	snop  }
0x2ef: {  	[hbm4b:s18+s3] =	stream.indirect_vreg.scatter [tilespmem:s31], [sflag:$0x2], $0x80, v3, vm0, $0xb8;
	[tilespmem:$0x11000] =	vst v63  }
0x2f0: {  	s2 =	simm.s32 $0x8800  }
0x2f1: {  	[hbm4b:s19+s3] =	stream.indirect_vreg.scatter [tilespmem:s2], [sflag:$0x2], $0x80, v3, vm0, $0xb8;
	[tilespmem:$0x11000] =	vst v63  }
0x2f2: {  	_ =	swait.ge [sflag:s0], $0x8000  }
0x2f3: {  	[sflag:s0] =	ssyncset.done $0x0  }
0x2f4: {  	[sflag:s0] =	ssyncadd.s32 $0xFFFF8000  }
0x2f5: {  	v3 =	vld [tilespmem:$0x480];
	_ =	sdelay $0x4  }
0x2f6: {  	v50 =	vshll.u32 v3, $0x4  }
0x2f7: {  	v3 =	vand.u32 $0x7, v3;
	v4 =	vand.u32 $0xFFFFFF80, v50  }
0x2f8: {  	v3 =	vor.u32 v3, v4  }
0x2f9: {  	v4 =	vperm.xlane v3, v0;
	_ =	sdelay $0x1  }
0x2fa: {  	v4 =	vadd.s32 v1, v4;
	_ =	sdelay $0x3  }
0x2fb: {  	s26 =	simm.s32 $0x9000;
	s4 =	rddreg [dreg:$0x0]  }
0x2fc: {  	[tilespmem:s26], [sflag:$0x1] =	stream.indirect_vreg.gather [hbm4b:s4+s3], $0x80, v4, vm0, $0xb8;
	[tilespmem:$0x11000] =	vst v63  }
0x2fd: {  	s31 =	simm.s32 $0x9800  }
0x2fe: {  	[tilespmem:s31], [sflag:$0x1] =	stream.indirect_vreg.gather [hbm4b:s6+s3], $0x80, v4, vm0, $0xb8;
	[tilespmem:$0x11000] =	vst v63  }
0x2ff: {  	s30 =	simm.s32 $0xA000  }
0x300: {  	[tilespmem:s30], [sflag:$0x1] =	stream.indirect_vreg.gather [hbm4b:s7+s3], $0x80, v4, vm0, $0xb8;
	[tilespmem:$0x11000] =	vst v63  }
0x301: {  	s20 =	simm.s32 $0xA800  }
0x302: {  	[tilespmem:s20], [sflag:$0x1] =	stream.indirect_vreg.gather [hbm4b:s8+s3], $0x80, v4, vm0, $0xb8;
	[tilespmem:$0x11000] =	vst v63  }
0x303: {  	s21 =	simm.s32 $0xB000  }
0x304: {  	[tilespmem:s21], [sflag:$0x1] =	stream.indirect_vreg.gather [hbm4b:s9+s3], $0x80, v4, vm0, $0xb8;
	[tilespmem:$0x11000] =	vst v63  }
0x305: {  	s22 =	simm.s32 $0xB800;
	v3 =	vperm.xlane v3, v2  }
0x306: {  	[tilespmem:s22], [sflag:$0x1] =	stream.indirect_vreg.gather [hbm4b:s10+s3], $0x80, v4, vm0, $0xb8;
	[tilespmem:$0x11000] =	vst v63  }
0x307: {  	s24 =	simm.s32 $0xC000;
	v3 =	vadd.s32 v1, v3  }
0x308: {  	[tilespmem:s24], [sflag:$0x1] =	stream.indirect_vreg.gather [hbm4b:s11+s3], $0x80, v4, vm0, $0xb8;
	[tilespmem:$0x11000] =	vst v63  }
0x309: {  	s28 =	simm.s32 $0xC800  }
0x30a: {  	[tilespmem:s28], [sflag:$0x1] =	stream.indirect_vreg.gather [hbm4b:s12+s3], $0x80, v4, vm0, $0xb8;
	[tilespmem:$0x11000] =	vst v63  }
0x30b: {  	s25 =	simm.s32 $0xD000;
	s23 =	rddreg [dreg:$0x0]  }
0x30c: {  	[tilespmem:s25], [sflag:$0x1] =	stream.indirect_vreg.gather [hbm4b:s23+s3], $0x80, v3, vm0, $0xb8;
	[tilespmem:$0x11000] =	vst v63  }
0x30d: {  	s4 =	simm.s32 $0xD800  }
0x30e: {  	[tilespmem:s4], [sflag:$0x1] =	stream.indirect_vreg.gather [hbm4b:s6+s3], $0x80, v3, vm0, $0xb8;
	[tilespmem:$0x11000] =	vst v63  }
0x30f: {  	s2 =	simm.s32 $0xE000  }
0x310: {  	[tilespmem:s2], [sflag:$0x1] =	stream.indirect_vreg.gather [hbm4b:s7+s3], $0x80, v3, vm0, $0xb8;
	[tilespmem:$0x11000] =	vst v63  }
0x311: {  	s21 =	simm.s32 $0xE800  }
0x312: {  	[tilespmem:s21], [sflag:$0x1] =	stream.indirect_vreg.gather [hbm4b:s8+s3], $0x80, v3, vm0, $0xb8;
	[tilespmem:$0x11000] =	vst v63  }
0x313: {  	s20 =	simm.s32 $0xF000  }
0x314: {  	[tilespmem:s20], [sflag:$0x1] =	stream.indirect_vreg.gather [hbm4b:s9+s3], $0x80, v3, vm0, $0xb8;
	[tilespmem:$0x11000] =	vst v63  }
0x315: {  	s23 =	simm.s32 $0xF800  }
0x316: {  	[tilespmem:s23], [sflag:$0x1] =	stream.indirect_vreg.gather [hbm4b:s10+s3], $0x80, v3, vm0, $0xb8;
	[tilespmem:$0x11000] =	vst v63  }
0x317: {  	s22 =	simm.s32 $0x10000  }
0x318: {  	[tilespmem:s22], [sflag:$0x1] =	stream.indirect_vreg.gather [hbm4b:s11+s3], $0x80, v3, vm0, $0xb8;
	[tilespmem:$0x11000] =	vst v63  }
0x319: {  	s1 =	simm.s32 $0x10800  }
0x31a: {  	[tilespmem:s1], [sflag:$0x1] =	stream.indirect_vreg.gather [hbm4b:s12+s3], $0x80, v3, vm0, $0xb8;
	[tilespmem:$0x11000] =	vst v63  }
0x31b: {  	_ =	swait.ge [sflag:s29], $0x8000  }
0x31c: {  	[sflag:s29] =	ssyncset.done $0x0  }
0x31d: {  	[sflag:s29] =	ssyncadd.s32 $0xFFFF8000  }
0x31e: {  	v3 =	vld [tilespmem:$0xC80];
	_ =	sdelay $0x4  }
0x31f: {  	v51 =	vshll.u32 v3, $0x4  }
0x320: {  	v3 =	vand.u32 $0x7, v3;
	v4 =	vand.u32 $0xFFFFFF80, v51  }
0x321: {  	v3 =	vor.u32 v3, v4  }
0x322: {  	v4 =	vperm.xlane v3, v0;
	_ =	sdelay $0x1  }
0x323: {  	v4 =	vadd.s32 v1, v4;
	_ =	sdelay $0x4  }
0x324: {  	[hbm4b:s5+s3] =	stream.indirect_vreg.scatter [tilespmem:s26], [sflag:$0x2], $0x80, v4, vm0, $0xb8;
	[tilespmem:$0x11000] =	vst v63  }
0x325: {  	_ = 	snop  }
0x326: {  	[hbm4b:s13+s3] =	stream.indirect_vreg.scatter [tilespmem:s31], [sflag:$0x2], $0x80, v4, vm0, $0xb8;
	[tilespmem:$0x11000] =	vst v63  }
0x327: {  	_ = 	snop  }
0x328: {  	[hbm4b:s14+s3] =	stream.indirect_vreg.scatter [tilespmem:s30], [sflag:$0x2], $0x80, v4, vm0, $0xb8;
	[tilespmem:$0x11000] =	vst v63  }
0x329: {  	s31 =	simm.s32 $0xA800  }
0x32a: {  	[hbm4b:s15+s3] =	stream.indirect_vreg.scatter [tilespmem:s31], [sflag:$0x2], $0x80, v4, vm0, $0xb8;
	[tilespmem:$0x11000] =	vst v63  }
0x32b: {  	s30 =	simm.s32 $0xB000  }
0x32c: {  	[hbm4b:s16+s3] =	stream.indirect_vreg.scatter [tilespmem:s30], [sflag:$0x2], $0x80, v4, vm0, $0xb8;
	[tilespmem:$0x11000] =	vst v63  }
0x32d: {  	v3 =	vperm.xlane v3, v2;
	s31 =	simm.s32 $0xB800  }
0x32e: {  	[hbm4b:s17+s3] =	stream.indirect_vreg.scatter [tilespmem:s31], [sflag:$0x2], $0x80, v4, vm0, $0xb8;
	[tilespmem:$0x11000] =	vst v63  }
0x32f: {  	v3 =	vadd.s32 v1, v3  }
0x330: {  	[hbm4b:s18+s3] =	stream.indirect_vreg.scatter [tilespmem:s24], [sflag:$0x2], $0x80, v4, vm0, $0xb8;
	[tilespmem:$0x11000] =	vst v63  }
0x331: {  	_ = 	snop  }
0x332: {  	[hbm4b:s19+s3] =	stream.indirect_vreg.scatter [tilespmem:s28], [sflag:$0x2], $0x80, v4, vm0, $0xb8;
	[tilespmem:$0x11000] =	vst v63  }
0x333: {  	_ = 	snop  }
0x334: {  	[hbm4b:s5+s3] =	stream.indirect_vreg.scatter [tilespmem:s25], [sflag:$0x2], $0x80, v3, vm0, $0xb8;
	[tilespmem:$0x11000] =	vst v63  }
0x335: {  	_ = 	snop  }
0x336: {  	[hbm4b:s13+s3] =	stream.indirect_vreg.scatter [tilespmem:s4], [sflag:$0x2], $0x80, v3, vm0, $0xb8;
	[tilespmem:$0x11000] =	vst v63  }
0x337: {  	_ = 	snop  }
0x338: {  	[hbm4b:s14+s3] =	stream.indirect_vreg.scatter [tilespmem:s2], [sflag:$0x2], $0x80, v3, vm0, $0xb8;
	[tilespmem:$0x11000] =	vst v63  }
0x339: {  	_ = 	snop  }
0x33a: {  	[hbm4b:s15+s3] =	stream.indirect_vreg.scatter [tilespmem:s21], [sflag:$0x2], $0x80, v3, vm0, $0xb8;
	[tilespmem:$0x11000] =	vst v63  }
0x33b: {  	_ = 	snop  }
0x33c: {  	[hbm4b:s16+s3] =	stream.indirect_vreg.scatter [tilespmem:s20], [sflag:$0x2], $0x80, v3, vm0, $0xb8;
	[tilespmem:$0x11000] =	vst v63  }
0x33d: {  	_ = 	snop  }
0x33e: {  	[hbm4b:s17+s3] =	stream.indirect_vreg.scatter [tilespmem:s23], [sflag:$0x2], $0x80, v3, vm0, $0xb8;
	[tilespmem:$0x11000] =	vst v63  }
0x33f: {  	_ = 	snop  }
0x340: {  	[hbm4b:s18+s3] =	stream.indirect_vreg.scatter [tilespmem:s22], [sflag:$0x2], $0x80, v3, vm0, $0xb8;
	[tilespmem:$0x11000] =	vst v63  }
0x341: {  	s1 =	simm.s32 $0x10800  }
0x342: {  	[hbm4b:s19+s3] =	stream.indirect_vreg.scatter [tilespmem:s1], [sflag:$0x2], $0x80, v3, vm0, $0xb8;
	[tilespmem:$0x11000] =	vst v63  }
0x343: {  	_ =	swait.ge [sflag:s0], $0x8000  }
0x344: {  	[sflag:s0] =	ssyncset.done $0x0  }
0x345: {  	[sflag:s0] =	ssyncadd.s32 $0xFFFF8000  }
0x346: {  	v3 =	vld [tilespmem:$0x500];
	_ =	sdelay $0x4  }
0x347: {  	v52 =	vshll.u32 v3, $0x4  }
0x348: {  	v3 =	vand.u32 $0x7, v3;
	v4 =	vand.u32 $0xFFFFFF80, v52  }
0x349: {  	v3 =	vor.u32 v3, v4  }
0x34a: {  	v4 =	vperm.xlane v3, v0;
	_ =	sdelay $0x1  }
0x34b: {  	v4 =	vadd.s32 v1, v4;
	_ =	sdelay $0x3  }
0x34c: {  	s26 =	simm.s32 $0x1000;
	s28 =	rddreg [dreg:$0x0]  }
0x34d: {  	[tilespmem:s26], [sflag:$0x1] =	stream.indirect_vreg.gather [hbm4b:s28+s3], $0x80, v4, vm0, $0xb8;
	[tilespmem:$0x11000] =	vst v63  }
0x34e: {  	s4 =	simm.s32 $0x1800  }
0x34f: {  	[tilespmem:s4], [sflag:$0x1] =	stream.indirect_vreg.gather [hbm4b:s6+s3], $0x80, v4, vm0, $0xb8;
	[tilespmem:$0x11000] =	vst v63  }
0x350: {  	s20 =	simm.s32 $0x2000  }
0x351: {  	[tilespmem:s20], [sflag:$0x1] =	stream.indirect_vreg.gather [hbm4b:s7+s3], $0x80, v4, vm0, $0xb8;
	[tilespmem:$0x11000] =	vst v63  }
0x352: {  	s21 =	simm.s32 $0x2800  }
0x353: {  	[tilespmem:s21], [sflag:$0x1] =	stream.indirect_vreg.gather [hbm4b:s8+s3], $0x80, v4, vm0, $0xb8;
	[tilespmem:$0x11000] =	vst v63  }
0x354: {  	s22 =	simm.s32 $0x3000  }
0x355: {  	[tilespmem:s22], [sflag:$0x1] =	stream.indirect_vreg.gather [hbm4b:s9+s3], $0x80, v4, vm0, $0xb8;
	[tilespmem:$0x11000] =	vst v63  }
0x356: {  	s30 =	simm.s32 $0x3800;
	v3 =	vperm.xlane v3, v2  }
0x357: {  	[tilespmem:s30], [sflag:$0x1] =	stream.indirect_vreg.gather [hbm4b:s10+s3], $0x80, v4, vm0, $0xb8;
	[tilespmem:$0x11000] =	vst v63  }
0x358: {  	s31 =	simm.s32 $0x4000;
	v3 =	vadd.s32 v1, v3  }
0x359: {  	[tilespmem:s31], [sflag:$0x1] =	stream.indirect_vreg.gather [hbm4b:s11+s3], $0x80, v4, vm0, $0xb8;
	[tilespmem:$0x11000] =	vst v63  }
0x35a: {  	s2 =	simm.s32 $0x4800  }
0x35b: {  	[tilespmem:s2], [sflag:$0x1] =	stream.indirect_vreg.gather [hbm4b:s12+s3], $0x80, v4, vm0, $0xb8;
	[tilespmem:$0x11000] =	vst v63  }
0x35c: {  	s23 =	simm.s32 $0x5000;
	s1 =	rddreg [dreg:$0x0]  }
0x35d: {  	[tilespmem:s23], [sflag:$0x1] =	stream.indirect_vreg.gather [hbm4b:s1+s3], $0x80, v3, vm0, $0xb8;
	[tilespmem:$0x11000] =	vst v63  }
0x35e: {  	s24 =	simm.s32 $0x5800  }
0x35f: {  	[tilespmem:s24], [sflag:$0x1] =	stream.indirect_vreg.gather [hbm4b:s6+s3], $0x80, v3, vm0, $0xb8;
	[tilespmem:$0x11000] =	vst v63  }
0x360: {  	s25 =	simm.s32 $0x6000  }
0x361: {  	[tilespmem:s25], [sflag:$0x1] =	stream.indirect_vreg.gather [hbm4b:s7+s3], $0x80, v3, vm0, $0xb8;
	[tilespmem:$0x11000] =	vst v63  }
0x362: {  	s26 =	simm.s32 $0x6800  }
0x363: {  	[tilespmem:s26], [sflag:$0x1] =	stream.indirect_vreg.gather [hbm4b:s8+s3], $0x80, v3, vm0, $0xb8;
	[tilespmem:$0x11000] =	vst v63  }
0x364: {  	s28 =	simm.s32 $0x7000  }
0x365: {  	[tilespmem:s28], [sflag:$0x1] =	stream.indirect_vreg.gather [hbm4b:s9+s3], $0x80, v3, vm0, $0xb8;
	[tilespmem:$0x11000] =	vst v63  }
0x366: {  	s30 =	simm.s32 $0x7800  }
0x367: {  	[tilespmem:s30], [sflag:$0x1] =	stream.indirect_vreg.gather [hbm4b:s10+s3], $0x80, v3, vm0, $0xb8;
	[tilespmem:$0x11000] =	vst v63  }
0x368: {  	s31 =	simm.s32 $0x8000  }
0x369: {  	[tilespmem:s31], [sflag:$0x1] =	stream.indirect_vreg.gather [hbm4b:s11+s3], $0x80, v3, vm0, $0xb8;
	[tilespmem:$0x11000] =	vst v63  }
0x36a: {  	s1 =	simm.s32 $0x8800  }
0x36b: {  	[tilespmem:s1], [sflag:$0x1] =	stream.indirect_vreg.gather [hbm4b:s12+s3], $0x80, v3, vm0, $0xb8;
	[tilespmem:$0x11000] =	vst v63  }
0x36c: {  	_ =	swait.ge [sflag:s29], $0x8000  }
0x36d: {  	[sflag:s29] =	ssyncset.done $0x0  }
0x36e: {  	[sflag:s29] =	ssyncadd.s32 $0xFFFF8000  }
0x36f: {  	v3 =	vld [tilespmem:$0xD00];
	_ =	sdelay $0x4  }
0x370: {  	v53 =	vshll.u32 v3, $0x4  }
0x371: {  	v3 =	vand.u32 $0x7, v3;
	v4 =	vand.u32 $0xFFFFFF80, v53  }
0x372: {  	v3 =	vor.u32 v3, v4  }
0x373: {  	v4 =	vperm.xlane v3, v0;
	_ =	sdelay $0x1  }
0x374: {  	v4 =	vadd.s32 v1, v4;
	_ =	sdelay $0x3  }
0x375: {  	s1 =	simm.s32 $0x1000  }
0x376: {  	[hbm4b:s5+s3] =	stream.indirect_vreg.scatter [tilespmem:s1], [sflag:$0x2], $0x80, v4, vm0, $0xb8;
	[tilespmem:$0x11000] =	vst v63  }
0x377: {  	_ = 	snop  }
0x378: {  	[hbm4b:s13+s3] =	stream.indirect_vreg.scatter [tilespmem:s4], [sflag:$0x2], $0x80, v4, vm0, $0xb8;
	[tilespmem:$0x11000] =	vst v63  }
0x379: {  	_ = 	snop  }
0x37a: {  	[hbm4b:s14+s3] =	stream.indirect_vreg.scatter [tilespmem:s20], [sflag:$0x2], $0x80, v4, vm0, $0xb8;
	[tilespmem:$0x11000] =	vst v63  }
0x37b: {  	_ = 	snop  }
0x37c: {  	[hbm4b:s15+s3] =	stream.indirect_vreg.scatter [tilespmem:s21], [sflag:$0x2], $0x80, v4, vm0, $0xb8;
	[tilespmem:$0x11000] =	vst v63  }
0x37d: {  	_ = 	snop  }
0x37e: {  	[hbm4b:s16+s3] =	stream.indirect_vreg.scatter [tilespmem:s22], [sflag:$0x2], $0x80, v4, vm0, $0xb8;
	[tilespmem:$0x11000] =	vst v63  }
0x37f: {  	v3 =	vperm.xlane v3, v2;
	s22 =	simm.s32 $0x3800  }
0x380: {  	[hbm4b:s17+s3] =	stream.indirect_vreg.scatter [tilespmem:s22], [sflag:$0x2], $0x80, v4, vm0, $0xb8;
	[tilespmem:$0x11000] =	vst v63  }
0x381: {  	v3 =	vadd.s32 v1, v3;
	s1 =	simm.s32 $0x4000  }
0x382: {  	[hbm4b:s18+s3] =	stream.indirect_vreg.scatter [tilespmem:s1], [sflag:$0x2], $0x80, v4, vm0, $0xb8;
	[tilespmem:$0x11000] =	vst v63  }
0x383: {  	_ = 	snop  }
0x384: {  	[hbm4b:s19+s3] =	stream.indirect_vreg.scatter [tilespmem:s2], [sflag:$0x2], $0x80, v4, vm0, $0xb8;
	[tilespmem:$0x11000] =	vst v63  }
0x385: {  	_ = 	snop  }
0x386: {  	[hbm4b:s5+s3] =	stream.indirect_vreg.scatter [tilespmem:s23], [sflag:$0x2], $0x80, v3, vm0, $0xb8;
	[tilespmem:$0x11000] =	vst v63  }
0x387: {  	_ = 	snop  }
0x388: {  	[hbm4b:s13+s3] =	stream.indirect_vreg.scatter [tilespmem:s24], [sflag:$0x2], $0x80, v3, vm0, $0xb8;
	[tilespmem:$0x11000] =	vst v63  }
0x389: {  	_ = 	snop  }
0x38a: {  	[hbm4b:s14+s3] =	stream.indirect_vreg.scatter [tilespmem:s25], [sflag:$0x2], $0x80, v3, vm0, $0xb8;
	[tilespmem:$0x11000] =	vst v63  }
0x38b: {  	_ = 	snop  }
0x38c: {  	[hbm4b:s15+s3] =	stream.indirect_vreg.scatter [tilespmem:s26], [sflag:$0x2], $0x80, v3, vm0, $0xb8;
	[tilespmem:$0x11000] =	vst v63  }
0x38d: {  	_ = 	snop  }
0x38e: {  	[hbm4b:s16+s3] =	stream.indirect_vreg.scatter [tilespmem:s28], [sflag:$0x2], $0x80, v3, vm0, $0xb8;
	[tilespmem:$0x11000] =	vst v63  }
0x38f: {  	_ = 	snop  }
0x390: {  	[hbm4b:s17+s3] =	stream.indirect_vreg.scatter [tilespmem:s30], [sflag:$0x2], $0x80, v3, vm0, $0xb8;
	[tilespmem:$0x11000] =	vst v63  }
0x391: {  	_ = 	snop  }
0x392: {  	[hbm4b:s18+s3] =	stream.indirect_vreg.scatter [tilespmem:s31], [sflag:$0x2], $0x80, v3, vm0, $0xb8;
	[tilespmem:$0x11000] =	vst v63  }
0x393: {  	s2 =	simm.s32 $0x8800  }
0x394: {  	[hbm4b:s19+s3] =	stream.indirect_vreg.scatter [tilespmem:s2], [sflag:$0x2], $0x80, v3, vm0, $0xb8;
	[tilespmem:$0x11000] =	vst v63  }
0x395: {  	_ =	swait.ge [sflag:s0], $0x8000  }
0x396: {  	[sflag:s0] =	ssyncset.done $0x0  }
0x397: {  	[sflag:s0] =	ssyncadd.s32 $0xFFFF8000  }
0x398: {  	v3 =	vld [tilespmem:$0x580];
	_ =	sdelay $0x4  }
0x399: {  	v54 =	vshll.u32 v3, $0x4  }
0x39a: {  	v3 =	vand.u32 $0x7, v3;
	v4 =	vand.u32 $0xFFFFFF80, v54  }
0x39b: {  	v3 =	vor.u32 v3, v4  }
0x39c: {  	v4 =	vperm.xlane v3, v0;
	_ =	sdelay $0x1  }
0x39d: {  	v4 =	vadd.s32 v1, v4;
	_ =	sdelay $0x3  }
0x39e: {  	s28 =	simm.s32 $0x9000;
	s4 =	rddreg [dreg:$0x0]  }
0x39f: {  	[tilespmem:s28], [sflag:$0x1] =	stream.indirect_vreg.gather [hbm4b:s4+s3], $0x80, v4, vm0, $0xb8;
	[tilespmem:$0x11000] =	vst v63  }
0x3a0: {  	s20 =	simm.s32 $0x9800  }
0x3a1: {  	[tilespmem:s20], [sflag:$0x1] =	stream.indirect_vreg.gather [hbm4b:s6+s3], $0x80, v4, vm0, $0xb8;
	[tilespmem:$0x11000] =	vst v63  }
0x3a2: {  	s31 =	simm.s32 $0xA000  }
0x3a3: {  	[tilespmem:s31], [sflag:$0x1] =	stream.indirect_vreg.gather [hbm4b:s7+s3], $0x80, v4, vm0, $0xb8;
	[tilespmem:$0x11000] =	vst v63  }
0x3a4: {  	s24 =	simm.s32 $0xA800  }
0x3a5: {  	[tilespmem:s24], [sflag:$0x1] =	stream.indirect_vreg.gather [hbm4b:s8+s3], $0x80, v4, vm0, $0xb8;
	[tilespmem:$0x11000] =	vst v63  }
0x3a6: {  	s21 =	simm.s32 $0xB000  }
0x3a7: {  	[tilespmem:s21], [sflag:$0x1] =	stream.indirect_vreg.gather [hbm4b:s9+s3], $0x80, v4, vm0, $0xb8;
	[tilespmem:$0x11000] =	vst v63  }
0x3a8: {  	s22 =	simm.s32 $0xB800;
	v3 =	vperm.xlane v3, v2  }
0x3a9: {  	[tilespmem:s22], [sflag:$0x1] =	stream.indirect_vreg.gather [hbm4b:s10+s3], $0x80, v4, vm0, $0xb8;
	[tilespmem:$0x11000] =	vst v63  }
0x3aa: {  	s25 =	simm.s32 $0xC000;
	v3 =	vadd.s32 v1, v3  }
0x3ab: {  	[tilespmem:s25], [sflag:$0x1] =	stream.indirect_vreg.gather [hbm4b:s11+s3], $0x80, v4, vm0, $0xb8;
	[tilespmem:$0x11000] =	vst v63  }
0x3ac: {  	s30 =	simm.s32 $0xC800  }
0x3ad: {  	[tilespmem:s30], [sflag:$0x1] =	stream.indirect_vreg.gather [hbm4b:s12+s3], $0x80, v4, vm0, $0xb8;
	[tilespmem:$0x11000] =	vst v63  }
0x3ae: {  	s26 =	simm.s32 $0xD000;
	s23 =	rddreg [dreg:$0x0]  }
0x3af: {  	[tilespmem:s26], [sflag:$0x1] =	stream.indirect_vreg.gather [hbm4b:s23+s3], $0x80, v3, vm0, $0xb8;
	[tilespmem:$0x11000] =	vst v63  }
0x3b0: {  	s4 =	simm.s32 $0xD800  }
0x3b1: {  	[tilespmem:s4], [sflag:$0x1] =	stream.indirect_vreg.gather [hbm4b:s6+s3], $0x80, v3, vm0, $0xb8;
	[tilespmem:$0x11000] =	vst v63  }
0x3b2: {  	s2 =	simm.s32 $0xE000  }
0x3b3: {  	[tilespmem:s2], [sflag:$0x1] =	stream.indirect_vreg.gather [hbm4b:s7+s3], $0x80, v3, vm0, $0xb8;
	[tilespmem:$0x11000] =	vst v63  }
0x3b4: {  	s21 =	simm.s32 $0xE800  }
0x3b5: {  	[tilespmem:s21], [sflag:$0x1] =	stream.indirect_vreg.gather [hbm4b:s8+s3], $0x80, v3, vm0, $0xb8;
	[tilespmem:$0x11000] =	vst v63  }
0x3b6: {  	s20 =	simm.s32 $0xF000  }
0x3b7: {  	[tilespmem:s20], [sflag:$0x1] =	stream.indirect_vreg.gather [hbm4b:s9+s3], $0x80, v3, vm0, $0xb8;
	[tilespmem:$0x11000] =	vst v63  }
0x3b8: {  	s23 =	simm.s32 $0xF800  }
0x3b9: {  	[tilespmem:s23], [sflag:$0x1] =	stream.indirect_vreg.gather [hbm4b:s10+s3], $0x80, v3, vm0, $0xb8;
	[tilespmem:$0x11000] =	vst v63  }
0x3ba: {  	s22 =	simm.s32 $0x10000  }
0x3bb: {  	[tilespmem:s22], [sflag:$0x1] =	stream.indirect_vreg.gather [hbm4b:s11+s3], $0x80, v3, vm0, $0xb8;
	[tilespmem:$0x11000] =	vst v63  }
0x3bc: {  	s1 =	simm.s32 $0x10800  }
0x3bd: {  	[tilespmem:s1], [sflag:$0x1] =	stream.indirect_vreg.gather [hbm4b:s12+s3], $0x80, v3, vm0, $0xb8;
	[tilespmem:$0x11000] =	vst v63  }
0x3be: {  	_ =	swait.ge [sflag:s29], $0x8000  }
0x3bf: {  	[sflag:s29] =	ssyncset.done $0x0  }
0x3c0: {  	[sflag:s29] =	ssyncadd.s32 $0xFFFF8000  }
0x3c1: {  	v3 =	vld [tilespmem:$0xD80];
	_ =	sdelay $0x4  }
0x3c2: {  	v55 =	vshll.u32 v3, $0x4  }
0x3c3: {  	v3 =	vand.u32 $0x7, v3;
	v4 =	vand.u32 $0xFFFFFF80, v55  }
0x3c4: {  	v3 =	vor.u32 v3, v4  }
0x3c5: {  	v4 =	vperm.xlane v3, v0;
	_ =	sdelay $0x1  }
0x3c6: {  	v4 =	vadd.s32 v1, v4;
	_ =	sdelay $0x4  }
0x3c7: {  	[hbm4b:s5+s3] =	stream.indirect_vreg.scatter [tilespmem:s28], [sflag:$0x2], $0x80, v4, vm0, $0xb8;
	[tilespmem:$0x11000] =	vst v63  }
0x3c8: {  	s28 =	simm.s32 $0x9800  }
0x3c9: {  	[hbm4b:s13+s3] =	stream.indirect_vreg.scatter [tilespmem:s28], [sflag:$0x2], $0x80, v4, vm0, $0xb8;
	[tilespmem:$0x11000] =	vst v63  }
0x3ca: {  	_ = 	snop  }
0x3cb: {  	[hbm4b:s14+s3] =	stream.indirect_vreg.scatter [tilespmem:s31], [sflag:$0x2], $0x80, v4, vm0, $0xb8;
	[tilespmem:$0x11000] =	vst v63  }
0x3cc: {  	_ = 	snop  }
0x3cd: {  	[hbm4b:s15+s3] =	stream.indirect_vreg.scatter [tilespmem:s24], [sflag:$0x2], $0x80, v4, vm0, $0xb8;
	[tilespmem:$0x11000] =	vst v63  }
0x3ce: {  	s28 =	simm.s32 $0xB000  }
0x3cf: {  	[hbm4b:s16+s3] =	stream.indirect_vreg.scatter [tilespmem:s28], [sflag:$0x2], $0x80, v4, vm0, $0xb8;
	[tilespmem:$0x11000] =	vst v63  }
0x3d0: {  	v3 =	vperm.xlane v3, v2;
	s31 =	simm.s32 $0xB800  }
0x3d1: {  	[hbm4b:s17+s3] =	stream.indirect_vreg.scatter [tilespmem:s31], [sflag:$0x2], $0x80, v4, vm0, $0xb8;
	[tilespmem:$0x11000] =	vst v63  }
0x3d2: {  	v3 =	vadd.s32 v1, v3  }
0x3d3: {  	[hbm4b:s18+s3] =	stream.indirect_vreg.scatter [tilespmem:s25], [sflag:$0x2], $0x80, v4, vm0, $0xb8;
	[tilespmem:$0x11000] =	vst v63  }
0x3d4: {  	_ = 	snop  }
0x3d5: {  	[hbm4b:s19+s3] =	stream.indirect_vreg.scatter [tilespmem:s30], [sflag:$0x2], $0x80, v4, vm0, $0xb8;
	[tilespmem:$0x11000] =	vst v63  }
0x3d6: {  	_ = 	snop  }
0x3d7: {  	[hbm4b:s5+s3] =	stream.indirect_vreg.scatter [tilespmem:s26], [sflag:$0x2], $0x80, v3, vm0, $0xb8;
	[tilespmem:$0x11000] =	vst v63  }
0x3d8: {  	_ = 	snop  }
0x3d9: {  	[hbm4b:s13+s3] =	stream.indirect_vreg.scatter [tilespmem:s4], [sflag:$0x2], $0x80, v3, vm0, $0xb8;
	[tilespmem:$0x11000] =	vst v63  }
0x3da: {  	_ = 	snop  }
0x3db: {  	[hbm4b:s14+s3] =	stream.indirect_vreg.scatter [tilespmem:s2], [sflag:$0x2], $0x80, v3, vm0, $0xb8;
	[tilespmem:$0x11000] =	vst v63  }
0x3dc: {  	_ = 	snop  }
0x3dd: {  	[hbm4b:s15+s3] =	stream.indirect_vreg.scatter [tilespmem:s21], [sflag:$0x2], $0x80, v3, vm0, $0xb8;
	[tilespmem:$0x11000] =	vst v63  }
0x3de: {  	_ = 	snop  }
0x3df: {  	[hbm4b:s16+s3] =	stream.indirect_vreg.scatter [tilespmem:s20], [sflag:$0x2], $0x80, v3, vm0, $0xb8;
	[tilespmem:$0x11000] =	vst v63  }
0x3e0: {  	_ = 	snop  }
0x3e1: {  	[hbm4b:s17+s3] =	stream.indirect_vreg.scatter [tilespmem:s23], [sflag:$0x2], $0x80, v3, vm0, $0xb8;
	[tilespmem:$0x11000] =	vst v63  }
0x3e2: {  	_ = 	snop  }
0x3e3: {  	[hbm4b:s18+s3] =	stream.indirect_vreg.scatter [tilespmem:s22], [sflag:$0x2], $0x80, v3, vm0, $0xb8;
	[tilespmem:$0x11000] =	vst v63  }
0x3e4: {  	s1 =	simm.s32 $0x10800  }
0x3e5: {  	[hbm4b:s19+s3] =	stream.indirect_vreg.scatter [tilespmem:s1], [sflag:$0x2], $0x80, v3, vm0, $0xb8;
	[tilespmem:$0x11000] =	vst v63  }
0x3e6: {  	_ =	swait.ge [sflag:s0], $0x8000  }
0x3e7: {  	[sflag:s0] =	ssyncset.done $0x0  }
0x3e8: {  	[sflag:s0] =	ssyncadd.s32 $0xFFFF8000  }
0x3e9: {  	v3 =	vld [tilespmem:$0x600];
	_ =	sdelay $0x4  }
0x3ea: {  	v56 =	vshll.u32 v3, $0x4  }
0x3eb: {  	v3 =	vand.u32 $0x7, v3;
	v4 =	vand.u32 $0xFFFFFF80, v56  }
0x3ec: {  	v3 =	vor.u32 v3, v4  }
0x3ed: {  	v4 =	vperm.xlane v3, v0;
	_ =	sdelay $0x1  }
0x3ee: {  	v4 =	vadd.s32 v1, v4;
	_ =	sdelay $0x3  }
0x3ef: {  	s26 =	simm.s32 $0x1000;
	s28 =	rddreg [dreg:$0x0]  }
0x3f0: {  	[tilespmem:s26], [sflag:$0x1] =	stream.indirect_vreg.gather [hbm4b:s28+s3], $0x80, v4, vm0, $0xb8;
	[tilespmem:$0x11000] =	vst v63  }
0x3f1: {  	s4 =	simm.s32 $0x1800  }
0x3f2: {  	[tilespmem:s4], [sflag:$0x1] =	stream.indirect_vreg.gather [hbm4b:s6+s3], $0x80, v4, vm0, $0xb8;
	[tilespmem:$0x11000] =	vst v63  }
0x3f3: {  	s20 =	simm.s32 $0x2000  }
0x3f4: {  	[tilespmem:s20], [sflag:$0x1] =	stream.indirect_vreg.gather [hbm4b:s7+s3], $0x80, v4, vm0, $0xb8;
	[tilespmem:$0x11000] =	vst v63  }
0x3f5: {  	s21 =	simm.s32 $0x2800  }
0x3f6: {  	[tilespmem:s21], [sflag:$0x1] =	stream.indirect_vreg.gather [hbm4b:s8+s3], $0x80, v4, vm0, $0xb8;
	[tilespmem:$0x11000] =	vst v63  }
0x3f7: {  	s22 =	simm.s32 $0x3000  }
0x3f8: {  	[tilespmem:s22], [sflag:$0x1] =	stream.indirect_vreg.gather [hbm4b:s9+s3], $0x80, v4, vm0, $0xb8;
	[tilespmem:$0x11000] =	vst v63  }
0x3f9: {  	s30 =	simm.s32 $0x3800;
	v3 =	vperm.xlane v3, v2  }
0x3fa: {  	[tilespmem:s30], [sflag:$0x1] =	stream.indirect_vreg.gather [hbm4b:s10+s3], $0x80, v4, vm0, $0xb8;
	[tilespmem:$0x11000] =	vst v63  }
0x3fb: {  	s31 =	simm.s32 $0x4000;
	v3 =	vadd.s32 v1, v3  }
0x3fc: {  	[tilespmem:s31], [sflag:$0x1] =	stream.indirect_vreg.gather [hbm4b:s11+s3], $0x80, v4, vm0, $0xb8;
	[tilespmem:$0x11000] =	vst v63  }
0x3fd: {  	s2 =	simm.s32 $0x4800  }
0x3fe: {  	[tilespmem:s2], [sflag:$0x1] =	stream.indirect_vreg.gather [hbm4b:s12+s3], $0x80, v4, vm0, $0xb8;
	[tilespmem:$0x11000] =	vst v63  }
0x3ff: {  	s23 =	simm.s32 $0x5000;
	s1 =	rddreg [dreg:$0x0]  }
0x400: {  	[tilespmem:s23], [sflag:$0x1] =	stream.indirect_vreg.gather [hbm4b:s1+s3], $0x80, v3, vm0, $0xb8;
	[tilespmem:$0x11000] =	vst v63  }
0x401: {  	s24 =	simm.s32 $0x5800  }
0x402: {  	[tilespmem:s24], [sflag:$0x1] =	stream.indirect_vreg.gather [hbm4b:s6+s3], $0x80, v3, vm0, $0xb8;
	[tilespmem:$0x11000] =	vst v63  }
0x403: {  	s25 =	simm.s32 $0x6000  }
0x404: {  	[tilespmem:s25], [sflag:$0x1] =	stream.indirect_vreg.gather [hbm4b:s7+s3], $0x80, v3, vm0, $0xb8;
	[tilespmem:$0x11000] =	vst v63  }
0x405: {  	s26 =	simm.s32 $0x6800  }
0x406: {  	[tilespmem:s26], [sflag:$0x1] =	stream.indirect_vreg.gather [hbm4b:s8+s3], $0x80, v3, vm0, $0xb8;
	[tilespmem:$0x11000] =	vst v63  }
0x407: {  	s28 =	simm.s32 $0x7000  }
0x408: {  	[tilespmem:s28], [sflag:$0x1] =	stream.indirect_vreg.gather [hbm4b:s9+s3], $0x80, v3, vm0, $0xb8;
	[tilespmem:$0x11000] =	vst v63  }
0x409: {  	s30 =	simm.s32 $0x7800  }
0x40a: {  	[tilespmem:s30], [sflag:$0x1] =	stream.indirect_vreg.gather [hbm4b:s10+s3], $0x80, v3, vm0, $0xb8;
	[tilespmem:$0x11000] =	vst v63  }
0x40b: {  	s31 =	simm.s32 $0x8000  }
0x40c: {  	[tilespmem:s31], [sflag:$0x1] =	stream.indirect_vreg.gather [hbm4b:s11+s3], $0x80, v3, vm0, $0xb8;
	[tilespmem:$0x11000] =	vst v63  }
0x40d: {  	s1 =	simm.s32 $0x8800  }
0x40e: {  	[tilespmem:s1], [sflag:$0x1] =	stream.indirect_vreg.gather [hbm4b:s12+s3], $0x80, v3, vm0, $0xb8;
	[tilespmem:$0x11000] =	vst v63  }
0x40f: {  	_ =	swait.ge [sflag:s29], $0x8000  }
0x410: {  	[sflag:s29] =	ssyncset.done $0x0  }
0x411: {  	[sflag:s29] =	ssyncadd.s32 $0xFFFF8000  }
0x412: {  	v3 =	vld [tilespmem:$0xE00];
	_ =	sdelay $0x4  }
0x413: {  	v57 =	vshll.u32 v3, $0x4  }
0x414: {  	v3 =	vand.u32 $0x7, v3;
	v4 =	vand.u32 $0xFFFFFF80, v57  }
0x415: {  	v3 =	vor.u32 v3, v4  }
0x416: {  	v4 =	vperm.xlane v3, v0;
	_ =	sdelay $0x1  }
0x417: {  	v4 =	vadd.s32 v1, v4;
	_ =	sdelay $0x3  }
0x418: {  	s1 =	simm.s32 $0x1000  }
0x419: {  	[hbm4b:s5+s3] =	stream.indirect_vreg.scatter [tilespmem:s1], [sflag:$0x2], $0x80, v4, vm0, $0xb8;
	[tilespmem:$0x11000] =	vst v63  }
0x41a: {  	_ = 	snop  }
0x41b: {  	[hbm4b:s13+s3] =	stream.indirect_vreg.scatter [tilespmem:s4], [sflag:$0x2], $0x80, v4, vm0, $0xb8;
	[tilespmem:$0x11000] =	vst v63  }
0x41c: {  	_ = 	snop  }
0x41d: {  	[hbm4b:s14+s3] =	stream.indirect_vreg.scatter [tilespmem:s20], [sflag:$0x2], $0x80, v4, vm0, $0xb8;
	[tilespmem:$0x11000] =	vst v63  }
0x41e: {  	_ = 	snop  }
0x41f: {  	[hbm4b:s15+s3] =	stream.indirect_vreg.scatter [tilespmem:s21], [sflag:$0x2], $0x80, v4, vm0, $0xb8;
	[tilespmem:$0x11000] =	vst v63  }
0x420: {  	_ = 	snop  }
0x421: {  	[hbm4b:s16+s3] =	stream.indirect_vreg.scatter [tilespmem:s22], [sflag:$0x2], $0x80, v4, vm0, $0xb8;
	[tilespmem:$0x11000] =	vst v63  }
0x422: {  	v3 =	vperm.xlane v3, v2;
	s22 =	simm.s32 $0x3800  }
0x423: {  	[hbm4b:s17+s3] =	stream.indirect_vreg.scatter [tilespmem:s22], [sflag:$0x2], $0x80, v4, vm0, $0xb8;
	[tilespmem:$0x11000] =	vst v63  }
0x424: {  	v3 =	vadd.s32 v1, v3;
	s1 =	simm.s32 $0x4000  }
0x425: {  	[hbm4b:s18+s3] =	stream.indirect_vreg.scatter [tilespmem:s1], [sflag:$0x2], $0x80, v4, vm0, $0xb8;
	[tilespmem:$0x11000] =	vst v63  }
0x426: {  	_ = 	snop  }
0x427: {  	[hbm4b:s19+s3] =	stream.indirect_vreg.scatter [tilespmem:s2], [sflag:$0x2], $0x80, v4, vm0, $0xb8;
	[tilespmem:$0x11000] =	vst v63  }
0x428: {  	_ = 	snop  }
0x429: {  	[hbm4b:s5+s3] =	stream.indirect_vreg.scatter [tilespmem:s23], [sflag:$0x2], $0x80, v3, vm0, $0xb8;
	[tilespmem:$0x11000] =	vst v63  }
0x42a: {  	_ = 	snop  }
0x42b: {  	[hbm4b:s13+s3] =	stream.indirect_vreg.scatter [tilespmem:s24], [sflag:$0x2], $0x80, v3, vm0, $0xb8;
	[tilespmem:$0x11000] =	vst v63  }
0x42c: {  	_ = 	snop  }
0x42d: {  	[hbm4b:s14+s3] =	stream.indirect_vreg.scatter [tilespmem:s25], [sflag:$0x2], $0x80, v3, vm0, $0xb8;
	[tilespmem:$0x11000] =	vst v63  }
0x42e: {  	_ = 	snop  }
0x42f: {  	[hbm4b:s15+s3] =	stream.indirect_vreg.scatter [tilespmem:s26], [sflag:$0x2], $0x80, v3, vm0, $0xb8;
	[tilespmem:$0x11000] =	vst v63  }
0x430: {  	_ = 	snop  }
0x431: {  	[hbm4b:s16+s3] =	stream.indirect_vreg.scatter [tilespmem:s28], [sflag:$0x2], $0x80, v3, vm0, $0xb8;
	[tilespmem:$0x11000] =	vst v63  }
0x432: {  	_ = 	snop  }
0x433: {  	[hbm4b:s17+s3] =	stream.indirect_vreg.scatter [tilespmem:s30], [sflag:$0x2], $0x80, v3, vm0, $0xb8;
	[tilespmem:$0x11000] =	vst v63  }
0x434: {  	_ = 	snop  }
0x435: {  	[hbm4b:s18+s3] =	stream.indirect_vreg.scatter [tilespmem:s31], [sflag:$0x2], $0x80, v3, vm0, $0xb8;
	[tilespmem:$0x11000] =	vst v63  }
0x436: {  	s2 =	simm.s32 $0x8800  }
0x437: {  	[hbm4b:s19+s3] =	stream.indirect_vreg.scatter [tilespmem:s2], [sflag:$0x2], $0x80, v3, vm0, $0xb8;
	[tilespmem:$0x11000] =	vst v63  }
0x438: {  	_ =	swait.ge [sflag:s0], $0x8000  }
0x439: {  	[sflag:s0] =	ssyncset.done $0x0  }
0x43a: {  	[sflag:s0] =	ssyncadd.s32 $0xFFFF8000  }
0x43b: {  	v3 =	vld [tilespmem:$0x680];
	_ =	sdelay $0x4  }
0x43c: {  	v58 =	vshll.u32 v3, $0x4  }
0x43d: {  	v3 =	vand.u32 $0x7, v3;
	v4 =	vand.u32 $0xFFFFFF80, v58  }
0x43e: {  	v3 =	vor.u32 v3, v4  }
0x43f: {  	v4 =	vperm.xlane v3, v0;
	_ =	sdelay $0x1  }
0x440: {  	v4 =	vadd.s32 v1, v4;
	_ =	sdelay $0x3  }
0x441: {  	s30 =	simm.s32 $0x9000;
	s4 =	rddreg [dreg:$0x0]  }
0x442: {  	[tilespmem:s30], [sflag:$0x1] =	stream.indirect_vreg.gather [hbm4b:s4+s3], $0x80, v4, vm0, $0xb8;
	[tilespmem:$0x11000] =	vst v63  }
0x443: {  	s24 =	simm.s32 $0x9800  }
0x444: {  	[tilespmem:s24], [sflag:$0x1] =	stream.indirect_vreg.gather [hbm4b:s6+s3], $0x80, v4, vm0, $0xb8;
	[tilespmem:$0x11000] =	vst v63  }
0x445: {  	s20 =	simm.s32 $0xA000  }
0x446: {  	[tilespmem:s20], [sflag:$0x1] =	stream.indirect_vreg.gather [hbm4b:s7+s3], $0x80, v4, vm0, $0xb8;
	[tilespmem:$0x11000] =	vst v63  }
0x447: {  	s25 =	simm.s32 $0xA800  }
0x448: {  	[tilespmem:s25], [sflag:$0x1] =	stream.indirect_vreg.gather [hbm4b:s8+s3], $0x80, v4, vm0, $0xb8;
	[tilespmem:$0x11000] =	vst v63  }
0x449: {  	s21 =	simm.s32 $0xB000  }
0x44a: {  	[tilespmem:s21], [sflag:$0x1] =	stream.indirect_vreg.gather [hbm4b:s9+s3], $0x80, v4, vm0, $0xb8;
	[tilespmem:$0x11000] =	vst v63  }
0x44b: {  	s22 =	simm.s32 $0xB800;
	v3 =	vperm.xlane v3, v2  }
0x44c: {  	[tilespmem:s22], [sflag:$0x1] =	stream.indirect_vreg.gather [hbm4b:s10+s3], $0x80, v4, vm0, $0xb8;
	[tilespmem:$0x11000] =	vst v63  }
0x44d: {  	s26 =	simm.s32 $0xC000;
	v3 =	vadd.s32 v1, v3  }
0x44e: {  	[tilespmem:s26], [sflag:$0x1] =	stream.indirect_vreg.gather [hbm4b:s11+s3], $0x80, v4, vm0, $0xb8;
	[tilespmem:$0x11000] =	vst v63  }
0x44f: {  	s31 =	simm.s32 $0xC800  }
0x450: {  	[tilespmem:s31], [sflag:$0x1] =	stream.indirect_vreg.gather [hbm4b:s12+s3], $0x80, v4, vm0, $0xb8;
	[tilespmem:$0x11000] =	vst v63  }
0x451: {  	s28 =	simm.s32 $0xD000;
	s23 =	rddreg [dreg:$0x0]  }
0x452: {  	[tilespmem:s28], [sflag:$0x1] =	stream.indirect_vreg.gather [hbm4b:s23+s3], $0x80, v3, vm0, $0xb8;
	[tilespmem:$0x11000] =	vst v63  }
0x453: {  	s4 =	simm.s32 $0xD800  }
0x454: {  	[tilespmem:s4], [sflag:$0x1] =	stream.indirect_vreg.gather [hbm4b:s6+s3], $0x80, v3, vm0, $0xb8;
	[tilespmem:$0x11000] =	vst v63  }
0x455: {  	s2 =	simm.s32 $0xE000  }
0x456: {  	[tilespmem:s2], [sflag:$0x1] =	stream.indirect_vreg.gather [hbm4b:s7+s3], $0x80, v3, vm0, $0xb8;
	[tilespmem:$0x11000] =	vst v63  }
0x457: {  	s21 =	simm.s32 $0xE800  }
0x458: {  	[tilespmem:s21], [sflag:$0x1] =	stream.indirect_vreg.gather [hbm4b:s8+s3], $0x80, v3, vm0, $0xb8;
	[tilespmem:$0x11000] =	vst v63  }
0x459: {  	s20 =	simm.s32 $0xF000  }
0x45a: {  	[tilespmem:s20], [sflag:$0x1] =	stream.indirect_vreg.gather [hbm4b:s9+s3], $0x80, v3, vm0, $0xb8;
	[tilespmem:$0x11000] =	vst v63  }
0x45b: {  	s23 =	simm.s32 $0xF800  }
0x45c: {  	[tilespmem:s23], [sflag:$0x1] =	stream.indirect_vreg.gather [hbm4b:s10+s3], $0x80, v3, vm0, $0xb8;
	[tilespmem:$0x11000] =	vst v63  }
0x45d: {  	s22 =	simm.s32 $0x10000  }
0x45e: {  	[tilespmem:s22], [sflag:$0x1] =	stream.indirect_vreg.gather [hbm4b:s11+s3], $0x80, v3, vm0, $0xb8;
	[tilespmem:$0x11000] =	vst v63  }
0x45f: {  	s1 =	simm.s32 $0x10800  }
0x460: {  	[tilespmem:s1], [sflag:$0x1] =	stream.indirect_vreg.gather [hbm4b:s12+s3], $0x80, v3, vm0, $0xb8;
	[tilespmem:$0x11000] =	vst v63  }
0x461: {  	_ =	swait.ge [sflag:s29], $0x8000  }
0x462: {  	[sflag:s29] =	ssyncset.done $0x0  }
0x463: {  	[sflag:s29] =	ssyncadd.s32 $0xFFFF8000  }
0x464: {  	v3 =	vld [tilespmem:$0xE80];
	_ =	sdelay $0x4  }
0x465: {  	v59 =	vshll.u32 v3, $0x4  }
0x466: {  	v3 =	vand.u32 $0x7, v3;
	v4 =	vand.u32 $0xFFFFFF80, v59  }
0x467: {  	v3 =	vor.u32 v3, v4  }
0x468: {  	v4 =	vperm.xlane v3, v0;
	_ =	sdelay $0x1  }
0x469: {  	v4 =	vadd.s32 v1, v4;
	_ =	sdelay $0x4  }
0x46a: {  	[hbm4b:s5+s3] =	stream.indirect_vreg.scatter [tilespmem:s30], [sflag:$0x2], $0x80, v4, vm0, $0xb8;
	[tilespmem:$0x11000] =	vst v63  }
0x46b: {  	_ = 	snop  }
0x46c: {  	[hbm4b:s13+s3] =	stream.indirect_vreg.scatter [tilespmem:s24], [sflag:$0x2], $0x80, v4, vm0, $0xb8;
	[tilespmem:$0x11000] =	vst v63  }
0x46d: {  	s30 =	simm.s32 $0xA000  }
0x46e: {  	[hbm4b:s14+s3] =	stream.indirect_vreg.scatter [tilespmem:s30], [sflag:$0x2], $0x80, v4, vm0, $0xb8;
	[tilespmem:$0x11000] =	vst v63  }
0x46f: {  	_ = 	snop  }
0x470: {  	[hbm4b:s15+s3] =	stream.indirect_vreg.scatter [tilespmem:s25], [sflag:$0x2], $0x80, v4, vm0, $0xb8;
	[tilespmem:$0x11000] =	vst v63  }
0x471: {  	s25 =	simm.s32 $0xB000  }
0x472: {  	[hbm4b:s16+s3] =	stream.indirect_vreg.scatter [tilespmem:s25], [sflag:$0x2], $0x80, v4, vm0, $0xb8;
	[tilespmem:$0x11000] =	vst v63  }
0x473: {  	v3 =	vperm.xlane v3, v2;
	s30 =	simm.s32 $0xB800  }
0x474: {  	[hbm4b:s17+s3] =	stream.indirect_vreg.scatter [tilespmem:s30], [sflag:$0x2], $0x80, v4, vm0, $0xb8;
	[tilespmem:$0x11000] =	vst v63  }
0x475: {  	v3 =	vadd.s32 v1, v3  }
0x476: {  	[hbm4b:s18+s3] =	stream.indirect_vreg.scatter [tilespmem:s26], [sflag:$0x2], $0x80, v4, vm0, $0xb8;
	[tilespmem:$0x11000] =	vst v63  }
0x477: {  	_ = 	snop  }
0x478: {  	[hbm4b:s19+s3] =	stream.indirect_vreg.scatter [tilespmem:s31], [sflag:$0x2], $0x80, v4, vm0, $0xb8;
	[tilespmem:$0x11000] =	vst v63  }
0x479: {  	_ = 	snop  }
0x47a: {  	[hbm4b:s5+s3] =	stream.indirect_vreg.scatter [tilespmem:s28], [sflag:$0x2], $0x80, v3, vm0, $0xb8;
	[tilespmem:$0x11000] =	vst v63  }
0x47b: {  	_ = 	snop  }
0x47c: {  	[hbm4b:s13+s3] =	stream.indirect_vreg.scatter [tilespmem:s4], [sflag:$0x2], $0x80, v3, vm0, $0xb8;
	[tilespmem:$0x11000] =	vst v63  }
0x47d: {  	_ = 	snop  }
0x47e: {  	[hbm4b:s14+s3] =	stream.indirect_vreg.scatter [tilespmem:s2], [sflag:$0x2], $0x80, v3, vm0, $0xb8;
	[tilespmem:$0x11000] =	vst v63  }
0x47f: {  	_ = 	snop  }
0x480: {  	[hbm4b:s15+s3] =	stream.indirect_vreg.scatter [tilespmem:s21], [sflag:$0x2], $0x80, v3, vm0, $0xb8;
	[tilespmem:$0x11000] =	vst v63  }
0x481: {  	_ = 	snop  }
0x482: {  	[hbm4b:s16+s3] =	stream.indirect_vreg.scatter [tilespmem:s20], [sflag:$0x2], $0x80, v3, vm0, $0xb8;
	[tilespmem:$0x11000] =	vst v63  }
0x483: {  	_ = 	snop  }
0x484: {  	[hbm4b:s17+s3] =	stream.indirect_vreg.scatter [tilespmem:s23], [sflag:$0x2], $0x80, v3, vm0, $0xb8;
	[tilespmem:$0x11000] =	vst v63  }
0x485: {  	_ = 	snop  }
0x486: {  	[hbm4b:s18+s3] =	stream.indirect_vreg.scatter [tilespmem:s22], [sflag:$0x2], $0x80, v3, vm0, $0xb8;
	[tilespmem:$0x11000] =	vst v63  }
0x487: {  	s1 =	simm.s32 $0x10800  }
0x488: {  	[hbm4b:s19+s3] =	stream.indirect_vreg.scatter [tilespmem:s1], [sflag:$0x2], $0x80, v3, vm0, $0xb8;
	[tilespmem:$0x11000] =	vst v63  }
0x489: {  	_ =	swait.ge [sflag:s0], $0x8000  }
0x48a: {  	[sflag:s0] =	ssyncset.done $0x0  }
0x48b: {  	[sflag:s0] =	ssyncadd.s32 $0xFFFF8000  }
0x48c: {  	v3 =	vld [tilespmem:$0x700];
	_ =	sdelay $0x4  }
0x48d: {  	v60 =	vshll.u32 v3, $0x4  }
0x48e: {  	v3 =	vand.u32 $0x7, v3;
	v4 =	vand.u32 $0xFFFFFF80, v60  }
0x48f: {  	v3 =	vor.u32 v3, v4  }
0x490: {  	v4 =	vperm.xlane v3, v0;
	_ =	sdelay $0x1  }
0x491: {  	v4 =	vadd.s32 v1, v4;
	_ =	sdelay $0x3  }
0x492: {  	s25 =	simm.s32 $0x1000;
	s26 =	rddreg [dreg:$0x0]  }
0x493: {  	[tilespmem:s25], [sflag:$0x1] =	stream.indirect_vreg.gather [hbm4b:s26+s3], $0x80, v4, vm0, $0xb8;
	[tilespmem:$0x11000] =	vst v63  }
0x494: {  	s4 =	simm.s32 $0x1800  }
0x495: {  	[tilespmem:s4], [sflag:$0x1] =	stream.indirect_vreg.gather [hbm4b:s6+s3], $0x80, v4, vm0, $0xb8;
	[tilespmem:$0x11000] =	vst v63  }
0x496: {  	s20 =	simm.s32 $0x2000  }
0x497: {  	[tilespmem:s20], [sflag:$0x1] =	stream.indirect_vreg.gather [hbm4b:s7+s3], $0x80, v4, vm0, $0xb8;
	[tilespmem:$0x11000] =	vst v63  }
0x498: {  	s21 =	simm.s32 $0x2800  }
0x499: {  	[tilespmem:s21], [sflag:$0x1] =	stream.indirect_vreg.gather [hbm4b:s8+s3], $0x80, v4, vm0, $0xb8;
	[tilespmem:$0x11000] =	vst v63  }
0x49a: {  	s22 =	simm.s32 $0x3000  }
0x49b: {  	[tilespmem:s22], [sflag:$0x1] =	stream.indirect_vreg.gather [hbm4b:s9+s3], $0x80, v4, vm0, $0xb8;
	[tilespmem:$0x11000] =	vst v63  }
0x49c: {  	s28 =	simm.s32 $0x3800;
	v3 =	vperm.xlane v3, v2  }
0x49d: {  	[tilespmem:s28], [sflag:$0x1] =	stream.indirect_vreg.gather [hbm4b:s10+s3], $0x80, v4, vm0, $0xb8;
	[tilespmem:$0x11000] =	vst v63  }
0x49e: {  	s30 =	simm.s32 $0x4000;
	v3 =	vadd.s32 v1, v3  }
0x49f: {  	[tilespmem:s30], [sflag:$0x1] =	stream.indirect_vreg.gather [hbm4b:s11+s3], $0x80, v4, vm0, $0xb8;
	[tilespmem:$0x11000] =	vst v63  }
0x4a0: {  	s2 =	simm.s32 $0x4800  }
0x4a1: {  	[tilespmem:s2], [sflag:$0x1] =	stream.indirect_vreg.gather [hbm4b:s12+s3], $0x80, v4, vm0, $0xb8;
	[tilespmem:$0x11000] =	vst v63  }
0x4a2: {  	s24 =	simm.s32 $0x5000;
	s31 =	rddreg [dreg:$0x0]  }
0x4a3: {  	[tilespmem:s24], [sflag:$0x1] =	stream.indirect_vreg.gather [hbm4b:s31+s3], $0x80, v3, vm0, $0xb8;
	[tilespmem:$0x11000] =	vst v63  }
0x4a4: {  	s25 =	simm.s32 $0x5800  }
0x4a5: {  	[tilespmem:s25], [sflag:$0x1] =	stream.indirect_vreg.gather [hbm4b:s6+s3], $0x80, v3, vm0, $0xb8;
	[tilespmem:$0x11000] =	vst v63  }
0x4a6: {  	s26 =	simm.s32 $0x6000  }
0x4a7: {  	[tilespmem:s26], [sflag:$0x1] =	stream.indirect_vreg.gather [hbm4b:s7+s3], $0x80, v3, vm0, $0xb8;
	[tilespmem:$0x11000] =	vst v63  }
0x4a8: {  	s28 =	simm.s32 $0x6800  }
0x4a9: {  	[tilespmem:s28], [sflag:$0x1] =	stream.indirect_vreg.gather [hbm4b:s8+s3], $0x80, v3, vm0, $0xb8;
	[tilespmem:$0x11000] =	vst v63  }
0x4aa: {  	s30 =	simm.s32 $0x7000  }
0x4ab: {  	[tilespmem:s30], [sflag:$0x1] =	stream.indirect_vreg.gather [hbm4b:s9+s3], $0x80, v3, vm0, $0xb8;
	[tilespmem:$0x11000] =	vst v63  }
0x4ac: {  	s31 =	simm.s32 $0x7800  }
0x4ad: {  	[tilespmem:s31], [sflag:$0x1] =	stream.indirect_vreg.gather [hbm4b:s10+s3], $0x80, v3, vm0, $0xb8;
	[tilespmem:$0x11000] =	vst v63  }
0x4ae: {  	s23 =	simm.s32 $0x8000  }
0x4af: {  	[tilespmem:s23], [sflag:$0x1] =	stream.indirect_vreg.gather [hbm4b:s11+s3], $0x80, v3, vm0, $0xb8;
	[tilespmem:$0x11000] =	vst v63  }
0x4b0: {  	s1 =	simm.s32 $0x8800  }
0x4b1: {  	[tilespmem:s1], [sflag:$0x1] =	stream.indirect_vreg.gather [hbm4b:s12+s3], $0x80, v3, vm0, $0xb8;
	[tilespmem:$0x11000] =	vst v63  }
0x4b2: {  	_ =	swait.ge [sflag:s29], $0x8000  }
0x4b3: {  	[sflag:s29] =	ssyncset.done $0x0  }
0x4b4: {  	[sflag:s29] =	ssyncadd.s32 $0xFFFF8000  }
0x4b5: {  	v3 =	vld [tilespmem:$0xF00];
	_ =	sdelay $0x4  }
0x4b6: {  	v61 =	vshll.u32 v3, $0x4  }
0x4b7: {  	v3 =	vand.u32 $0x7, v3;
	v4 =	vand.u32 $0xFFFFFF80, v61  }
0x4b8: {  	v3 =	vor.u32 v3, v4  }
0x4b9: {  	v4 =	vperm.xlane v3, v0;
	_ =	sdelay $0x1  }
0x4ba: {  	v4 =	vadd.s32 v1, v4;
	_ =	sdelay $0x3  }
0x4bb: {  	s1 =	simm.s32 $0x1000  }
0x4bc: {  	[hbm4b:s5+s3] =	stream.indirect_vreg.scatter [tilespmem:s1], [sflag:$0x2], $0x80, v4, vm0, $0xb8;
	[tilespmem:$0x11000] =	vst v63  }
0x4bd: {  	_ = 	snop  }
0x4be: {  	[hbm4b:s13+s3] =	stream.indirect_vreg.scatter [tilespmem:s4], [sflag:$0x2], $0x80, v4, vm0, $0xb8;
	[tilespmem:$0x11000] =	vst v63  }
0x4bf: {  	_ = 	snop  }
0x4c0: {  	[hbm4b:s14+s3] =	stream.indirect_vreg.scatter [tilespmem:s20], [sflag:$0x2], $0x80, v4, vm0, $0xb8;
	[tilespmem:$0x11000] =	vst v63  }
0x4c1: {  	_ = 	snop  }
0x4c2: {  	[hbm4b:s15+s3] =	stream.indirect_vreg.scatter [tilespmem:s21], [sflag:$0x2], $0x80, v4, vm0, $0xb8;
	[tilespmem:$0x11000] =	vst v63  }
0x4c3: {  	_ = 	snop  }
0x4c4: {  	[hbm4b:s16+s3] =	stream.indirect_vreg.scatter [tilespmem:s22], [sflag:$0x2], $0x80, v4, vm0, $0xb8;
	[tilespmem:$0x11000] =	vst v63  }
0x4c5: {  	v3 =	vperm.xlane v3, v2;
	s21 =	simm.s32 $0x3800  }
0x4c6: {  	[hbm4b:s17+s3] =	stream.indirect_vreg.scatter [tilespmem:s21], [sflag:$0x2], $0x80, v4, vm0, $0xb8;
	[tilespmem:$0x11000] =	vst v63  }
0x4c7: {  	v3 =	vadd.s32 v1, v3;
	s22 =	simm.s32 $0x4000  }
0x4c8: {  	[hbm4b:s18+s3] =	stream.indirect_vreg.scatter [tilespmem:s22], [sflag:$0x2], $0x80, v4, vm0, $0xb8;
	[tilespmem:$0x11000] =	vst v63  }
0x4c9: {  	_ = 	snop  }
0x4ca: {  	[hbm4b:s19+s3] =	stream.indirect_vreg.scatter [tilespmem:s2], [sflag:$0x2], $0x80, v4, vm0, $0xb8;
	[tilespmem:$0x11000] =	vst v63  }
0x4cb: {  	_ = 	snop  }
0x4cc: {  	[hbm4b:s5+s3] =	stream.indirect_vreg.scatter [tilespmem:s24], [sflag:$0x2], $0x80, v3, vm0, $0xb8;
	[tilespmem:$0x11000] =	vst v63  }
0x4cd: {  	_ = 	snop  }
0x4ce: {  	[hbm4b:s13+s3] =	stream.indirect_vreg.scatter [tilespmem:s25], [sflag:$0x2], $0x80, v3, vm0, $0xb8;
	[tilespmem:$0x11000] =	vst v63  }
0x4cf: {  	_ = 	snop  }
0x4d0: {  	[hbm4b:s14+s3] =	stream.indirect_vreg.scatter [tilespmem:s26], [sflag:$0x2], $0x80, v3, vm0, $0xb8;
	[tilespmem:$0x11000] =	vst v63  }
0x4d1: {  	_ = 	snop  }
0x4d2: {  	[hbm4b:s15+s3] =	stream.indirect_vreg.scatter [tilespmem:s28], [sflag:$0x2], $0x80, v3, vm0, $0xb8;
	[tilespmem:$0x11000] =	vst v63  }
0x4d3: {  	_ = 	snop  }
0x4d4: {  	[hbm4b:s16+s3] =	stream.indirect_vreg.scatter [tilespmem:s30], [sflag:$0x2], $0x80, v3, vm0, $0xb8;
	[tilespmem:$0x11000] =	vst v63  }
0x4d5: {  	_ = 	snop  }
0x4d6: {  	[hbm4b:s17+s3] =	stream.indirect_vreg.scatter [tilespmem:s31], [sflag:$0x2], $0x80, v3, vm0, $0xb8;
	[tilespmem:$0x11000] =	vst v63  }
0x4d7: {  	_ = 	snop  }
0x4d8: {  	[hbm4b:s18+s3] =	stream.indirect_vreg.scatter [tilespmem:s23], [sflag:$0x2], $0x80, v3, vm0, $0xb8;
	[tilespmem:$0x11000] =	vst v63  }
0x4d9: {  	s2 =	simm.s32 $0x8800  }
0x4da: {  	[hbm4b:s19+s3] =	stream.indirect_vreg.scatter [tilespmem:s2], [sflag:$0x2], $0x80, v3, vm0, $0xb8;
	[tilespmem:$0x11000] =	vst v63  }
0x4db: {  	_ =	swait.ge [sflag:s0], $0x8000  }
0x4dc: {  	[sflag:s0] =	ssyncset.done $0x0  }
0x4dd: {  	[sflag:s0] =	ssyncadd.s32 $0xFFFF8000  }
0x4de: {  	v3 =	vld [tilespmem:$0x780];
	_ =	sdelay $0x4  }
0x4df: {  	v62 =	vshll.u32 v3, $0x4  }
0x4e0: {  	v3 =	vand.u32 $0x7, v3;
	v4 =	vand.u32 $0xFFFFFF80, v62  }
0x4e1: {  	v3 =	vor.u32 v3, v4  }
0x4e2: {  	v4 =	vperm.xlane v3, v0;
	_ =	sdelay $0x1  }
0x4e3: {  	v4 =	vadd.s32 v1, v4;
	_ =	sdelay $0x3  }
0x4e4: {  	s31 =	simm.s32 $0x9000;
	s4 =	rddreg [dreg:$0x0]  }
0x4e5: {  	[tilespmem:s31], [sflag:$0x1] =	stream.indirect_vreg.gather [hbm4b:s4+s3], $0x80, v4, vm0, $0xb8;
	[tilespmem:$0x11000] =	vst v63  }
0x4e6: {  	s25 =	simm.s32 $0x9800  }
0x4e7: {  	[tilespmem:s25], [sflag:$0x1] =	stream.indirect_vreg.gather [hbm4b:s6+s3], $0x80, v4, vm0, $0xb8;
	[tilespmem:$0x11000] =	vst v63  }
0x4e8: {  	s30 =	simm.s32 $0xA000  }
0x4e9: {  	[tilespmem:s30], [sflag:$0x1] =	stream.indirect_vreg.gather [hbm4b:s7+s3], $0x80, v4, vm0, $0xb8;
	[tilespmem:$0x11000] =	vst v63  }
0x4ea: {  	s26 =	simm.s32 $0xA800  }
0x4eb: {  	[tilespmem:s26], [sflag:$0x1] =	stream.indirect_vreg.gather [hbm4b:s8+s3], $0x80, v4, vm0, $0xb8;
	[tilespmem:$0x11000] =	vst v63  }
0x4ec: {  	s24 =	simm.s32 $0xB000  }
0x4ed: {  	[tilespmem:s24], [sflag:$0x1] =	stream.indirect_vreg.gather [hbm4b:s9+s3], $0x80, v4, vm0, $0xb8;
	[tilespmem:$0x11000] =	vst v63  }
0x4ee: {  	s20 =	simm.s32 $0xB800;
	v3 =	vperm.xlane v3, v2  }
0x4ef: {  	[tilespmem:s20], [sflag:$0x1] =	stream.indirect_vreg.gather [hbm4b:s10+s3], $0x80, v4, vm0, $0xb8;
	[tilespmem:$0x11000] =	vst v63  }
0x4f0: {  	s28 =	simm.s32 $0xC000;
	v3 =	vadd.s32 v1, v3  }
0x4f1: {  	[tilespmem:s28], [sflag:$0x1] =	stream.indirect_vreg.gather [hbm4b:s11+s3], $0x80, v4, vm0, $0xb8;
	[tilespmem:$0x11000] =	vst v63  }
0x4f2: {  	s21 =	simm.s32 $0xC800  }
0x4f3: {  	[tilespmem:s21], [sflag:$0x1] =	stream.indirect_vreg.gather [hbm4b:s12+s3], $0x80, v4, vm0, $0xb8;
	[tilespmem:$0x11000] =	vst v63  }
0x4f4: {  	s1 =	simm.s32 $0xD000;
	s22 =	rddreg [dreg:$0x0]  }
0x4f5: {  	[tilespmem:s1], [sflag:$0x1] =	stream.indirect_vreg.gather [hbm4b:s22+s3], $0x80, v3, vm0, $0xb8;
	[tilespmem:$0x11000] =	vst v63  }
0x4f6: {  	s4 =	simm.s32 $0xD800  }
0x4f7: {  	[tilespmem:s4], [sflag:$0x1] =	stream.indirect_vreg.gather [hbm4b:s6+s3], $0x80, v3, vm0, $0xb8;
	[tilespmem:$0x11000] =	vst v63  }
0x4f8: {  	s23 =	simm.s32 $0xE000  }
0x4f9: {  	[tilespmem:s23], [sflag:$0x1] =	stream.indirect_vreg.gather [hbm4b:s7+s3], $0x80, v3, vm0, $0xb8;
	[tilespmem:$0x11000] =	vst v63  }
0x4fa: {  	s21 =	simm.s32 $0xE800  }
0x4fb: {  	[tilespmem:s21], [sflag:$0x1] =	stream.indirect_vreg.gather [hbm4b:s8+s3], $0x80, v3, vm0, $0xb8;
	[tilespmem:$0x11000] =	vst v63  }
0x4fc: {  	s20 =	simm.s32 $0xF000  }
0x4fd: {  	[tilespmem:s20], [sflag:$0x1] =	stream.indirect_vreg.gather [hbm4b:s9+s3], $0x80, v3, vm0, $0xb8;
	[tilespmem:$0x11000] =	vst v63  }
0x4fe: {  	s23 =	simm.s32 $0xF800  }
0x4ff: {  	[tilespmem:s23], [sflag:$0x1] =	stream.indirect_vreg.gather [hbm4b:s10+s3], $0x80, v3, vm0, $0xb8;
	[tilespmem:$0x11000] =	vst v63  }
0x500: {  	s22 =	simm.s32 $0x10000  }
0x501: {  	[tilespmem:s22], [sflag:$0x1] =	stream.indirect_vreg.gather [hbm4b:s11+s3], $0x80, v3, vm0, $0xb8;
	[tilespmem:$0x11000] =	vst v63  }
0x502: {  	s2 =	simm.s32 $0x10800  }
0x503: {  	[tilespmem:s2], [sflag:$0x1] =	stream.indirect_vreg.gather [hbm4b:s12+s3], $0x80, v3, vm0, $0xb8;
	[tilespmem:$0x11000] =	vst v63  }
0x504: {  	_ =	swait.ge [sflag:s29], $0x8000  }
0x505: {  	[sflag:s29] =	ssyncset.done $0x0  }
0x506: {  	[sflag:s29] =	ssyncadd.s32 $0xFFFF8000  }
0x507: {  	v3 =	vld [tilespmem:$0xF80];
	_ =	sdelay $0x4  }
0x508: {  	v63 =	vshll.u32 v3, $0x4  }
0x509: {  	v3 =	vand.u32 $0x7, v3;
	v4 =	vand.u32 $0xFFFFFF80, v63  }
0x50a: {  	v3 =	vor.u32 v3, v4  }
0x50b: {  	v4 =	vperm.xlane v3, v0;
	_ =	sdelay $0x1  }
0x50c: {  	v4 =	vadd.s32 v1, v4;
	_ =	sdelay $0x4  }
0x50d: {  	[hbm4b:s5+s3] =	stream.indirect_vreg.scatter [tilespmem:s31], [sflag:$0x2], $0x80, v4, vm0, $0xb8;
	[tilespmem:$0x11000] =	vst v63  }
0x50e: {  	_ = 	snop  }
0x50f: {  	[hbm4b:s13+s3] =	stream.indirect_vreg.scatter [tilespmem:s25], [sflag:$0x2], $0x80, v4, vm0, $0xb8;
	[tilespmem:$0x11000] =	vst v63  }
0x510: {  	_ = 	snop  }
0x511: {  	[hbm4b:s14+s3] =	stream.indirect_vreg.scatter [tilespmem:s30], [sflag:$0x2], $0x80, v4, vm0, $0xb8;
	[tilespmem:$0x11000] =	vst v63  }
0x512: {  	_ = 	snop  }
0x513: {  	[hbm4b:s15+s3] =	stream.indirect_vreg.scatter [tilespmem:s26], [sflag:$0x2], $0x80, v4, vm0, $0xb8;
	[tilespmem:$0x11000] =	vst v63  }
0x514: {  	_ = 	snop  }
0x515: {  	[hbm4b:s16+s3] =	stream.indirect_vreg.scatter [tilespmem:s24], [sflag:$0x2], $0x80, v4, vm0, $0xb8;
	[tilespmem:$0x11000] =	vst v63  }
0x516: {  	v3 =	vperm.xlane v3, v2;
	s25 =	simm.s32 $0xB800  }
0x517: {  	[hbm4b:s17+s3] =	stream.indirect_vreg.scatter [tilespmem:s25], [sflag:$0x2], $0x80, v4, vm0, $0xb8;
	[tilespmem:$0x11000] =	vst v63  }
0x518: {  	v3 =	vadd.s32 v1, v3  }
0x519: {  	[hbm4b:s18+s3] =	stream.indirect_vreg.scatter [tilespmem:s28], [sflag:$0x2], $0x80, v4, vm0, $0xb8;
	[tilespmem:$0x11000] =	vst v63  }
0x51a: {  	s26 =	simm.s32 $0xC800  }
0x51b: {  	[hbm4b:s19+s3] =	stream.indirect_vreg.scatter [tilespmem:s26], [sflag:$0x2], $0x80, v4, vm0, $0xb8;
	[tilespmem:$0x11000] =	vst v63  }
0x51c: {  	_ = 	snop  }
0x51d: {  	[hbm4b:s5+s3] =	stream.indirect_vreg.scatter [tilespmem:s1], [sflag:$0x2], $0x80, v3, vm0, $0xb8;
	[tilespmem:$0x11000] =	vst v63  }
0x51e: {  	_ = 	snop  }
0x51f: {  	[hbm4b:s13+s3] =	stream.indirect_vreg.scatter [tilespmem:s4], [sflag:$0x2], $0x80, v3, vm0, $0xb8;
	[tilespmem:$0x11000] =	vst v63  }
0x520: {  	s28 =	simm.s32 $0xE000  }
0x521: {  	[hbm4b:s14+s3] =	stream.indirect_vreg.scatter [tilespmem:s28], [sflag:$0x2], $0x80, v3, vm0, $0xb8;
	[tilespmem:$0x11000] =	vst v63  }
0x522: {  	_ = 	snop  }
0x523: {  	[hbm4b:s15+s3] =	stream.indirect_vreg.scatter [tilespmem:s21], [sflag:$0x2], $0x80, v3, vm0, $0xb8;
	[tilespmem:$0x11000] =	vst v63  }
0x524: {  	_ = 	snop  }
0x525: {  	[hbm4b:s16+s3] =	stream.indirect_vreg.scatter [tilespmem:s20], [sflag:$0x2], $0x80, v3, vm0, $0xb8;
	[tilespmem:$0x11000] =	vst v63  }
0x526: {  	_ = 	snop  }
0x527: {  	[hbm4b:s17+s3] =	stream.indirect_vreg.scatter [tilespmem:s23], [sflag:$0x2], $0x80, v3, vm0, $0xb8;
	[tilespmem:$0x11000] =	vst v63  }
0x528: {  	_ = 	snop  }
0x529: {  	[hbm4b:s18+s3] =	stream.indirect_vreg.scatter [tilespmem:s22], [sflag:$0x2], $0x80, v3, vm0, $0xb8;
	[tilespmem:$0x11000] =	vst v63  }
0x52a: {  	s30 =	simm.s32 $0x10800  }
0x52b: {  	[hbm4b:s19+s3] =	stream.indirect_vreg.scatter [tilespmem:s30], [sflag:$0x2], $0x80, v3, vm0, $0xb8;
	[tilespmem:$0x11000] =	vst v63  }
0x52c: {  	_ =	swait.ge [sflag:s0], $0x8000  }
0x52d: {  	[sflag:s0] =	ssyncset.done $0x0  }
0x52e: {  	[sflag:s0] =	ssyncadd.s32 $0xFFFF8000  }
0x52f: {  	_ =	swait.ge [sflag:s0], $0x8000  }
0x530: {  	s31 =	rddreg [dreg:$0x6]  }
0x531: {  	p0 =	sne.s32 s31, $0x1  }
.Ltmp0:
0x532: {  	_ = 	snop;
	(pc) =	sbr.rel @p0 .LBB2_1-.Ltmp0, $3  }
0x533: {  	_ =	sdelay $0x1  }
0x534: {  	[sflag:s0] =	ssyncset.done $0x0  }
0x535: {  	[sflag:s0] =	ssyncadd.s32 $0xFFFF8000;
	s1 =	sadd.s32 $0xFFFFFFFF, s31  }
0x536: {  	_ =	sfence.sel $0x180000  }
0x537: {  	[bflag:$0x0] =	sbarrier.arrive $0xFFFF  }
0x538: {  	_ =	strace $0x90000047  }
0x539: {  	s0 =	stileid.u32;
	[bflag:$0x2] =	sbarrier.arrive $0xFFFF  }
0x53a: {  	p0 =	sne.s32 s0, $0x0;
	s0 =	rddreg [dreg:$0x2]  }
0x53b: {  	s0 =	sadd.s32 @!p0 $0x100000, s0  }
0x53c: {  	[sflag:s0] =	ssyncadd.tile.s32 @!p0 $0x1;
	_ =	shalt  }
.Lfunc_end2:
_tile_overlayer_lowered:
.L_overlay_start_2:
0x53d: {  	(tag) =	ssettag $0x2  }
0x53e: {  	s0 =	rddreg [dreg:$0x0];
	s2 =	stileid.u32  }
0x53f: {  	s1 =	rddreg [dreg:$0x1];
	p0 =	sne.s32 s2, $0x0  }
0x540: {  	s3 =	rddreg [dreg:$0x2];
	[bflag:$0x3] =	sbarrier.arrive $0xFFFF;
	s2 =	simm.s32 @!p0 $0x1C03  }
0x541: {  	[timem:s3], [sflag:s2] =	dma.local @!p0 [hbm:s0], s1  }
0x542: {  	s0 =	simm.s32 @!p0 $0x3  }
0x543: {  	_ =	swait.ge @!p0 [sflag:s0], s1  }
0x544: {  	s1 =	ssub.s32 @!p0 $0x0, s1;
	[sflag:s0] =	ssyncset.done @!p0 $0x0  }
0x545: {  	[sflag:s0] =	ssyncadd.s32 @!p0 s1  }
0x546: {  	[bflag:$0x3] =	sbarrier.arrive $0xFFFF  }
0x547: {  	_ =	shalt  }

// kernel: kernel.8.cloned.1.call-start
scs
__scs_entry_jumppad:
0x0: {  	(pc) =	sbr.rel $0x88, $3  }
0x1: {  	(tag) =	ssettag $0x0;
	lr =	simm.s32 $0x1  }
0x2: {  	[smem:$0x3F9A] =	sst lr;
	_ =	strace $0xD0000000  }
0x3: {  	_ = 	snop  }
0x4: {  	_ = 	snop  }
0x5: {  	_ = 	snop  }
0x6: {  	_ = 	snop  }
0x7: {  	_ = 	snop  }
__scs_overlays_trampoline_lowered:
0x8: {  	[smem:$0x3FA9] =	sst s0  }
0x9: {  	[smem:$0x3FAA] =	sst s1  }
0xa: {  	[smem:$0x3FAB] =	sst s2  }
0xb: {  	[smem:$0x3FAC] =	sst s3  }
0xc: {  	[smem:$0x3FAD] =	sst s4  }
0xd: {  	[smem:$0x3FAE] =	sst s5  }
0xe: {  	[smem:$0x3FAF] =	sst s6  }
0xf: {  	[smem:$0x3FB0] =	sst s7  }
0x10: {  	[smem:$0x3FB1] =	sst s8  }
0x11: {  	[smem:$0x3FB2] =	sst s9;
	s0 =	simm.s32 @!p0 $0x0  }
0x12: {  	s1 =	sld [smem:$0x3F98];
	s0 =	simm.s32 @p0 $0x1  }
0x13: {  	[smem:$0x3FB3] =	sst s0;
	s0 =	simm.s32 @!p1 $0x0  }
0x14: {  	s2 =	sld [smem:$0x3F97];
	s0 =	simm.s32 @p1 $0x1  }
0x15: {  	[smem:$0x3FB4] =	sst s0;
	s0 =	simm.s32 @!p2 $0x0  }
0x16: {  	s3 =	sld [smem:$0x3FDB];
	s0 =	simm.s32 @p2 $0x1  }
0x17: {  	s4 =	simm.s32 $0x1BF5;
	[smem:$0x3FB6] =	sst s0  }
0x18: {  	s0 =	sld [smem:$0x3F99];
	_ =	swait.ge [sflag:s4], $0x0  }
0x19: {  	s7 =	sld [smem:$0x3F9A]  }
0x1a: {  	s8 =	sadd.s32 $0xFFFFE003, lr  }
0x1b: {  	s9 =	sadd.s32 $0xFFFFFEF7, lr;
	s5 =	simm.s32 $0xFFFFFFFF;
	p2 =	slt.u32 s8, $0xFFFFF086  }
0x1c: {  	p1 =	slt.u32 s9, $0xF7A;
	s5 =	simm.s32 @!p2 $0x0  }
0x1d: {  	s5 =	simm.s32 @p1 $0x1;
	p0 =	seq.s32 s7, s2  }
0x1e: {  	s7 =	smul.u32 @!p0 $0xF7A, s2;
	p2 =	seq.s32 @!p0 s5, $0x0  }
0x1f: {  	s9 =	smul.u32 $0xF7A, s1;
	s8 =	simm.s32 @!p0 $0x1BF5;
	p2 =	por !p2, p0  }
0x20: {  	[sflag:s8] =	ssyncset.s32 @!p0 $0xFFFFF086;
	s6 =	sadd.s32 @!p0 s3, s7;
	s7 =	simm.s32 @!p0 $0x108  }
0x21: {  	s3 =	sadd.s32 s3, s9;
	s6 =	sadd.s32 @!p0 $0x88, s6;
	s7 =	simm.s32 @p2 $0x1082  }
0x22: {  	[simem:s7], [sflag:s8] =	dma.local @!p0 [hbm:s6], $0xF7A  }
0x23: {  	s9 =	sor.u32 $0xD0000000, s2;
	s6 =	simm.s32 $0x108;
	_ =	swait.ge @!p0 [sflag:s8], $0x0  }
0x24: {  	s3 =	sadd.s32 $0x88, s3;
	s6 =	simm.s32 @!p1 $0x1082;
	[sflag:s4] =	ssyncset.s32 $0xFFFFF086  }
0x25: {  	[simem:s6], [sflag:s4] =	dma.local [hbm:s3], $0xF7A  }
0x26: {  	[smem:$0x3F9A] =	sst s1;
	(tag) =	ssettag s2;
	_ =	strace s9  }
0x27: {  	s1 =	sld [smem:$0x3FAA]  }
0x28: {  	s2 =	sld [smem:$0x3FAB]  }
0x29: {  	s4 =	sld [smem:$0x3FAD]  }
0x2a: {  	p0 =	seq.s32 s5, $0x0;
	s5 =	sld [smem:$0x3FAE]  }
0x2b: {  	s6 =	sld [smem:$0x3FAF]  }
0x2c: {  	s7 =	sld [smem:$0x3FB0]  }
0x2d: {  	s3 =	simm.s32 $0x108;
	s8 =	sld [smem:$0x3FB1]  }
0x2e: {  	s3 =	simm.s32 @!p0 $0x1082;
	s9 =	sld [smem:$0x3FB2]  }
0x2f: {  	lr =	sadd.s32 s0, s3;
	s0 =	sld [smem:$0x3FA9]  }
0x30: {  	s3 =	sld [smem:$0x3FAC]  }
0x31: {  	[smem:$0x3FB5] =	sst s10  }
0x32: {  	s10 =	sld [smem:$0x3FB3];
	_ =	sdelay $0x3  }
0x33: {  	p0 =	seq.s32 s10, $0x1;
	s10 =	sld [smem:$0x3FB5];
	_ =	sdelay $0x3  }
0x34: {  	[smem:$0x3FB5] =	sst s10  }
0x35: {  	s10 =	sld [smem:$0x3FB4];
	_ =	sdelay $0x3  }
0x36: {  	p1 =	seq.s32 s10, $0x1;
	s10 =	sld [smem:$0x3FB5];
	_ =	sdelay $0x3  }
0x37: {  	[smem:$0x3FB5] =	sst s10  }
0x38: {  	s10 =	sld [smem:$0x3FB6]  }
0x39: {  	_ = 	snop;
	(pc) =	sbr.ind lr, $3  }
0x3a: {  	_ = 	snop  }
0x3b: {  	_ = 	snop  }
0x3c: {  	p2 =	seq.s32 s10, $0x1;
	s10 =	sld [smem:$0x3FB5]  }
0x3d: {  	_ =	shalt  }
0x3e: {  	_ =	shalt  }
0x3f: {  	_ =	shalt  }
0x40: {  	_ =	shalt  }
0x41: {  	_ =	shalt  }
0x42: {  	_ =	shalt  }
0x43: {  	_ =	shalt  }
0x44: {  	_ =	shalt  }
0x45: {  	_ =	shalt  }
0x46: {  	_ =	shalt  }
0x47: {  	_ =	shalt  }
0x48: {  	_ =	shalt  }
0x49: {  	_ =	shalt  }
0x4a: {  	_ =	shalt  }
0x4b: {  	_ =	shalt  }
0x4c: {  	_ =	shalt  }
0x4d: {  	_ =	shalt  }
0x4e: {  	_ =	shalt  }
0x4f: {  	_ =	shalt  }
0x50: {  	_ =	shalt  }
0x51: {  	_ =	shalt  }
0x52: {  	_ =	shalt  }
0x53: {  	_ =	shalt  }
0x54: {  	_ =	shalt  }
0x55: {  	_ =	shalt  }
0x56: {  	_ =	shalt  }
0x57: {  	_ =	shalt  }
0x58: {  	_ =	shalt  }
0x59: {  	_ =	shalt  }
0x5a: {  	_ =	shalt  }
0x5b: {  	_ =	shalt  }
0x5c: {  	_ =	shalt  }
0x5d: {  	_ =	shalt  }
0x5e: {  	_ =	shalt  }
0x5f: {  	_ =	shalt  }
0x60: {  	_ =	shalt  }
0x61: {  	_ =	shalt  }
0x62: {  	_ =	shalt  }
0x63: {  	_ =	shalt  }
0x64: {  	_ =	shalt  }
0x65: {  	_ =	shalt  }
0x66: {  	_ =	shalt  }
0x67: {  	_ =	shalt  }
0x68: {  	_ =	shalt  }
0x69: {  	_ =	shalt  }
0x6a: {  	_ =	shalt  }
0x6b: {  	_ =	shalt  }
0x6c: {  	_ =	shalt  }
0x6d: {  	_ =	shalt  }
0x6e: {  	_ =	shalt  }
0x6f: {  	_ =	shalt  }
0x70: {  	_ =	shalt  }
0x71: {  	_ =	shalt  }
0x72: {  	_ =	shalt  }
0x73: {  	_ =	shalt  }
0x74: {  	_ =	shalt  }
0x75: {  	_ =	shalt  }
0x76: {  	_ =	shalt  }
0x77: {  	_ =	shalt  }
0x78: {  	_ =	shalt  }
0x79: {  	_ =	shalt  }
0x7a: {  	_ =	shalt  }
0x7b: {  	_ =	shalt  }
0x7c: {  	_ =	shalt  }
0x7d: {  	_ =	shalt  }
0x7e: {  	_ =	shalt  }
0x7f: {  	_ =	shalt  }
0x80: {  	_ =	shalt  }
0x81: {  	_ =	shalt  }
0x82: {  	_ =	shalt  }
0x83: {  	_ =	shalt  }
0x84: {  	_ =	shalt  }
0x85: {  	_ =	shalt  }
0x86: {  	_ =	shalt  }
0x87: {  	_ =	shalt  }
.Lfunc_end0:
.L_simem_size_0:
called_computation.1_lowered:
.L_overlay_start_0:
0x88: {  	s2 =	sld [smem:$0x3FD9]  }
0x89: {  	s3 =	sld [smem:$0x3FFE];
	_ =	sdelay $0x1  }
0x8a: {  	s1 =	srdreg.scid  }
0x8b: {  	s0 =	sand.u32 $0x1, s1  }
0x8c: {  	s17 =	sshll.u32 s0, $0xA;
	s2 =	sadd.s32 s3, s2  }
0x8d: {  	s2 =	sadd.s32 s2, s17  }
0x8e: {  	[smem:$0x3FC1] =	sst s2  }
0x8f: {  	_ = 	snop  }
0x90: {  	s2 =	sld [smem:$0x3FD0];
	(tm) =	ssettm $0x1  }
0x91: {  	s18 =	sld [smem:$0x3FFB];
	_ =	sdelay $0x3  }
0x92: {  	_ =	strace s18  }
0x93: {  	s3 =	sld [smem:$0x3FFC];
	_ =	sdelay $0x3  }
0x94: {  	_ =	strace s3  }
0x95: {  	s3 =	sld [smem:$0x3FFD];
	_ =	sdelay $0x3  }
0x96: {  	_ =	strace s3  }
0x97: {  	_ =	strace $0x8FFFFFFF  }
0x98: {  	s19 =	sld [smem:$0x3FDB];
	_ =	sdelay $0x1  }
0x99: {  	s4 =	simm.s32 $_scs_section_size  }
0x9a: {  	s5 =	simm.s32 $_size__tile_overlayer_lowered;
	s6 =	simm.s32 $_tile_overlayer_lowered  }
0x9b: {  	s22 =	simm.s32 $0x1BFF;
	s21 =	sshll.u32 s6, $0x1;
	s3 =	sadd.s32 s4, s19  }
0x9c: {  	s7 =	simm.s32 $0x0;
	s20 =	sshll.u32 s5, $0x1;
	s5 =	sadd.s32 s21, s3  }
0x9d: {  	[timem:s7], [sflag:s22] =	dma.local [hbm:s5], s20  }
0x9e: {  	_ =	swait.ge [sflag:s22], s20  }
0x9f: {  	s4 =	ssub.s32 $0x0, s20;
	[sflag:s22] =	ssyncset.done $0x0  }
0xa0: {  	[sflag:s22] =	ssyncadd.s32 s4;
	_ =	sdelay $0x1  }
0xa1: {  	s23 =	simm.s32 $0x1B8B  }
0xa2: {  	_ =	swait.ge [sflag:s23], $0x1  }
0xa3: {  	[sflag:s23] =	ssyncset.done $0x0  }
0xa4: {  	s25 =	simm.s32 $0x1B8E;
	s24 =	sld [smem:$0x3FFE];
	[sflag:s23] =	ssyncadd.s32 $0xFFFFFFFF  }
0xa5: {  	s26 =	simm.s32 $execute0_lowered;
	[smem:$0x3FD2] =	sst s25  }
0xa6: {  	s5 =	sshll.u32 s26, $0x1;
	_ =	strace $0x80000049;
	[dreg:$0x1] =	wrdreg $0xFFFFFFFF  }
0xa7: {  	s28 =	simm.s32 $_size_execute0_lowered;
	s3 =	sadd.s32 s3, s5;
	[dreg:$0x0] =	wrdreg $0x0  }
0xa8: {  	s5 =	sshll.u32 s28, $0x1;
	[dreg:$0x2] =	wrdreg s3  }
0xa9: {  	[dreg:$0x3] =	wrdreg s5  }
0xaa: {  	[dreg:$0x4] =	wrdreg $0xC0  }
0xab: {  	_ =	task [dreg:s7], $0x5FFFF  }
0xac: {  	[dreg:$0x1] =	wrdreg $0xFFFFFFFF  }
0xad: {  	[dreg:$0x0] =	wrdreg $0x60  }
0xae: {  	[dreg:$0x2] =	wrdreg s24  }
0xaf: {  	[dreg:$0x3] =	wrdreg s2  }
0xb0: {  	[dreg:$0x4] =	wrdreg $0x9  }
0xb1: {  	_ =	task.clear_ibuf [dreg:s7], $0x5FFFF;
	_ =	strace $0x90000049  }
0xb2: {  	s29 =	simm.s32 $0x9;
	_ =	strace $0x8000004B  }
0xb3: {  	_ =	swait.ge [sflag:s29], $0x1  }
0xb4: {  	[sflag:s29] =	ssyncadd.s32 $0xFFFFFFFF  }
0xb5: {  	_ =	strace $0x9000004B  }
0xb6: {  	_ =	sfence  }
0xb7: {  	s30 =	sld [smem:$0x0];
	_ =	sdelay $0x2  }
0xb8: {  	s31 =	sshll.u32 s1, $0xD;
	s1 =	sshrl.u32 s1, $0x2  }
0xb9: {  	s3 =	sand.u32 $0x4000, s31;
	s1 =	sadd.s32 s1, s30  }
0xba: {  	s0 =	sor.u32 s3, s0;
	s1 =	sshll.u32 s1, $0x11  }
0xbb: {  	s0 =	sor.u32 s1, s0  }
0xbc: {  	s0 =	sadd.s32 $0x8F2B, s0  }
0xbd: {  	[sflag:s0] =	ssyncadd.remote.s32 $0x1  }
0xbe: {  	_ =	sfence.sel $0xFFFF  }
0xbf: {  	[dreg:$0x0] =	wrdreg $0xFFFFFFFF;
	(pc) =	sbr.abs _section_cstart, $3  }
0xc0: {  	[dreg:$0x1] =	wrdreg $0xFFFFFFFF  }
0xc1: {  	_ =	task.clear_ibuf [dreg:s7], $0x2FFFF;
	_ =	strace $0x9FFFFFFF  }
0xc2: {  	(tm) =	ssettm $0x7FFFFFFF  }
0xc3: {  	_ =	shalt  }
tec
execute0_lowered:
.L_overlay_start_1:
0x0: {  	(tag) =	ssettag $0x1  }
0x1: {  	s0 =	rddreg [dreg:$0x0];
	s4 =	stileid.u32;
	s3 =	simm.s32 $0x0  }
0x2: {  	s31 =	simm.s32 $0x800;
	s4 =	sshll.u32 s4, $0x9;
	[smem:$0x7FF] =	sst s3  }
0x3: {  	s2 =	rddreg [dreg:$0x1];
	s6 =	sadd.s32 $0x224500, s0;
	s7 =	sadd.s32 $0x224600, s0  }
0x4: {  	s1 =	srdreg.scid;
	s8 =	sadd.s32 $0x224700, s0;
	s10 =	sadd.s32 $0x224900, s0  }
0x5: {  	s1 =	sand.u32 $0x1, s1;
	s11 =	sadd.s32 $0x224A00, s0;
	s12 =	sadd.s32 $0x224B00, s0  }
0x6: {  	s13 =	sadd.s32 $0x100, s2;
	s14 =	sadd.s32 $0x200, s2;
	s15 =	sadd.s32 $0x300, s2  }
0x7: {  	s16 =	sadd.s32 $0x400, s2;
	s17 =	sadd.s32 $0x500, s2;
	s18 =	sadd.s32 $0x600, s2  }
0x8: {  	s19 =	sadd.s32 $0x700, s2;
	s5 =	sshll.u32 s1, $0x8;
	_ =	strace $0x8000004A  }
0x9: {  	s1 =	ssub.s32 $0x2, s1;
	[dreg:$0x4] =	wrdreg s31;
	s5 =	sor.u32 s5, s4  }
0xa: {  	v2 =	vlaneseq.u32;
	s4 =	sadd.s32 $0x224400, s0;
	s9 =	sshrl.u32 s1, $0x1;
	s5 =	sadd.s32 s0, s5  }
0xb: {  	vm0 =	vmmov $0xffff;
	v1 =	vshrl.u32 v2, $0x3;
	s1 =	ssub.s32 s1, s9;
	[dreg:$0x5] =	wrdreg s5;
	s5 =	sadd.s32 $0x2000, s5  }
0xc: {  	v0 =	vand.u32 $0x7, v2;
	v2 =	vor.u32 $0x8, v2;
	v1 =	vmul.u32 $0x8, v1;
	s9 =	sadd.s32 $0x224800, s0;
	s1 =	smax.u32 s1, $0x1;
	[dreg:$0x3] =	wrdreg s5  }
.LBB2_1:
0xd: {  	[dreg:$0x6] =	wrdreg s1  }
0xe: {  	s30 =	rddreg [dreg:$0x3];
	s28 =	simm.s32 $0x3  }
0xf: {  	[tilespmem:s3], [sflag:$0x3] =	stream.linear.gather [hbm4b:s30+s3], $0x800, $0x38;
	[tilespmem:$0x11000] =	vst v63  }
0x10: {  	_ =	swait.ge [sflag:s28], $0x800  }
0x11: {  	s29 =	rddreg [dreg:$0x4];
	[sflag:s28] =	ssyncset.done $0x0  }
0x12: {  	s31 =	rddreg [dreg:$0x5];
	[sflag:s28] =	ssyncadd.s32 $0xFFFFF800  }
0x13: {  	[tilespmem:s29], [sflag:$0x3] =	stream.linear.gather [hbm4b:s31+s3], $0x800, $0x38;
	[tilespmem:$0x11000] =	vst v63  }
0x14: {  	_ =	swait.ge [sflag:s28], $0x800  }
0x15: {  	[sflag:s28] =	ssyncset.done $0x0  }
0x16: {  	[sflag:s28] =	ssyncadd.s32 $0xFFFFF800  }
0x17: {  	v3 =	vld [tilespmem:$0x0];
	_ =	sdelay $0x4  }
0x18: {  	v4 =	vshll.u32 v3, $0x4  }
0x19: {  	v3 =	vand.u32 $0x7, v3;
	v4 =	vand.u32 $0xFFFFFF80, v4  }
0x1a: {  	v3 =	vor.u32 v3, v4  }
0x1b: {  	v4 =	vperm.xlane v3, v0;
	_ =	sdelay $0x1  }
0x1c: {  	v4 =	vadd.s32 v1, v4;
	_ =	sdelay $0x3  }
0x1d: {  	s0 =	simm.s32 $0x1000  }
0x1e: {  	[tilespmem:s0], [sflag:$0x1] =	stream.indirect_vreg.gather [hbm4b:s4+s3], $0x80, v4, vm0, $0xb8;
	[tilespmem:$0x11000] =	vst v63  }
0x1f: {  	s30 =	simm.s32 $0x1800  }
0x20: {  	[tilespmem:s30], [sflag:$0x1] =	stream.indirect_vreg.gather [hbm4b:s6+s3], $0x80, v4, vm0, $0xb8;
	[tilespmem:$0x11000] =	vst v63  }
0x21: {  	s31 =	simm.s32 $0x2000  }
0x22: {  	[tilespmem:s31], [sflag:$0x1] =	stream.indirect_vreg.gather [hbm4b:s7+s3], $0x80, v4, vm0, $0xb8;
	[tilespmem:$0x11000] =	vst v63  }
0x23: {  	s1 =	simm.s32 $0x2800  }
0x24: {  	[tilespmem:s1], [sflag:$0x1] =	stream.indirect_vreg.gather [hbm4b:s8+s3], $0x80, v4, vm0, $0xb8;
	[tilespmem:$0x11000] =	vst v63  }
0x25: {  	s2 =	simm.s32 $0x3000  }
0x26: {  	[tilespmem:s2], [sflag:$0x1] =	stream.indirect_vreg.gather [hbm4b:s9+s3], $0x80, v4, vm0, $0xb8;
	[tilespmem:$0x11000] =	vst v63  }
0x27: {  	s5 =	simm.s32 $0x3800;
	v3 =	vperm.xlane v3, v2  }
0x28: {  	[tilespmem:s5], [sflag:$0x1] =	stream.indirect_vreg.gather [hbm4b:s10+s3], $0x80, v4, vm0, $0xb8;
	[tilespmem:$0x11000] =	vst v63  }
0x29: {  	s22 =	simm.s32 $0x4000;
	v3 =	vadd.s32 v1, v3  }
0x2a: {  	[tilespmem:s22], [sflag:$0x1] =	stream.indirect_vreg.gather [hbm4b:s11+s3], $0x80, v4, vm0, $0xb8;
	[tilespmem:$0x11000] =	vst v63  }
0x2b: {  	s23 =	simm.s32 $0x4800  }
0x2c: {  	[tilespmem:s23], [sflag:$0x1] =	stream.indirect_vreg.gather [hbm4b:s12+s3], $0x80, v4, vm0, $0xb8;
	[tilespmem:$0x11000] =	vst v63  }
0x2d: {  	s25 =	simm.s32 $0x5000  }
0x2e: {  	[tilespmem:s25], [sflag:$0x1] =	stream.indirect_vreg.gather [hbm4b:s4+s3], $0x80, v3, vm0, $0xb8;
	[tilespmem:$0x11000] =	vst v63  }
0x2f: {  	s26 =	simm.s32 $0x5800  }
0x30: {  	[tilespmem:s26], [sflag:$0x1] =	stream.indirect_vreg.gather [hbm4b:s6+s3], $0x80, v3, vm0, $0xb8;
	[tilespmem:$0x11000] =	vst v63  }
0x31: {  	s28 =	simm.s32 $0x6000  }
0x32: {  	[tilespmem:s28], [sflag:$0x1] =	stream.indirect_vreg.gather [hbm4b:s7+s3], $0x80, v3, vm0, $0xb8;
	[tilespmem:$0x11000] =	vst v63  }
0x33: {  	s30 =	simm.s32 $0x6800  }
0x34: {  	[tilespmem:s30], [sflag:$0x1] =	stream.indirect_vreg.gather [hbm4b:s8+s3], $0x80, v3, vm0, $0xb8;
	[tilespmem:$0x11000] =	vst v63  }
0x35: {  	s31 =	simm.s32 $0x7000  }
0x36: {  	[tilespmem:s31], [sflag:$0x1] =	stream.indirect_vreg.gather [hbm4b:s9+s3], $0x80, v3, vm0, $0xb8;
	[tilespmem:$0x11000] =	vst v63  }
0x37: {  	s1 =	simm.s32 $0x7800  }
0x38: {  	[tilespmem:s1], [sflag:$0x1] =	stream.indirect_vreg.gather [hbm4b:s10+s3], $0x80, v3, vm0, $0xb8;
	[tilespmem:$0x11000] =	vst v63  }
0x39: {  	s1 =	simm.s32 $0x8000  }
0x3a: {  	[tilespmem:s1], [sflag:$0x1] =	stream.indirect_vreg.gather [hbm4b:s11+s3], $0x80, v3, vm0, $0xb8;
	[tilespmem:$0x11000] =	vst v63  }
0x3b: {  	s1 =	simm.s32 $0x8800  }
0x3c: {  	[tilespmem:s1], [sflag:$0x1] =	stream.indirect_vreg.gather [hbm4b:s12+s3], $0x80, v3, vm0, $0xb8;
	[tilespmem:$0x11000] =	vst v63  }
0x3d: {  	s1 =	simm.s32 $0x1  }
0x3e: {  	_ =	swait.ge [sflag:s1], $0x8000  }
0x3f: {  	[sflag:s1] =	ssyncset.done $0x0  }
0x40: {  	[sflag:s1] =	ssyncadd.s32 $0xFFFF8000  }
0x41: {  	v3 =	vld [tilespmem:$0x800];
	_ =	sdelay $0x4  }
0x42: {  	v33 =	vshll.u32 v3, $0x4  }
0x43: {  	v3 =	vand.u32 $0x7, v3;
	v4 =	vand.u32 $0xFFFFFF80, v33  }
0x44: {  	v3 =	vor.u32 v3, v4  }
0x45: {  	v4 =	vperm.xlane v3, v0;
	_ =	sdelay $0x1  }
0x46: {  	v4 =	vadd.s32 v1, v4;
	_ =	sdelay $0x3  }
0x47: {  	s24 =	simm.s32 $0x1000;
	s1 =	rddreg [dreg:$0x1]  }
0x48: {  	[hbm4b:s1+s3] =	stream.indirect_vreg.scatter [tilespmem:s24], [sflag:$0x2], $0x80, v4, vm0, $0xb8;
	[tilespmem:$0x11000] =	vst v63  }
0x49: {  	s29 =	simm.s32 $0x1800  }
0x4a: {  	[hbm4b:s13+s3] =	stream.indirect_vreg.scatter [tilespmem:s29], [sflag:$0x2], $0x80, v4, vm0, $0xb8;
	[tilespmem:$0x11000] =	vst v63  }
0x4b: {  	s20 =	simm.s32 $0x2000  }
0x4c: {  	[hbm4b:s14+s3] =	stream.indirect_vreg.scatter [tilespmem:s20], [sflag:$0x2], $0x80, v4, vm0, $0xb8;
	[tilespmem:$0x11000] =	vst v63  }
0x4d: {  	s21 =	simm.s32 $0x2800  }
0x4e: {  	[hbm4b:s15+s3] =	stream.indirect_vreg.scatter [tilespmem:s21], [sflag:$0x2], $0x80, v4, vm0, $0xb8;
	[tilespmem:$0x11000] =	vst v63  }
0x4f: {  	s2 =	simm.s32 $0x3000  }
0x50: {  	[hbm4b:s16+s3] =	stream.indirect_vreg.scatter [tilespmem:s2], [sflag:$0x2], $0x80, v4, vm0, $0xb8;
	[tilespmem:$0x11000] =	vst v63  }
0x51: {  	s5 =	simm.s32 $0x3800;
	v3 =	vperm.xlane v3, v2  }
0x52: {  	[hbm4b:s17+s3] =	stream.indirect_vreg.scatter [tilespmem:s5], [sflag:$0x2], $0x80, v4, vm0, $0xb8;
	[tilespmem:$0x11000] =	vst v63  }
0x53: {  	s22 =	simm.s32 $0x4000;
	v3 =	vadd.s32 v1, v3  }
0x54: {  	[hbm4b:s18+s3] =	stream.indirect_vreg.scatter [tilespmem:s22], [sflag:$0x2], $0x80, v4, vm0, $0xb8;
	[tilespmem:$0x11000] =	vst v63  }
0x55: {  	s23 =	simm.s32 $0x4800  }
0x56: {  	[hbm4b:s19+s3] =	stream.indirect_vreg.scatter [tilespmem:s23], [sflag:$0x2], $0x80, v4, vm0, $0xb8;
	[tilespmem:$0x11000] =	vst v63  }
0x57: {  	s25 =	simm.s32 $0x5000  }
0x58: {  	[hbm4b:s1+s3] =	stream.indirect_vreg.scatter [tilespmem:s25], [sflag:$0x2], $0x80, v3, vm0, $0xb8;
	[tilespmem:$0x11000] =	vst v63  }
0x59: {  	s26 =	simm.s32 $0x5800  }
0x5a: {  	[hbm4b:s13+s3] =	stream.indirect_vreg.scatter [tilespmem:s26], [sflag:$0x2], $0x80, v3, vm0, $0xb8;
	[tilespmem:$0x11000] =	vst v63  }
0x5b: {  	s28 =	simm.s32 $0x6000  }
0x5c: {  	[hbm4b:s14+s3] =	stream.indirect_vreg.scatter [tilespmem:s28], [sflag:$0x2], $0x80, v3, vm0, $0xb8;
	[tilespmem:$0x11000] =	vst v63  }
0x5d: {  	s30 =	simm.s32 $0x6800  }
0x5e: {  	[hbm4b:s15+s3] =	stream.indirect_vreg.scatter [tilespmem:s30], [sflag:$0x2], $0x80, v3, vm0, $0xb8;
	[tilespmem:$0x11000] =	vst v63  }
0x5f: {  	s31 =	simm.s32 $0x7000  }
0x60: {  	[hbm4b:s16+s3] =	stream.indirect_vreg.scatter [tilespmem:s31], [sflag:$0x2], $0x80, v3, vm0, $0xb8;
	[tilespmem:$0x11000] =	vst v63  }
0x61: {  	s29 =	simm.s32 $0x7800  }
0x62: {  	[hbm4b:s17+s3] =	stream.indirect_vreg.scatter [tilespmem:s29], [sflag:$0x2], $0x80, v3, vm0, $0xb8;
	[tilespmem:$0x11000] =	vst v63  }
0x63: {  	s30 =	simm.s32 $0x8000  }
0x64: {  	[hbm4b:s18+s3] =	stream.indirect_vreg.scatter [tilespmem:s30], [sflag:$0x2], $0x80, v3, vm0, $0xb8;
	[tilespmem:$0x11000] =	vst v63  }
0x65: {  	s0 =	simm.s32 $0x8800  }
0x66: {  	[hbm4b:s19+s3] =	stream.indirect_vreg.scatter [tilespmem:s0], [sflag:$0x2], $0x80, v3, vm0, $0xb8;
	[tilespmem:$0x11000] =	vst v63  }
0x67: {  	v3 =	vld [tilespmem:$0x80];
	_ =	sdelay $0x4  }
0x68: {  	v34 =	vshll.u32 v3, $0x4  }
0x69: {  	v3 =	vand.u32 $0x7, v3;
	v4 =	vand.u32 $0xFFFFFF80, v34  }
0x6a: {  	v3 =	vor.u32 v3, v4  }
0x6b: {  	v4 =	vperm.xlane v3, v0;
	_ =	sdelay $0x1  }
0x6c: {  	v4 =	vadd.s32 v1, v4;
	_ =	sdelay $0x3  }
0x6d: {  	s31 =	simm.s32 $0x9000  }
0x6e: {  	[tilespmem:s31], [sflag:$0x1] =	stream.indirect_vreg.gather [hbm4b:s4+s3], $0x80, v4, vm0, $0xb8;
	[tilespmem:$0x11000] =	vst v63  }
0x6f: {  	s2 =	simm.s32 $0x9800  }
0x70: {  	[tilespmem:s2], [sflag:$0x1] =	stream.indirect_vreg.gather [hbm4b:s6+s3], $0x80, v4, vm0, $0xb8;
	[tilespmem:$0x11000] =	vst v63  }
0x71: {  	s5 =	simm.s32 $0xA000  }
0x72: {  	[tilespmem:s5], [sflag:$0x1] =	stream.indirect_vreg.gather [hbm4b:s7+s3], $0x80, v4, vm0, $0xb8;
	[tilespmem:$0x11000] =	vst v63  }
0x73: {  	s20 =	simm.s32 $0xA800  }
0x74: {  	[tilespmem:s20], [sflag:$0x1] =	stream.indirect_vreg.gather [hbm4b:s8+s3], $0x80, v4, vm0, $0xb8;
	[tilespmem:$0x11000] =	vst v63  }
0x75: {  	s21 =	simm.s32 $0xB000  }
0x76: {  	[tilespmem:s21], [sflag:$0x1] =	stream.indirect_vreg.gather [hbm4b:s9+s3], $0x80, v4, vm0, $0xb8;
	[tilespmem:$0x11000] =	vst v63  }
0x77: {  	s22 =	simm.s32 $0xB800;
	v3 =	vperm.xlane v3, v2  }
0x78: {  	[tilespmem:s22], [sflag:$0x1] =	stream.indirect_vreg.gather [hbm4b:s10+s3], $0x80, v4, vm0, $0xb8;
	[tilespmem:$0x11000] =	vst v63  }
0x79: {  	s23 =	simm.s32 $0xC000;
	v3 =	vadd.s32 v1, v3  }
0x7a: {  	[tilespmem:s23], [sflag:$0x1] =	stream.indirect_vreg.gather [hbm4b:s11+s3], $0x80, v4, vm0, $0xb8;
	[tilespmem:$0x11000] =	vst v63  }
0x7b: {  	s24 =	simm.s32 $0xC800  }
0x7c: {  	[tilespmem:s24], [sflag:$0x1] =	stream.indirect_vreg.gather [hbm4b:s12+s3], $0x80, v4, vm0, $0xb8;
	[tilespmem:$0x11000] =	vst v63  }
0x7d: {  	s25 =	simm.s32 $0xD000  }
0x7e: {  	[tilespmem:s25], [sflag:$0x1] =	stream.indirect_vreg.gather [hbm4b:s4+s3], $0x80, v3, vm0, $0xb8;
	[tilespmem:$0x11000] =	vst v63  }
0x7f: {  	s26 =	simm.s32 $0xD800  }
0x80: {  	[tilespmem:s26], [sflag:$0x1] =	stream.indirect_vreg.gather [hbm4b:s6+s3], $0x80, v3, vm0, $0xb8;
	[tilespmem:$0x11000] =	vst v63  }
0x81: {  	s28 =	simm.s32 $0xE000  }
0x82: {  	[tilespmem:s28], [sflag:$0x1] =	stream.indirect_vreg.gather [hbm4b:s7+s3], $0x80, v3, vm0, $0xb8;
	[tilespmem:$0x11000] =	vst v63  }
0x83: {  	s31 =	simm.s32 $0xE800  }
0x84: {  	[tilespmem:s31], [sflag:$0x1] =	stream.indirect_vreg.gather [hbm4b:s8+s3], $0x80, v3, vm0, $0xb8;
	[tilespmem:$0x11000] =	vst v63  }
0x85: {  	s2 =	simm.s32 $0xF000  }
0x86: {  	[tilespmem:s2], [sflag:$0x1] =	stream.indirect_vreg.gather [hbm4b:s9+s3], $0x80, v3, vm0, $0xb8;
	[tilespmem:$0x11000] =	vst v63  }
0x87: {  	s24 =	simm.s32 $0xF800  }
0x88: {  	[tilespmem:s24], [sflag:$0x1] =	stream.indirect_vreg.gather [hbm4b:s10+s3], $0x80, v3, vm0, $0xb8;
	[tilespmem:$0x11000] =	vst v63  }
0x89: {  	s2 =	simm.s32 $0x10000  }
0x8a: {  	[tilespmem:s2], [sflag:$0x1] =	stream.indirect_vreg.gather [hbm4b:s11+s3], $0x80, v3, vm0, $0xb8;
	[tilespmem:$0x11000] =	vst v63  }
0x8b: {  	s0 =	simm.s32 $0x1;
	s24 =	simm.s32 $0x10800  }
0x8c: {  	[tilespmem:s24], [sflag:$0x1] =	stream.indirect_vreg.gather [hbm4b:s12+s3], $0x80, v3, vm0, $0xb8;
	[tilespmem:$0x11000] =	vst v63  }
0x8d: {  	_ =	swait.ge [sflag:s0], $0x8000  }
0x8e: {  	[sflag:s0] =	ssyncset.done $0x0  }
0x8f: {  	[sflag:s0] =	ssyncadd.s32 $0xFFFF8000  }
0x90: {  	v3 =	vld [tilespmem:$0x880];
	_ =	sdelay $0x4  }
0x91: {  	v35 =	vshll.u32 v3, $0x4  }
0x92: {  	v3 =	vand.u32 $0x7, v3;
	v4 =	vand.u32 $0xFFFFFF80, v35  }
0x93: {  	v3 =	vor.u32 v3, v4  }
0x94: {  	v4 =	vperm.xlane v3, v0;
	_ =	sdelay $0x1  }
0x95: {  	v4 =	vadd.s32 v1, v4;
	_ =	sdelay $0x3  }
0x96: {  	s29 =	simm.s32 $0x9000  }
0x97: {  	[hbm4b:s1+s3] =	stream.indirect_vreg.scatter [tilespmem:s29], [sflag:$0x2], $0x80, v4, vm0, $0xb8;
	[tilespmem:$0x11000] =	vst v63  }
0x98: {  	s2 =	simm.s32 $0x9800  }
0x99: {  	[hbm4b:s13+s3] =	stream.indirect_vreg.scatter [tilespmem:s2], [sflag:$0x2], $0x80, v4, vm0, $0xb8;
	[tilespmem:$0x11000] =	vst v63  }
0x9a: {  	s30 =	simm.s32 $0xA000  }
0x9b: {  	[hbm4b:s14+s3] =	stream.indirect_vreg.scatter [tilespmem:s30], [sflag:$0x2], $0x80, v4, vm0, $0xb8;
	[tilespmem:$0x11000] =	vst v63  }
0x9c: {  	s29 =	simm.s32 $0xA800  }
0x9d: {  	[hbm4b:s15+s3] =	stream.indirect_vreg.scatter [tilespmem:s29], [sflag:$0x2], $0x80, v4, vm0, $0xb8;
	[tilespmem:$0x11000] =	vst v63  }
0x9e: {  	s5 =	simm.s32 $0xB000  }
0x9f: {  	[hbm4b:s16+s3] =	stream.indirect_vreg.scatter [tilespmem:s5], [sflag:$0x2], $0x80, v4, vm0, $0xb8;
	[tilespmem:$0x11000] =	vst v63  }
0xa0: {  	s20 =	simm.s32 $0xB800;
	v3 =	vperm.xlane v3, v2  }
0xa1: {  	[hbm4b:s17+s3] =	stream.indirect_vreg.scatter [tilespmem:s20], [sflag:$0x2], $0x80, v4, vm0, $0xb8;
	[tilespmem:$0x11000] =	vst v63  }
0xa2: {  	s21 =	simm.s32 $0xC000;
	v3 =	vadd.s32 v1, v3  }
0xa3: {  	[hbm4b:s18+s3] =	stream.indirect_vreg.scatter [tilespmem:s21], [sflag:$0x2], $0x80, v4, vm0, $0xb8;
	[tilespmem:$0x11000] =	vst v63  }
0xa4: {  	s23 =	simm.s32 $0xC800  }
0xa5: {  	[hbm4b:s19+s3] =	stream.indirect_vreg.scatter [tilespmem:s23], [sflag:$0x2], $0x80, v4, vm0, $0xb8;
	[tilespmem:$0x11000] =	vst v63  }
0xa6: {  	s22 =	simm.s32 $0xD000  }
0xa7: {  	[hbm4b:s1+s3] =	stream.indirect_vreg.scatter [tilespmem:s22], [sflag:$0x2], $0x80, v3, vm0, $0xb8;
	[tilespmem:$0x11000] =	vst v63  }
0xa8: {  	s26 =	simm.s32 $0xD800  }
0xa9: {  	[hbm4b:s13+s3] =	stream.indirect_vreg.scatter [tilespmem:s26], [sflag:$0x2], $0x80, v3, vm0, $0xb8;
	[tilespmem:$0x11000] =	vst v63  }
0xaa: {  	s25 =	simm.s32 $0xE000  }
0xab: {  	[hbm4b:s14+s3] =	stream.indirect_vreg.scatter [tilespmem:s25], [sflag:$0x2], $0x80, v3, vm0, $0xb8;
	[tilespmem:$0x11000] =	vst v63  }
0xac: {  	s31 =	simm.s32 $0xE800  }
0xad: {  	[hbm4b:s15+s3] =	stream.indirect_vreg.scatter [tilespmem:s31], [sflag:$0x2], $0x80, v3, vm0, $0xb8;
	[tilespmem:$0x11000] =	vst v63  }
0xae: {  	s28 =	simm.s32 $0xF000  }
0xaf: {  	[hbm4b:s16+s3] =	stream.indirect_vreg.scatter [tilespmem:s28], [sflag:$0x2], $0x80, v3, vm0, $0xb8;
	[tilespmem:$0x11000] =	vst v63  }
0xb0: {  	s30 =	simm.s32 $0xF800  }
0xb1: {  	[hbm4b:s17+s3] =	stream.indirect_vreg.scatter [tilespmem:s30], [sflag:$0x2], $0x80, v3, vm0, $0xb8;
	[tilespmem:$0x11000] =	vst v63  }
0xb2: {  	s31 =	simm.s32 $0x10000  }
0xb3: {  	[hbm4b:s18+s3] =	stream.indirect_vreg.scatter [tilespmem:s31], [sflag:$0x2], $0x80, v3, vm0, $0xb8;
	[tilespmem:$0x11000] =	vst v63  }
0xb4: {  	s24 =	simm.s32 $0x10800;
	s29 =	simm.s32 $0x2  }
0xb5: {  	[hbm4b:s19+s3] =	stream.indirect_vreg.scatter [tilespmem:s24], [sflag:$0x2], $0x80, v3, vm0, $0xb8;
	[tilespmem:$0x11000] =	vst v63  }
0xb6: {  	_ =	swait.ge [sflag:s29], $0x8000  }
0xb7: {  	[sflag:s29] =	ssyncset.done $0x0  }
0xb8: {  	[sflag:s29] =	ssyncadd.s32 $0xFFFF8000  }
0xb9: {  	v3 =	vld [tilespmem:$0x100];
	_ =	sdelay $0x4  }
0xba: {  	v36 =	vshll.u32 v3, $0x4  }
0xbb: {  	v3 =	vand.u32 $0x7, v3;
	v4 =	vand.u32 $0xFFFFFF80, v36  }
0xbc: {  	v3 =	vor.u32 v3, v4  }
0xbd: {  	v4 =	vperm.xlane v3, v0;
	_ =	sdelay $0x1  }
0xbe: {  	v4 =	vadd.s32 v1, v4;
	_ =	sdelay $0x3  }
0xbf: {  	s23 =	simm.s32 $0x1000  }
0xc0: {  	[tilespmem:s23], [sflag:$0x1] =	stream.indirect_vreg.gather [hbm4b:s4+s3], $0x80, v4, vm0, $0xb8;
	[tilespmem:$0x11000] =	vst v63  }
0xc1: {  	s2 =	simm.s32 $0x1800  }
0xc2: {  	[tilespmem:s2], [sflag:$0x1] =	stream.indirect_vreg.gather [hbm4b:s6+s3], $0x80, v4, vm0, $0xb8;
	[tilespmem:$0x11000] =	vst v63  }
0xc3: {  	s24 =	simm.s32 $0x2000  }
0xc4: {  	[tilespmem:s24], [sflag:$0x1] =	stream.indirect_vreg.gather [hbm4b:s7+s3], $0x80, v4, vm0, $0xb8;
	[tilespmem:$0x11000] =	vst v63  }
0xc5: {  	s25 =	simm.s32 $0x2800  }
0xc6: {  	[tilespmem:s25], [sflag:$0x1] =	stream.indirect_vreg.gather [hbm4b:s8+s3], $0x80, v4, vm0, $0xb8;
	[tilespmem:$0x11000] =	vst v63  }
0xc7: {  	s21 =	simm.s32 $0x3000  }
0xc8: {  	[tilespmem:s21], [sflag:$0x1] =	stream.indirect_vreg.gather [hbm4b:s9+s3], $0x80, v4, vm0, $0xb8;
	[tilespmem:$0x11000] =	vst v63  }
0xc9: {  	s22 =	simm.s32 $0x3800;
	v3 =	vperm.xlane v3, v2  }
0xca: {  	[tilespmem:s22], [sflag:$0x1] =	stream.indirect_vreg.gather [hbm4b:s10+s3], $0x80, v4, vm0, $0xb8;
	[tilespmem:$0x11000] =	vst v63  }
0xcb: {  	s26 =	simm.s32 $0x4000;
	v3 =	vadd.s32 v1, v3  }
0xcc: {  	[tilespmem:s26], [sflag:$0x1] =	stream.indirect_vreg.gather [hbm4b:s11+s3], $0x80, v4, vm0, $0xb8;
	[tilespmem:$0x11000] =	vst v63  }
0xcd: {  	s28 =	simm.s32 $0x4800  }
0xce: {  	[tilespmem:s28], [sflag:$0x1] =	stream.indirect_vreg.gather [hbm4b:s12+s3], $0x80, v4, vm0, $0xb8;
	[tilespmem:$0x11000] =	vst v63  }
0xcf: {  	s30 =	simm.s32 $0x5000  }
0xd0: {  	[tilespmem:s30], [sflag:$0x1] =	stream.indirect_vreg.gather [hbm4b:s4+s3], $0x80, v3, vm0, $0xb8;
	[tilespmem:$0x11000] =	vst v63  }
0xd1: {  	s31 =	simm.s32 $0x5800  }
0xd2: {  	[tilespmem:s31], [sflag:$0x1] =	stream.indirect_vreg.gather [hbm4b:s6+s3], $0x80, v3, vm0, $0xb8;
	[tilespmem:$0x11000] =	vst v63  }
0xd3: {  	s1 =	simm.s32 $0x6000  }
0xd4: {  	[tilespmem:s1], [sflag:$0x1] =	stream.indirect_vreg.gather [hbm4b:s7+s3], $0x80, v3, vm0, $0xb8;
	[tilespmem:$0x11000] =	vst v63  }
0xd5: {  	s5 =	simm.s32 $0x6800  }
0xd6: {  	[tilespmem:s5], [sflag:$0x1] =	stream.indirect_vreg.gather [hbm4b:s8+s3], $0x80, v3, vm0, $0xb8;
	[tilespmem:$0x11000] =	vst v63  }
0xd7: {  	s20 =	simm.s32 $0x7000  }
0xd8: {  	[tilespmem:s20], [sflag:$0x1] =	stream.indirect_vreg.gather [hbm4b:s9+s3], $0x80, v3, vm0, $0xb8;
	[tilespmem:$0x11000] =	vst v63  }
0xd9: {  	s5 =	simm.s32 $0x7800  }
0xda: {  	[tilespmem:s5], [sflag:$0x1] =	stream.indirect_vreg.gather [hbm4b:s10+s3], $0x80, v3, vm0, $0xb8;
	[tilespmem:$0x11000] =	vst v63  }
0xdb: {  	s20 =	simm.s32 $0x8000  }
0xdc: {  	[tilespmem:s20], [sflag:$0x1] =	stream.indirect_vreg.gather [hbm4b:s11+s3], $0x80, v3, vm0, $0xb8;
	[tilespmem:$0x11000] =	vst v63  }
0xdd: {  	s1 =	simm.s32 $0x8800  }
0xde: {  	[tilespmem:s1], [sflag:$0x1] =	stream.indirect_vreg.gather [hbm4b:s12+s3], $0x80, v3, vm0, $0xb8;
	[tilespmem:$0x11000] =	vst v63  }
0xdf: {  	s1 =	simm.s32 $0x1  }
0xe0: {  	_ =	swait.ge [sflag:s1], $0x8000  }
0xe1: {  	[sflag:s1] =	ssyncset.done $0x0  }
0xe2: {  	[sflag:s1] =	ssyncadd.s32 $0xFFFF8000  }
0xe3: {  	v3 =	vld [tilespmem:$0x900];
	_ =	sdelay $0x4  }
0xe4: {  	v37 =	vshll.u32 v3, $0x4  }
0xe5: {  	v3 =	vand.u32 $0x7, v3;
	v4 =	vand.u32 $0xFFFFFF80, v37  }
0xe6: {  	v3 =	vor.u32 v3, v4  }
0xe7: {  	v4 =	vperm.xlane v3, v0;
	_ =	sdelay $0x1  }
0xe8: {  	v4 =	vadd.s32 v1, v4;
	_ =	sdelay $0x3  }
0xe9: {  	s0 =	rddreg [dreg:$0x1]  }
0xea: {  	[hbm4b:s0+s3] =	stream.indirect_vreg.scatter [tilespmem:s23], [sflag:$0x2], $0x80, v4, vm0, $0xb8;
	[tilespmem:$0x11000] =	vst v63  }
0xeb: {  	_ = 	snop  }
0xec: {  	[hbm4b:s13+s3] =	stream.indirect_vreg.scatter [tilespmem:s2], [sflag:$0x2], $0x80, v4, vm0, $0xb8;
	[tilespmem:$0x11000] =	vst v63  }
0xed: {  	_ = 	snop  }
0xee: {  	[hbm4b:s14+s3] =	stream.indirect_vreg.scatter [tilespmem:s24], [sflag:$0x2], $0x80, v4, vm0, $0xb8;
	[tilespmem:$0x11000] =	vst v63  }
0xef: {  	_ = 	snop  }
0xf0: {  	[hbm4b:s15+s3] =	stream.indirect_vreg.scatter [tilespmem:s25], [sflag:$0x2], $0x80, v4, vm0, $0xb8;
	[tilespmem:$0x11000] =	vst v63  }
0xf1: {  	_ = 	snop  }
0xf2: {  	[hbm4b:s16+s3] =	stream.indirect_vreg.scatter [tilespmem:s21], [sflag:$0x2], $0x80, v4, vm0, $0xb8;
	[tilespmem:$0x11000] =	vst v63  }
0xf3: {  	v3 =	vperm.xlane v3, v2  }
0xf4: {  	[hbm4b:s17+s3] =	stream.indirect_vreg.scatter [tilespmem:s22], [sflag:$0x2], $0x80, v4, vm0, $0xb8;
	[tilespmem:$0x11000] =	vst v63  }
0xf5: {  	v3 =	vadd.s32 v1, v3  }
0xf6: {  	[hbm4b:s18+s3] =	stream.indirect_vreg.scatter [tilespmem:s26], [sflag:$0x2], $0x80, v4, vm0, $0xb8;
	[tilespmem:$0x11000] =	vst v63  }
0xf7: {  	_ = 	snop  }
0xf8: {  	[hbm4b:s19+s3] =	stream.indirect_vreg.scatter [tilespmem:s28], [sflag:$0x2], $0x80, v4, vm0, $0xb8;
	[tilespmem:$0x11000] =	vst v63  }
0xf9: {  	s0 =	rddreg [dreg:$0x1]  }
0xfa: {  	[hbm4b:s0+s3] =	stream.indirect_vreg.scatter [tilespmem:s30], [sflag:$0x2], $0x80, v3, vm0, $0xb8;
	[tilespmem:$0x11000] =	vst v63  }
0xfb: {  	_ = 	snop  }
0xfc: {  	[hbm4b:s13+s3] =	stream.indirect_vreg.scatter [tilespmem:s31], [sflag:$0x2], $0x80, v3, vm0, $0xb8;
	[tilespmem:$0x11000] =	vst v63  }
0xfd: {  	s31 =	simm.s32 $0x6000  }
0xfe: {  	[hbm4b:s14+s3] =	stream.indirect_vreg.scatter [tilespmem:s31], [sflag:$0x2], $0x80, v3, vm0, $0xb8;
	[tilespmem:$0x11000] =	vst v63  }
0xff: {  	s1 =	simm.s32 $0x6800  }
0x100: {  	[hbm4b:s15+s3] =	stream.indirect_vreg.scatter [tilespmem:s1], [sflag:$0x2], $0x80, v3, vm0, $0xb8;
	[tilespmem:$0x11000] =	vst v63  }
0x101: {  	s2 =	simm.s32 $0x7000  }
0x102: {  	[hbm4b:s16+s3] =	stream.indirect_vreg.scatter [tilespmem:s2], [sflag:$0x2], $0x80, v3, vm0, $0xb8;
	[tilespmem:$0x11000] =	vst v63  }
0x103: {  	_ = 	snop  }
0x104: {  	[hbm4b:s17+s3] =	stream.indirect_vreg.scatter [tilespmem:s5], [sflag:$0x2], $0x80, v3, vm0, $0xb8;
	[tilespmem:$0x11000] =	vst v63  }
0x105: {  	_ = 	snop  }
0x106: {  	[hbm4b:s18+s3] =	stream.indirect_vreg.scatter [tilespmem:s20], [sflag:$0x2], $0x80, v3, vm0, $0xb8;
	[tilespmem:$0x11000] =	vst v63  }
0x107: {  	s20 =	simm.s32 $0x8800  }
0x108: {  	[hbm4b:s19+s3] =	stream.indirect_vreg.scatter [tilespmem:s20], [sflag:$0x2], $0x80, v3, vm0, $0xb8;
	[tilespmem:$0x11000] =	vst v63  }
0x109: {  	_ =	swait.ge [sflag:s29], $0x8000  }
0x10a: {  	[sflag:s29] =	ssyncset.done $0x0  }
0x10b: {  	[sflag:s29] =	ssyncadd.s32 $0xFFFF8000  }
0x10c: {  	v3 =	vld [tilespmem:$0x180];
	_ =	sdelay $0x4  }
0x10d: {  	v38 =	vshll.u32 v3, $0x4  }
0x10e: {  	v3 =	vand.u32 $0x7, v3;
	v4 =	vand.u32 $0xFFFFFF80, v38  }
0x10f: {  	v3 =	vor.u32 v3, v4  }
0x110: {  	v4 =	vperm.xlane v3, v0;
	_ =	sdelay $0x1  }
0x111: {  	v4 =	vadd.s32 v1, v4;
	_ =	sdelay $0x3  }
0x112: {  	s23 =	simm.s32 $0x9000  }
0x113: {  	[tilespmem:s23], [sflag:$0x1] =	stream.indirect_vreg.gather [hbm4b:s4+s3], $0x80, v4, vm0, $0xb8;
	[tilespmem:$0x11000] =	vst v63  }
0x114: {  	s26 =	simm.s32 $0x9800  }
0x115: {  	[tilespmem:s26], [sflag:$0x1] =	stream.indirect_vreg.gather [hbm4b:s6+s3], $0x80, v4, vm0, $0xb8;
	[tilespmem:$0x11000] =	vst v63  }
0x116: {  	s25 =	simm.s32 $0xA000  }
0x117: {  	[tilespmem:s25], [sflag:$0x1] =	stream.indirect_vreg.gather [hbm4b:s7+s3], $0x80, v4, vm0, $0xb8;
	[tilespmem:$0x11000] =	vst v63  }
0x118: {  	s28 =	simm.s32 $0xA800  }
0x119: {  	[tilespmem:s28], [sflag:$0x1] =	stream.indirect_vreg.gather [hbm4b:s8+s3], $0x80, v4, vm0, $0xb8;
	[tilespmem:$0x11000] =	vst v63  }
0x11a: {  	s24 =	simm.s32 $0xB000  }
0x11b: {  	[tilespmem:s24], [sflag:$0x1] =	stream.indirect_vreg.gather [hbm4b:s9+s3], $0x80, v4, vm0, $0xb8;
	[tilespmem:$0x11000] =	vst v63  }
0x11c: {  	s21 =	simm.s32 $0xB800;
	v3 =	vperm.xlane v3, v2  }
0x11d: {  	[tilespmem:s21], [sflag:$0x1] =	stream.indirect_vreg.gather [hbm4b:s10+s3], $0x80, v4, vm0, $0xb8;
	[tilespmem:$0x11000] =	vst v63  }
0x11e: {  	s30 =	simm.s32 $0xC000;
	v3 =	vadd.s32 v1, v3  }
0x11f: {  	[tilespmem:s30], [sflag:$0x1] =	stream.indirect_vreg.gather [hbm4b:s11+s3], $0x80, v4, vm0, $0xb8;
	[tilespmem:$0x11000] =	vst v63  }
0x120: {  	s22 =	simm.s32 $0xC800  }
0x121: {  	[tilespmem:s22], [sflag:$0x1] =	stream.indirect_vreg.gather [hbm4b:s12+s3], $0x80, v4, vm0, $0xb8;
	[tilespmem:$0x11000] =	vst v63  }
0x122: {  	s31 =	simm.s32 $0xD000  }
0x123: {  	[tilespmem:s31], [sflag:$0x1] =	stream.indirect_vreg.gather [hbm4b:s4+s3], $0x80, v3, vm0, $0xb8;
	[tilespmem:$0x11000] =	vst v63  }
0x124: {  	s2 =	simm.s32 $0xD800  }
0x125: {  	[tilespmem:s2], [sflag:$0x1] =	stream.indirect_vreg.gather [hbm4b:s6+s3], $0x80, v3, vm0, $0xb8;
	[tilespmem:$0x11000] =	vst v63  }
0x126: {  	s1 =	simm.s32 $0xE000  }
0x127: {  	[tilespmem:s1], [sflag:$0x1] =	stream.indirect_vreg.gather [hbm4b:s7+s3], $0x80, v3, vm0, $0xb8;
	[tilespmem:$0x11000] =	vst v63  }
0x128: {  	s20 =	simm.s32 $0xE800  }
0x129: {  	[tilespmem:s20], [sflag:$0x1] =	stream.indirect_vreg.gather [hbm4b:s8+s3], $0x80, v3, vm0, $0xb8;
	[tilespmem:$0x11000] =	vst v63  }
0x12a: {  	s5 =	simm.s32 $0xF000  }
0x12b: {  	[tilespmem:s5], [sflag:$0x1] =	stream.indirect_vreg.gather [hbm4b:s9+s3], $0x80, v3, vm0, $0xb8;
	[tilespmem:$0x11000] =	vst v63  }
0x12c: {  	s22 =	simm.s32 $0xF800  }
0x12d: {  	[tilespmem:s22], [sflag:$0x1] =	stream.indirect_vreg.gather [hbm4b:s10+s3], $0x80, v3, vm0, $0xb8;
	[tilespmem:$0x11000] =	vst v63  }
0x12e: {  	s21 =	simm.s32 $0x10000  }
0x12f: {  	[tilespmem:s21], [sflag:$0x1] =	stream.indirect_vreg.gather [hbm4b:s11+s3], $0x80, v3, vm0, $0xb8;
	[tilespmem:$0x11000] =	vst v63  }
0x130: {  	s0 =	simm.s32 $0x10800  }
0x131: {  	[tilespmem:s0], [sflag:$0x1] =	stream.indirect_vreg.gather [hbm4b:s12+s3], $0x80, v3, vm0, $0xb8;
	[tilespmem:$0x11000] =	vst v63  }
0x132: {  	s0 =	simm.s32 $0x1  }
0x133: {  	_ =	swait.ge [sflag:s0], $0x8000  }
0x134: {  	[sflag:s0] =	ssyncset.done $0x0  }
0x135: {  	[sflag:s0] =	ssyncadd.s32 $0xFFFF8000  }
0x136: {  	v3 =	vld [tilespmem:$0x980];
	_ =	sdelay $0x4  }
0x137: {  	v39 =	vshll.u32 v3, $0x4  }
0x138: {  	v3 =	vand.u32 $0x7, v3;
	v4 =	vand.u32 $0xFFFFFF80, v39  }
0x139: {  	v3 =	vor.u32 v3, v4  }
0x13a: {  	v4 =	vperm.xlane v3, v0;
	_ =	sdelay $0x1  }
0x13b: {  	v4 =	vadd.s32 v1, v4;
	_ =	sdelay $0x3  }
0x13c: {  	s0 =	rddreg [dreg:$0x1]  }
0x13d: {  	[hbm4b:s0+s3] =	stream.indirect_vreg.scatter [tilespmem:s23], [sflag:$0x2], $0x80, v4, vm0, $0xb8;
	[tilespmem:$0x11000] =	vst v63  }
0x13e: {  	_ = 	snop  }
0x13f: {  	[hbm4b:s13+s3] =	stream.indirect_vreg.scatter [tilespmem:s26], [sflag:$0x2], $0x80, v4, vm0, $0xb8;
	[tilespmem:$0x11000] =	vst v63  }
0x140: {  	_ = 	snop  }
0x141: {  	[hbm4b:s14+s3] =	stream.indirect_vreg.scatter [tilespmem:s25], [sflag:$0x2], $0x80, v4, vm0, $0xb8;
	[tilespmem:$0x11000] =	vst v63  }
0x142: {  	_ = 	snop  }
0x143: {  	[hbm4b:s15+s3] =	stream.indirect_vreg.scatter [tilespmem:s28], [sflag:$0x2], $0x80, v4, vm0, $0xb8;
	[tilespmem:$0x11000] =	vst v63  }
0x144: {  	_ = 	snop  }
0x145: {  	[hbm4b:s16+s3] =	stream.indirect_vreg.scatter [tilespmem:s24], [sflag:$0x2], $0x80, v4, vm0, $0xb8;
	[tilespmem:$0x11000] =	vst v63  }
0x146: {  	v3 =	vperm.xlane v3, v2;
	s28 =	simm.s32 $0xB800  }
0x147: {  	[hbm4b:s17+s3] =	stream.indirect_vreg.scatter [tilespmem:s28], [sflag:$0x2], $0x80, v4, vm0, $0xb8;
	[tilespmem:$0x11000] =	vst v63  }
0x148: {  	v3 =	vadd.s32 v1, v3  }
0x149: {  	[hbm4b:s18+s3] =	stream.indirect_vreg.scatter [tilespmem:s30], [sflag:$0x2], $0x80, v4, vm0, $0xb8;
	[tilespmem:$0x11000] =	vst v63  }
0x14a: {  	s30 =	simm.s32 $0xC800  }
0x14b: {  	[hbm4b:s19+s3] =	stream.indirect_vreg.scatter [tilespmem:s30], [sflag:$0x2], $0x80, v4, vm0, $0xb8;
	[tilespmem:$0x11000] =	vst v63  }
0x14c: {  	s0 =	rddreg [dreg:$0x1]  }
0x14d: {  	[hbm4b:s0+s3] =	stream.indirect_vreg.scatter [tilespmem:s31], [sflag:$0x2], $0x80, v3, vm0, $0xb8;
	[tilespmem:$0x11000] =	vst v63  }
0x14e: {  	_ = 	snop  }
0x14f: {  	[hbm4b:s13+s3] =	stream.indirect_vreg.scatter [tilespmem:s2], [sflag:$0x2], $0x80, v3, vm0, $0xb8;
	[tilespmem:$0x11000] =	vst v63  }
0x150: {  	_ = 	snop  }
0x151: {  	[hbm4b:s14+s3] =	stream.indirect_vreg.scatter [tilespmem:s1], [sflag:$0x2], $0x80, v3, vm0, $0xb8;
	[tilespmem:$0x11000] =	vst v63  }
0x152: {  	_ = 	snop  }
0x153: {  	[hbm4b:s15+s3] =	stream.indirect_vreg.scatter [tilespmem:s20], [sflag:$0x2], $0x80, v3, vm0, $0xb8;
	[tilespmem:$0x11000] =	vst v63  }
0x154: {  	_ = 	snop  }
0x155: {  	[hbm4b:s16+s3] =	stream.indirect_vreg.scatter [tilespmem:s5], [sflag:$0x2], $0x80, v3, vm0, $0xb8;
	[tilespmem:$0x11000] =	vst v63  }
0x156: {  	_ = 	snop  }
0x157: {  	[hbm4b:s17+s3] =	stream.indirect_vreg.scatter [tilespmem:s22], [sflag:$0x2], $0x80, v3, vm0, $0xb8;
	[tilespmem:$0x11000] =	vst v63  }
0x158: {  	_ = 	snop  }
0x159: {  	[hbm4b:s18+s3] =	stream.indirect_vreg.scatter [tilespmem:s21], [sflag:$0x2], $0x80, v3, vm0, $0xb8;
	[tilespmem:$0x11000] =	vst v63  }
0x15a: {  	s1 =	simm.s32 $0x10800  }
0x15b: {  	[hbm4b:s19+s3] =	stream.indirect_vreg.scatter [tilespmem:s1], [sflag:$0x2], $0x80, v3, vm0, $0xb8;
	[tilespmem:$0x11000] =	vst v63  }
0x15c: {  	_ =	swait.ge [sflag:s29], $0x8000  }
0x15d: {  	[sflag:s29] =	ssyncset.done $0x0  }
0x15e: {  	[sflag:s29] =	ssyncadd.s32 $0xFFFF8000  }
0x15f: {  	v3 =	vld [tilespmem:$0x200];
	_ =	sdelay $0x4  }
0x160: {  	v40 =	vshll.u32 v3, $0x4  }
0x161: {  	v3 =	vand.u32 $0x7, v3;
	v4 =	vand.u32 $0xFFFFFF80, v40  }
0x162: {  	v3 =	vor.u32 v3, v4  }
0x163: {  	v4 =	vperm.xlane v3, v0;
	_ =	sdelay $0x1  }
0x164: {  	v4 =	vadd.s32 v1, v4;
	_ =	sdelay $0x3  }
0x165: {  	s2 =	simm.s32 $0x1000  }
0x166: {  	[tilespmem:s2], [sflag:$0x1] =	stream.indirect_vreg.gather [hbm4b:s4+s3], $0x80, v4, vm0, $0xb8;
	[tilespmem:$0x11000] =	vst v63  }
0x167: {  	s2 =	simm.s32 $0x1800  }
0x168: {  	[tilespmem:s2], [sflag:$0x1] =	stream.indirect_vreg.gather [hbm4b:s6+s3], $0x80, v4, vm0, $0xb8;
	[tilespmem:$0x11000] =	vst v63  }
0x169: {  	s25 =	simm.s32 $0x2000  }
0x16a: {  	[tilespmem:s25], [sflag:$0x1] =	stream.indirect_vreg.gather [hbm4b:s7+s3], $0x80, v4, vm0, $0xb8;
	[tilespmem:$0x11000] =	vst v63  }
0x16b: {  	s26 =	simm.s32 $0x2800  }
0x16c: {  	[tilespmem:s26], [sflag:$0x1] =	stream.indirect_vreg.gather [hbm4b:s8+s3], $0x80, v4, vm0, $0xb8;
	[tilespmem:$0x11000] =	vst v63  }
0x16d: {  	s21 =	simm.s32 $0x3000  }
0x16e: {  	[tilespmem:s21], [sflag:$0x1] =	stream.indirect_vreg.gather [hbm4b:s9+s3], $0x80, v4, vm0, $0xb8;
	[tilespmem:$0x11000] =	vst v63  }
0x16f: {  	s24 =	simm.s32 $0x3800;
	v3 =	vperm.xlane v3, v2  }
0x170: {  	[tilespmem:s24], [sflag:$0x1] =	stream.indirect_vreg.gather [hbm4b:s10+s3], $0x80, v4, vm0, $0xb8;
	[tilespmem:$0x11000] =	vst v63  }
0x171: {  	s28 =	simm.s32 $0x4000;
	v3 =	vadd.s32 v1, v3  }
0x172: {  	[tilespmem:s28], [sflag:$0x1] =	stream.indirect_vreg.gather [hbm4b:s11+s3], $0x80, v4, vm0, $0xb8;
	[tilespmem:$0x11000] =	vst v63  }
0x173: {  	s30 =	simm.s32 $0x4800  }
0x174: {  	[tilespmem:s30], [sflag:$0x1] =	stream.indirect_vreg.gather [hbm4b:s12+s3], $0x80, v4, vm0, $0xb8;
	[tilespmem:$0x11000] =	vst v63  }
0x175: {  	s22 =	simm.s32 $0x5000  }
0x176: {  	[tilespmem:s22], [sflag:$0x1] =	stream.indirect_vreg.gather [hbm4b:s4+s3], $0x80, v3, vm0, $0xb8;
	[tilespmem:$0x11000] =	vst v63  }
0x177: {  	s31 =	simm.s32 $0x5800  }
0x178: {  	[tilespmem:s31], [sflag:$0x1] =	stream.indirect_vreg.gather [hbm4b:s6+s3], $0x80, v3, vm0, $0xb8;
	[tilespmem:$0x11000] =	vst v63  }
0x179: {  	s23 =	simm.s32 $0x6000  }
0x17a: {  	[tilespmem:s23], [sflag:$0x1] =	stream.indirect_vreg.gather [hbm4b:s7+s3], $0x80, v3, vm0, $0xb8;
	[tilespmem:$0x11000] =	vst v63  }
0x17b: {  	s5 =	simm.s32 $0x6800  }
0x17c: {  	[tilespmem:s5], [sflag:$0x1] =	stream.indirect_vreg.gather [hbm4b:s8+s3], $0x80, v3, vm0, $0xb8;
	[tilespmem:$0x11000] =	vst v63  }
0x17d: {  	s20 =	simm.s32 $0x7000  }
0x17e: {  	[tilespmem:s20], [sflag:$0x1] =	stream.indirect_vreg.gather [hbm4b:s9+s3], $0x80, v3, vm0, $0xb8;
	[tilespmem:$0x11000] =	vst v63  }
0x17f: {  	s5 =	simm.s32 $0x7800  }
0x180: {  	[tilespmem:s5], [sflag:$0x1] =	stream.indirect_vreg.gather [hbm4b:s10+s3], $0x80, v3, vm0, $0xb8;
	[tilespmem:$0x11000] =	vst v63  }
0x181: {  	s20 =	simm.s32 $0x8000  }
0x182: {  	[tilespmem:s20], [sflag:$0x1] =	stream.indirect_vreg.gather [hbm4b:s11+s3], $0x80, v3, vm0, $0xb8;
	[tilespmem:$0x11000] =	vst v63  }
0x183: {  	s1 =	simm.s32 $0x8800  }
0x184: {  	[tilespmem:s1], [sflag:$0x1] =	stream.indirect_vreg.gather [hbm4b:s12+s3], $0x80, v3, vm0, $0xb8;
	[tilespmem:$0x11000] =	vst v63  }
0x185: {  	s1 =	simm.s32 $0x1  }
0x186: {  	_ =	swait.ge [sflag:s1], $0x8000  }
0x187: {  	[sflag:s1] =	ssyncset.done $0x0  }
0x188: {  	[sflag:s1] =	ssyncadd.s32 $0xFFFF8000  }
0x189: {  	v3 =	vld [tilespmem:$0xA00];
	_ =	sdelay $0x4  }
0x18a: {  	v41 =	vshll.u32 v3, $0x4  }
0x18b: {  	v3 =	vand.u32 $0x7, v3;
	v4 =	vand.u32 $0xFFFFFF80, v41  }
0x18c: {  	v3 =	vor.u32 v3, v4  }
0x18d: {  	v4 =	vperm.xlane v3, v0;
	_ =	sdelay $0x1  }
0x18e: {  	v4 =	vadd.s32 v1, v4;
	_ =	sdelay $0x3  }
0x18f: {  	s0 =	simm.s32 $0x1000;
	s1 =	rddreg [dreg:$0x1]  }
0x190: {  	[hbm4b:s1+s3] =	stream.indirect_vreg.scatter [tilespmem:s0], [sflag:$0x2], $0x80, v4, vm0, $0xb8;
	[tilespmem:$0x11000] =	vst v63  }
0x191: {  	_ = 	snop  }
0x192: {  	[hbm4b:s13+s3] =	stream.indirect_vreg.scatter [tilespmem:s2], [sflag:$0x2], $0x80, v4, vm0, $0xb8;
	[tilespmem:$0x11000] =	vst v63  }
0x193: {  	_ = 	snop  }
0x194: {  	[hbm4b:s14+s3] =	stream.indirect_vreg.scatter [tilespmem:s25], [sflag:$0x2], $0x80, v4, vm0, $0xb8;
	[tilespmem:$0x11000] =	vst v63  }
0x195: {  	_ = 	snop  }
0x196: {  	[hbm4b:s15+s3] =	stream.indirect_vreg.scatter [tilespmem:s26], [sflag:$0x2], $0x80, v4, vm0, $0xb8;
	[tilespmem:$0x11000] =	vst v63  }
0x197: {  	_ = 	snop  }
0x198: {  	[hbm4b:s16+s3] =	stream.indirect_vreg.scatter [tilespmem:s21], [sflag:$0x2], $0x80, v4, vm0, $0xb8;
	[tilespmem:$0x11000] =	vst v63  }
0x199: {  	v3 =	vperm.xlane v3, v2  }
0x19a: {  	[hbm4b:s17+s3] =	stream.indirect_vreg.scatter [tilespmem:s24], [sflag:$0x2], $0x80, v4, vm0, $0xb8;
	[tilespmem:$0x11000] =	vst v63  }
0x19b: {  	v3 =	vadd.s32 v1, v3  }
0x19c: {  	[hbm4b:s18+s3] =	stream.indirect_vreg.scatter [tilespmem:s28], [sflag:$0x2], $0x80, v4, vm0, $0xb8;
	[tilespmem:$0x11000] =	vst v63  }
0x19d: {  	_ = 	snop  }
0x19e: {  	[hbm4b:s19+s3] =	stream.indirect_vreg.scatter [tilespmem:s30], [sflag:$0x2], $0x80, v4, vm0, $0xb8;
	[tilespmem:$0x11000] =	vst v63  }
0x19f: {  	s30 =	rddreg [dreg:$0x1]  }
0x1a0: {  	[hbm4b:s30+s3] =	stream.indirect_vreg.scatter [tilespmem:s22], [sflag:$0x2], $0x80, v3, vm0, $0xb8;
	[tilespmem:$0x11000] =	vst v63  }
0x1a1: {  	_ = 	snop  }
0x1a2: {  	[hbm4b:s13+s3] =	stream.indirect_vreg.scatter [tilespmem:s31], [sflag:$0x2], $0x80, v3, vm0, $0xb8;
	[tilespmem:$0x11000] =	vst v63  }
0x1a3: {  	_ = 	snop  }
0x1a4: {  	[hbm4b:s14+s3] =	stream.indirect_vreg.scatter [tilespmem:s23], [sflag:$0x2], $0x80, v3, vm0, $0xb8;
	[tilespmem:$0x11000] =	vst v63  }
0x1a5: {  	s0 =	simm.s32 $0x6800  }
0x1a6: {  	[hbm4b:s15+s3] =	stream.indirect_vreg.scatter [tilespmem:s0], [sflag:$0x2], $0x80, v3, vm0, $0xb8;
	[tilespmem:$0x11000] =	vst v63  }
0x1a7: {  	s2 =	simm.s32 $0x7000  }
0x1a8: {  	[hbm4b:s16+s3] =	stream.indirect_vreg.scatter [tilespmem:s2], [sflag:$0x2], $0x80, v3, vm0, $0xb8;
	[tilespmem:$0x11000] =	vst v63  }
0x1a9: {  	_ = 	snop  }
0x1aa: {  	[hbm4b:s17+s3] =	stream.indirect_vreg.scatter [tilespmem:s5], [sflag:$0x2], $0x80, v3, vm0, $0xb8;
	[tilespmem:$0x11000] =	vst v63  }
0x1ab: {  	_ = 	snop  }
0x1ac: {  	[hbm4b:s18+s3] =	stream.indirect_vreg.scatter [tilespmem:s20], [sflag:$0x2], $0x80, v3, vm0, $0xb8;
	[tilespmem:$0x11000] =	vst v63  }
0x1ad: {  	s21 =	simm.s32 $0x8800  }
0x1ae: {  	[hbm4b:s19+s3] =	stream.indirect_vreg.scatter [tilespmem:s21], [sflag:$0x2], $0x80, v3, vm0, $0xb8;
	[tilespmem:$0x11000] =	vst v63  }
0x1af: {  	_ =	swait.ge [sflag:s29], $0x8000  }
0x1b0: {  	[sflag:s29] =	ssyncset.done $0x0  }
0x1b1: {  	[sflag:s29] =	ssyncadd.s32 $0xFFFF8000  }
0x1b2: {  	v3 =	vld [tilespmem:$0x280];
	_ =	sdelay $0x4  }
0x1b3: {  	v42 =	vshll.u32 v3, $0x4  }
0x1b4: {  	v3 =	vand.u32 $0x7, v3;
	v4 =	vand.u32 $0xFFFFFF80, v42  }
0x1b5: {  	v3 =	vor.u32 v3, v4  }
0x1b6: {  	v4 =	vperm.xlane v3, v0;
	_ =	sdelay $0x1  }
0x1b7: {  	v4 =	vadd.s32 v1, v4;
	_ =	sdelay $0x3  }
0x1b8: {  	s25 =	simm.s32 $0x9000  }
0x1b9: {  	[tilespmem:s25], [sflag:$0x1] =	stream.indirect_vreg.gather [hbm4b:s4+s3], $0x80, v4, vm0, $0xb8;
	[tilespmem:$0x11000] =	vst v63  }
0x1ba: {  	s28 =	simm.s32 $0x9800  }
0x1bb: {  	[tilespmem:s28], [sflag:$0x1] =	stream.indirect_vreg.gather [hbm4b:s6+s3], $0x80, v4, vm0, $0xb8;
	[tilespmem:$0x11000] =	vst v63  }
0x1bc: {  	s26 =	simm.s32 $0xA000  }
0x1bd: {  	[tilespmem:s26], [sflag:$0x1] =	stream.indirect_vreg.gather [hbm4b:s7+s3], $0x80, v4, vm0, $0xb8;
	[tilespmem:$0x11000] =	vst v63  }
0x1be: {  	s30 =	simm.s32 $0xA800  }
0x1bf: {  	[tilespmem:s30], [sflag:$0x1] =	stream.indirect_vreg.gather [hbm4b:s8+s3], $0x80, v4, vm0, $0xb8;
	[tilespmem:$0x11000] =	vst v63  }
0x1c0: {  	s22 =	simm.s32 $0xB000  }
0x1c1: {  	[tilespmem:s22], [sflag:$0x1] =	stream.indirect_vreg.gather [hbm4b:s9+s3], $0x80, v4, vm0, $0xb8;
	[tilespmem:$0x11000] =	vst v63  }
0x1c2: {  	s23 =	simm.s32 $0xB800;
	v3 =	vperm.xlane v3, v2  }
0x1c3: {  	[tilespmem:s23], [sflag:$0x1] =	stream.indirect_vreg.gather [hbm4b:s10+s3], $0x80, v4, vm0, $0xb8;
	[tilespmem:$0x11000] =	vst v63  }
0x1c4: {  	s31 =	simm.s32 $0xC000;
	v3 =	vadd.s32 v1, v3  }
0x1c5: {  	[tilespmem:s31], [sflag:$0x1] =	stream.indirect_vreg.gather [hbm4b:s11+s3], $0x80, v4, vm0, $0xb8;
	[tilespmem:$0x11000] =	vst v63  }
0x1c6: {  	s2 =	simm.s32 $0xC800  }
0x1c7: {  	[tilespmem:s2], [sflag:$0x1] =	stream.indirect_vreg.gather [hbm4b:s12+s3], $0x80, v4, vm0, $0xb8;
	[tilespmem:$0x11000] =	vst v63  }
0x1c8: {  	s24 =	simm.s32 $0xD000  }
0x1c9: {  	[tilespmem:s24], [sflag:$0x1] =	stream.indirect_vreg.gather [hbm4b:s4+s3], $0x80, v3, vm0, $0xb8;
	[tilespmem:$0x11000] =	vst v63  }
0x1ca: {  	s20 =	simm.s32 $0xD800  }
0x1cb: {  	[tilespmem:s20], [sflag:$0x1] =	stream.indirect_vreg.gather [hbm4b:s6+s3], $0x80, v3, vm0, $0xb8;
	[tilespmem:$0x11000] =	vst v63  }
0x1cc: {  	s5 =	simm.s32 $0xE000  }
0x1cd: {  	[tilespmem:s5], [sflag:$0x1] =	stream.indirect_vreg.gather [hbm4b:s7+s3], $0x80, v3, vm0, $0xb8;
	[tilespmem:$0x11000] =	vst v63  }
0x1ce: {  	s22 =	simm.s32 $0xE800  }
0x1cf: {  	[tilespmem:s22], [sflag:$0x1] =	stream.indirect_vreg.gather [hbm4b:s8+s3], $0x80, v3, vm0, $0xb8;
	[tilespmem:$0x11000] =	vst v63  }
0x1d0: {  	s21 =	simm.s32 $0xF000  }
0x1d1: {  	[tilespmem:s21], [sflag:$0x1] =	stream.indirect_vreg.gather [hbm4b:s9+s3], $0x80, v3, vm0, $0xb8;
	[tilespmem:$0x11000] =	vst v63  }
0x1d2: {  	s24 =	simm.s32 $0xF800  }
0x1d3: {  	[tilespmem:s24], [sflag:$0x1] =	stream.indirect_vreg.gather [hbm4b:s10+s3], $0x80, v3, vm0, $0xb8;
	[tilespmem:$0x11000] =	vst v63  }
0x1d4: {  	s23 =	simm.s32 $0x10000  }
0x1d5: {  	[tilespmem:s23], [sflag:$0x1] =	stream.indirect_vreg.gather [hbm4b:s11+s3], $0x80, v3, vm0, $0xb8;
	[tilespmem:$0x11000] =	vst v63  }
0x1d6: {  	s1 =	simm.s32 $0x1;
	s0 =	simm.s32 $0x10800  }
0x1d7: {  	[tilespmem:s0], [sflag:$0x1] =	stream.indirect_vreg.gather [hbm4b:s12+s3], $0x80, v3, vm0, $0xb8;
	[tilespmem:$0x11000] =	vst v63  }
0x1d8: {  	_ =	swait.ge [sflag:s1], $0x8000  }
0x1d9: {  	[sflag:s1] =	ssyncset.done $0x0  }
0x1da: {  	[sflag:s1] =	ssyncadd.s32 $0xFFFF8000  }
0x1db: {  	v3 =	vld [tilespmem:$0xA80];
	_ =	sdelay $0x4  }
0x1dc: {  	v43 =	vshll.u32 v3, $0x4  }
0x1dd: {  	v3 =	vand.u32 $0x7, v3;
	v4 =	vand.u32 $0xFFFFFF80, v43  }
0x1de: {  	v3 =	vor.u32 v3, v4  }
0x1df: {  	v4 =	vperm.xlane v3, v0;
	_ =	sdelay $0x1  }
0x1e0: {  	v4 =	vadd.s32 v1, v4;
	_ =	sdelay $0x3  }
0x1e1: {  	s0 =	rddreg [dreg:$0x1]  }
0x1e2: {  	[hbm4b:s0+s3] =	stream.indirect_vreg.scatter [tilespmem:s25], [sflag:$0x2], $0x80, v4, vm0, $0xb8;
	[tilespmem:$0x11000] =	vst v63  }
0x1e3: {  	_ = 	snop  }
0x1e4: {  	[hbm4b:s13+s3] =	stream.indirect_vreg.scatter [tilespmem:s28], [sflag:$0x2], $0x80, v4, vm0, $0xb8;
	[tilespmem:$0x11000] =	vst v63  }
0x1e5: {  	_ = 	snop  }
0x1e6: {  	[hbm4b:s14+s3] =	stream.indirect_vreg.scatter [tilespmem:s26], [sflag:$0x2], $0x80, v4, vm0, $0xb8;
	[tilespmem:$0x11000] =	vst v63  }
0x1e7: {  	_ = 	snop  }
0x1e8: {  	[hbm4b:s15+s3] =	stream.indirect_vreg.scatter [tilespmem:s30], [sflag:$0x2], $0x80, v4, vm0, $0xb8;
	[tilespmem:$0x11000] =	vst v63  }
0x1e9: {  	s25 =	simm.s32 $0xB000  }
0x1ea: {  	[hbm4b:s16+s3] =	stream.indirect_vreg.scatter [tilespmem:s25], [sflag:$0x2], $0x80, v4, vm0, $0xb8;
	[tilespmem:$0x11000] =	vst v63  }
0x1eb: {  	v3 =	vperm.xlane v3, v2;
	s26 =	simm.s32 $0xB800  }
0x1ec: {  	[hbm4b:s17+s3] =	stream.indirect_vreg.scatter [tilespmem:s26], [sflag:$0x2], $0x80, v4, vm0, $0xb8;
	[tilespmem:$0x11000] =	vst v63  }
0x1ed: {  	v3 =	vadd.s32 v1, v3  }
0x1ee: {  	[hbm4b:s18+s3] =	stream.indirect_vreg.scatter [tilespmem:s31], [sflag:$0x2], $0x80, v4, vm0, $0xb8;
	[tilespmem:$0x11000] =	vst v63  }
0x1ef: {  	_ = 	snop  }
0x1f0: {  	[hbm4b:s19+s3] =	stream.indirect_vreg.scatter [tilespmem:s2], [sflag:$0x2], $0x80, v4, vm0, $0xb8;
	[tilespmem:$0x11000] =	vst v63  }
0x1f1: {  	s28 =	rddreg [dreg:$0x1];
	s30 =	simm.s32 $0xD000  }
0x1f2: {  	[hbm4b:s28+s3] =	stream.indirect_vreg.scatter [tilespmem:s30], [sflag:$0x2], $0x80, v3, vm0, $0xb8;
	[tilespmem:$0x11000] =	vst v63  }
0x1f3: {  	_ = 	snop  }
0x1f4: {  	[hbm4b:s13+s3] =	stream.indirect_vreg.scatter [tilespmem:s20], [sflag:$0x2], $0x80, v3, vm0, $0xb8;
	[tilespmem:$0x11000] =	vst v63  }
0x1f5: {  	_ = 	snop  }
0x1f6: {  	[hbm4b:s14+s3] =	stream.indirect_vreg.scatter [tilespmem:s5], [sflag:$0x2], $0x80, v3, vm0, $0xb8;
	[tilespmem:$0x11000] =	vst v63  }
0x1f7: {  	_ = 	snop  }
0x1f8: {  	[hbm4b:s15+s3] =	stream.indirect_vreg.scatter [tilespmem:s22], [sflag:$0x2], $0x80, v3, vm0, $0xb8;
	[tilespmem:$0x11000] =	vst v63  }
0x1f9: {  	_ = 	snop  }
0x1fa: {  	[hbm4b:s16+s3] =	stream.indirect_vreg.scatter [tilespmem:s21], [sflag:$0x2], $0x80, v3, vm0, $0xb8;
	[tilespmem:$0x11000] =	vst v63  }
0x1fb: {  	_ = 	snop  }
0x1fc: {  	[hbm4b:s17+s3] =	stream.indirect_vreg.scatter [tilespmem:s24], [sflag:$0x2], $0x80, v3, vm0, $0xb8;
	[tilespmem:$0x11000] =	vst v63  }
0x1fd: {  	_ = 	snop  }
0x1fe: {  	[hbm4b:s18+s3] =	stream.indirect_vreg.scatter [tilespmem:s23], [sflag:$0x2], $0x80, v3, vm0, $0xb8;
	[tilespmem:$0x11000] =	vst v63  }
0x1ff: {  	s31 =	simm.s32 $0x10800  }
0x200: {  	[hbm4b:s19+s3] =	stream.indirect_vreg.scatter [tilespmem:s31], [sflag:$0x2], $0x80, v3, vm0, $0xb8;
	[tilespmem:$0x11000] =	vst v63  }
0x201: {  	_ =	swait.ge [sflag:s29], $0x8000  }
0x202: {  	[sflag:s29] =	ssyncset.done $0x0  }
0x203: {  	[sflag:s29] =	ssyncadd.s32 $0xFFFF8000  }
0x204: {  	v3 =	vld [tilespmem:$0x300];
	_ =	sdelay $0x4  }
0x205: {  	v44 =	vshll.u32 v3, $0x4  }
0x206: {  	v3 =	vand.u32 $0x7, v3;
	v4 =	vand.u32 $0xFFFFFF80, v44  }
0x207: {  	v3 =	vor.u32 v3, v4  }
0x208: {  	v4 =	vperm.xlane v3, v0;
	_ =	sdelay $0x1  }
0x209: {  	v4 =	vadd.s32 v1, v4;
	_ =	sdelay $0x3  }
0x20a: {  	s2 =	simm.s32 $0x1000  }
0x20b: {  	[tilespmem:s2], [sflag:$0x1] =	stream.indirect_vreg.gather [hbm4b:s4+s3], $0x80, v4, vm0, $0xb8;
	[tilespmem:$0x11000] =	vst v63  }
0x20c: {  	s5 =	simm.s32 $0x1800  }
0x20d: {  	[tilespmem:s5], [sflag:$0x1] =	stream.indirect_vreg.gather [hbm4b:s6+s3], $0x80, v4, vm0, $0xb8;
	[tilespmem:$0x11000] =	vst v63  }
0x20e: {  	s25 =	simm.s32 $0x2000  }
0x20f: {  	[tilespmem:s25], [sflag:$0x1] =	stream.indirect_vreg.gather [hbm4b:s7+s3], $0x80, v4, vm0, $0xb8;
	[tilespmem:$0x11000] =	vst v63  }
0x210: {  	s26 =	simm.s32 $0x2800  }
0x211: {  	[tilespmem:s26], [sflag:$0x1] =	stream.indirect_vreg.gather [hbm4b:s8+s3], $0x80, v4, vm0, $0xb8;
	[tilespmem:$0x11000] =	vst v63  }
0x212: {  	s22 =	simm.s32 $0x3000  }
0x213: {  	[tilespmem:s22], [sflag:$0x1] =	stream.indirect_vreg.gather [hbm4b:s9+s3], $0x80, v4, vm0, $0xb8;
	[tilespmem:$0x11000] =	vst v63  }
0x214: {  	s23 =	simm.s32 $0x3800;
	v3 =	vperm.xlane v3, v2  }
0x215: {  	[tilespmem:s23], [sflag:$0x1] =	stream.indirect_vreg.gather [hbm4b:s10+s3], $0x80, v4, vm0, $0xb8;
	[tilespmem:$0x11000] =	vst v63  }
0x216: {  	s28 =	simm.s32 $0x4000;
	v3 =	vadd.s32 v1, v3  }
0x217: {  	[tilespmem:s28], [sflag:$0x1] =	stream.indirect_vreg.gather [hbm4b:s11+s3], $0x80, v4, vm0, $0xb8;
	[tilespmem:$0x11000] =	vst v63  }
0x218: {  	s30 =	simm.s32 $0x4800  }
0x219: {  	[tilespmem:s30], [sflag:$0x1] =	stream.indirect_vreg.gather [hbm4b:s12+s3], $0x80, v4, vm0, $0xb8;
	[tilespmem:$0x11000] =	vst v63  }
0x21a: {  	s24 =	simm.s32 $0x5000  }
0x21b: {  	[tilespmem:s24], [sflag:$0x1] =	stream.indirect_vreg.gather [hbm4b:s4+s3], $0x80, v3, vm0, $0xb8;
	[tilespmem:$0x11000] =	vst v63  }
0x21c: {  	s31 =	simm.s32 $0x5800  }
0x21d: {  	[tilespmem:s31], [sflag:$0x1] =	stream.indirect_vreg.gather [hbm4b:s6+s3], $0x80, v3, vm0, $0xb8;
	[tilespmem:$0x11000] =	vst v63  }
0x21e: {  	s1 =	simm.s32 $0x6000  }
0x21f: {  	[tilespmem:s1], [sflag:$0x1] =	stream.indirect_vreg.gather [hbm4b:s7+s3], $0x80, v3, vm0, $0xb8;
	[tilespmem:$0x11000] =	vst v63  }
0x220: {  	s20 =	simm.s32 $0x6800  }
0x221: {  	[tilespmem:s20], [sflag:$0x1] =	stream.indirect_vreg.gather [hbm4b:s8+s3], $0x80, v3, vm0, $0xb8;
	[tilespmem:$0x11000] =	vst v63  }
0x222: {  	s21 =	simm.s32 $0x7000  }
0x223: {  	[tilespmem:s21], [sflag:$0x1] =	stream.indirect_vreg.gather [hbm4b:s9+s3], $0x80, v3, vm0, $0xb8;
	[tilespmem:$0x11000] =	vst v63  }
0x224: {  	s20 =	simm.s32 $0x7800  }
0x225: {  	[tilespmem:s20], [sflag:$0x1] =	stream.indirect_vreg.gather [hbm4b:s10+s3], $0x80, v3, vm0, $0xb8;
	[tilespmem:$0x11000] =	vst v63  }
0x226: {  	s21 =	simm.s32 $0x8000  }
0x227: {  	[tilespmem:s21], [sflag:$0x1] =	stream.indirect_vreg.gather [hbm4b:s11+s3], $0x80, v3, vm0, $0xb8;
	[tilespmem:$0x11000] =	vst v63  }
0x228: {  	s1 =	simm.s32 $0x8800  }
0x229: {  	[tilespmem:s1], [sflag:$0x1] =	stream.indirect_vreg.gather [hbm4b:s12+s3], $0x80, v3, vm0, $0xb8;
	[tilespmem:$0x11000] =	vst v63  }
0x22a: {  	s1 =	simm.s32 $0x1  }
0x22b: {  	_ =	swait.ge [sflag:s1], $0x8000  }
0x22c: {  	[sflag:s1] =	ssyncset.done $0x0  }
0x22d: {  	[sflag:s1] =	ssyncadd.s32 $0xFFFF8000  }
0x22e: {  	v3 =	vld [tilespmem:$0xB00];
	_ =	sdelay $0x4  }
0x22f: {  	v45 =	vshll.u32 v3, $0x4  }
0x230: {  	v3 =	vand.u32 $0x7, v3;
	v4 =	vand.u32 $0xFFFFFF80, v45  }
0x231: {  	v3 =	vor.u32 v3, v4  }
0x232: {  	v4 =	vperm.xlane v3, v0;
	_ =	sdelay $0x1  }
0x233: {  	v4 =	vadd.s32 v1, v4;
	_ =	sdelay $0x3  }
0x234: {  	s1 =	rddreg [dreg:$0x1]  }
0x235: {  	[hbm4b:s1+s3] =	stream.indirect_vreg.scatter [tilespmem:s2], [sflag:$0x2], $0x80, v4, vm0, $0xb8;
	[tilespmem:$0x11000] =	vst v63  }
0x236: {  	_ = 	snop  }
0x237: {  	[hbm4b:s13+s3] =	stream.indirect_vreg.scatter [tilespmem:s5], [sflag:$0x2], $0x80, v4, vm0, $0xb8;
	[tilespmem:$0x11000] =	vst v63  }
0x238: {  	_ = 	snop  }
0x239: {  	[hbm4b:s14+s3] =	stream.indirect_vreg.scatter [tilespmem:s25], [sflag:$0x2], $0x80, v4, vm0, $0xb8;
	[tilespmem:$0x11000] =	vst v63  }
0x23a: {  	_ = 	snop  }
0x23b: {  	[hbm4b:s15+s3] =	stream.indirect_vreg.scatter [tilespmem:s26], [sflag:$0x2], $0x80, v4, vm0, $0xb8;
	[tilespmem:$0x11000] =	vst v63  }
0x23c: {  	_ = 	snop  }
0x23d: {  	[hbm4b:s16+s3] =	stream.indirect_vreg.scatter [tilespmem:s22], [sflag:$0x2], $0x80, v4, vm0, $0xb8;
	[tilespmem:$0x11000] =	vst v63  }
0x23e: {  	v3 =	vperm.xlane v3, v2  }
0x23f: {  	[hbm4b:s17+s3] =	stream.indirect_vreg.scatter [tilespmem:s23], [sflag:$0x2], $0x80, v4, vm0, $0xb8;
	[tilespmem:$0x11000] =	vst v63  }
0x240: {  	v3 =	vadd.s32 v1, v3  }
0x241: {  	[hbm4b:s18+s3] =	stream.indirect_vreg.scatter [tilespmem:s28], [sflag:$0x2], $0x80, v4, vm0, $0xb8;
	[tilespmem:$0x11000] =	vst v63  }
0x242: {  	_ = 	snop  }
0x243: {  	[hbm4b:s19+s3] =	stream.indirect_vreg.scatter [tilespmem:s30], [sflag:$0x2], $0x80, v4, vm0, $0xb8;
	[tilespmem:$0x11000] =	vst v63  }
0x244: {  	s30 =	rddreg [dreg:$0x1]  }
0x245: {  	[hbm4b:s30+s3] =	stream.indirect_vreg.scatter [tilespmem:s24], [sflag:$0x2], $0x80, v3, vm0, $0xb8;
	[tilespmem:$0x11000] =	vst v63  }
0x246: {  	_ = 	snop  }
0x247: {  	[hbm4b:s13+s3] =	stream.indirect_vreg.scatter [tilespmem:s31], [sflag:$0x2], $0x80, v3, vm0, $0xb8;
	[tilespmem:$0x11000] =	vst v63  }
0x248: {  	s31 =	simm.s32 $0x6000  }
0x249: {  	[hbm4b:s14+s3] =	stream.indirect_vreg.scatter [tilespmem:s31], [sflag:$0x2], $0x80, v3, vm0, $0xb8;
	[tilespmem:$0x11000] =	vst v63  }
0x24a: {  	s2 =	simm.s32 $0x6800  }
0x24b: {  	[hbm4b:s15+s3] =	stream.indirect_vreg.scatter [tilespmem:s2], [sflag:$0x2], $0x80, v3, vm0, $0xb8;
	[tilespmem:$0x11000] =	vst v63  }
0x24c: {  	s5 =	simm.s32 $0x7000  }
0x24d: {  	[hbm4b:s16+s3] =	stream.indirect_vreg.scatter [tilespmem:s5], [sflag:$0x2], $0x80, v3, vm0, $0xb8;
	[tilespmem:$0x11000] =	vst v63  }
0x24e: {  	_ = 	snop  }
0x24f: {  	[hbm4b:s17+s3] =	stream.indirect_vreg.scatter [tilespmem:s20], [sflag:$0x2], $0x80, v3, vm0, $0xb8;
	[tilespmem:$0x11000] =	vst v63  }
0x250: {  	_ = 	snop  }
0x251: {  	[hbm4b:s18+s3] =	stream.indirect_vreg.scatter [tilespmem:s21], [sflag:$0x2], $0x80, v3, vm0, $0xb8;
	[tilespmem:$0x11000] =	vst v63  }
0x252: {  	s22 =	simm.s32 $0x8800  }
0x253: {  	[hbm4b:s19+s3] =	stream.indirect_vreg.scatter [tilespmem:s22], [sflag:$0x2], $0x80, v3, vm0, $0xb8;
	[tilespmem:$0x11000] =	vst v63  }
0x254: {  	_ =	swait.ge [sflag:s29], $0x8000  }
0x255: {  	[sflag:s29] =	ssyncset.done $0x0  }
0x256: {  	[sflag:s29] =	ssyncadd.s32 $0xFFFF8000  }
0x257: {  	v3 =	vld [tilespmem:$0x380];
	_ =	sdelay $0x4  }
0x258: {  	v46 =	vshll.u32 v3, $0x4  }
0x259: {  	v3 =	vand.u32 $0x7, v3;
	v4 =	vand.u32 $0xFFFFFF80, v46  }
0x25a: {  	v3 =	vor.u32 v3, v4  }
0x25b: {  	v4 =	vperm.xlane v3, v0;
	_ =	sdelay $0x1  }
0x25c: {  	v4 =	vadd.s32 v1, v4;
	_ =	sdelay $0x3  }
0x25d: {  	s26 =	simm.s32 $0x9000  }
0x25e: {  	[tilespmem:s26], [sflag:$0x1] =	stream.indirect_vreg.gather [hbm4b:s4+s3], $0x80, v4, vm0, $0xb8;
	[tilespmem:$0x11000] =	vst v63  }
0x25f: {  	s30 =	simm.s32 $0x9800  }
0x260: {  	[tilespmem:s30], [sflag:$0x1] =	stream.indirect_vreg.gather [hbm4b:s6+s3], $0x80, v4, vm0, $0xb8;
	[tilespmem:$0x11000] =	vst v63  }
0x261: {  	s28 =	simm.s32 $0xA000  }
0x262: {  	[tilespmem:s28], [sflag:$0x1] =	stream.indirect_vreg.gather [hbm4b:s7+s3], $0x80, v4, vm0, $0xb8;
	[tilespmem:$0x11000] =	vst v63  }
0x263: {  	s31 =	simm.s32 $0xA800  }
0x264: {  	[tilespmem:s31], [sflag:$0x1] =	stream.indirect_vreg.gather [hbm4b:s8+s3], $0x80, v4, vm0, $0xb8;
	[tilespmem:$0x11000] =	vst v63  }
0x265: {  	s23 =	simm.s32 $0xB000  }
0x266: {  	[tilespmem:s23], [sflag:$0x1] =	stream.indirect_vreg.gather [hbm4b:s9+s3], $0x80, v4, vm0, $0xb8;
	[tilespmem:$0x11000] =	vst v63  }
0x267: {  	s24 =	simm.s32 $0xB800;
	v3 =	vperm.xlane v3, v2  }
0x268: {  	[tilespmem:s24], [sflag:$0x1] =	stream.indirect_vreg.gather [hbm4b:s10+s3], $0x80, v4, vm0, $0xb8;
	[tilespmem:$0x11000] =	vst v63  }
0x269: {  	s25 =	simm.s32 $0xC000;
	v3 =	vadd.s32 v1, v3  }
0x26a: {  	[tilespmem:s25], [sflag:$0x1] =	stream.indirect_vreg.gather [hbm4b:s11+s3], $0x80, v4, vm0, $0xb8;
	[tilespmem:$0x11000] =	vst v63  }
0x26b: {  	s2 =	simm.s32 $0xC800  }
0x26c: {  	[tilespmem:s2], [sflag:$0x1] =	stream.indirect_vreg.gather [hbm4b:s12+s3], $0x80, v4, vm0, $0xb8;
	[tilespmem:$0x11000] =	vst v63  }
0x26d: {  	s25 =	simm.s32 $0xD000  }
0x26e: {  	[tilespmem:s25], [sflag:$0x1] =	stream.indirect_vreg.gather [hbm4b:s4+s3], $0x80, v3, vm0, $0xb8;
	[tilespmem:$0x11000] =	vst v63  }
0x26f: {  	s20 =	simm.s32 $0xD800  }
0x270: {  	[tilespmem:s20], [sflag:$0x1] =	stream.indirect_vreg.gather [hbm4b:s6+s3], $0x80, v3, vm0, $0xb8;
	[tilespmem:$0x11000] =	vst v63  }
0x271: {  	s5 =	simm.s32 $0xE000  }
0x272: {  	[tilespmem:s5], [sflag:$0x1] =	stream.indirect_vreg.gather [hbm4b:s7+s3], $0x80, v3, vm0, $0xb8;
	[tilespmem:$0x11000] =	vst v63  }
0x273: {  	s22 =	simm.s32 $0xE800  }
0x274: {  	[tilespmem:s22], [sflag:$0x1] =	stream.indirect_vreg.gather [hbm4b:s8+s3], $0x80, v3, vm0, $0xb8;
	[tilespmem:$0x11000] =	vst v63  }
0x275: {  	s21 =	simm.s32 $0xF000  }
0x276: {  	[tilespmem:s21], [sflag:$0x1] =	stream.indirect_vreg.gather [hbm4b:s9+s3], $0x80, v3, vm0, $0xb8;
	[tilespmem:$0x11000] =	vst v63  }
0x277: {  	s24 =	simm.s32 $0xF800  }
0x278: {  	[tilespmem:s24], [sflag:$0x1] =	stream.indirect_vreg.gather [hbm4b:s10+s3], $0x80, v3, vm0, $0xb8;
	[tilespmem:$0x11000] =	vst v63  }
0x279: {  	s23 =	simm.s32 $0x10000  }
0x27a: {  	[tilespmem:s23], [sflag:$0x1] =	stream.indirect_vreg.gather [hbm4b:s11+s3], $0x80, v3, vm0, $0xb8;
	[tilespmem:$0x11000] =	vst v63  }
0x27b: {  	s0 =	simm.s32 $0x1;
	s1 =	simm.s32 $0x10800  }
0x27c: {  	[tilespmem:s1], [sflag:$0x1] =	stream.indirect_vreg.gather [hbm4b:s12+s3], $0x80, v3, vm0, $0xb8;
	[tilespmem:$0x11000] =	vst v63  }
0x27d: {  	_ =	swait.ge [sflag:s0], $0x8000  }
0x27e: {  	[sflag:s0] =	ssyncset.done $0x0  }
0x27f: {  	[sflag:s0] =	ssyncadd.s32 $0xFFFF8000  }
0x280: {  	v3 =	vld [tilespmem:$0xB80];
	_ =	sdelay $0x4  }
0x281: {  	v47 =	vshll.u32 v3, $0x4  }
0x282: {  	v3 =	vand.u32 $0x7, v3;
	v4 =	vand.u32 $0xFFFFFF80, v47  }
0x283: {  	v3 =	vor.u32 v3, v4  }
0x284: {  	v4 =	vperm.xlane v3, v0;
	_ =	sdelay $0x1  }
0x285: {  	v4 =	vadd.s32 v1, v4;
	_ =	sdelay $0x3  }
0x286: {  	s0 =	rddreg [dreg:$0x1]  }
0x287: {  	[hbm4b:s0+s3] =	stream.indirect_vreg.scatter [tilespmem:s26], [sflag:$0x2], $0x80, v4, vm0, $0xb8;
	[tilespmem:$0x11000] =	vst v63  }
0x288: {  	_ = 	snop  }
0x289: {  	[hbm4b:s13+s3] =	stream.indirect_vreg.scatter [tilespmem:s30], [sflag:$0x2], $0x80, v4, vm0, $0xb8;
	[tilespmem:$0x11000] =	vst v63  }
0x28a: {  	_ = 	snop  }
0x28b: {  	[hbm4b:s14+s3] =	stream.indirect_vreg.scatter [tilespmem:s28], [sflag:$0x2], $0x80, v4, vm0, $0xb8;
	[tilespmem:$0x11000] =	vst v63  }
0x28c: {  	_ = 	snop  }
0x28d: {  	[hbm4b:s15+s3] =	stream.indirect_vreg.scatter [tilespmem:s31], [sflag:$0x2], $0x80, v4, vm0, $0xb8;
	[tilespmem:$0x11000] =	vst v63  }
0x28e: {  	s1 =	simm.s32 $0xB000  }
0x28f: {  	[hbm4b:s16+s3] =	stream.indirect_vreg.scatter [tilespmem:s1], [sflag:$0x2], $0x80, v4, vm0, $0xb8;
	[tilespmem:$0x11000] =	vst v63  }
0x290: {  	v3 =	vperm.xlane v3, v2;
	s26 =	simm.s32 $0xB800  }
0x291: {  	[hbm4b:s17+s3] =	stream.indirect_vreg.scatter [tilespmem:s26], [sflag:$0x2], $0x80, v4, vm0, $0xb8;
	[tilespmem:$0x11000] =	vst v63  }
0x292: {  	v3 =	vadd.s32 v1, v3;
	s28 =	simm.s32 $0xC000  }
0x293: {  	[hbm4b:s18+s3] =	stream.indirect_vreg.scatter [tilespmem:s28], [sflag:$0x2], $0x80, v4, vm0, $0xb8;
	[tilespmem:$0x11000] =	vst v63  }
0x294: {  	_ = 	snop  }
0x295: {  	[hbm4b:s19+s3] =	stream.indirect_vreg.scatter [tilespmem:s2], [sflag:$0x2], $0x80, v4, vm0, $0xb8;
	[tilespmem:$0x11000] =	vst v63  }
0x296: {  	s30 =	rddreg [dreg:$0x1]  }
0x297: {  	[hbm4b:s30+s3] =	stream.indirect_vreg.scatter [tilespmem:s25], [sflag:$0x2], $0x80, v3, vm0, $0xb8;
	[tilespmem:$0x11000] =	vst v63  }
0x298: {  	_ = 	snop  }
0x299: {  	[hbm4b:s13+s3] =	stream.indirect_vreg.scatter [tilespmem:s20], [sflag:$0x2], $0x80, v3, vm0, $0xb8;
	[tilespmem:$0x11000] =	vst v63  }
0x29a: {  	_ = 	snop  }
0x29b: {  	[hbm4b:s14+s3] =	stream.indirect_vreg.scatter [tilespmem:s5], [sflag:$0x2], $0x80, v3, vm0, $0xb8;
	[tilespmem:$0x11000] =	vst v63  }
0x29c: {  	_ = 	snop  }
0x29d: {  	[hbm4b:s15+s3] =	stream.indirect_vreg.scatter [tilespmem:s22], [sflag:$0x2], $0x80, v3, vm0, $0xb8;
	[tilespmem:$0x11000] =	vst v63  }
0x29e: {  	_ = 	snop  }
0x29f: {  	[hbm4b:s16+s3] =	stream.indirect_vreg.scatter [tilespmem:s21], [sflag:$0x2], $0x80, v3, vm0, $0xb8;
	[tilespmem:$0x11000] =	vst v63  }
0x2a0: {  	_ = 	snop  }
0x2a1: {  	[hbm4b:s17+s3] =	stream.indirect_vreg.scatter [tilespmem:s24], [sflag:$0x2], $0x80, v3, vm0, $0xb8;
	[tilespmem:$0x11000] =	vst v63  }
0x2a2: {  	_ = 	snop  }
0x2a3: {  	[hbm4b:s18+s3] =	stream.indirect_vreg.scatter [tilespmem:s23], [sflag:$0x2], $0x80, v3, vm0, $0xb8;
	[tilespmem:$0x11000] =	vst v63  }
0x2a4: {  	s31 =	simm.s32 $0x10800  }
0x2a5: {  	[hbm4b:s19+s3] =	stream.indirect_vreg.scatter [tilespmem:s31], [sflag:$0x2], $0x80, v3, vm0, $0xb8;
	[tilespmem:$0x11000] =	vst v63  }
0x2a6: {  	_ =	swait.ge [sflag:s29], $0x8000  }
0x2a7: {  	[sflag:s29] =	ssyncset.done $0x0  }
0x2a8: {  	[sflag:s29] =	ssyncadd.s32 $0xFFFF8000  }
0x2a9: {  	v3 =	vld [tilespmem:$0x400];
	_ =	sdelay $0x4  }
0x2aa: {  	v48 =	vshll.u32 v3, $0x4  }
0x2ab: {  	v3 =	vand.u32 $0x7, v3;
	v4 =	vand.u32 $0xFFFFFF80, v48  }
0x2ac: {  	v3 =	vor.u32 v3, v4  }
0x2ad: {  	v4 =	vperm.xlane v3, v0;
	_ =	sdelay $0x1  }
0x2ae: {  	v4 =	vadd.s32 v1, v4;
	_ =	sdelay $0x3  }
0x2af: {  	s2 =	simm.s32 $0x1000  }
0x2b0: {  	[tilespmem:s2], [sflag:$0x1] =	stream.indirect_vreg.gather [hbm4b:s4+s3], $0x80, v4, vm0, $0xb8;
	[tilespmem:$0x11000] =	vst v63  }
0x2b1: {  	s5 =	simm.s32 $0x1800  }
0x2b2: {  	[tilespmem:s5], [sflag:$0x1] =	stream.indirect_vreg.gather [hbm4b:s6+s3], $0x80, v4, vm0, $0xb8;
	[tilespmem:$0x11000] =	vst v63  }
0x2b3: {  	s25 =	simm.s32 $0x2000  }
0x2b4: {  	[tilespmem:s25], [sflag:$0x1] =	stream.indirect_vreg.gather [hbm4b:s7+s3], $0x80, v4, vm0, $0xb8;
	[tilespmem:$0x11000] =	vst v63  }
0x2b5: {  	s26 =	simm.s32 $0x2800  }
0x2b6: {  	[tilespmem:s26], [sflag:$0x1] =	stream.indirect_vreg.gather [hbm4b:s8+s3], $0x80, v4, vm0, $0xb8;
	[tilespmem:$0x11000] =	vst v63  }
0x2b7: {  	s22 =	simm.s32 $0x3000  }
0x2b8: {  	[tilespmem:s22], [sflag:$0x1] =	stream.indirect_vreg.gather [hbm4b:s9+s3], $0x80, v4, vm0, $0xb8;
	[tilespmem:$0x11000] =	vst v63  }
0x2b9: {  	s23 =	simm.s32 $0x3800;
	v3 =	vperm.xlane v3, v2  }
0x2ba: {  	[tilespmem:s23], [sflag:$0x1] =	stream.indirect_vreg.gather [hbm4b:s10+s3], $0x80, v4, vm0, $0xb8;
	[tilespmem:$0x11000] =	vst v63  }
0x2bb: {  	s28 =	simm.s32 $0x4000;
	v3 =	vadd.s32 v1, v3  }
0x2bc: {  	[tilespmem:s28], [sflag:$0x1] =	stream.indirect_vreg.gather [hbm4b:s11+s3], $0x80, v4, vm0, $0xb8;
	[tilespmem:$0x11000] =	vst v63  }
0x2bd: {  	s30 =	simm.s32 $0x4800  }
0x2be: {  	[tilespmem:s30], [sflag:$0x1] =	stream.indirect_vreg.gather [hbm4b:s12+s3], $0x80, v4, vm0, $0xb8;
	[tilespmem:$0x11000] =	vst v63  }
0x2bf: {  	s24 =	simm.s32 $0x5000  }
0x2c0: {  	[tilespmem:s24], [sflag:$0x1] =	stream.indirect_vreg.gather [hbm4b:s4+s3], $0x80, v3, vm0, $0xb8;
	[tilespmem:$0x11000] =	vst v63  }
0x2c1: {  	s31 =	simm.s32 $0x5800  }
0x2c2: {  	[tilespmem:s31], [sflag:$0x1] =	stream.indirect_vreg.gather [hbm4b:s6+s3], $0x80, v3, vm0, $0xb8;
	[tilespmem:$0x11000] =	vst v63  }
0x2c3: {  	s1 =	simm.s32 $0x6000  }
0x2c4: {  	[tilespmem:s1], [sflag:$0x1] =	stream.indirect_vreg.gather [hbm4b:s7+s3], $0x80, v3, vm0, $0xb8;
	[tilespmem:$0x11000] =	vst v63  }
0x2c5: {  	s20 =	simm.s32 $0x6800  }
0x2c6: {  	[tilespmem:s20], [sflag:$0x1] =	stream.indirect_vreg.gather [hbm4b:s8+s3], $0x80, v3, vm0, $0xb8;
	[tilespmem:$0x11000] =	vst v63  }
0x2c7: {  	s21 =	simm.s32 $0x7000  }
0x2c8: {  	[tilespmem:s21], [sflag:$0x1] =	stream.indirect_vreg.gather [hbm4b:s9+s3], $0x80, v3, vm0, $0xb8;
	[tilespmem:$0x11000] =	vst v63  }
0x2c9: {  	s20 =	simm.s32 $0x7800  }
0x2ca: {  	[tilespmem:s20], [sflag:$0x1] =	stream.indirect_vreg.gather [hbm4b:s10+s3], $0x80, v3, vm0, $0xb8;
	[tilespmem:$0x11000] =	vst v63  }
0x2cb: {  	s21 =	simm.s32 $0x8000  }
0x2cc: {  	[tilespmem:s21], [sflag:$0x1] =	stream.indirect_vreg.gather [hbm4b:s11+s3], $0x80, v3, vm0, $0xb8;
	[tilespmem:$0x11000] =	vst v63  }
0x2cd: {  	s1 =	simm.s32 $0x8800  }
0x2ce: {  	[tilespmem:s1], [sflag:$0x1] =	stream.indirect_vreg.gather [hbm4b:s12+s3], $0x80, v3, vm0, $0xb8;
	[tilespmem:$0x11000] =	vst v63  }
0x2cf: {  	s1 =	simm.s32 $0x1  }
0x2d0: {  	_ =	swait.ge [sflag:s1], $0x8000  }
0x2d1: {  	[sflag:s1] =	ssyncset.done $0x0  }
0x2d2: {  	[sflag:s1] =	ssyncadd.s32 $0xFFFF8000  }
0x2d3: {  	v3 =	vld [tilespmem:$0xC00];
	_ =	sdelay $0x4  }
0x2d4: {  	v49 =	vshll.u32 v3, $0x4  }
0x2d5: {  	v3 =	vand.u32 $0x7, v3;
	v4 =	vand.u32 $0xFFFFFF80, v49  }
0x2d6: {  	v3 =	vor.u32 v3, v4  }
0x2d7: {  	v4 =	vperm.xlane v3, v0;
	_ =	sdelay $0x1  }
0x2d8: {  	v4 =	vadd.s32 v1, v4;
	_ =	sdelay $0x3  }
0x2d9: {  	s1 =	rddreg [dreg:$0x1]  }
0x2da: {  	[hbm4b:s1+s3] =	stream.indirect_vreg.scatter [tilespmem:s2], [sflag:$0x2], $0x80, v4, vm0, $0xb8;
	[tilespmem:$0x11000] =	vst v63  }
0x2db: {  	_ = 	snop  }
0x2dc: {  	[hbm4b:s13+s3] =	stream.indirect_vreg.scatter [tilespmem:s5], [sflag:$0x2], $0x80, v4, vm0, $0xb8;
	[tilespmem:$0x11000] =	vst v63  }
0x2dd: {  	_ = 	snop  }
0x2de: {  	[hbm4b:s14+s3] =	stream.indirect_vreg.scatter [tilespmem:s25], [sflag:$0x2], $0x80, v4, vm0, $0xb8;
	[tilespmem:$0x11000] =	vst v63  }
0x2df: {  	_ = 	snop  }
0x2e0: {  	[hbm4b:s15+s3] =	stream.indirect_vreg.scatter [tilespmem:s26], [sflag:$0x2], $0x80, v4, vm0, $0xb8;
	[tilespmem:$0x11000] =	vst v63  }
0x2e1: {  	_ = 	snop  }
0x2e2: {  	[hbm4b:s16+s3] =	stream.indirect_vreg.scatter [tilespmem:s22], [sflag:$0x2], $0x80, v4, vm0, $0xb8;
	[tilespmem:$0x11000] =	vst v63  }
0x2e3: {  	v3 =	vperm.xlane v3, v2  }
0x2e4: {  	[hbm4b:s17+s3] =	stream.indirect_vreg.scatter [tilespmem:s23], [sflag:$0x2], $0x80, v4, vm0, $0xb8;
	[tilespmem:$0x11000] =	vst v63  }
0x2e5: {  	v3 =	vadd.s32 v1, v3  }
0x2e6: {  	[hbm4b:s18+s3] =	stream.indirect_vreg.scatter [tilespmem:s28], [sflag:$0x2], $0x80, v4, vm0, $0xb8;
	[tilespmem:$0x11000] =	vst v63  }
0x2e7: {  	_ = 	snop  }
0x2e8: {  	[hbm4b:s19+s3] =	stream.indirect_vreg.scatter [tilespmem:s30], [sflag:$0x2], $0x80, v4, vm0, $0xb8;
	[tilespmem:$0x11000] =	vst v63  }
0x2e9: {  	s30 =	rddreg [dreg:$0x1]  }
0x2ea: {  	[hbm4b:s30+s3] =	stream.indirect_vreg.scatter [tilespmem:s24], [sflag:$0x2], $0x80, v3, vm0, $0xb8;
	[tilespmem:$0x11000] =	vst v63  }
0x2eb: {  	_ = 	snop  }
0x2ec: {  	[hbm4b:s13+s3] =	stream.indirect_vreg.scatter [tilespmem:s31], [sflag:$0x2], $0x80, v3, vm0, $0xb8;
	[tilespmem:$0x11000] =	vst v63  }
0x2ed: {  	s2 =	simm.s32 $0x6000  }
0x2ee: {  	[hbm4b:s14+s3] =	stream.indirect_vreg.scatter [tilespmem:s2], [sflag:$0x2], $0x80, v3, vm0, $0xb8;
	[tilespmem:$0x11000] =	vst v63  }
0x2ef: {  	s5 =	simm.s32 $0x6800  }
0x2f0: {  	[hbm4b:s15+s3] =	stream.indirect_vreg.scatter [tilespmem:s5], [sflag:$0x2], $0x80, v3, vm0, $0xb8;
	[tilespmem:$0x11000] =	vst v63  }
0x2f1: {  	s22 =	simm.s32 $0x7000  }
0x2f2: {  	[hbm4b:s16+s3] =	stream.indirect_vreg.scatter [tilespmem:s22], [sflag:$0x2], $0x80, v3, vm0, $0xb8;
	[tilespmem:$0x11000] =	vst v63  }
0x2f3: {  	_ = 	snop  }
0x2f4: {  	[hbm4b:s17+s3] =	stream.indirect_vreg.scatter [tilespmem:s20], [sflag:$0x2], $0x80, v3, vm0, $0xb8;
	[tilespmem:$0x11000] =	vst v63  }
0x2f5: {  	_ = 	snop  }
0x2f6: {  	[hbm4b:s18+s3] =	stream.indirect_vreg.scatter [tilespmem:s21], [sflag:$0x2], $0x80, v3, vm0, $0xb8;
	[tilespmem:$0x11000] =	vst v63  }
0x2f7: {  	s23 =	simm.s32 $0x8800  }
0x2f8: {  	[hbm4b:s19+s3] =	stream.indirect_vreg.scatter [tilespmem:s23], [sflag:$0x2], $0x80, v3, vm0, $0xb8;
	[tilespmem:$0x11000] =	vst v63  }
0x2f9: {  	_ =	swait.ge [sflag:s29], $0x8000  }
0x2fa: {  	[sflag:s29] =	ssyncset.done $0x0  }
0x2fb: {  	[sflag:s29] =	ssyncadd.s32 $0xFFFF8000  }
0x2fc: {  	v3 =	vld [tilespmem:$0x480];
	_ =	sdelay $0x4  }
0x2fd: {  	v50 =	vshll.u32 v3, $0x4  }
0x2fe: {  	v3 =	vand.u32 $0x7, v3;
	v4 =	vand.u32 $0xFFFFFF80, v50  }
0x2ff: {  	v3 =	vor.u32 v3, v4  }
0x300: {  	v4 =	vperm.xlane v3, v0;
	_ =	sdelay $0x1  }
0x301: {  	v4 =	vadd.s32 v1, v4;
	_ =	sdelay $0x3  }
0x302: {  	s28 =	simm.s32 $0x9000  }
0x303: {  	[tilespmem:s28], [sflag:$0x1] =	stream.indirect_vreg.gather [hbm4b:s4+s3], $0x80, v4, vm0, $0xb8;
	[tilespmem:$0x11000] =	vst v63  }
0x304: {  	s31 =	simm.s32 $0x9800  }
0x305: {  	[tilespmem:s31], [sflag:$0x1] =	stream.indirect_vreg.gather [hbm4b:s6+s3], $0x80, v4, vm0, $0xb8;
	[tilespmem:$0x11000] =	vst v63  }
0x306: {  	s30 =	simm.s32 $0xA000  }
0x307: {  	[tilespmem:s30], [sflag:$0x1] =	stream.indirect_vreg.gather [hbm4b:s7+s3], $0x80, v4, vm0, $0xb8;
	[tilespmem:$0x11000] =	vst v63  }
0x308: {  	s24 =	simm.s32 $0xA800  }
0x309: {  	[tilespmem:s24], [sflag:$0x1] =	stream.indirect_vreg.gather [hbm4b:s8+s3], $0x80, v4, vm0, $0xb8;
	[tilespmem:$0x11000] =	vst v63  }
0x30a: {  	s25 =	simm.s32 $0xB000  }
0x30b: {  	[tilespmem:s25], [sflag:$0x1] =	stream.indirect_vreg.gather [hbm4b:s9+s3], $0x80, v4, vm0, $0xb8;
	[tilespmem:$0x11000] =	vst v63  }
0x30c: {  	s26 =	simm.s32 $0xB800;
	v3 =	vperm.xlane v3, v2  }
0x30d: {  	[tilespmem:s26], [sflag:$0x1] =	stream.indirect_vreg.gather [hbm4b:s10+s3], $0x80, v4, vm0, $0xb8;
	[tilespmem:$0x11000] =	vst v63  }
0x30e: {  	v3 =	vadd.s32 v1, v3;
	s25 =	simm.s32 $0xC000  }
0x30f: {  	[tilespmem:s25], [sflag:$0x1] =	stream.indirect_vreg.gather [hbm4b:s11+s3], $0x80, v4, vm0, $0xb8;
	[tilespmem:$0x11000] =	vst v63  }
0x310: {  	s2 =	simm.s32 $0xC800  }
0x311: {  	[tilespmem:s2], [sflag:$0x1] =	stream.indirect_vreg.gather [hbm4b:s12+s3], $0x80, v4, vm0, $0xb8;
	[tilespmem:$0x11000] =	vst v63  }
0x312: {  	s26 =	simm.s32 $0xD000  }
0x313: {  	[tilespmem:s26], [sflag:$0x1] =	stream.indirect_vreg.gather [hbm4b:s4+s3], $0x80, v3, vm0, $0xb8;
	[tilespmem:$0x11000] =	vst v63  }
0x314: {  	s20 =	simm.s32 $0xD800  }
0x315: {  	[tilespmem:s20], [sflag:$0x1] =	stream.indirect_vreg.gather [hbm4b:s6+s3], $0x80, v3, vm0, $0xb8;
	[tilespmem:$0x11000] =	vst v63  }
0x316: {  	s5 =	simm.s32 $0xE000  }
0x317: {  	[tilespmem:s5], [sflag:$0x1] =	stream.indirect_vreg.gather [hbm4b:s7+s3], $0x80, v3, vm0, $0xb8;
	[tilespmem:$0x11000] =	vst v63  }
0x318: {  	s22 =	simm.s32 $0xE800  }
0x319: {  	[tilespmem:s22], [sflag:$0x1] =	stream.indirect_vreg.gather [hbm4b:s8+s3], $0x80, v3, vm0, $0xb8;
	[tilespmem:$0x11000] =	vst v63  }
0x31a: {  	s21 =	simm.s32 $0xF000  }
0x31b: {  	[tilespmem:s21], [sflag:$0x1] =	stream.indirect_vreg.gather [hbm4b:s9+s3], $0x80, v3, vm0, $0xb8;
	[tilespmem:$0x11000] =	vst v63  }
0x31c: {  	s24 =	simm.s32 $0xF800  }
0x31d: {  	[tilespmem:s24], [sflag:$0x1] =	stream.indirect_vreg.gather [hbm4b:s10+s3], $0x80, v3, vm0, $0xb8;
	[tilespmem:$0x11000] =	vst v63  }
0x31e: {  	s23 =	simm.s32 $0x10000  }
0x31f: {  	[tilespmem:s23], [sflag:$0x1] =	stream.indirect_vreg.gather [hbm4b:s11+s3], $0x80, v3, vm0, $0xb8;
	[tilespmem:$0x11000] =	vst v63  }
0x320: {  	s0 =	simm.s32 $0x1;
	s1 =	simm.s32 $0x10800  }
0x321: {  	[tilespmem:s1], [sflag:$0x1] =	stream.indirect_vreg.gather [hbm4b:s12+s3], $0x80, v3, vm0, $0xb8;
	[tilespmem:$0x11000] =	vst v63  }
0x322: {  	_ =	swait.ge [sflag:s0], $0x8000  }
0x323: {  	[sflag:s0] =	ssyncset.done $0x0  }
0x324: {  	[sflag:s0] =	ssyncadd.s32 $0xFFFF8000  }
0x325: {  	v3 =	vld [tilespmem:$0xC80];
	_ =	sdelay $0x4  }
0x326: {  	v51 =	vshll.u32 v3, $0x4  }
0x327: {  	v3 =	vand.u32 $0x7, v3;
	v4 =	vand.u32 $0xFFFFFF80, v51  }
0x328: {  	v3 =	vor.u32 v3, v4  }
0x329: {  	v4 =	vperm.xlane v3, v0;
	_ =	sdelay $0x1  }
0x32a: {  	v4 =	vadd.s32 v1, v4;
	_ =	sdelay $0x3  }
0x32b: {  	s0 =	rddreg [dreg:$0x1]  }
0x32c: {  	[hbm4b:s0+s3] =	stream.indirect_vreg.scatter [tilespmem:s28], [sflag:$0x2], $0x80, v4, vm0, $0xb8;
	[tilespmem:$0x11000] =	vst v63  }
0x32d: {  	_ = 	snop  }
0x32e: {  	[hbm4b:s13+s3] =	stream.indirect_vreg.scatter [tilespmem:s31], [sflag:$0x2], $0x80, v4, vm0, $0xb8;
	[tilespmem:$0x11000] =	vst v63  }
0x32f: {  	_ = 	snop  }
0x330: {  	[hbm4b:s14+s3] =	stream.indirect_vreg.scatter [tilespmem:s30], [sflag:$0x2], $0x80, v4, vm0, $0xb8;
	[tilespmem:$0x11000] =	vst v63  }
0x331: {  	s31 =	simm.s32 $0xA800  }
0x332: {  	[hbm4b:s15+s3] =	stream.indirect_vreg.scatter [tilespmem:s31], [sflag:$0x2], $0x80, v4, vm0, $0xb8;
	[tilespmem:$0x11000] =	vst v63  }
0x333: {  	s1 =	simm.s32 $0xB000  }
0x334: {  	[hbm4b:s16+s3] =	stream.indirect_vreg.scatter [tilespmem:s1], [sflag:$0x2], $0x80, v4, vm0, $0xb8;
	[tilespmem:$0x11000] =	vst v63  }
0x335: {  	v3 =	vperm.xlane v3, v2;
	s28 =	simm.s32 $0xB800  }
0x336: {  	[hbm4b:s17+s3] =	stream.indirect_vreg.scatter [tilespmem:s28], [sflag:$0x2], $0x80, v4, vm0, $0xb8;
	[tilespmem:$0x11000] =	vst v63  }
0x337: {  	v3 =	vadd.s32 v1, v3  }
0x338: {  	[hbm4b:s18+s3] =	stream.indirect_vreg.scatter [tilespmem:s25], [sflag:$0x2], $0x80, v4, vm0, $0xb8;
	[tilespmem:$0x11000] =	vst v63  }
0x339: {  	_ = 	snop  }
0x33a: {  	[hbm4b:s19+s3] =	stream.indirect_vreg.scatter [tilespmem:s2], [sflag:$0x2], $0x80, v4, vm0, $0xb8;
	[tilespmem:$0x11000] =	vst v63  }
0x33b: {  	s30 =	rddreg [dreg:$0x1]  }
0x33c: {  	[hbm4b:s30+s3] =	stream.indirect_vreg.scatter [tilespmem:s26], [sflag:$0x2], $0x80, v3, vm0, $0xb8;
	[tilespmem:$0x11000] =	vst v63  }
0x33d: {  	_ = 	snop  }
0x33e: {  	[hbm4b:s13+s3] =	stream.indirect_vreg.scatter [tilespmem:s20], [sflag:$0x2], $0x80, v3, vm0, $0xb8;
	[tilespmem:$0x11000] =	vst v63  }
0x33f: {  	_ = 	snop  }
0x340: {  	[hbm4b:s14+s3] =	stream.indirect_vreg.scatter [tilespmem:s5], [sflag:$0x2], $0x80, v3, vm0, $0xb8;
	[tilespmem:$0x11000] =	vst v63  }
0x341: {  	_ = 	snop  }
0x342: {  	[hbm4b:s15+s3] =	stream.indirect_vreg.scatter [tilespmem:s22], [sflag:$0x2], $0x80, v3, vm0, $0xb8;
	[tilespmem:$0x11000] =	vst v63  }
0x343: {  	_ = 	snop  }
0x344: {  	[hbm4b:s16+s3] =	stream.indirect_vreg.scatter [tilespmem:s21], [sflag:$0x2], $0x80, v3, vm0, $0xb8;
	[tilespmem:$0x11000] =	vst v63  }
0x345: {  	_ = 	snop  }
0x346: {  	[hbm4b:s17+s3] =	stream.indirect_vreg.scatter [tilespmem:s24], [sflag:$0x2], $0x80, v3, vm0, $0xb8;
	[tilespmem:$0x11000] =	vst v63  }
0x347: {  	_ = 	snop  }
0x348: {  	[hbm4b:s18+s3] =	stream.indirect_vreg.scatter [tilespmem:s23], [sflag:$0x2], $0x80, v3, vm0, $0xb8;
	[tilespmem:$0x11000] =	vst v63  }
0x349: {  	s31 =	simm.s32 $0x10800  }
0x34a: {  	[hbm4b:s19+s3] =	stream.indirect_vreg.scatter [tilespmem:s31], [sflag:$0x2], $0x80, v3, vm0, $0xb8;
	[tilespmem:$0x11000] =	vst v63  }
0x34b: {  	_ =	swait.ge [sflag:s29], $0x8000  }
0x34c: {  	[sflag:s29] =	ssyncset.done $0x0  }
0x34d: {  	[sflag:s29] =	ssyncadd.s32 $0xFFFF8000  }
0x34e: {  	v3 =	vld [tilespmem:$0x500];
	_ =	sdelay $0x4  }
0x34f: {  	v52 =	vshll.u32 v3, $0x4  }
0x350: {  	v3 =	vand.u32 $0x7, v3;
	v4 =	vand.u32 $0xFFFFFF80, v52  }
0x351: {  	v3 =	vor.u32 v3, v4  }
0x352: {  	v4 =	vperm.xlane v3, v0;
	_ =	sdelay $0x1  }
0x353: {  	v4 =	vadd.s32 v1, v4;
	_ =	sdelay $0x3  }
0x354: {  	s2 =	simm.s32 $0x1000  }
0x355: {  	[tilespmem:s2], [sflag:$0x1] =	stream.indirect_vreg.gather [hbm4b:s4+s3], $0x80, v4, vm0, $0xb8;
	[tilespmem:$0x11000] =	vst v63  }
0x356: {  	s5 =	simm.s32 $0x1800  }
0x357: {  	[tilespmem:s5], [sflag:$0x1] =	stream.indirect_vreg.gather [hbm4b:s6+s3], $0x80, v4, vm0, $0xb8;
	[tilespmem:$0x11000] =	vst v63  }
0x358: {  	s25 =	simm.s32 $0x2000  }
0x359: {  	[tilespmem:s25], [sflag:$0x1] =	stream.indirect_vreg.gather [hbm4b:s7+s3], $0x80, v4, vm0, $0xb8;
	[tilespmem:$0x11000] =	vst v63  }
0x35a: {  	s26 =	simm.s32 $0x2800  }
0x35b: {  	[tilespmem:s26], [sflag:$0x1] =	stream.indirect_vreg.gather [hbm4b:s8+s3], $0x80, v4, vm0, $0xb8;
	[tilespmem:$0x11000] =	vst v63  }
0x35c: {  	s22 =	simm.s32 $0x3000  }
0x35d: {  	[tilespmem:s22], [sflag:$0x1] =	stream.indirect_vreg.gather [hbm4b:s9+s3], $0x80, v4, vm0, $0xb8;
	[tilespmem:$0x11000] =	vst v63  }
0x35e: {  	s23 =	simm.s32 $0x3800;
	v3 =	vperm.xlane v3, v2  }
0x35f: {  	[tilespmem:s23], [sflag:$0x1] =	stream.indirect_vreg.gather [hbm4b:s10+s3], $0x80, v4, vm0, $0xb8;
	[tilespmem:$0x11000] =	vst v63  }
0x360: {  	s28 =	simm.s32 $0x4000;
	v3 =	vadd.s32 v1, v3  }
0x361: {  	[tilespmem:s28], [sflag:$0x1] =	stream.indirect_vreg.gather [hbm4b:s11+s3], $0x80, v4, vm0, $0xb8;
	[tilespmem:$0x11000] =	vst v63  }
0x362: {  	s30 =	simm.s32 $0x4800  }
0x363: {  	[tilespmem:s30], [sflag:$0x1] =	stream.indirect_vreg.gather [hbm4b:s12+s3], $0x80, v4, vm0, $0xb8;
	[tilespmem:$0x11000] =	vst v63  }
0x364: {  	s24 =	simm.s32 $0x5000  }
0x365: {  	[tilespmem:s24], [sflag:$0x1] =	stream.indirect_vreg.gather [hbm4b:s4+s3], $0x80, v3, vm0, $0xb8;
	[tilespmem:$0x11000] =	vst v63  }
0x366: {  	s31 =	simm.s32 $0x5800  }
0x367: {  	[tilespmem:s31], [sflag:$0x1] =	stream.indirect_vreg.gather [hbm4b:s6+s3], $0x80, v3, vm0, $0xb8;
	[tilespmem:$0x11000] =	vst v63  }
0x368: {  	s1 =	simm.s32 $0x6000  }
0x369: {  	[tilespmem:s1], [sflag:$0x1] =	stream.indirect_vreg.gather [hbm4b:s7+s3], $0x80, v3, vm0, $0xb8;
	[tilespmem:$0x11000] =	vst v63  }
0x36a: {  	s20 =	simm.s32 $0x6800  }
0x36b: {  	[tilespmem:s20], [sflag:$0x1] =	stream.indirect_vreg.gather [hbm4b:s8+s3], $0x80, v3, vm0, $0xb8;
	[tilespmem:$0x11000] =	vst v63  }
0x36c: {  	s21 =	simm.s32 $0x7000  }
0x36d: {  	[tilespmem:s21], [sflag:$0x1] =	stream.indirect_vreg.gather [hbm4b:s9+s3], $0x80, v3, vm0, $0xb8;
	[tilespmem:$0x11000] =	vst v63  }
0x36e: {  	s20 =	simm.s32 $0x7800  }
0x36f: {  	[tilespmem:s20], [sflag:$0x1] =	stream.indirect_vreg.gather [hbm4b:s10+s3], $0x80, v3, vm0, $0xb8;
	[tilespmem:$0x11000] =	vst v63  }
0x370: {  	s21 =	simm.s32 $0x8000  }
0x371: {  	[tilespmem:s21], [sflag:$0x1] =	stream.indirect_vreg.gather [hbm4b:s11+s3], $0x80, v3, vm0, $0xb8;
	[tilespmem:$0x11000] =	vst v63  }
0x372: {  	s1 =	simm.s32 $0x8800  }
0x373: {  	[tilespmem:s1], [sflag:$0x1] =	stream.indirect_vreg.gather [hbm4b:s12+s3], $0x80, v3, vm0, $0xb8;
	[tilespmem:$0x11000] =	vst v63  }
0x374: {  	s1 =	simm.s32 $0x1  }
0x375: {  	_ =	swait.ge [sflag:s1], $0x8000  }
0x376: {  	[sflag:s1] =	ssyncset.done $0x0  }
0x377: {  	[sflag:s1] =	ssyncadd.s32 $0xFFFF8000  }
0x378: {  	v3 =	vld [tilespmem:$0xD00];
	_ =	sdelay $0x4  }
0x379: {  	v53 =	vshll.u32 v3, $0x4  }
0x37a: {  	v3 =	vand.u32 $0x7, v3;
	v4 =	vand.u32 $0xFFFFFF80, v53  }
0x37b: {  	v3 =	vor.u32 v3, v4  }
0x37c: {  	v4 =	vperm.xlane v3, v0;
	_ =	sdelay $0x1  }
0x37d: {  	v4 =	vadd.s32 v1, v4;
	_ =	sdelay $0x3  }
0x37e: {  	s1 =	rddreg [dreg:$0x1]  }
0x37f: {  	[hbm4b:s1+s3] =	stream.indirect_vreg.scatter [tilespmem:s2], [sflag:$0x2], $0x80, v4, vm0, $0xb8;
	[tilespmem:$0x11000] =	vst v63  }
0x380: {  	_ = 	snop  }
0x381: {  	[hbm4b:s13+s3] =	stream.indirect_vreg.scatter [tilespmem:s5], [sflag:$0x2], $0x80, v4, vm0, $0xb8;
	[tilespmem:$0x11000] =	vst v63  }
0x382: {  	_ = 	snop  }
0x383: {  	[hbm4b:s14+s3] =	stream.indirect_vreg.scatter [tilespmem:s25], [sflag:$0x2], $0x80, v4, vm0, $0xb8;
	[tilespmem:$0x11000] =	vst v63  }
0x384: {  	_ = 	snop  }
0x385: {  	[hbm4b:s15+s3] =	stream.indirect_vreg.scatter [tilespmem:s26], [sflag:$0x2], $0x80, v4, vm0, $0xb8;
	[tilespmem:$0x11000] =	vst v63  }
0x386: {  	_ = 	snop  }
0x387: {  	[hbm4b:s16+s3] =	stream.indirect_vreg.scatter [tilespmem:s22], [sflag:$0x2], $0x80, v4, vm0, $0xb8;
	[tilespmem:$0x11000] =	vst v63  }
0x388: {  	v3 =	vperm.xlane v3, v2  }
0x389: {  	[hbm4b:s17+s3] =	stream.indirect_vreg.scatter [tilespmem:s23], [sflag:$0x2], $0x80, v4, vm0, $0xb8;
	[tilespmem:$0x11000] =	vst v63  }
0x38a: {  	v3 =	vadd.s32 v1, v3  }
0x38b: {  	[hbm4b:s18+s3] =	stream.indirect_vreg.scatter [tilespmem:s28], [sflag:$0x2], $0x80, v4, vm0, $0xb8;
	[tilespmem:$0x11000] =	vst v63  }
0x38c: {  	_ = 	snop  }
0x38d: {  	[hbm4b:s19+s3] =	stream.indirect_vreg.scatter [tilespmem:s30], [sflag:$0x2], $0x80, v4, vm0, $0xb8;
	[tilespmem:$0x11000] =	vst v63  }
0x38e: {  	s2 =	rddreg [dreg:$0x1]  }
0x38f: {  	[hbm4b:s2+s3] =	stream.indirect_vreg.scatter [tilespmem:s24], [sflag:$0x2], $0x80, v3, vm0, $0xb8;
	[tilespmem:$0x11000] =	vst v63  }
0x390: {  	_ = 	snop  }
0x391: {  	[hbm4b:s13+s3] =	stream.indirect_vreg.scatter [tilespmem:s31], [sflag:$0x2], $0x80, v3, vm0, $0xb8;
	[tilespmem:$0x11000] =	vst v63  }
0x392: {  	s5 =	simm.s32 $0x6000  }
0x393: {  	[hbm4b:s14+s3] =	stream.indirect_vreg.scatter [tilespmem:s5], [sflag:$0x2], $0x80, v3, vm0, $0xb8;
	[tilespmem:$0x11000] =	vst v63  }
0x394: {  	s22 =	simm.s32 $0x6800  }
0x395: {  	[hbm4b:s15+s3] =	stream.indirect_vreg.scatter [tilespmem:s22], [sflag:$0x2], $0x80, v3, vm0, $0xb8;
	[tilespmem:$0x11000] =	vst v63  }
0x396: {  	s23 =	simm.s32 $0x7000  }
0x397: {  	[hbm4b:s16+s3] =	stream.indirect_vreg.scatter [tilespmem:s23], [sflag:$0x2], $0x80, v3, vm0, $0xb8;
	[tilespmem:$0x11000] =	vst v63  }
0x398: {  	_ = 	snop  }
0x399: {  	[hbm4b:s17+s3] =	stream.indirect_vreg.scatter [tilespmem:s20], [sflag:$0x2], $0x80, v3, vm0, $0xb8;
	[tilespmem:$0x11000] =	vst v63  }
0x39a: {  	_ = 	snop  }
0x39b: {  	[hbm4b:s18+s3] =	stream.indirect_vreg.scatter [tilespmem:s21], [sflag:$0x2], $0x80, v3, vm0, $0xb8;
	[tilespmem:$0x11000] =	vst v63  }
0x39c: {  	s24 =	simm.s32 $0x8800  }
0x39d: {  	[hbm4b:s19+s3] =	stream.indirect_vreg.scatter [tilespmem:s24], [sflag:$0x2], $0x80, v3, vm0, $0xb8;
	[tilespmem:$0x11000] =	vst v63  }
0x39e: {  	_ =	swait.ge [sflag:s29], $0x8000  }
0x39f: {  	[sflag:s29] =	ssyncset.done $0x0  }
0x3a0: {  	[sflag:s29] =	ssyncadd.s32 $0xFFFF8000  }
0x3a1: {  	v3 =	vld [tilespmem:$0x580];
	_ =	sdelay $0x4  }
0x3a2: {  	v54 =	vshll.u32 v3, $0x4  }
0x3a3: {  	v3 =	vand.u32 $0x7, v3;
	v4 =	vand.u32 $0xFFFFFF80, v54  }
0x3a4: {  	v3 =	vor.u32 v3, v4  }
0x3a5: {  	v4 =	vperm.xlane v3, v0;
	_ =	sdelay $0x1  }
0x3a6: {  	v4 =	vadd.s32 v1, v4;
	_ =	sdelay $0x3  }
0x3a7: {  	s30 =	simm.s32 $0x9000  }
0x3a8: {  	[tilespmem:s30], [sflag:$0x1] =	stream.indirect_vreg.gather [hbm4b:s4+s3], $0x80, v4, vm0, $0xb8;
	[tilespmem:$0x11000] =	vst v63  }
0x3a9: {  	s25 =	simm.s32 $0x9800  }
0x3aa: {  	[tilespmem:s25], [sflag:$0x1] =	stream.indirect_vreg.gather [hbm4b:s6+s3], $0x80, v4, vm0, $0xb8;
	[tilespmem:$0x11000] =	vst v63  }
0x3ab: {  	s31 =	simm.s32 $0xA000  }
0x3ac: {  	[tilespmem:s31], [sflag:$0x1] =	stream.indirect_vreg.gather [hbm4b:s7+s3], $0x80, v4, vm0, $0xb8;
	[tilespmem:$0x11000] =	vst v63  }
0x3ad: {  	s25 =	simm.s32 $0xA800  }
0x3ae: {  	[tilespmem:s25], [sflag:$0x1] =	stream.indirect_vreg.gather [hbm4b:s8+s3], $0x80, v4, vm0, $0xb8;
	[tilespmem:$0x11000] =	vst v63  }
0x3af: {  	s26 =	simm.s32 $0xB000  }
0x3b0: {  	[tilespmem:s26], [sflag:$0x1] =	stream.indirect_vreg.gather [hbm4b:s9+s3], $0x80, v4, vm0, $0xb8;
	[tilespmem:$0x11000] =	vst v63  }
0x3b1: {  	s28 =	simm.s32 $0xB800;
	v3 =	vperm.xlane v3, v2  }
0x3b2: {  	[tilespmem:s28], [sflag:$0x1] =	stream.indirect_vreg.gather [hbm4b:s10+s3], $0x80, v4, vm0, $0xb8;
	[tilespmem:$0x11000] =	vst v63  }
0x3b3: {  	v3 =	vadd.s32 v1, v3;
	s26 =	simm.s32 $0xC000  }
0x3b4: {  	[tilespmem:s26], [sflag:$0x1] =	stream.indirect_vreg.gather [hbm4b:s11+s3], $0x80, v4, vm0, $0xb8;
	[tilespmem:$0x11000] =	vst v63  }
0x3b5: {  	s2 =	simm.s32 $0xC800  }
0x3b6: {  	[tilespmem:s2], [sflag:$0x1] =	stream.indirect_vreg.gather [hbm4b:s12+s3], $0x80, v4, vm0, $0xb8;
	[tilespmem:$0x11000] =	vst v63  }
0x3b7: {  	s28 =	simm.s32 $0xD000  }
0x3b8: {  	[tilespmem:s28], [sflag:$0x1] =	stream.indirect_vreg.gather [hbm4b:s4+s3], $0x80, v3, vm0, $0xb8;
	[tilespmem:$0x11000] =	vst v63  }
0x3b9: {  	s20 =	simm.s32 $0xD800  }
0x3ba: {  	[tilespmem:s20], [sflag:$0x1] =	stream.indirect_vreg.gather [hbm4b:s6+s3], $0x80, v3, vm0, $0xb8;
	[tilespmem:$0x11000] =	vst v63  }
0x3bb: {  	s5 =	simm.s32 $0xE000  }
0x3bc: {  	[tilespmem:s5], [sflag:$0x1] =	stream.indirect_vreg.gather [hbm4b:s7+s3], $0x80, v3, vm0, $0xb8;
	[tilespmem:$0x11000] =	vst v63  }
0x3bd: {  	s22 =	simm.s32 $0xE800  }
0x3be: {  	[tilespmem:s22], [sflag:$0x1] =	stream.indirect_vreg.gather [hbm4b:s8+s3], $0x80, v3, vm0, $0xb8;
	[tilespmem:$0x11000] =	vst v63  }
0x3bf: {  	s21 =	simm.s32 $0xF000  }
0x3c0: {  	[tilespmem:s21], [sflag:$0x1] =	stream.indirect_vreg.gather [hbm4b:s9+s3], $0x80, v3, vm0, $0xb8;
	[tilespmem:$0x11000] =	vst v63  }
0x3c1: {  	s24 =	simm.s32 $0xF800  }
0x3c2: {  	[tilespmem:s24], [sflag:$0x1] =	stream.indirect_vreg.gather [hbm4b:s10+s3], $0x80, v3, vm0, $0xb8;
	[tilespmem:$0x11000] =	vst v63  }
0x3c3: {  	s23 =	simm.s32 $0x10000  }
0x3c4: {  	[tilespmem:s23], [sflag:$0x1] =	stream.indirect_vreg.gather [hbm4b:s11+s3], $0x80, v3, vm0, $0xb8;
	[tilespmem:$0x11000] =	vst v63  }
0x3c5: {  	s0 =	simm.s32 $0x1;
	s1 =	simm.s32 $0x10800  }
0x3c6: {  	[tilespmem:s1], [sflag:$0x1] =	stream.indirect_vreg.gather [hbm4b:s12+s3], $0x80, v3, vm0, $0xb8;
	[tilespmem:$0x11000] =	vst v63  }
0x3c7: {  	_ =	swait.ge [sflag:s0], $0x8000  }
0x3c8: {  	[sflag:s0] =	ssyncset.done $0x0  }
0x3c9: {  	[sflag:s0] =	ssyncadd.s32 $0xFFFF8000  }
0x3ca: {  	v3 =	vld [tilespmem:$0xD80];
	_ =	sdelay $0x4  }
0x3cb: {  	v55 =	vshll.u32 v3, $0x4  }
0x3cc: {  	v3 =	vand.u32 $0x7, v3;
	v4 =	vand.u32 $0xFFFFFF80, v55  }
0x3cd: {  	v3 =	vor.u32 v3, v4  }
0x3ce: {  	v4 =	vperm.xlane v3, v0;
	_ =	sdelay $0x1  }
0x3cf: {  	v4 =	vadd.s32 v1, v4;
	_ =	sdelay $0x3  }
0x3d0: {  	s0 =	rddreg [dreg:$0x1]  }
0x3d1: {  	[hbm4b:s0+s3] =	stream.indirect_vreg.scatter [tilespmem:s30], [sflag:$0x2], $0x80, v4, vm0, $0xb8;
	[tilespmem:$0x11000] =	vst v63  }
0x3d2: {  	s30 =	simm.s32 $0x9800  }
0x3d3: {  	[hbm4b:s13+s3] =	stream.indirect_vreg.scatter [tilespmem:s30], [sflag:$0x2], $0x80, v4, vm0, $0xb8;
	[tilespmem:$0x11000] =	vst v63  }
0x3d4: {  	_ = 	snop  }
0x3d5: {  	[hbm4b:s14+s3] =	stream.indirect_vreg.scatter [tilespmem:s31], [sflag:$0x2], $0x80, v4, vm0, $0xb8;
	[tilespmem:$0x11000] =	vst v63  }
0x3d6: {  	_ = 	snop  }
0x3d7: {  	[hbm4b:s15+s3] =	stream.indirect_vreg.scatter [tilespmem:s25], [sflag:$0x2], $0x80, v4, vm0, $0xb8;
	[tilespmem:$0x11000] =	vst v63  }
0x3d8: {  	s1 =	simm.s32 $0xB000  }
0x3d9: {  	[hbm4b:s16+s3] =	stream.indirect_vreg.scatter [tilespmem:s1], [sflag:$0x2], $0x80, v4, vm0, $0xb8;
	[tilespmem:$0x11000] =	vst v63  }
0x3da: {  	v3 =	vperm.xlane v3, v2;
	s25 =	simm.s32 $0xB800  }
0x3db: {  	[hbm4b:s17+s3] =	stream.indirect_vreg.scatter [tilespmem:s25], [sflag:$0x2], $0x80, v4, vm0, $0xb8;
	[tilespmem:$0x11000] =	vst v63  }
0x3dc: {  	v3 =	vadd.s32 v1, v3  }
0x3dd: {  	[hbm4b:s18+s3] =	stream.indirect_vreg.scatter [tilespmem:s26], [sflag:$0x2], $0x80, v4, vm0, $0xb8;
	[tilespmem:$0x11000] =	vst v63  }
0x3de: {  	_ = 	snop  }
0x3df: {  	[hbm4b:s19+s3] =	stream.indirect_vreg.scatter [tilespmem:s2], [sflag:$0x2], $0x80, v4, vm0, $0xb8;
	[tilespmem:$0x11000] =	vst v63  }
0x3e0: {  	s30 =	rddreg [dreg:$0x1]  }
0x3e1: {  	[hbm4b:s30+s3] =	stream.indirect_vreg.scatter [tilespmem:s28], [sflag:$0x2], $0x80, v3, vm0, $0xb8;
	[tilespmem:$0x11000] =	vst v63  }
0x3e2: {  	_ = 	snop  }
0x3e3: {  	[hbm4b:s13+s3] =	stream.indirect_vreg.scatter [tilespmem:s20], [sflag:$0x2], $0x80, v3, vm0, $0xb8;
	[tilespmem:$0x11000] =	vst v63  }
0x3e4: {  	_ = 	snop  }
0x3e5: {  	[hbm4b:s14+s3] =	stream.indirect_vreg.scatter [tilespmem:s5], [sflag:$0x2], $0x80, v3, vm0, $0xb8;
	[tilespmem:$0x11000] =	vst v63  }
0x3e6: {  	_ = 	snop  }
0x3e7: {  	[hbm4b:s15+s3] =	stream.indirect_vreg.scatter [tilespmem:s22], [sflag:$0x2], $0x80, v3, vm0, $0xb8;
	[tilespmem:$0x11000] =	vst v63  }
0x3e8: {  	_ = 	snop  }
0x3e9: {  	[hbm4b:s16+s3] =	stream.indirect_vreg.scatter [tilespmem:s21], [sflag:$0x2], $0x80, v3, vm0, $0xb8;
	[tilespmem:$0x11000] =	vst v63  }
0x3ea: {  	_ = 	snop  }
0x3eb: {  	[hbm4b:s17+s3] =	stream.indirect_vreg.scatter [tilespmem:s24], [sflag:$0x2], $0x80, v3, vm0, $0xb8;
	[tilespmem:$0x11000] =	vst v63  }
0x3ec: {  	_ = 	snop  }
0x3ed: {  	[hbm4b:s18+s3] =	stream.indirect_vreg.scatter [tilespmem:s23], [sflag:$0x2], $0x80, v3, vm0, $0xb8;
	[tilespmem:$0x11000] =	vst v63  }
0x3ee: {  	s31 =	simm.s32 $0x10800  }
0x3ef: {  	[hbm4b:s19+s3] =	stream.indirect_vreg.scatter [tilespmem:s31], [sflag:$0x2], $0x80, v3, vm0, $0xb8;
	[tilespmem:$0x11000] =	vst v63  }
0x3f0: {  	_ =	swait.ge [sflag:s29], $0x8000  }
0x3f1: {  	[sflag:s29] =	ssyncset.done $0x0  }
0x3f2: {  	[sflag:s29] =	ssyncadd.s32 $0xFFFF8000  }
0x3f3: {  	v3 =	vld [tilespmem:$0x600];
	_ =	sdelay $0x4  }
0x3f4: {  	v56 =	vshll.u32 v3, $0x4  }
0x3f5: {  	v3 =	vand.u32 $0x7, v3;
	v4 =	vand.u32 $0xFFFFFF80, v56  }
0x3f6: {  	v3 =	vor.u32 v3, v4  }
0x3f7: {  	v4 =	vperm.xlane v3, v0;
	_ =	sdelay $0x1  }
0x3f8: {  	v4 =	vadd.s32 v1, v4;
	_ =	sdelay $0x3  }
0x3f9: {  	s2 =	simm.s32 $0x1000  }
0x3fa: {  	[tilespmem:s2], [sflag:$0x1] =	stream.indirect_vreg.gather [hbm4b:s4+s3], $0x80, v4, vm0, $0xb8;
	[tilespmem:$0x11000] =	vst v63  }
0x3fb: {  	s5 =	simm.s32 $0x1800  }
0x3fc: {  	[tilespmem:s5], [sflag:$0x1] =	stream.indirect_vreg.gather [hbm4b:s6+s3], $0x80, v4, vm0, $0xb8;
	[tilespmem:$0x11000] =	vst v63  }
0x3fd: {  	s25 =	simm.s32 $0x2000  }
0x3fe: {  	[tilespmem:s25], [sflag:$0x1] =	stream.indirect_vreg.gather [hbm4b:s7+s3], $0x80, v4, vm0, $0xb8;
	[tilespmem:$0x11000] =	vst v63  }
0x3ff: {  	s26 =	simm.s32 $0x2800  }
0x400: {  	[tilespmem:s26], [sflag:$0x1] =	stream.indirect_vreg.gather [hbm4b:s8+s3], $0x80, v4, vm0, $0xb8;
	[tilespmem:$0x11000] =	vst v63  }
0x401: {  	s22 =	simm.s32 $0x3000  }
0x402: {  	[tilespmem:s22], [sflag:$0x1] =	stream.indirect_vreg.gather [hbm4b:s9+s3], $0x80, v4, vm0, $0xb8;
	[tilespmem:$0x11000] =	vst v63  }
0x403: {  	s23 =	simm.s32 $0x3800;
	v3 =	vperm.xlane v3, v2  }
0x404: {  	[tilespmem:s23], [sflag:$0x1] =	stream.indirect_vreg.gather [hbm4b:s10+s3], $0x80, v4, vm0, $0xb8;
	[tilespmem:$0x11000] =	vst v63  }
0x405: {  	s28 =	simm.s32 $0x4000;
	v3 =	vadd.s32 v1, v3  }
0x406: {  	[tilespmem:s28], [sflag:$0x1] =	stream.indirect_vreg.gather [hbm4b:s11+s3], $0x80, v4, vm0, $0xb8;
	[tilespmem:$0x11000] =	vst v63  }
0x407: {  	s30 =	simm.s32 $0x4800  }
0x408: {  	[tilespmem:s30], [sflag:$0x1] =	stream.indirect_vreg.gather [hbm4b:s12+s3], $0x80, v4, vm0, $0xb8;
	[tilespmem:$0x11000] =	vst v63  }
0x409: {  	s24 =	simm.s32 $0x5000  }
0x40a: {  	[tilespmem:s24], [sflag:$0x1] =	stream.indirect_vreg.gather [hbm4b:s4+s3], $0x80, v3, vm0, $0xb8;
	[tilespmem:$0x11000] =	vst v63  }
0x40b: {  	s31 =	simm.s32 $0x5800  }
0x40c: {  	[tilespmem:s31], [sflag:$0x1] =	stream.indirect_vreg.gather [hbm4b:s6+s3], $0x80, v3, vm0, $0xb8;
	[tilespmem:$0x11000] =	vst v63  }
0x40d: {  	s1 =	simm.s32 $0x6000  }
0x40e: {  	[tilespmem:s1], [sflag:$0x1] =	stream.indirect_vreg.gather [hbm4b:s7+s3], $0x80, v3, vm0, $0xb8;
	[tilespmem:$0x11000] =	vst v63  }
0x40f: {  	s20 =	simm.s32 $0x6800  }
0x410: {  	[tilespmem:s20], [sflag:$0x1] =	stream.indirect_vreg.gather [hbm4b:s8+s3], $0x80, v3, vm0, $0xb8;
	[tilespmem:$0x11000] =	vst v63  }
0x411: {  	s21 =	simm.s32 $0x7000  }
0x412: {  	[tilespmem:s21], [sflag:$0x1] =	stream.indirect_vreg.gather [hbm4b:s9+s3], $0x80, v3, vm0, $0xb8;
	[tilespmem:$0x11000] =	vst v63  }
0x413: {  	s20 =	simm.s32 $0x7800  }
0x414: {  	[tilespmem:s20], [sflag:$0x1] =	stream.indirect_vreg.gather [hbm4b:s10+s3], $0x80, v3, vm0, $0xb8;
	[tilespmem:$0x11000] =	vst v63  }
0x415: {  	s21 =	simm.s32 $0x8000  }
0x416: {  	[tilespmem:s21], [sflag:$0x1] =	stream.indirect_vreg.gather [hbm4b:s11+s3], $0x80, v3, vm0, $0xb8;
	[tilespmem:$0x11000] =	vst v63  }
0x417: {  	s1 =	simm.s32 $0x8800  }
0x418: {  	[tilespmem:s1], [sflag:$0x1] =	stream.indirect_vreg.gather [hbm4b:s12+s3], $0x80, v3, vm0, $0xb8;
	[tilespmem:$0x11000] =	vst v63  }
0x419: {  	s1 =	simm.s32 $0x1  }
0x41a: {  	_ =	swait.ge [sflag:s1], $0x8000  }
0x41b: {  	[sflag:s1] =	ssyncset.done $0x0  }
0x41c: {  	[sflag:s1] =	ssyncadd.s32 $0xFFFF8000  }
0x41d: {  	v3 =	vld [tilespmem:$0xE00];
	_ =	sdelay $0x4  }
0x41e: {  	v57 =	vshll.u32 v3, $0x4  }
0x41f: {  	v3 =	vand.u32 $0x7, v3;
	v4 =	vand.u32 $0xFFFFFF80, v57  }
0x420: {  	v3 =	vor.u32 v3, v4  }
0x421: {  	v4 =	vperm.xlane v3, v0;
	_ =	sdelay $0x1  }
0x422: {  	v4 =	vadd.s32 v1, v4;
	_ =	sdelay $0x3  }
0x423: {  	s1 =	rddreg [dreg:$0x1]  }
0x424: {  	[hbm4b:s1+s3] =	stream.indirect_vreg.scatter [tilespmem:s2], [sflag:$0x2], $0x80, v4, vm0, $0xb8;
	[tilespmem:$0x11000] =	vst v63  }
0x425: {  	_ = 	snop  }
0x426: {  	[hbm4b:s13+s3] =	stream.indirect_vreg.scatter [tilespmem:s5], [sflag:$0x2], $0x80, v4, vm0, $0xb8;
	[tilespmem:$0x11000] =	vst v63  }
0x427: {  	_ = 	snop  }
0x428: {  	[hbm4b:s14+s3] =	stream.indirect_vreg.scatter [tilespmem:s25], [sflag:$0x2], $0x80, v4, vm0, $0xb8;
	[tilespmem:$0x11000] =	vst v63  }
0x429: {  	_ = 	snop  }
0x42a: {  	[hbm4b:s15+s3] =	stream.indirect_vreg.scatter [tilespmem:s26], [sflag:$0x2], $0x80, v4, vm0, $0xb8;
	[tilespmem:$0x11000] =	vst v63  }
0x42b: {  	_ = 	snop  }
0x42c: {  	[hbm4b:s16+s3] =	stream.indirect_vreg.scatter [tilespmem:s22], [sflag:$0x2], $0x80, v4, vm0, $0xb8;
	[tilespmem:$0x11000] =	vst v63  }
0x42d: {  	v3 =	vperm.xlane v3, v2  }
0x42e: {  	[hbm4b:s17+s3] =	stream.indirect_vreg.scatter [tilespmem:s23], [sflag:$0x2], $0x80, v4, vm0, $0xb8;
	[tilespmem:$0x11000] =	vst v63  }
0x42f: {  	v3 =	vadd.s32 v1, v3  }
0x430: {  	[hbm4b:s18+s3] =	stream.indirect_vreg.scatter [tilespmem:s28], [sflag:$0x2], $0x80, v4, vm0, $0xb8;
	[tilespmem:$0x11000] =	vst v63  }
0x431: {  	_ = 	snop  }
0x432: {  	[hbm4b:s19+s3] =	stream.indirect_vreg.scatter [tilespmem:s30], [sflag:$0x2], $0x80, v4, vm0, $0xb8;
	[tilespmem:$0x11000] =	vst v63  }
0x433: {  	s5 =	rddreg [dreg:$0x1]  }
0x434: {  	[hbm4b:s5+s3] =	stream.indirect_vreg.scatter [tilespmem:s24], [sflag:$0x2], $0x80, v3, vm0, $0xb8;
	[tilespmem:$0x11000] =	vst v63  }
0x435: {  	_ = 	snop  }
0x436: {  	[hbm4b:s13+s3] =	stream.indirect_vreg.scatter [tilespmem:s31], [sflag:$0x2], $0x80, v3, vm0, $0xb8;
	[tilespmem:$0x11000] =	vst v63  }
0x437: {  	s22 =	simm.s32 $0x6000  }
0x438: {  	[hbm4b:s14+s3] =	stream.indirect_vreg.scatter [tilespmem:s22], [sflag:$0x2], $0x80, v3, vm0, $0xb8;
	[tilespmem:$0x11000] =	vst v63  }
0x439: {  	s23 =	simm.s32 $0x6800  }
0x43a: {  	[hbm4b:s15+s3] =	stream.indirect_vreg.scatter [tilespmem:s23], [sflag:$0x2], $0x80, v3, vm0, $0xb8;
	[tilespmem:$0x11000] =	vst v63  }
0x43b: {  	s24 =	simm.s32 $0x7000  }
0x43c: {  	[hbm4b:s16+s3] =	stream.indirect_vreg.scatter [tilespmem:s24], [sflag:$0x2], $0x80, v3, vm0, $0xb8;
	[tilespmem:$0x11000] =	vst v63  }
0x43d: {  	_ = 	snop  }
0x43e: {  	[hbm4b:s17+s3] =	stream.indirect_vreg.scatter [tilespmem:s20], [sflag:$0x2], $0x80, v3, vm0, $0xb8;
	[tilespmem:$0x11000] =	vst v63  }
0x43f: {  	_ = 	snop  }
0x440: {  	[hbm4b:s18+s3] =	stream.indirect_vreg.scatter [tilespmem:s21], [sflag:$0x2], $0x80, v3, vm0, $0xb8;
	[tilespmem:$0x11000] =	vst v63  }
0x441: {  	s25 =	simm.s32 $0x8800  }
0x442: {  	[hbm4b:s19+s3] =	stream.indirect_vreg.scatter [tilespmem:s25], [sflag:$0x2], $0x80, v3, vm0, $0xb8;
	[tilespmem:$0x11000] =	vst v63  }
0x443: {  	_ =	swait.ge [sflag:s29], $0x8000  }
0x444: {  	[sflag:s29] =	ssyncset.done $0x0  }
0x445: {  	[sflag:s29] =	ssyncadd.s32 $0xFFFF8000  }
0x446: {  	v3 =	vld [tilespmem:$0x680];
	_ =	sdelay $0x4  }
0x447: {  	v58 =	vshll.u32 v3, $0x4  }
0x448: {  	v3 =	vand.u32 $0x7, v3;
	v4 =	vand.u32 $0xFFFFFF80, v58  }
0x449: {  	v3 =	vor.u32 v3, v4  }
0x44a: {  	v4 =	vperm.xlane v3, v0;
	_ =	sdelay $0x1  }
0x44b: {  	v4 =	vadd.s32 v1, v4;
	_ =	sdelay $0x3  }
0x44c: {  	s31 =	simm.s32 $0x9000  }
0x44d: {  	[tilespmem:s31], [sflag:$0x1] =	stream.indirect_vreg.gather [hbm4b:s4+s3], $0x80, v4, vm0, $0xb8;
	[tilespmem:$0x11000] =	vst v63  }
0x44e: {  	s25 =	simm.s32 $0x9800  }
0x44f: {  	[tilespmem:s25], [sflag:$0x1] =	stream.indirect_vreg.gather [hbm4b:s6+s3], $0x80, v4, vm0, $0xb8;
	[tilespmem:$0x11000] =	vst v63  }
0x450: {  	s26 =	simm.s32 $0xA000  }
0x451: {  	[tilespmem:s26], [sflag:$0x1] =	stream.indirect_vreg.gather [hbm4b:s7+s3], $0x80, v4, vm0, $0xb8;
	[tilespmem:$0x11000] =	vst v63  }
0x452: {  	s26 =	simm.s32 $0xA800  }
0x453: {  	[tilespmem:s26], [sflag:$0x1] =	stream.indirect_vreg.gather [hbm4b:s8+s3], $0x80, v4, vm0, $0xb8;
	[tilespmem:$0x11000] =	vst v63  }
0x454: {  	s28 =	simm.s32 $0xB000  }
0x455: {  	[tilespmem:s28], [sflag:$0x1] =	stream.indirect_vreg.gather [hbm4b:s9+s3], $0x80, v4, vm0, $0xb8;
	[tilespmem:$0x11000] =	vst v63  }
0x456: {  	s30 =	simm.s32 $0xB800;
	v3 =	vperm.xlane v3, v2  }
0x457: {  	[tilespmem:s30], [sflag:$0x1] =	stream.indirect_vreg.gather [hbm4b:s10+s3], $0x80, v4, vm0, $0xb8;
	[tilespmem:$0x11000] =	vst v63  }
0x458: {  	v3 =	vadd.s32 v1, v3;
	s28 =	simm.s32 $0xC000  }
0x459: {  	[tilespmem:s28], [sflag:$0x1] =	stream.indirect_vreg.gather [hbm4b:s11+s3], $0x80, v4, vm0, $0xb8;
	[tilespmem:$0x11000] =	vst v63  }
0x45a: {  	s2 =	simm.s32 $0xC800  }
0x45b: {  	[tilespmem:s2], [sflag:$0x1] =	stream.indirect_vreg.gather [hbm4b:s12+s3], $0x80, v4, vm0, $0xb8;
	[tilespmem:$0x11000] =	vst v63  }
0x45c: {  	s30 =	simm.s32 $0xD000  }
0x45d: {  	[tilespmem:s30], [sflag:$0x1] =	stream.indirect_vreg.gather [hbm4b:s4+s3], $0x80, v3, vm0, $0xb8;
	[tilespmem:$0x11000] =	vst v63  }
0x45e: {  	s20 =	simm.s32 $0xD800  }
0x45f: {  	[tilespmem:s20], [sflag:$0x1] =	stream.indirect_vreg.gather [hbm4b:s6+s3], $0x80, v3, vm0, $0xb8;
	[tilespmem:$0x11000] =	vst v63  }
0x460: {  	s5 =	simm.s32 $0xE000  }
0x461: {  	[tilespmem:s5], [sflag:$0x1] =	stream.indirect_vreg.gather [hbm4b:s7+s3], $0x80, v3, vm0, $0xb8;
	[tilespmem:$0x11000] =	vst v63  }
0x462: {  	s22 =	simm.s32 $0xE800  }
0x463: {  	[tilespmem:s22], [sflag:$0x1] =	stream.indirect_vreg.gather [hbm4b:s8+s3], $0x80, v3, vm0, $0xb8;
	[tilespmem:$0x11000] =	vst v63  }
0x464: {  	s21 =	simm.s32 $0xF000  }
0x465: {  	[tilespmem:s21], [sflag:$0x1] =	stream.indirect_vreg.gather [hbm4b:s9+s3], $0x80, v3, vm0, $0xb8;
	[tilespmem:$0x11000] =	vst v63  }
0x466: {  	s24 =	simm.s32 $0xF800  }
0x467: {  	[tilespmem:s24], [sflag:$0x1] =	stream.indirect_vreg.gather [hbm4b:s10+s3], $0x80, v3, vm0, $0xb8;
	[tilespmem:$0x11000] =	vst v63  }
0x468: {  	s23 =	simm.s32 $0x10000  }
0x469: {  	[tilespmem:s23], [sflag:$0x1] =	stream.indirect_vreg.gather [hbm4b:s11+s3], $0x80, v3, vm0, $0xb8;
	[tilespmem:$0x11000] =	vst v63  }
0x46a: {  	s0 =	simm.s32 $0x1;
	s1 =	simm.s32 $0x10800  }
0x46b: {  	[tilespmem:s1], [sflag:$0x1] =	stream.indirect_vreg.gather [hbm4b:s12+s3], $0x80, v3, vm0, $0xb8;
	[tilespmem:$0x11000] =	vst v63  }
0x46c: {  	_ =	swait.ge [sflag:s0], $0x8000  }
0x46d: {  	[sflag:s0] =	ssyncset.done $0x0  }
0x46e: {  	[sflag:s0] =	ssyncadd.s32 $0xFFFF8000  }
0x46f: {  	v3 =	vld [tilespmem:$0xE80];
	_ =	sdelay $0x4  }
0x470: {  	v59 =	vshll.u32 v3, $0x4  }
0x471: {  	v3 =	vand.u32 $0x7, v3;
	v4 =	vand.u32 $0xFFFFFF80, v59  }
0x472: {  	v3 =	vor.u32 v3, v4  }
0x473: {  	v4 =	vperm.xlane v3, v0;
	_ =	sdelay $0x1  }
0x474: {  	v4 =	vadd.s32 v1, v4;
	_ =	sdelay $0x3  }
0x475: {  	s0 =	rddreg [dreg:$0x1]  }
0x476: {  	[hbm4b:s0+s3] =	stream.indirect_vreg.scatter [tilespmem:s31], [sflag:$0x2], $0x80, v4, vm0, $0xb8;
	[tilespmem:$0x11000] =	vst v63  }
0x477: {  	_ = 	snop  }
0x478: {  	[hbm4b:s13+s3] =	stream.indirect_vreg.scatter [tilespmem:s25], [sflag:$0x2], $0x80, v4, vm0, $0xb8;
	[tilespmem:$0x11000] =	vst v63  }
0x479: {  	s1 =	simm.s32 $0xA000  }
0x47a: {  	[hbm4b:s14+s3] =	stream.indirect_vreg.scatter [tilespmem:s1], [sflag:$0x2], $0x80, v4, vm0, $0xb8;
	[tilespmem:$0x11000] =	vst v63  }
0x47b: {  	_ = 	snop  }
0x47c: {  	[hbm4b:s15+s3] =	stream.indirect_vreg.scatter [tilespmem:s26], [sflag:$0x2], $0x80, v4, vm0, $0xb8;
	[tilespmem:$0x11000] =	vst v63  }
0x47d: {  	s25 =	simm.s32 $0xB000  }
0x47e: {  	[hbm4b:s16+s3] =	stream.indirect_vreg.scatter [tilespmem:s25], [sflag:$0x2], $0x80, v4, vm0, $0xb8;
	[tilespmem:$0x11000] =	vst v63  }
0x47f: {  	v3 =	vperm.xlane v3, v2;
	s26 =	simm.s32 $0xB800  }
0x480: {  	[hbm4b:s17+s3] =	stream.indirect_vreg.scatter [tilespmem:s26], [sflag:$0x2], $0x80, v4, vm0, $0xb8;
	[tilespmem:$0x11000] =	vst v63  }
0x481: {  	v3 =	vadd.s32 v1, v3  }
0x482: {  	[hbm4b:s18+s3] =	stream.indirect_vreg.scatter [tilespmem:s28], [sflag:$0x2], $0x80, v4, vm0, $0xb8;
	[tilespmem:$0x11000] =	vst v63  }
0x483: {  	_ = 	snop  }
0x484: {  	[hbm4b:s19+s3] =	stream.indirect_vreg.scatter [tilespmem:s2], [sflag:$0x2], $0x80, v4, vm0, $0xb8;
	[tilespmem:$0x11000] =	vst v63  }
0x485: {  	s0 =	rddreg [dreg:$0x1]  }
0x486: {  	[hbm4b:s0+s3] =	stream.indirect_vreg.scatter [tilespmem:s30], [sflag:$0x2], $0x80, v3, vm0, $0xb8;
	[tilespmem:$0x11000] =	vst v63  }
0x487: {  	_ = 	snop  }
0x488: {  	[hbm4b:s13+s3] =	stream.indirect_vreg.scatter [tilespmem:s20], [sflag:$0x2], $0x80, v3, vm0, $0xb8;
	[tilespmem:$0x11000] =	vst v63  }
0x489: {  	_ = 	snop  }
0x48a: {  	[hbm4b:s14+s3] =	stream.indirect_vreg.scatter [tilespmem:s5], [sflag:$0x2], $0x80, v3, vm0, $0xb8;
	[tilespmem:$0x11000] =	vst v63  }
0x48b: {  	_ = 	snop  }
0x48c: {  	[hbm4b:s15+s3] =	stream.indirect_vreg.scatter [tilespmem:s22], [sflag:$0x2], $0x80, v3, vm0, $0xb8;
	[tilespmem:$0x11000] =	vst v63  }
0x48d: {  	_ = 	snop  }
0x48e: {  	[hbm4b:s16+s3] =	stream.indirect_vreg.scatter [tilespmem:s21], [sflag:$0x2], $0x80, v3, vm0, $0xb8;
	[tilespmem:$0x11000] =	vst v63  }
0x48f: {  	_ = 	snop  }
0x490: {  	[hbm4b:s17+s3] =	stream.indirect_vreg.scatter [tilespmem:s24], [sflag:$0x2], $0x80, v3, vm0, $0xb8;
	[tilespmem:$0x11000] =	vst v63  }
0x491: {  	_ = 	snop  }
0x492: {  	[hbm4b:s18+s3] =	stream.indirect_vreg.scatter [tilespmem:s23], [sflag:$0x2], $0x80, v3, vm0, $0xb8;
	[tilespmem:$0x11000] =	vst v63  }
0x493: {  	s30 =	simm.s32 $0x10800  }
0x494: {  	[hbm4b:s19+s3] =	stream.indirect_vreg.scatter [tilespmem:s30], [sflag:$0x2], $0x80, v3, vm0, $0xb8;
	[tilespmem:$0x11000] =	vst v63  }
0x495: {  	_ =	swait.ge [sflag:s29], $0x8000  }
0x496: {  	[sflag:s29] =	ssyncset.done $0x0  }
0x497: {  	[sflag:s29] =	ssyncadd.s32 $0xFFFF8000  }
0x498: {  	v3 =	vld [tilespmem:$0x700];
	_ =	sdelay $0x4  }
0x499: {  	v60 =	vshll.u32 v3, $0x4  }
0x49a: {  	v3 =	vand.u32 $0x7, v3;
	v4 =	vand.u32 $0xFFFFFF80, v60  }
0x49b: {  	v3 =	vor.u32 v3, v4  }
0x49c: {  	v4 =	vperm.xlane v3, v0;
	_ =	sdelay $0x1  }
0x49d: {  	v4 =	vadd.s32 v1, v4;
	_ =	sdelay $0x3  }
0x49e: {  	s31 =	simm.s32 $0x1000  }
0x49f: {  	[tilespmem:s31], [sflag:$0x1] =	stream.indirect_vreg.gather [hbm4b:s4+s3], $0x80, v4, vm0, $0xb8;
	[tilespmem:$0x11000] =	vst v63  }
0x4a0: {  	s2 =	simm.s32 $0x1800  }
0x4a1: {  	[tilespmem:s2], [sflag:$0x1] =	stream.indirect_vreg.gather [hbm4b:s6+s3], $0x80, v4, vm0, $0xb8;
	[tilespmem:$0x11000] =	vst v63  }
0x4a2: {  	s23 =	simm.s32 $0x2000  }
0x4a3: {  	[tilespmem:s23], [sflag:$0x1] =	stream.indirect_vreg.gather [hbm4b:s7+s3], $0x80, v4, vm0, $0xb8;
	[tilespmem:$0x11000] =	vst v63  }
0x4a4: {  	s26 =	simm.s32 $0x2800  }
0x4a5: {  	[tilespmem:s26], [sflag:$0x1] =	stream.indirect_vreg.gather [hbm4b:s8+s3], $0x80, v4, vm0, $0xb8;
	[tilespmem:$0x11000] =	vst v63  }
0x4a6: {  	s21 =	simm.s32 $0x3000  }
0x4a7: {  	[tilespmem:s21], [sflag:$0x1] =	stream.indirect_vreg.gather [hbm4b:s9+s3], $0x80, v4, vm0, $0xb8;
	[tilespmem:$0x11000] =	vst v63  }
0x4a8: {  	s22 =	simm.s32 $0x3800;
	v3 =	vperm.xlane v3, v2  }
0x4a9: {  	[tilespmem:s22], [sflag:$0x1] =	stream.indirect_vreg.gather [hbm4b:s10+s3], $0x80, v4, vm0, $0xb8;
	[tilespmem:$0x11000] =	vst v63  }
0x4aa: {  	s28 =	simm.s32 $0x4000;
	v3 =	vadd.s32 v1, v3  }
0x4ab: {  	[tilespmem:s28], [sflag:$0x1] =	stream.indirect_vreg.gather [hbm4b:s11+s3], $0x80, v4, vm0, $0xb8;
	[tilespmem:$0x11000] =	vst v63  }
0x4ac: {  	s30 =	simm.s32 $0x4800  }
0x4ad: {  	[tilespmem:s30], [sflag:$0x1] =	stream.indirect_vreg.gather [hbm4b:s12+s3], $0x80, v4, vm0, $0xb8;
	[tilespmem:$0x11000] =	vst v63  }
0x4ae: {  	s24 =	simm.s32 $0x5000  }
0x4af: {  	[tilespmem:s24], [sflag:$0x1] =	stream.indirect_vreg.gather [hbm4b:s4+s3], $0x80, v3, vm0, $0xb8;
	[tilespmem:$0x11000] =	vst v63  }
0x4b0: {  	s31 =	simm.s32 $0x5800  }
0x4b1: {  	[tilespmem:s31], [sflag:$0x1] =	stream.indirect_vreg.gather [hbm4b:s6+s3], $0x80, v3, vm0, $0xb8;
	[tilespmem:$0x11000] =	vst v63  }
0x4b2: {  	s25 =	simm.s32 $0x6000  }
0x4b3: {  	[tilespmem:s25], [sflag:$0x1] =	stream.indirect_vreg.gather [hbm4b:s7+s3], $0x80, v3, vm0, $0xb8;
	[tilespmem:$0x11000] =	vst v63  }
0x4b4: {  	s1 =	simm.s32 $0x6800  }
0x4b5: {  	[tilespmem:s1], [sflag:$0x1] =	stream.indirect_vreg.gather [hbm4b:s8+s3], $0x80, v3, vm0, $0xb8;
	[tilespmem:$0x11000] =	vst v63  }
0x4b6: {  	s20 =	simm.s32 $0x7000  }
0x4b7: {  	[tilespmem:s20], [sflag:$0x1] =	stream.indirect_vreg.gather [hbm4b:s9+s3], $0x80, v3, vm0, $0xb8;
	[tilespmem:$0x11000] =	vst v63  }
0x4b8: {  	s5 =	simm.s32 $0x7800  }
0x4b9: {  	[tilespmem:s5], [sflag:$0x1] =	stream.indirect_vreg.gather [hbm4b:s10+s3], $0x80, v3, vm0, $0xb8;
	[tilespmem:$0x11000] =	vst v63  }
0x4ba: {  	s20 =	simm.s32 $0x8000  }
0x4bb: {  	[tilespmem:s20], [sflag:$0x1] =	stream.indirect_vreg.gather [hbm4b:s11+s3], $0x80, v3, vm0, $0xb8;
	[tilespmem:$0x11000] =	vst v63  }
0x4bc: {  	s1 =	simm.s32 $0x8800  }
0x4bd: {  	[tilespmem:s1], [sflag:$0x1] =	stream.indirect_vreg.gather [hbm4b:s12+s3], $0x80, v3, vm0, $0xb8;
	[tilespmem:$0x11000] =	vst v63  }
0x4be: {  	s1 =	simm.s32 $0x1  }
0x4bf: {  	_ =	swait.ge [sflag:s1], $0x8000  }
0x4c0: {  	[sflag:s1] =	ssyncset.done $0x0  }
0x4c1: {  	[sflag:s1] =	ssyncadd.s32 $0xFFFF8000  }
0x4c2: {  	v3 =	vld [tilespmem:$0xF00];
	_ =	sdelay $0x4  }
0x4c3: {  	v61 =	vshll.u32 v3, $0x4  }
0x4c4: {  	v3 =	vand.u32 $0x7, v3;
	v4 =	vand.u32 $0xFFFFFF80, v61  }
0x4c5: {  	v3 =	vor.u32 v3, v4  }
0x4c6: {  	v4 =	vperm.xlane v3, v0;
	_ =	sdelay $0x1  }
0x4c7: {  	v4 =	vadd.s32 v1, v4;
	_ =	sdelay $0x3  }
0x4c8: {  	s1 =	simm.s32 $0x1000  }
0x4c9: {  	[hbm4b:s0+s3] =	stream.indirect_vreg.scatter [tilespmem:s1], [sflag:$0x2], $0x80, v4, vm0, $0xb8;
	[tilespmem:$0x11000] =	vst v63  }
0x4ca: {  	_ = 	snop  }
0x4cb: {  	[hbm4b:s13+s3] =	stream.indirect_vreg.scatter [tilespmem:s2], [sflag:$0x2], $0x80, v4, vm0, $0xb8;
	[tilespmem:$0x11000] =	vst v63  }
0x4cc: {  	_ = 	snop  }
0x4cd: {  	[hbm4b:s14+s3] =	stream.indirect_vreg.scatter [tilespmem:s23], [sflag:$0x2], $0x80, v4, vm0, $0xb8;
	[tilespmem:$0x11000] =	vst v63  }
0x4ce: {  	_ = 	snop  }
0x4cf: {  	[hbm4b:s15+s3] =	stream.indirect_vreg.scatter [tilespmem:s26], [sflag:$0x2], $0x80, v4, vm0, $0xb8;
	[tilespmem:$0x11000] =	vst v63  }
0x4d0: {  	_ = 	snop  }
0x4d1: {  	[hbm4b:s16+s3] =	stream.indirect_vreg.scatter [tilespmem:s21], [sflag:$0x2], $0x80, v4, vm0, $0xb8;
	[tilespmem:$0x11000] =	vst v63  }
0x4d2: {  	v3 =	vperm.xlane v3, v2  }
0x4d3: {  	[hbm4b:s17+s3] =	stream.indirect_vreg.scatter [tilespmem:s22], [sflag:$0x2], $0x80, v4, vm0, $0xb8;
	[tilespmem:$0x11000] =	vst v63  }
0x4d4: {  	v3 =	vadd.s32 v1, v3  }
0x4d5: {  	[hbm4b:s18+s3] =	stream.indirect_vreg.scatter [tilespmem:s28], [sflag:$0x2], $0x80, v4, vm0, $0xb8;
	[tilespmem:$0x11000] =	vst v63  }
0x4d6: {  	_ = 	snop  }
0x4d7: {  	[hbm4b:s19+s3] =	stream.indirect_vreg.scatter [tilespmem:s30], [sflag:$0x2], $0x80, v4, vm0, $0xb8;
	[tilespmem:$0x11000] =	vst v63  }
0x4d8: {  	_ = 	snop  }
0x4d9: {  	[hbm4b:s0+s3] =	stream.indirect_vreg.scatter [tilespmem:s24], [sflag:$0x2], $0x80, v3, vm0, $0xb8;
	[tilespmem:$0x11000] =	vst v63  }
0x4da: {  	_ = 	snop  }
0x4db: {  	[hbm4b:s13+s3] =	stream.indirect_vreg.scatter [tilespmem:s31], [sflag:$0x2], $0x80, v3, vm0, $0xb8;
	[tilespmem:$0x11000] =	vst v63  }
0x4dc: {  	_ = 	snop  }
0x4dd: {  	[hbm4b:s14+s3] =	stream.indirect_vreg.scatter [tilespmem:s25], [sflag:$0x2], $0x80, v3, vm0, $0xb8;
	[tilespmem:$0x11000] =	vst v63  }
0x4de: {  	s24 =	simm.s32 $0x6800  }
0x4df: {  	[hbm4b:s15+s3] =	stream.indirect_vreg.scatter [tilespmem:s24], [sflag:$0x2], $0x80, v3, vm0, $0xb8;
	[tilespmem:$0x11000] =	vst v63  }
0x4e0: {  	s25 =	simm.s32 $0x7000  }
0x4e1: {  	[hbm4b:s16+s3] =	stream.indirect_vreg.scatter [tilespmem:s25], [sflag:$0x2], $0x80, v3, vm0, $0xb8;
	[tilespmem:$0x11000] =	vst v63  }
0x4e2: {  	_ = 	snop  }
0x4e3: {  	[hbm4b:s17+s3] =	stream.indirect_vreg.scatter [tilespmem:s5], [sflag:$0x2], $0x80, v3, vm0, $0xb8;
	[tilespmem:$0x11000] =	vst v63  }
0x4e4: {  	_ = 	snop  }
0x4e5: {  	[hbm4b:s18+s3] =	stream.indirect_vreg.scatter [tilespmem:s20], [sflag:$0x2], $0x80, v3, vm0, $0xb8;
	[tilespmem:$0x11000] =	vst v63  }
0x4e6: {  	s26 =	simm.s32 $0x8800  }
0x4e7: {  	[hbm4b:s19+s3] =	stream.indirect_vreg.scatter [tilespmem:s26], [sflag:$0x2], $0x80, v3, vm0, $0xb8;
	[tilespmem:$0x11000] =	vst v63  }
0x4e8: {  	_ =	swait.ge [sflag:s29], $0x8000  }
0x4e9: {  	[sflag:s29] =	ssyncset.done $0x0  }
0x4ea: {  	[sflag:s29] =	ssyncadd.s32 $0xFFFF8000  }
0x4eb: {  	v3 =	vld [tilespmem:$0x780];
	_ =	sdelay $0x4  }
0x4ec: {  	v62 =	vshll.u32 v3, $0x4  }
0x4ed: {  	v3 =	vand.u32 $0x7, v3;
	v4 =	vand.u32 $0xFFFFFF80, v62  }
0x4ee: {  	v3 =	vor.u32 v3, v4  }
0x4ef: {  	v4 =	vperm.xlane v3, v0;
	_ =	sdelay $0x1  }
0x4f0: {  	v4 =	vadd.s32 v1, v4;
	_ =	sdelay $0x3  }
0x4f1: {  	s31 =	simm.s32 $0x9000  }
0x4f2: {  	[tilespmem:s31], [sflag:$0x1] =	stream.indirect_vreg.gather [hbm4b:s4+s3], $0x80, v4, vm0, $0xb8;
	[tilespmem:$0x11000] =	vst v63  }
0x4f3: {  	s28 =	simm.s32 $0x9800  }
0x4f4: {  	[tilespmem:s28], [sflag:$0x1] =	stream.indirect_vreg.gather [hbm4b:s6+s3], $0x80, v4, vm0, $0xb8;
	[tilespmem:$0x11000] =	vst v63  }
0x4f5: {  	s2 =	simm.s32 $0xA000  }
0x4f6: {  	[tilespmem:s2], [sflag:$0x1] =	stream.indirect_vreg.gather [hbm4b:s7+s3], $0x80, v4, vm0, $0xb8;
	[tilespmem:$0x11000] =	vst v63  }
0x4f7: {  	s26 =	simm.s32 $0xA800  }
0x4f8: {  	[tilespmem:s26], [sflag:$0x1] =	stream.indirect_vreg.gather [hbm4b:s8+s3], $0x80, v4, vm0, $0xb8;
	[tilespmem:$0x11000] =	vst v63  }
0x4f9: {  	s29 =	simm.s32 $0xB000  }
0x4fa: {  	[tilespmem:s29], [sflag:$0x1] =	stream.indirect_vreg.gather [hbm4b:s9+s3], $0x80, v4, vm0, $0xb8;
	[tilespmem:$0x11000] =	vst v63  }
0x4fb: {  	s30 =	simm.s32 $0xB800;
	v3 =	vperm.xlane v3, v2  }
0x4fc: {  	[tilespmem:s30], [sflag:$0x1] =	stream.indirect_vreg.gather [hbm4b:s10+s3], $0x80, v4, vm0, $0xb8;
	[tilespmem:$0x11000] =	vst v63  }
0x4fd: {  	v3 =	vadd.s32 v1, v3;
	s28 =	simm.s32 $0xC000  }
0x4fe: {  	[tilespmem:s28], [sflag:$0x1] =	stream.indirect_vreg.gather [hbm4b:s11+s3], $0x80, v4, vm0, $0xb8;
	[tilespmem:$0x11000] =	vst v63  }
0x4ff: {  	s5 =	simm.s32 $0xC800  }
0x500: {  	[tilespmem:s5], [sflag:$0x1] =	stream.indirect_vreg.gather [hbm4b:s12+s3], $0x80, v4, vm0, $0xb8;
	[tilespmem:$0x11000] =	vst v63  }
0x501: {  	s30 =	simm.s32 $0xD000  }
0x502: {  	[tilespmem:s30], [sflag:$0x1] =	stream.indirect_vreg.gather [hbm4b:s4+s3], $0x80, v3, vm0, $0xb8;
	[tilespmem:$0x11000] =	vst v63  }
0x503: {  	s21 =	simm.s32 $0xD800  }
0x504: {  	[tilespmem:s21], [sflag:$0x1] =	stream.indirect_vreg.gather [hbm4b:s6+s3], $0x80, v3, vm0, $0xb8;
	[tilespmem:$0x11000] =	vst v63  }
0x505: {  	s20 =	simm.s32 $0xE000  }
0x506: {  	[tilespmem:s20], [sflag:$0x1] =	stream.indirect_vreg.gather [hbm4b:s7+s3], $0x80, v3, vm0, $0xb8;
	[tilespmem:$0x11000] =	vst v63  }
0x507: {  	s24 =	simm.s32 $0xE800  }
0x508: {  	[tilespmem:s24], [sflag:$0x1] =	stream.indirect_vreg.gather [hbm4b:s8+s3], $0x80, v3, vm0, $0xb8;
	[tilespmem:$0x11000] =	vst v63  }
0x509: {  	s22 =	simm.s32 $0xF000  }
0x50a: {  	[tilespmem:s22], [sflag:$0x1] =	stream.indirect_vreg.gather [hbm4b:s9+s3], $0x80, v3, vm0, $0xb8;
	[tilespmem:$0x11000] =	vst v63  }
0x50b: {  	s25 =	simm.s32 $0xF800  }
0x50c: {  	[tilespmem:s25], [sflag:$0x1] =	stream.indirect_vreg.gather [hbm4b:s10+s3], $0x80, v3, vm0, $0xb8;
	[tilespmem:$0x11000] =	vst v63  }
0x50d: {  	s23 =	simm.s32 $0x10000  }
0x50e: {  	[tilespmem:s23], [sflag:$0x1] =	stream.indirect_vreg.gather [hbm4b:s11+s3], $0x80, v3, vm0, $0xb8;
	[tilespmem:$0x11000] =	vst v63  }
0x50f: {  	s0 =	simm.s32 $0x10800;
	s29 =	simm.s32 $0x1  }
0x510: {  	[tilespmem:s0], [sflag:$0x1] =	stream.indirect_vreg.gather [hbm4b:s12+s3], $0x80, v3, vm0, $0xb8;
	[tilespmem:$0x11000] =	vst v63  }
0x511: {  	_ =	swait.ge [sflag:s29], $0x8000  }
0x512: {  	[sflag:s29] =	ssyncset.done $0x0  }
0x513: {  	[sflag:s29] =	ssyncadd.s32 $0xFFFF8000  }
0x514: {  	v3 =	vld [tilespmem:$0xF80];
	_ =	sdelay $0x4  }
0x515: {  	v63 =	vshll.u32 v3, $0x4  }
0x516: {  	v3 =	vand.u32 $0x7, v3;
	v4 =	vand.u32 $0xFFFFFF80, v63  }
0x517: {  	v3 =	vor.u32 v3, v4  }
0x518: {  	v4 =	vperm.xlane v3, v0;
	_ =	sdelay $0x1  }
0x519: {  	v4 =	vadd.s32 v1, v4;
	_ =	sdelay $0x3  }
0x51a: {  	s29 =	rddreg [dreg:$0x1]  }
0x51b: {  	[hbm4b:s29+s3] =	stream.indirect_vreg.scatter [tilespmem:s31], [sflag:$0x2], $0x80, v4, vm0, $0xb8;
	[tilespmem:$0x11000] =	vst v63  }
0x51c: {  	s0 =	simm.s32 $0x9800  }
0x51d: {  	[hbm4b:s13+s3] =	stream.indirect_vreg.scatter [tilespmem:s0], [sflag:$0x2], $0x80, v4, vm0, $0xb8;
	[tilespmem:$0x11000] =	vst v63  }
0x51e: {  	_ = 	snop  }
0x51f: {  	[hbm4b:s14+s3] =	stream.indirect_vreg.scatter [tilespmem:s2], [sflag:$0x2], $0x80, v4, vm0, $0xb8;
	[tilespmem:$0x11000] =	vst v63  }
0x520: {  	_ = 	snop  }
0x521: {  	[hbm4b:s15+s3] =	stream.indirect_vreg.scatter [tilespmem:s26], [sflag:$0x2], $0x80, v4, vm0, $0xb8;
	[tilespmem:$0x11000] =	vst v63  }
0x522: {  	s2 =	simm.s32 $0xB000  }
0x523: {  	[hbm4b:s16+s3] =	stream.indirect_vreg.scatter [tilespmem:s2], [sflag:$0x2], $0x80, v4, vm0, $0xb8;
	[tilespmem:$0x11000] =	vst v63  }
0x524: {  	v3 =	vperm.xlane v3, v2;
	s26 =	simm.s32 $0xB800  }
0x525: {  	[hbm4b:s17+s3] =	stream.indirect_vreg.scatter [tilespmem:s26], [sflag:$0x2], $0x80, v4, vm0, $0xb8;
	[tilespmem:$0x11000] =	vst v63  }
0x526: {  	v3 =	vadd.s32 v1, v3  }
0x527: {  	[hbm4b:s18+s3] =	stream.indirect_vreg.scatter [tilespmem:s28], [sflag:$0x2], $0x80, v4, vm0, $0xb8;
	[tilespmem:$0x11000] =	vst v63  }
0x528: {  	_ = 	snop  }
0x529: {  	[hbm4b:s19+s3] =	stream.indirect_vreg.scatter [tilespmem:s5], [sflag:$0x2], $0x80, v4, vm0, $0xb8;
	[tilespmem:$0x11000] =	vst v63  }
0x52a: {  	_ = 	snop  }
0x52b: {  	[hbm4b:s29+s3] =	stream.indirect_vreg.scatter [tilespmem:s30], [sflag:$0x2], $0x80, v3, vm0, $0xb8;
	[tilespmem:$0x11000] =	vst v63  }
0x52c: {  	_ = 	snop  }
0x52d: {  	[hbm4b:s13+s3] =	stream.indirect_vreg.scatter [tilespmem:s21], [sflag:$0x2], $0x80, v3, vm0, $0xb8;
	[tilespmem:$0x11000] =	vst v63  }
0x52e: {  	_ = 	snop  }
0x52f: {  	[hbm4b:s14+s3] =	stream.indirect_vreg.scatter [tilespmem:s20], [sflag:$0x2], $0x80, v3, vm0, $0xb8;
	[tilespmem:$0x11000] =	vst v63  }
0x530: {  	_ = 	snop  }
0x531: {  	[hbm4b:s15+s3] =	stream.indirect_vreg.scatter [tilespmem:s24], [sflag:$0x2], $0x80, v3, vm0, $0xb8;
	[tilespmem:$0x11000] =	vst v63  }
0x532: {  	_ = 	snop  }
0x533: {  	[hbm4b:s16+s3] =	stream.indirect_vreg.scatter [tilespmem:s22], [sflag:$0x2], $0x80, v3, vm0, $0xb8;
	[tilespmem:$0x11000] =	vst v63  }
0x534: {  	_ = 	snop  }
0x535: {  	[hbm4b:s17+s3] =	stream.indirect_vreg.scatter [tilespmem:s25], [sflag:$0x2], $0x80, v3, vm0, $0xb8;
	[tilespmem:$0x11000] =	vst v63  }
0x536: {  	_ = 	snop  }
0x537: {  	[hbm4b:s18+s3] =	stream.indirect_vreg.scatter [tilespmem:s23], [sflag:$0x2], $0x80, v3, vm0, $0xb8;
	[tilespmem:$0x11000] =	vst v63  }
0x538: {  	s28 =	simm.s32 $0x10800;
	s29 =	simm.s32 $0x2  }
0x539: {  	[hbm4b:s19+s3] =	stream.indirect_vreg.scatter [tilespmem:s28], [sflag:$0x2], $0x80, v3, vm0, $0xb8;
	[tilespmem:$0x11000] =	vst v63  }
0x53a: {  	_ =	swait.ge [sflag:s29], $0x8000  }
0x53b: {  	[sflag:s29] =	ssyncset.done $0x0  }
0x53c: {  	[sflag:s29] =	ssyncadd.s32 $0xFFFF8000  }
0x53d: {  	_ =	swait.ge [sflag:s29], $0x8000  }
0x53e: {  	s31 =	rddreg [dreg:$0x6]  }
0x53f: {  	p0 =	sne.s32 s31, $0x1  }
.Ltmp0:
0x540: {  	_ = 	snop;
	(pc) =	sbr.rel @p0 .LBB2_1-.Ltmp0, $3  }
0x541: {  	_ =	sdelay $0x1  }
0x542: {  	s30 =	simm.s32 $0x2;
	[sflag:s29] =	ssyncset.done $0x0  }
0x543: {  	[sflag:s30] =	ssyncadd.s32 $0xFFFF8000;
	s1 =	sadd.s32 $0xFFFFFFFF, s31  }
0x544: {  	_ =	sfence.sel $0x180000  }
0x545: {  	[bflag:$0x0] =	sbarrier.arrive $0xFFFF  }
0x546: {  	_ =	strace $0x9000004A  }
0x547: {  	s0 =	stileid.u32;
	[bflag:$0x2] =	sbarrier.arrive $0xFFFF  }
0x548: {  	p0 =	sne.s32 s0, $0x0;
	s0 =	rddreg [dreg:$0x2]  }
0x549: {  	s0 =	sadd.s32 @!p0 $0x100000, s0  }
0x54a: {  	[sflag:s0] =	ssyncadd.tile.s32 @!p0 $0x1;
	_ =	shalt  }
.Lfunc_end2:
_tile_overlayer_lowered:
.L_overlay_start_2:
0x54b: {  	(tag) =	ssettag $0x2  }
0x54c: {  	s0 =	rddreg [dreg:$0x0];
	s2 =	stileid.u32  }
0x54d: {  	s1 =	rddreg [dreg:$0x1];
	p0 =	sne.s32 s2, $0x0  }
0x54e: {  	s3 =	rddreg [dreg:$0x2];
	[bflag:$0x3] =	sbarrier.arrive $0xFFFF;
	s2 =	simm.s32 @!p0 $0x1C03  }
0x54f: {  	[timem:s3], [sflag:s2] =	dma.local @!p0 [hbm:s0], s1  }
0x550: {  	s0 =	simm.s32 @!p0 $0x3  }
0x551: {  	_ =	swait.ge @!p0 [sflag:s0], s1  }
0x552: {  	s1 =	ssub.s32 @!p0 $0x0, s1;
	[sflag:s0] =	ssyncset.done @!p0 $0x0  }
0x553: {  	[sflag:s0] =	ssyncadd.s32 @!p0 s1  }
0x554: {  	[bflag:$0x3] =	sbarrier.arrive $0xFFFF  }
0x555: {  	_ =	shalt  }

</sc_bundles>
